<compile_context>
chip_gen: v7x
topology: tpu7x:2x2x1
jax: 0.10.2.dev20260603
libtpu: 0.0.44.dev20260713+nightly
codegen_flags: <defaults>
</compile_context>

<pallas_src>
import functools

import jax
import jax.numpy as jnp
from jax import lax
from jax.experimental import pallas as pl
from jax.experimental.pallas import tpu as pltpu
from jax.experimental.pallas import tpu_sc as plsc

_B, _F = 16384, 26
_OUT = 64
_N = _B * _F
_NW = 32
_PER_W = _N // _NW
_CHUNK = 128
_NCHUNK = _PER_W // _CHUNK
_G = 16
_NG = _CHUNK // _G



def _prep_body(u0, u1, u2, u3, t1, t2):
    t1[...] = jnp.dot(u0[...], u1[...], preferred_element_type=jnp.float32)
    t2[...] = jnp.dot(u2[...], u3[...], preferred_element_type=jnp.float32)


def _prep(U0, U1, U2, U3):
    return pl.pallas_call(
        _prep_body,
        out_shape=(
            jax.ShapeDtypeStruct((160, 800), jnp.float32),
            jax.ShapeDtypeStruct((640, 50), jnp.float32),
        ),
    )(U0.reshape(160, 8), U1.reshape(8, 800),
      U2.reshape(640, 8), U3.reshape(8, 50))


_sc_mesh = plsc.VectorSubcoreMesh(core_axis_name="c", subcore_axis_name="s")


@functools.partial(
    pl.kernel,
    out_type=jax.ShapeDtypeStruct((_N * _OUT,), jnp.float32),
    mesh=_sc_mesh,
    scratch_types=[
        pltpu.VMEM((68000,), jnp.int32),
        pltpu.VMEM((32320,), jnp.float32),
        pltpu.VMEM((_CHUNK,), jnp.int32),
        pltpu.VMEM((_CHUNK,), jnp.int32),
        pltpu.VMEM((_CHUNK * 65,), jnp.float32),
        pltpu.VMEM((_CHUNK * _OUT,), jnp.float32),
        pltpu.VMEM((_CHUNK * _OUT,), jnp.float32),
        pltpu.SemaphoreType.DMA,
        pltpu.SemaphoreType.DMA,
        pltpu.SemaphoreType.DMA,
        pltpu.SemaphoreType.DMA,
    ],
    compiler_params=pltpu.CompilerParams(
        needs_layout_passes=False, disable_bounds_checks=True),
)
def _sc_lookup(x_hbm, t1p_hbm, t2_hbm, out_hbm,
               t1p, t2, x_b0, x_b1, stg, o_b0, o_b1,
               sem_x0, sem_x1, sem_o0, sem_o1):
    x_buf = (x_b0, x_b1)
    sem_x = (sem_x0, sem_x1)
    o_buf = (o_b0, o_b1)
    sem_o = (sem_o0, sem_o1)
    wid = lax.axis_index("s") * 2 + lax.axis_index("c")
    base = wid * _PER_W
    iota = lax.iota(jnp.int32, _G)

    pltpu.sync_copy(t1p_hbm, t1p)
    pltpu.sync_copy(t2_hbm, t2)

    def _fetch_x(k, nb):
        pltpu.make_async_copy(x_hbm.at[pl.ds(base + k * _CHUNK, _CHUNK)],
                              x_buf[nb], sem_x[nb]).start()

    def _wait_x(b):
        pltpu.make_async_copy(x_hbm.at[pl.ds(0, _CHUNK)], x_buf[b],
                              sem_x[b]).wait()

    def _fdiv(v, recip, mul):
        q = ((v.astype(jnp.float32) + 0.5) * recip).astype(jnp.int32)
        return q, v - q * mul

    def _compute(b):
        def group_body(g, carry):
            xv = x_buf[b][pl.ds(g * _G, _G)]
            ovec = (iota + g * _G) * 65
            rv, cv = _fdiv(xv, 0.001, 1000)
            n1, n2 = _fdiv(rv, 0.04, 25)
            n3, n4 = _fdiv(cv, 0.04, 25)
            base_a = n1 * 1700 + n2 * 17
            base_b = n3 * 101 + n4 * 2
            bg = [[plsc.load_gather(
                       t2, [base_b + (c8 * 4040 + m3 * 50 + m4)])
                   for m3 in range(2) for m4 in range(2)]
                  for c8 in range(8)]
            for m1 in range(4):
                for m2 in range(4):
                    a = m1 * 4 + m2
                    av = []
                    for cp in range(4):
                        packed = plsc.load_gather(
                            t1p, [base_a + (m1 * 425 + m2 * 4 + cp)])
                        lo, hi = plsc.unpack(
                            plsc.bitcast(packed, jnp.bfloat16),
                            format=plsc.PackFormat.INTERLEAVED)
                        av.append(lo)
                        av.append(hi)
                    for d in range(4):
                        acc = av[0] * bg[0][d]
                        for c8 in range(1, 8):
                            acc = acc + av[c8] * bg[c8][d]
                        plsc.store_scatter(stg, [ovec + (a * 4 + d)], acc)
            return carry

        lax.fori_loop(0, _NG, group_body, 0)

    def _repack(b):
        def rp_body(t, carry):
            for j in range(4):
                o_buf[b][pl.ds(t * _OUT + j * _G, _G)] = (
                    stg[pl.ds(t * 65 + j * _G, _G)])
            return carry

        lax.fori_loop(0, _CHUNK, rp_body, 0)

    def _flush(k, b):
        off = (base + k * _CHUNK) * _OUT
        pltpu.make_async_copy(o_buf[b], out_hbm.at[pl.ds(off, _CHUNK * _OUT)],
                              sem_o[b]).start()

    def _drain(b):
        pltpu.make_async_copy(o_buf[b], out_hbm.at[pl.ds(0, _CHUNK * _OUT)],
                              sem_o[b]).wait()

    _fetch_x(0, 0)

    def body(i, carry):
        k0 = i * 2
        for bb in range(2):
            k = k0 + bb
            nb = (bb + 1) % 2
            if bb == 0:
                _fetch_x(k + 1, nb)
            else:
                @pl.when(k + 1 < _NCHUNK)
                def _():
                    _fetch_x(k + 1, nb)

            _wait_x(bb)
            _compute(bb)

            @pl.when(k0 >= 2)
            def _():
                _drain(bb)

            _repack(bb)
            _flush(k, bb)
        return carry

    lax.fori_loop(0, _NCHUNK // 2, body, 0)
    _drain(0)
    _drain(1)


def kernel(x, U0, U1, U2, U3):
    t1, t2 = _prep(U0, U1, U2, U3)
    t1p = lax.bitcast_convert_type(
        t1.astype(jnp.bfloat16).reshape(64000, 2), jnp.int32)
    t1p = jnp.pad(t1p.reshape(4000, 16), ((0, 0), (0, 1))).reshape(68000)
    t2p = jnp.pad(t2.reshape(320, 100), ((0, 0), (0, 1))).reshape(32320)
    out = _sc_lookup(x.reshape(_N), t1p, t2p)
    return out.reshape(_B, _F, _OUT)

# --- scband reference (transcript-rebuilt; emitter-appended) ---
"""Pipeline reference for scband-embedding-ttm-order4-13322988552199 (READ-ONLY COPY).

The authoritative reference and input builder live on the scoring server;
editing this copy changes nothing except your own understanding.
"""

import jax, jax.numpy as jnp
import numpy as np

B, F = 16384, 26
VOCAB = 1000000
OUT = 64


def setup_inputs(seed: int = 0) -> dict:
    key = jax.random.key(seed)
    ks = jax.random.split(key, 5)
    x = jax.random.randint(ks[0], (B, F), 0, VOCAB, dtype=jnp.int32)
    # TTM cores: U_i has shape (r_i, n_i, m_i, r_{i+1}); init randn/sqrt(r_{i+1}) * 1.0**(1/4)
    U0 = jax.random.normal(ks[1], (1, 40, 4, 8), dtype=jnp.float32) / jnp.sqrt(8.0)
    U1 = jax.random.normal(ks[2], (8, 25, 4, 8), dtype=jnp.float32) / jnp.sqrt(8.0)
    U2 = jax.random.normal(ks[3], (8, 40, 2, 8), dtype=jnp.float32) / jnp.sqrt(8.0)
    U3 = jax.random.normal(ks[4], (8, 25, 2, 1), dtype=jnp.float32) / jnp.sqrt(1.0)
    return {"x": x, "U0": U0, "U1": U1, "U2": U2, "U3": U3}


def reference(x, U0, U1, U2, U3):
    # Contract first pair and second pair of TTM cores (quantization_aware=False path)
    # out1: (r0=1, n1, m1, n2, m2, r2) -> moveaxis(3,2) -> reshape (n1*n2, m1*m2, r2)
    out1 = jnp.tensordot(U0, U1, axes=[[-1], [0]])  # (1,40,4,25,4,8)
    out1 = jnp.moveaxis(out1, 3, 2).reshape(40 * 25, 4 * 4, 8)  # (1000,16,8)
    # out2: (r2, n3, m3, n4, m4, r4=1) -> moveaxis(3,2) -> reshape (r2, n3*n4, m3*m4)
    out2 = jnp.tensordot(U2, U3, axes=[[-1], [0]])  # (8,40,2,25,2,1)
    out2 = jnp.moveaxis(out2, 3, 2).reshape(8, 40 * 25, 2 * 2)  # (8,1000,4)
    xf = x.reshape(-1)
    # ind2coord: np.unravel_index over shape (n1*n2, n3*n4) = (1000, 1000)
    r = xf // 1000
    c = xf % 1000
    o1 = out1[r]           # gather rows: (N,16,8)
    o2 = out2[:, c, :]     # gather cols: (8,N,4)
    rows = jnp.einsum('abc,cad->abd', o1, o2).reshape(xf.shape[0], OUT)
    return rows.reshape(B, F, OUT)

if __name__ == "__main__":
    import jax
    _d = setup_inputs()
    print(jax.jit(kernel)(*tuple(_d.values())))

</pallas_src>

<mosaic_0001>
#map = affine_map<(d0, d1) -> (0)>
module attributes {stable_mosaic.version = 14 : i64} {
  func.func @_sc_lookup(%arg0: i32, %arg1: i32, %arg2: memref<425984xi32, #tpu.memory_space<hbm>>, %arg3: memref<68000xi32, #tpu.memory_space<hbm>>, %arg4: memref<32320xf32, #tpu.memory_space<hbm>>, %arg5: memref<27262976xf32, #tpu.memory_space<hbm>>, %arg6: memref<68000xi32, #tpu.memory_space<vmem>>, %arg7: memref<32320xf32, #tpu.memory_space<vmem>>, %arg8: memref<128xi32, #tpu.memory_space<vmem>>, %arg9: memref<128xi32, #tpu.memory_space<vmem>>, %arg10: memref<8320xf32, #tpu.memory_space<vmem>>, %arg11: memref<8192xf32, #tpu.memory_space<vmem>>, %arg12: memref<8192xf32, #tpu.memory_space<vmem>>, %arg13: memref<!tpu.dma_semaphore, #tpu.memory_space<semaphore_mem>>, %arg14: memref<!tpu.dma_semaphore, #tpu.memory_space<semaphore_mem>>, %arg15: memref<!tpu.dma_semaphore, #tpu.memory_space<semaphore_mem>>, %arg16: memref<!tpu.dma_semaphore, #tpu.memory_space<semaphore_mem>>) attributes {dimension_semantics = [#tpu.dimension_semantics<core_parallel>, #tpu.dimension_semantics<subcore_parallel>], iteration_bounds = array<i64: 2, 16>, scalar_prefetch = 0 : i64, scratch_operands = 11 : i64, tpu.core_type = #tpu.core_type<sc_vector_subcore>, window_params = [{transform_indices = #map}, {transform_indices = #map}, {transform_indices = #map}, {transform_indices = #map}]} {
    %mul3A = arith.constant 2 : i32
    %mul3A_0 = arith.muli %arg1, %mul3A : i32
    %add3A = arith.addi %mul3A_0, %arg0 : i32
    %mul3A_1 = arith.constant 13312 : i32
    %mul3A_2 = arith.muli %add3A, %mul3A_1 : i32
    %iota3A = tpu.iota {dimensions = array<i32: 0>} : vector<16xi32>
    "tpu.region"() ({
      %run_scoped3A = tpu.sem_alloc : memref<!tpu.dma_semaphore, #tpu.memory_space<semaphore_mem>>
      tpu.enqueue_dma source(%arg3 : memref<68000xi32, #tpu.memory_space<hbm>>) target(%arg6 : memref<68000xi32, #tpu.memory_space<vmem>>) target_semaphore(%run_scoped3A : memref<!tpu.dma_semaphore, #tpu.memory_space<semaphore_mem>>)
      tpu.wait_dma2 semaphore(%run_scoped3A : memref<!tpu.dma_semaphore, #tpu.memory_space<semaphore_mem>>) src(%arg3 : memref<68000xi32, #tpu.memory_space<hbm>>) dst(%arg6 : memref<68000xi32, #tpu.memory_space<vmem>>)
      tpu.yield
    }) : () -> ()
    "tpu.region"() ({
      %run_scoped3A = tpu.sem_alloc : memref<!tpu.dma_semaphore, #tpu.memory_space<semaphore_mem>>
      tpu.enqueue_dma source(%arg4 : memref<32320xf32, #tpu.memory_space<hbm>>) target(%arg7 : memref<32320xf32, #tpu.memory_space<vmem>>) target_semaphore(%run_scoped3A : memref<!tpu.dma_semaphore, #tpu.memory_space<semaphore_mem>>)
      tpu.wait_dma2 semaphore(%run_scoped3A : memref<!tpu.dma_semaphore, #tpu.memory_space<semaphore_mem>>) src(%arg4 : memref<32320xf32, #tpu.memory_space<hbm>>) dst(%arg7 : memref<32320xf32, #tpu.memory_space<vmem>>)
      tpu.yield
    }) : () -> ()
    %add3A_3 = arith.constant 0 : i32
    %add3A_4 = arith.addi %mul3A_2, %add3A_3 : i32
    %dma_start3A = tpu.memref_slice %arg2[%add3A_4] : memref<425984xi32, #tpu.memory_space<hbm>> -> memref<128xi32, #tpu.memory_space<hbm>>
    %dma_start3A_5 = tpu.memref_slice %arg2[%add3A_4] : memref<425984xi32, #tpu.memory_space<hbm>> -> memref<128xi32, #tpu.memory_space<hbm>>
    tpu.enqueue_dma source(%dma_start3A_5 : memref<128xi32, #tpu.memory_space<hbm>>) target(%arg8 : memref<128xi32, #tpu.memory_space<vmem>>) target_semaphore(%arg13 : memref<!tpu.dma_semaphore, #tpu.memory_space<semaphore_mem>>)
    %scan3A = arith.constant 0 : i32
    %scan3A_6 = arith.constant 0 : i32
    %scan3A_7 = arith.constant 52 : i32
    %scan3A_8 = arith.addi %scan3A_6, %scan3A_7 : i32
    %scan3A_9 = arith.constant 1 : i32
    scf.for %scan3A_18 = %scan3A_6 to %scan3A_8 step %scan3A_9  : i32 {
      %mul3A_19 = arith.constant 2 : i32
      %mul3A_20 = arith.muli %scan3A_18, %mul3A_19 : i32
      %add3A_21 = arith.constant 0 : i32
      %add3A_22 = arith.addi %mul3A_20, %add3A_21 : i32
      %add3A_23 = arith.constant 1 : i32
      %add3A_24 = arith.addi %add3A_22, %add3A_23 : i32
      %mul3A_25 = arith.constant 128 : i32
      %mul3A_26 = arith.muli %add3A_24, %mul3A_25 : i32
      %add3A_27 = arith.addi %mul3A_2, %mul3A_26 : i32
      %dma_start3A_28 = tpu.memref_slice %arg2[%add3A_27] : memref<425984xi32, #tpu.memory_space<hbm>> -> memref<128xi32, #tpu.memory_space<hbm>>
      %dma_start3A_29 = tpu.memref_slice %arg2[%add3A_27] : memref<425984xi32, #tpu.memory_space<hbm>> -> memref<128xi32, #tpu.memory_space<hbm>>
      tpu.enqueue_dma source(%dma_start3A_29 : memref<128xi32, #tpu.memory_space<hbm>>) target(%arg9 : memref<128xi32, #tpu.memory_space<vmem>>) target_semaphore(%arg14 : memref<!tpu.dma_semaphore, #tpu.memory_space<semaphore_mem>>)
      %dma_wait3A_30 = arith.constant 0 : i32
      %dma_wait3A_31 = tpu.memref_slice %arg2[%dma_wait3A_30] : memref<425984xi32, #tpu.memory_space<hbm>> -> memref<128xi32, #tpu.memory_space<hbm>>
      %dma_wait3A_32 = arith.constant 0 : i32
      %dma_wait3A_33 = tpu.memref_slice %arg2[%dma_wait3A_32] : memref<425984xi32, #tpu.memory_space<hbm>> -> memref<128xi32, #tpu.memory_space<hbm>>
      tpu.wait_dma2 semaphore(%arg13 : memref<!tpu.dma_semaphore, #tpu.memory_space<semaphore_mem>>) src(%dma_wait3A_33 : memref<128xi32, #tpu.memory_space<hbm>>) dst(%arg8 : memref<128xi32, #tpu.memory_space<vmem>>)
      %scan3A_34 = arith.constant 0 : i32
      %scan3A_35 = arith.constant 0 : i32
      %scan3A_36 = arith.constant 8 : i32
      %scan3A_37 = arith.addi %scan3A_35, %scan3A_36 : i32
      %scan3A_38 = arith.constant 1 : i32
      scf.for %scan3A_91 = %scan3A_35 to %scan3A_37 step %scan3A_38  : i32 {
        %mul3A_92 = arith.constant 16 : i32
        %mul3A_93 = arith.muli %scan3A_91, %mul3A_92 : i32
        %get3A = arith.index_cast %mul3A_93 : i32 to index
        %get3A_94 = tpu.vector_load %arg8[%get3A] {strides = array<i32>} : memref<128xi32, #tpu.memory_space<vmem>>, vector<16xi32>,
        %mul3A_95 = arith.constant 16 : i32
        %mul3A_96 = arith.muli %scan3A_91, %mul3A_95 : i32
        %add3A_97 = vector.broadcast %mul3A_96 : i32 to vector<16xi32>
        %add3A_98 = arith.addi %iota3A, %add3A_97 : vector<16xi32>
        %mul3A_99 = arith.constant 65 : i32
        %mul3A_100 = vector.broadcast %mul3A_99 : i32 to vector<16xi32>
        %mul3A_101 = arith.muli %add3A_98, %mul3A_100 : vector<16xi32>
        %convert_element_type3A_102 = arith.sitofp %get3A_94 : vector<16xi32> to vector<16xf32>
        %add3A_103 = arith.constant 5.000000e-01 : f32
        %add3A_104 = vector.broadcast %add3A_103 : f32 to vector<16xf32>
        %add3A_105 = arith.addf %convert_element_type3A_102, %add3A_104 : vector<16xf32>
        %mul3A_106 = arith.constant 1.000000e-03 : f32
        %mul3A_107 = vector.broadcast %mul3A_106 : f32 to vector<16xf32>
        %mul3A_108 = arith.mulf %add3A_105, %mul3A_107 : vector<16xf32>
        %convert_element_type3A_109 = arith.fptosi %mul3A_108 : vector<16xf32> to vector<16xi32>
        %mul3A_110 = arith.constant 1000 : i32
        %mul3A_111 = vector.broadcast %mul3A_110 : i32 to vector<16xi32>
        %mul3A_112 = arith.muli %convert_element_type3A_109, %mul3A_111 : vector<16xi32>
        %sub3A = arith.subi %get3A_94, %mul3A_112 : vector<16xi32>
        %convert_element_type3A_113 = arith.sitofp %convert_element_type3A_109 : vector<16xi32> to vector<16xf32>
        %add3A_114 = arith.constant 5.000000e-01 : f32
        %add3A_115 = vector.broadcast %add3A_114 : f32 to vector<16xf32>
        %add3A_116 = arith.addf %convert_element_type3A_113, %add3A_115 : vector<16xf32>
        %mul3A_117 = arith.constant 4.000000e-02 : f32
        %mul3A_118 = vector.broadcast %mul3A_117 : f32 to vector<16xf32>
        %mul3A_119 = arith.mulf %add3A_116, %mul3A_118 : vector<16xf32>
        %convert_element_type3A_120 = arith.fptosi %mul3A_119 : vector<16xf32> to vector<16xi32>
        %mul3A_121 = arith.constant 25 : i32
        %mul3A_122 = vector.broadcast %mul3A_121 : i32 to vector<16xi32>
        %mul3A_123 = arith.muli %convert_element_type3A_120, %mul3A_122 : vector<16xi32>
        %sub3A_124 = arith.subi %convert_element_type3A_109, %mul3A_123 : vector<16xi32>
        %convert_element_type3A_125 = arith.sitofp %sub3A : vector<16xi32> to vector<16xf32>
        %add3A_126 = arith.constant 5.000000e-01 : f32
        %add3A_127 = vector.broadcast %add3A_126 : f32 to vector<16xf32>
        %add3A_128 = arith.addf %convert_element_type3A_125, %add3A_127 : vector<16xf32>
        %mul3A_129 = arith.constant 4.000000e-02 : f32
        %mul3A_130 = vector.broadcast %mul3A_129 : f32 to vector<16xf32>
        %mul3A_131 = arith.mulf %add3A_128, %mul3A_130 : vector<16xf32>
        %convert_element_type3A_132 = arith.fptosi %mul3A_131 : vector<16xf32> to vector<16xi32>
        %mul3A_133 = arith.constant 25 : i32
        %mul3A_134 = vector.broadcast %mul3A_133 : i32 to vector<16xi32>
        %mul3A_135 = arith.muli %convert_element_type3A_132, %mul3A_134 : vector<16xi32>
        %sub3A_136 = arith.subi %sub3A, %mul3A_135 : vector<16xi32>
        %mul3A_137 = arith.constant 1700 : i32
        %mul3A_138 = vector.broadcast %mul3A_137 : i32 to vector<16xi32>
        %mul3A_139 = arith.muli %convert_element_type3A_120, %mul3A_138 : vector<16xi32>
        %mul3A_140 = arith.constant 17 : i32
        %mul3A_141 = vector.broadcast %mul3A_140 : i32 to vector<16xi32>
        %mul3A_142 = arith.muli %sub3A_124, %mul3A_141 : vector<16xi32>
        %add3A_143 = arith.addi %mul3A_139, %mul3A_142 : vector<16xi32>
        %mul3A_144 = arith.constant 101 : i32
        %mul3A_145 = vector.broadcast %mul3A_144 : i32 to vector<16xi32>
        %mul3A_146 = arith.muli %convert_element_type3A_132, %mul3A_145 : vector<16xi32>
        %mul3A_147 = arith.constant 2 : i32
        %mul3A_148 = vector.broadcast %mul3A_147 : i32 to vector<16xi32>
        %mul3A_149 = arith.muli %sub3A_136, %mul3A_148 : vector<16xi32>
        %add3A_150 = arith.addi %mul3A_146, %mul3A_149 : vector<16xi32>
        %add3A_151 = arith.constant 0 : i32
        %add3A_152 = vector.broadcast %add3A_151 : i32 to vector<16xi32>
        %add3A_153 = arith.addi %add3A_150, %add3A_152 : vector<16xi32>
        %gather3A = tpu.vector_load_idx %arg7[%add3A_153] : memref<32320xf32, #tpu.memory_space<vmem>>[vector<16xi32>], vector<16xf32>,
        %add3A_154 = arith.constant 1 : i32
        %add3A_155 = vector.broadcast %add3A_154 : i32 to vector<16xi32>
        %add3A_156 = arith.addi %add3A_150, %add3A_155 : vector<16xi32>
        %gather3A_157 = tpu.vector_load_idx %arg7[%add3A_156] : memref<32320xf32, #tpu.memory_space<vmem>>[vector<16xi32>], vector<16xf32>,
        %add3A_158 = arith.constant 50 : i32
        %add3A_159 = vector.broadcast %add3A_158 : i32 to vector<16xi32>
        %add3A_160 = arith.addi %add3A_150, %add3A_159 : vector<16xi32>
        %gather3A_161 = tpu.vector_load_idx %arg7[%add3A_160] : memref<32320xf32, #tpu.memory_space<vmem>>[vector<16xi32>], vector<16xf32>,
        %add3A_162 = arith.constant 51 : i32
        %add3A_163 = vector.broadcast %add3A_162 : i32 to vector<16xi32>
        %add3A_164 = arith.addi %add3A_150, %add3A_163 : vector<16xi32>
        %gather3A_165 = tpu.vector_load_idx %arg7[%add3A_164] : memref<32320xf32, #tpu.memory_space<vmem>>[vector<16xi32>], vector<16xf32>,
        %add3A_166 = arith.constant 4040 : i32
        %add3A_167 = vector.broadcast %add3A_166 : i32 to vector<16xi32>
        %add3A_168 = arith.addi %add3A_150, %add3A_167 : vector<16xi32>
        %gather3A_169 = tpu.vector_load_idx %arg7[%add3A_168] : memref<32320xf32, #tpu.memory_space<vmem>>[vector<16xi32>], vector<16xf32>,
        %add3A_170 = arith.constant 4041 : i32
        %add3A_171 = vector.broadcast %add3A_170 : i32 to vector<16xi32>
        %add3A_172 = arith.addi %add3A_150, %add3A_171 : vector<16xi32>
        %gather3A_173 = tpu.vector_load_idx %arg7[%add3A_172] : memref<32320xf32, #tpu.memory_space<vmem>>[vector<16xi32>], vector<16xf32>,
        %add3A_174 = arith.constant 4090 : i32
        %add3A_175 = vector.broadcast %add3A_174 : i32 to vector<16xi32>
        %add3A_176 = arith.addi %add3A_150, %add3A_175 : vector<16xi32>
        %gather3A_177 = tpu.vector_load_idx %arg7[%add3A_176] : memref<32320xf32, #tpu.memory_space<vmem>>[vector<16xi32>], vector<16xf32>,
        %add3A_178 = arith.constant 4091 : i32
        %add3A_179 = vector.broadcast %add3A_178 : i32 to vector<16xi32>
        %add3A_180 = arith.addi %add3A_150, %add3A_179 : vector<16xi32>
        %gather3A_181 = tpu.vector_load_idx %arg7[%add3A_180] : memref<32320xf32, #tpu.memory_space<vmem>>[vector<16xi32>], vector<16xf32>,
        %add3A_182 = arith.constant 8080 : i32
        %add3A_183 = vector.broadcast %add3A_182 : i32 to vector<16xi32>
        %add3A_184 = arith.addi %add3A_150, %add3A_183 : vector<16xi32>
        %gather3A_185 = tpu.vector_load_idx %arg7[%add3A_184] : memref<32320xf32, #tpu.memory_space<vmem>>[vector<16xi32>], vector<16xf32>,
        %add3A_186 = arith.constant 8081 : i32
        %add3A_187 = vector.broadcast %add3A_186 : i32 to vector<16xi32>
        %add3A_188 = arith.addi %add3A_150, %add3A_187 : vector<16xi32>
        %gather3A_189 = tpu.vector_load_idx %arg7[%add3A_188] : memref<32320xf32, #tpu.memory_space<vmem>>[vector<16xi32>], vector<16xf32>,
        %add3A_190 = arith.constant 8130 : i32
        %add3A_191 = vector.broadcast %add3A_190 : i32 to vector<16xi32>
        %add3A_192 = arith.addi %add3A_150, %add3A_191 : vector<16xi32>
        %gather3A_193 = tpu.vector_load_idx %arg7[%add3A_192] : memref<32320xf32, #tpu.memory_space<vmem>>[vector<16xi32>], vector<16xf32>,
        %add3A_194 = arith.constant 8131 : i32
        %add3A_195 = vector.broadcast %add3A_194 : i32 to vector<16xi32>
        %add3A_196 = arith.addi %add3A_150, %add3A_195 : vector<16xi32>
        %gather3A_197 = tpu.vector_load_idx %arg7[%add3A_196] : memref<32320xf32, #tpu.memory_space<vmem>>[vector<16xi32>], vector<16xf32>,
        %add3A_198 = arith.constant 12120 : i32
        %add3A_199 = vector.broadcast %add3A_198 : i32 to vector<16xi32>
        %add3A_200 = arith.addi %add3A_150, %add3A_199 : vector<16xi32>
        %gather3A_201 = tpu.vector_load_idx %arg7[%add3A_200] : memref<32320xf32, #tpu.memory_space<vmem>>[vector<16xi32>], vector<16xf32>,
        %add3A_202 = arith.constant 12121 : i32
        %add3A_203 = vector.broadcast %add3A_202 : i32 to vector<16xi32>
        %add3A_204 = arith.addi %add3A_150, %add3A_203 : vector<16xi32>
        %gather3A_205 = tpu.vector_load_idx %arg7[%add3A_204] : memref<32320xf32, #tpu.memory_space<vmem>>[vector<16xi32>], vector<16xf32>,
        %add3A_206 = arith.constant 12170 : i32
        %add3A_207 = vector.broadcast %add3A_206 : i32 to vector<16xi32>
        %add3A_208 = arith.addi %add3A_150, %add3A_207 : vector<16xi32>
        %gather3A_209 = tpu.vector_load_idx %arg7[%add3A_208] : memref<32320xf32, #tpu.memory_space<vmem>>[vector<16xi32>], vector<16xf32>,
        %add3A_210 = arith.constant 12171 : i32
        %add3A_211 = vector.broadcast %add3A_210 : i32 to vector<16xi32>
        %add3A_212 = arith.addi %add3A_150, %add3A_211 : vector<16xi32>
        %gather3A_213 = tpu.vector_load_idx %arg7[%add3A_212] : memref<32320xf32, #tpu.memory_space<vmem>>[vector<16xi32>], vector<16xf32>,
        %add3A_214 = arith.constant 16160 : i32
        %add3A_215 = vector.broadcast %add3A_214 : i32 to vector<16xi32>
        %add3A_216 = arith.addi %add3A_150, %add3A_215 : vector<16xi32>
        %gather3A_217 = tpu.vector_load_idx %arg7[%add3A_216] : memref<32320xf32, #tpu.memory_space<vmem>>[vector<16xi32>], vector<16xf32>,
        %add3A_218 = arith.constant 16161 : i32
        %add3A_219 = vector.broadcast %add3A_218 : i32 to vector<16xi32>
        %add3A_220 = arith.addi %add3A_150, %add3A_219 : vector<16xi32>
        %gather3A_221 = tpu.vector_load_idx %arg7[%add3A_220] : memref<32320xf32, #tpu.memory_space<vmem>>[vector<16xi32>], vector<16xf32>,
        %add3A_222 = arith.constant 16210 : i32
        %add3A_223 = vector.broadcast %add3A_222 : i32 to vector<16xi32>
        %add3A_224 = arith.addi %add3A_150, %add3A_223 : vector<16xi32>
        %gather3A_225 = tpu.vector_load_idx %arg7[%add3A_224] : memref<32320xf32, #tpu.memory_space<vmem>>[vector<16xi32>], vector<16xf32>,
        %add3A_226 = arith.constant 16211 : i32
        %add3A_227 = vector.broadcast %add3A_226 : i32 to vector<16xi32>
        %add3A_228 = arith.addi %add3A_150, %add3A_227 : vector<16xi32>
        %gather3A_229 = tpu.vector_load_idx %arg7[%add3A_228] : memref<32320xf32, #tpu.memory_space<vmem>>[vector<16xi32>], vector<16xf32>,
        %add3A_230 = arith.constant 20200 : i32
        %add3A_231 = vector.broadcast %add3A_230 : i32 to vector<16xi32>
        %add3A_232 = arith.addi %add3A_150, %add3A_231 : vector<16xi32>
        %gather3A_233 = tpu.vector_load_idx %arg7[%add3A_232] : memref<32320xf32, #tpu.memory_space<vmem>>[vector<16xi32>], vector<16xf32>,
        %add3A_234 = arith.constant 20201 : i32
        %add3A_235 = vector.broadcast %add3A_234 : i32 to vector<16xi32>
        %add3A_236 = arith.addi %add3A_150, %add3A_235 : vector<16xi32>
        %gather3A_237 = tpu.vector_load_idx %arg7[%add3A_236] : memref<32320xf32, #tpu.memory_space<vmem>>[vector<16xi32>], vector<16xf32>,
        %add3A_238 = arith.constant 20250 : i32
        %add3A_239 = vector.broadcast %add3A_238 : i32 to vector<16xi32>
        %add3A_240 = arith.addi %add3A_150, %add3A_239 : vector<16xi32>
        %gather3A_241 = tpu.vector_load_idx %arg7[%add3A_240] : memref<32320xf32, #tpu.memory_space<vmem>>[vector<16xi32>], vector<16xf32>,
        %add3A_242 = arith.constant 20251 : i32
        %add3A_243 = vector.broadcast %add3A_242 : i32 to vector<16xi32>
        %add3A_244 = arith.addi %add3A_150, %add3A_243 : vector<16xi32>
        %gather3A_245 = tpu.vector_load_idx %arg7[%add3A_244] : memref<32320xf32, #tpu.memory_space<vmem>>[vector<16xi32>], vector<16xf32>,
        %add3A_246 = arith.constant 24240 : i32
        %add3A_247 = vector.broadcast %add3A_246 : i32 to vector<16xi32>
        %add3A_248 = arith.addi %add3A_150, %add3A_247 : vector<16xi32>
        %gather3A_249 = tpu.vector_load_idx %arg7[%add3A_248] : memref<32320xf32, #tpu.memory_space<vmem>>[vector<16xi32>], vector<16xf32>,
        %add3A_250 = arith.constant 24241 : i32
        %add3A_251 = vector.broadcast %add3A_250 : i32 to vector<16xi32>
        %add3A_252 = arith.addi %add3A_150, %add3A_251 : vector<16xi32>
        %gather3A_253 = tpu.vector_load_idx %arg7[%add3A_252] : memref<32320xf32, #tpu.memory_space<vmem>>[vector<16xi32>], vector<16xf32>,
        %add3A_254 = arith.constant 24290 : i32
        %add3A_255 = vector.broadcast %add3A_254 : i32 to vector<16xi32>
        %add3A_256 = arith.addi %add3A_150, %add3A_255 : vector<16xi32>
        %gather3A_257 = tpu.vector_load_idx %arg7[%add3A_256] : memref<32320xf32, #tpu.memory_space<vmem>>[vector<16xi32>], vector<16xf32>,
        %add3A_258 = arith.constant 24291 : i32
        %add3A_259 = vector.broadcast %add3A_258 : i32 to vector<16xi32>
        %add3A_260 = arith.addi %add3A_150, %add3A_259 : vector<16xi32>
        %gather3A_261 = tpu.vector_load_idx %arg7[%add3A_260] : memref<32320xf32, #tpu.memory_space<vmem>>[vector<16xi32>], vector<16xf32>,
        %add3A_262 = arith.constant 28280 : i32
        %add3A_263 = vector.broadcast %add3A_262 : i32 to vector<16xi32>
        %add3A_264 = arith.addi %add3A_150, %add3A_263 : vector<16xi32>
        %gather3A_265 = tpu.vector_load_idx %arg7[%add3A_264] : memref<32320xf32, #tpu.memory_space<vmem>>[vector<16xi32>], vector<16xf32>,
        %add3A_266 = arith.constant 28281 : i32
        %add3A_267 = vector.broadcast %add3A_266 : i32 to vector<16xi32>
        %add3A_268 = arith.addi %add3A_150, %add3A_267 : vector<16xi32>
        %gather3A_269 = tpu.vector_load_idx %arg7[%add3A_268] : memref<32320xf32, #tpu.memory_space<vmem>>[vector<16xi32>], vector<16xf32>,
        %add3A_270 = arith.constant 28330 : i32
        %add3A_271 = vector.broadcast %add3A_270 : i32 to vector<16xi32>
        %add3A_272 = arith.addi %add3A_150, %add3A_271 : vector<16xi32>
        %gather3A_273 = tpu.vector_load_idx %arg7[%add3A_272] : memref<32320xf32, #tpu.memory_space<vmem>>[vector<16xi32>], vector<16xf32>,
        %add3A_274 = arith.constant 28331 : i32
        %add3A_275 = vector.broadcast %add3A_274 : i32 to vector<16xi32>
        %add3A_276 = arith.addi %add3A_150, %add3A_275 : vector<16xi32>
        %gather3A_277 = tpu.vector_load_idx %arg7[%add3A_276] : memref<32320xf32, #tpu.memory_space<vmem>>[vector<16xi32>], vector<16xf32>,
        %add3A_278 = arith.constant 0 : i32
        %add3A_279 = vector.broadcast %add3A_278 : i32 to vector<16xi32>
        %add3A_280 = arith.addi %add3A_143, %add3A_279 : vector<16xi32>
        %gather3A_281 = tpu.vector_load_idx %arg6[%add3A_280] : memref<68000xi32, #tpu.memory_space<vmem>>[vector<16xi32>], vector<16xi32>,
        %bitcast3A = vector.bitcast %gather3A_281 : vector<16xi32> to vector<32xbf16>
        %unpack3A = tpu.unpack_subelements %bitcast3A, 0 {pack_format = #tpu.pack_format<interleaved>} : vector<32xbf16> -> vector<16xf32>
        %unpack3A_282 = tpu.unpack_subelements %bitcast3A, 1 {pack_format = #tpu.pack_format<interleaved>} : vector<32xbf16> -> vector<16xf32>
        %add3A_283 = arith.constant 1 : i32
        %add3A_284 = vector.broadcast %add3A_283 : i32 to vector<16xi32>
        %add3A_285 = arith.addi %add3A_143, %add3A_284 : vector<16xi32>
        %gather3A_286 = tpu.vector_load_idx %arg6[%add3A_285] : memref<68000xi32, #tpu.memory_space<vmem>>[vector<16xi32>], vector<16xi32>,
        %bitcast3A_287 = vector.bitcast %gather3A_286 : vector<16xi32> to vector<32xbf16>
        %unpack3A_288 = tpu.unpack_subelements %bitcast3A_287, 0 {pack_format = #tpu.pack_format<interleaved>} : vector<32xbf16> -> vector<16xf32>
        %unpack3A_289 = tpu.unpack_subelements %bitcast3A_287, 1 {pack_format = #tpu.pack_format<interleaved>} : vector<32xbf16> -> vector<16xf32>
        %add3A_290 = arith.constant 2 : i32
        %add3A_291 = vector.broadcast %add3A_290 : i32 to vector<16xi32>
        %add3A_292 = arith.addi %add3A_143, %add3A_291 : vector<16xi32>
        %gather3A_293 = tpu.vector_load_idx %arg6[%add3A_292] : memref<68000xi32, #tpu.memory_space<vmem>>[vector<16xi32>], vector<16xi32>,
        %bitcast3A_294 = vector.bitcast %gather3A_293 : vector<16xi32> to vector<32xbf16>
        %unpack3A_295 = tpu.unpack_subelements %bitcast3A_294, 0 {pack_format = #tpu.pack_format<interleaved>} : vector<32xbf16> -> vector<16xf32>
        %unpack3A_296 = tpu.unpack_subelements %bitcast3A_294, 1 {pack_format = #tpu.pack_format<interleaved>} : vector<32xbf16> -> vector<16xf32>
        %add3A_297 = arith.constant 3 : i32
        %add3A_298 = vector.broadcast %add3A_297 : i32 to vector<16xi32>
        %add3A_299 = arith.addi %add3A_143, %add3A_298 : vector<16xi32>
        %gather3A_300 = tpu.vector_load_idx %arg6[%add3A_299] : memref<68000xi32, #tpu.memory_space<vmem>>[vector<16xi32>], vector<16xi32>,
        %bitcast3A_301 = vector.bitcast %gather3A_300 : vector<16xi32> to vector<32xbf16>
        %unpack3A_302 = tpu.unpack_subelements %bitcast3A_301, 0 {pack_format = #tpu.pack_format<interleaved>} : vector<32xbf16> -> vector<16xf32>
        %unpack3A_303 = tpu.unpack_subelements %bitcast3A_301, 1 {pack_format = #tpu.pack_format<interleaved>} : vector<32xbf16> -> vector<16xf32>
        %mul3A_304 = arith.mulf %unpack3A, %gather3A : vector<16xf32>
        %mul3A_305 = arith.mulf %unpack3A_282, %gather3A_169 : vector<16xf32>
        %add3A_306 = arith.addf %mul3A_304, %mul3A_305 : vector<16xf32>
        %mul3A_307 = arith.mulf %unpack3A_288, %gather3A_185 : vector<16xf32>
        %add3A_308 = arith.addf %add3A_306, %mul3A_307 : vector<16xf32>
        %mul3A_309 = arith.mulf %unpack3A_289, %gather3A_201 : vector<16xf32>
        %add3A_310 = arith.addf %add3A_308, %mul3A_309 : vector<16xf32>
        %mul3A_311 = arith.mulf %unpack3A_295, %gather3A_217 : vector<16xf32>
        %add3A_312 = arith.addf %add3A_310, %mul3A_311 : vector<16xf32>
        %mul3A_313 = arith.mulf %unpack3A_296, %gather3A_233 : vector<16xf32>
        %add3A_314 = arith.addf %add3A_312, %mul3A_313 : vector<16xf32>
        %mul3A_315 = arith.mulf %unpack3A_302, %gather3A_249 : vector<16xf32>
        %add3A_316 = arith.addf %add3A_314, %mul3A_315 : vector<16xf32>
        %mul3A_317 = arith.mulf %unpack3A_303, %gather3A_265 : vector<16xf32>
        %add3A_318 = arith.addf %add3A_316, %mul3A_317 : vector<16xf32>
        %add3A_319 = arith.constant 0 : i32
        %add3A_320 = vector.broadcast %add3A_319 : i32 to vector<16xi32>
        %add3A_321 = arith.addi %mul3A_101, %add3A_320 : vector<16xi32>
        tpu.vector_store_idx %arg10[%add3A_321], %add3A_318 : memref<8320xf32, #tpu.memory_space<vmem>>[vector<16xi32>], vector<16xf32>,
        %mul3A_322 = arith.mulf %unpack3A, %gather3A_157 : vector<16xf32>
        %mul3A_323 = arith.mulf %unpack3A_282, %gather3A_173 : vector<16xf32>
        %add3A_324 = arith.addf %mul3A_322, %mul3A_323 : vector<16xf32>
        %mul3A_325 = arith.mulf %unpack3A_288, %gather3A_189 : vector<16xf32>
        %add3A_326 = arith.addf %add3A_324, %mul3A_325 : vector<16xf32>
        %mul3A_327 = arith.mulf %unpack3A_289, %gather3A_205 : vector<16xf32>
        %add3A_328 = arith.addf %add3A_326, %mul3A_327 : vector<16xf32>
        %mul3A_329 = arith.mulf %unpack3A_295, %gather3A_221 : vector<16xf32>
        %add3A_330 = arith.addf %add3A_328, %mul3A_329 : vector<16xf32>
        %mul3A_331 = arith.mulf %unpack3A_296, %gather3A_237 : vector<16xf32>
        %add3A_332 = arith.addf %add3A_330, %mul3A_331 : vector<16xf32>
        %mul3A_333 = arith.mulf %unpack3A_302, %gather3A_253 : vector<16xf32>
        %add3A_334 = arith.addf %add3A_332, %mul3A_333 : vector<16xf32>
        %mul3A_335 = arith.mulf %unpack3A_303, %gather3A_269 : vector<16xf32>
        %add3A_336 = arith.addf %add3A_334, %mul3A_335 : vector<16xf32>
        %add3A_337 = arith.constant 1 : i32
        %add3A_338 = vector.broadcast %add3A_337 : i32 to vector<16xi32>
        %add3A_339 = arith.addi %mul3A_101, %add3A_338 : vector<16xi32>
        tpu.vector_store_idx %arg10[%add3A_339], %add3A_336 : memref<8320xf32, #tpu.memory_space<vmem>>[vector<16xi32>], vector<16xf32>,
        %mul3A_340 = arith.mulf %unpack3A, %gather3A_161 : vector<16xf32>
        %mul3A_341 = arith.mulf %unpack3A_282, %gather3A_177 : vector<16xf32>
        %add3A_342 = arith.addf %mul3A_340, %mul3A_341 : vector<16xf32>
        %mul3A_343 = arith.mulf %unpack3A_288, %gather3A_193 : vector<16xf32>
        %add3A_344 = arith.addf %add3A_342, %mul3A_343 : vector<16xf32>
        %mul3A_345 = arith.mulf %unpack3A_289, %gather3A_209 : vector<16xf32>
        %add3A_346 = arith.addf %add3A_344, %mul3A_345 : vector<16xf32>
        %mul3A_347 = arith.mulf %unpack3A_295, %gather3A_225 : vector<16xf32>
        %add3A_348 = arith.addf %add3A_346, %mul3A_347 : vector<16xf32>
        %mul3A_349 = arith.mulf %unpack3A_296, %gather3A_241 : vector<16xf32>
        %add3A_350 = arith.addf %add3A_348, %mul3A_349 : vector<16xf32>
        %mul3A_351 = arith.mulf %unpack3A_302, %gather3A_257 : vector<16xf32>
        %add3A_352 = arith.addf %add3A_350, %mul3A_351 : vector<16xf32>
        %mul3A_353 = arith.mulf %unpack3A_303, %gather3A_273 : vector<16xf32>
        %add3A_354 = arith.addf %add3A_352, %mul3A_353 : vector<16xf32>
        %add3A_355 = arith.constant 2 : i32
        %add3A_356 = vector.broadcast %add3A_355 : i32 to vector<16xi32>
        %add3A_357 = arith.addi %mul3A_101, %add3A_356 : vector<16xi32>
        tpu.vector_store_idx %arg10[%add3A_357], %add3A_354 : memref<8320xf32, #tpu.memory_space<vmem>>[vector<16xi32>], vector<16xf32>,
        %mul3A_358 = arith.mulf %unpack3A, %gather3A_165 : vector<16xf32>
        %mul3A_359 = arith.mulf %unpack3A_282, %gather3A_181 : vector<16xf32>
        %add3A_360 = arith.addf %mul3A_358, %mul3A_359 : vector<16xf32>
        %mul3A_361 = arith.mulf %unpack3A_288, %gather3A_197 : vector<16xf32>
        %add3A_362 = arith.addf %add3A_360, %mul3A_361 : vector<16xf32>
        %mul3A_363 = arith.mulf %unpack3A_289, %gather3A_213 : vector<16xf32>
        %add3A_364 = arith.addf %add3A_362, %mul3A_363 : vector<16xf32>
        %mul3A_365 = arith.mulf %unpack3A_295, %gather3A_229 : vector<16xf32>
        %add3A_366 = arith.addf %add3A_364, %mul3A_365 : vector<16xf32>
        %mul3A_367 = arith.mulf %unpack3A_296, %gather3A_245 : vector<16xf32>
        %add3A_368 = arith.addf %add3A_366, %mul3A_367 : vector<16xf32>
        %mul3A_369 = arith.mulf %unpack3A_302, %gather3A_261 : vector<16xf32>
        %add3A_370 = arith.addf %add3A_368, %mul3A_369 : vector<16xf32>
        %mul3A_371 = arith.mulf %unpack3A_303, %gather3A_277 : vector<16xf32>
        %add3A_372 = arith.addf %add3A_370, %mul3A_371 : vector<16xf32>
        %add3A_373 = arith.constant 3 : i32
        %add3A_374 = vector.broadcast %add3A_373 : i32 to vector<16xi32>
        %add3A_375 = arith.addi %mul3A_101, %add3A_374 : vector<16xi32>
        tpu.vector_store_idx %arg10[%add3A_375], %add3A_372 : memref<8320xf32, #tpu.memory_space<vmem>>[vector<16xi32>], vector<16xf32>,
        %add3A_376 = arith.constant 4 : i32
        %add3A_377 = vector.broadcast %add3A_376 : i32 to vector<16xi32>
        %add3A_378 = arith.addi %add3A_143, %add3A_377 : vector<16xi32>
        %gather3A_379 = tpu.vector_load_idx %arg6[%add3A_378] : memref<68000xi32, #tpu.memory_space<vmem>>[vector<16xi32>], vector<16xi32>,
        %bitcast3A_380 = vector.bitcast %gather3A_379 : vector<16xi32> to vector<32xbf16>
        %unpack3A_381 = tpu.unpack_subelements %bitcast3A_380, 0 {pack_format = #tpu.pack_format<interleaved>} : vector<32xbf16> -> vector<16xf32>
        %unpack3A_382 = tpu.unpack_subelements %bitcast3A_380, 1 {pack_format = #tpu.pack_format<interleaved>} : vector<32xbf16> -> vector<16xf32>
        %add3A_383 = arith.constant 5 : i32
        %add3A_384 = vector.broadcast %add3A_383 : i32 to vector<16xi32>
        %add3A_385 = arith.addi %add3A_143, %add3A_384 : vector<16xi32>
        %gather3A_386 = tpu.vector_load_idx %arg6[%add3A_385] : memref<68000xi32, #tpu.memory_space<vmem>>[vector<16xi32>], vector<16xi32>,
        %bitcast3A_387 = vector.bitcast %gather3A_386 : vector<16xi32> to vector<32xbf16>
        %unpack3A_388 = tpu.unpack_subelements %bitcast3A_387, 0 {pack_format = #tpu.pack_format<interleaved>} : vector<32xbf16> -> vector<16xf32>
        %unpack3A_389 = tpu.unpack_subelements %bitcast3A_387, 1 {pack_format = #tpu.pack_format<interleaved>} : vector<32xbf16> -> vector<16xf32>
        %add3A_390 = arith.constant 6 : i32
        %add3A_391 = vector.broadcast %add3A_390 : i32 to vector<16xi32>
        %add3A_392 = arith.addi %add3A_143, %add3A_391 : vector<16xi32>
        %gather3A_393 = tpu.vector_load_idx %arg6[%add3A_392] : memref<68000xi32, #tpu.memory_space<vmem>>[vector<16xi32>], vector<16xi32>,
        %bitcast3A_394 = vector.bitcast %gather3A_393 : vector<16xi32> to vector<32xbf16>
        %unpack3A_395 = tpu.unpack_subelements %bitcast3A_394, 0 {pack_format = #tpu.pack_format<interleaved>} : vector<32xbf16> -> vector<16xf32>
        %unpack3A_396 = tpu.unpack_subelements %bitcast3A_394, 1 {pack_format = #tpu.pack_format<interleaved>} : vector<32xbf16> -> vector<16xf32>
        %add3A_397 = arith.constant 7 : i32
        %add3A_398 = vector.broadcast %add3A_397 : i32 to vector<16xi32>
        %add3A_399 = arith.addi %add3A_143, %add3A_398 : vector<16xi32>
        %gather3A_400 = tpu.vector_load_idx %arg6[%add3A_399] : memref<68000xi32, #tpu.memory_space<vmem>>[vector<16xi32>], vector<16xi32>,
        %bitcast3A_401 = vector.bitcast %gather3A_400 : vector<16xi32> to vector<32xbf16>
        %unpack3A_402 = tpu.unpack_subelements %bitcast3A_401, 0 {pack_format = #tpu.pack_format<interleaved>} : vector<32xbf16> -> vector<16xf32>
        %unpack3A_403 = tpu.unpack_subelements %bitcast3A_401, 1 {pack_format = #tpu.pack_format<interleaved>} : vector<32xbf16> -> vector<16xf32>
        %mul3A_404 = arith.mulf %unpack3A_381, %gather3A : vector<16xf32>
        %mul3A_405 = arith.mulf %unpack3A_382, %gather3A_169 : vector<16xf32>
        %add3A_406 = arith.addf %mul3A_404, %mul3A_405 : vector<16xf32>
        %mul3A_407 = arith.mulf %unpack3A_388, %gather3A_185 : vector<16xf32>
        %add3A_408 = arith.addf %add3A_406, %mul3A_407 : vector<16xf32>
        %mul3A_409 = arith.mulf %unpack3A_389, %gather3A_201 : vector<16xf32>
        %add3A_410 = arith.addf %add3A_408, %mul3A_409 : vector<16xf32>
        %mul3A_411 = arith.mulf %unpack3A_395, %gather3A_217 : vector<16xf32>
        %add3A_412 = arith.addf %add3A_410, %mul3A_411 : vector<16xf32>
        %mul3A_413 = arith.mulf %unpack3A_396, %gather3A_233 : vector<16xf32>
        %add3A_414 = arith.addf %add3A_412, %mul3A_413 : vector<16xf32>
        %mul3A_415 = arith.mulf %unpack3A_402, %gather3A_249 : vector<16xf32>
        %add3A_416 = arith.addf %add3A_414, %mul3A_415 : vector<16xf32>
        %mul3A_417 = arith.mulf %unpack3A_403, %gather3A_265 : vector<16xf32>
        %add3A_418 = arith.addf %add3A_416, %mul3A_417 : vector<16xf32>
        %add3A_419 = arith.constant 4 : i32
        %add3A_420 = vector.broadcast %add3A_419 : i32 to vector<16xi32>
        %add3A_421 = arith.addi %mul3A_101, %add3A_420 : vector<16xi32>
        tpu.vector_store_idx %arg10[%add3A_421], %add3A_418 : memref<8320xf32, #tpu.memory_space<vmem>>[vector<16xi32>], vector<16xf32>,
        %mul3A_422 = arith.mulf %unpack3A_381, %gather3A_157 : vector<16xf32>
        %mul3A_423 = arith.mulf %unpack3A_382, %gather3A_173 : vector<16xf32>
        %add3A_424 = arith.addf %mul3A_422, %mul3A_423 : vector<16xf32>
        %mul3A_425 = arith.mulf %unpack3A_388, %gather3A_189 : vector<16xf32>
        %add3A_426 = arith.addf %add3A_424, %mul3A_425 : vector<16xf32>
        %mul3A_427 = arith.mulf %unpack3A_389, %gather3A_205 : vector<16xf32>
        %add3A_428 = arith.addf %add3A_426, %mul3A_427 : vector<16xf32>
        %mul3A_429 = arith.mulf %unpack3A_395, %gather3A_221 : vector<16xf32>
        %add3A_430 = arith.addf %add3A_428, %mul3A_429 : vector<16xf32>
        %mul3A_431 = arith.mulf %unpack3A_396, %gather3A_237 : vector<16xf32>
        %add3A_432 = arith.addf %add3A_430, %mul3A_431 : vector<16xf32>
        %mul3A_433 = arith.mulf %unpack3A_402, %gather3A_253 : vector<16xf32>
        %add3A_434 = arith.addf %add3A_432, %mul3A_433 : vector<16xf32>
        %mul3A_435 = arith.mulf %unpack3A_403, %gather3A_269 : vector<16xf32>
        %add3A_436 = arith.addf %add3A_434, %mul3A_435 : vector<16xf32>
        %add3A_437 = arith.constant 5 : i32
        %add3A_438 = vector.broadcast %add3A_437 : i32 to vector<16xi32>
        %add3A_439 = arith.addi %mul3A_101, %add3A_438 : vector<16xi32>
        tpu.vector_store_idx %arg10[%add3A_439], %add3A_436 : memref<8320xf32, #tpu.memory_space<vmem>>[vector<16xi32>], vector<16xf32>,
        %mul3A_440 = arith.mulf %unpack3A_381, %gather3A_161 : vector<16xf32>
        %mul3A_441 = arith.mulf %unpack3A_382, %gather3A_177 : vector<16xf32>
        %add3A_442 = arith.addf %mul3A_440, %mul3A_441 : vector<16xf32>
        %mul3A_443 = arith.mulf %unpack3A_388, %gather3A_193 : vector<16xf32>
        %add3A_444 = arith.addf %add3A_442, %mul3A_443 : vector<16xf32>
        %mul3A_445 = arith.mulf %unpack3A_389, %gather3A_209 : vector<16xf32>
        %add3A_446 = arith.addf %add3A_444, %mul3A_445 : vector<16xf32>
        %mul3A_447 = arith.mulf %unpack3A_395, %gather3A_225 : vector<16xf32>
        %add3A_448 = arith.addf %add3A_446, %mul3A_447 : vector<16xf32>
        %mul3A_449 = arith.mulf %unpack3A_396, %gather3A_241 : vector<16xf32>
        %add3A_450 = arith.addf %add3A_448, %mul3A_449 : vector<16xf32>
        %mul3A_451 = arith.mulf %unpack3A_402, %gather3A_257 : vector<16xf32>
        %add3A_452 = arith.addf %add3A_450, %mul3A_451 : vector<16xf32>
        %mul3A_453 = arith.mulf %unpack3A_403, %gather3A_273 : vector<16xf32>
        %add3A_454 = arith.addf %add3A_452, %mul3A_453 : vector<16xf32>
        %add3A_455 = arith.constant 6 : i32
        %add3A_456 = vector.broadcast %add3A_455 : i32 to vector<16xi32>
        %add3A_457 = arith.addi %mul3A_101, %add3A_456 : vector<16xi32>
        tpu.vector_store_idx %arg10[%add3A_457], %add3A_454 : memref<8320xf32, #tpu.memory_space<vmem>>[vector<16xi32>], vector<16xf32>,
        %mul3A_458 = arith.mulf %unpack3A_381, %gather3A_165 : vector<16xf32>
        %mul3A_459 = arith.mulf %unpack3A_382, %gather3A_181 : vector<16xf32>
        %add3A_460 = arith.addf %mul3A_458, %mul3A_459 : vector<16xf32>
        %mul3A_461 = arith.mulf %unpack3A_388, %gather3A_197 : vector<16xf32>
        %add3A_462 = arith.addf %add3A_460, %mul3A_461 : vector<16xf32>
        %mul3A_463 = arith.mulf %unpack3A_389, %gather3A_213 : vector<16xf32>
        %add3A_464 = arith.addf %add3A_462, %mul3A_463 : vector<16xf32>
        %mul3A_465 = arith.mulf %unpack3A_395, %gather3A_229 : vector<16xf32>
        %add3A_466 = arith.addf %add3A_464, %mul3A_465 : vector<16xf32>
        %mul3A_467 = arith.mulf %unpack3A_396, %gather3A_245 : vector<16xf32>
        %add3A_468 = arith.addf %add3A_466, %mul3A_467 : vector<16xf32>
        %mul3A_469 = arith.mulf %unpack3A_402, %gather3A_261 : vector<16xf32>
        %add3A_470 = arith.addf %add3A_468, %mul3A_469 : vector<16xf32>
        %mul3A_471 = arith.mulf %unpack3A_403, %gather3A_277 : vector<16xf32>
        %add3A_472 = arith.addf %add3A_470, %mul3A_471 : vector<16xf32>
        %add3A_473 = arith.constant 7 : i32
        %add3A_474 = vector.broadcast %add3A_473 : i32 to vector<16xi32>
        %add3A_475 = arith.addi %mul3A_101, %add3A_474 : vector<16xi32>
        tpu.vector_store_idx %arg10[%add3A_475], %add3A_472 : memref<8320xf32, #tpu.memory_space<vmem>>[vector<16xi32>], vector<16xf32>,
        %add3A_476 = arith.constant 8 : i32
        %add3A_477 = vector.broadcast %add3A_476 : i32 to vector<16xi32>
        %add3A_478 = arith.addi %add3A_143, %add3A_477 : vector<16xi32>
        %gather3A_479 = tpu.vector_load_idx %arg6[%add3A_478] : memref<68000xi32, #tpu.memory_space<vmem>>[vector<16xi32>], vector<16xi32>,
        %bitcast3A_480 = vector.bitcast %gather3A_479 : vector<16xi32> to vector<32xbf16>
        %unpack3A_481 = tpu.unpack_subelements %bitcast3A_480, 0 {pack_format = #tpu.pack_format<interleaved>} : vector<32xbf16> -> vector<16xf32>
        %unpack3A_482 = tpu.unpack_subelements %bitcast3A_480, 1 {pack_format = #tpu.pack_format<interleaved>} : vector<32xbf16> -> vector<16xf32>
        %add3A_483 = arith.constant 9 : i32
        %add3A_484 = vector.broadcast %add3A_483 : i32 to vector<16xi32>
        %add3A_485 = arith.addi %add3A_143, %add3A_484 : vector<16xi32>
        %gather3A_486 = tpu.vector_load_idx %arg6[%add3A_485] : memref<68000xi32, #tpu.memory_space<vmem>>[vector<16xi32>], vector<16xi32>,
        %bitcast3A_487 = vector.bitcast %gather3A_486 : vector<16xi32> to vector<32xbf16>
        %unpack3A_488 = tpu.unpack_subelements %bitcast3A_487, 0 {pack_format = #tpu.pack_format<interleaved>} : vector<32xbf16> -> vector<16xf32>
        %unpack3A_489 = tpu.unpack_subelements %bitcast3A_487, 1 {pack_format = #tpu.pack_format<interleaved>} : vector<32xbf16> -> vector<16xf32>
        %add3A_490 = arith.constant 10 : i32
        %add3A_491 = vector.broadcast %add3A_490 : i32 to vector<16xi32>
        %add3A_492 = arith.addi %add3A_143, %add3A_491 : vector<16xi32>
        %gather3A_493 = tpu.vector_load_idx %arg6[%add3A_492] : memref<68000xi32, #tpu.memory_space<vmem>>[vector<16xi32>], vector<16xi32>,
        %bitcast3A_494 = vector.bitcast %gather3A_493 : vector<16xi32> to vector<32xbf16>
        %unpack3A_495 = tpu.unpack_subelements %bitcast3A_494, 0 {pack_format = #tpu.pack_format<interleaved>} : vector<32xbf16> -> vector<16xf32>
        %unpack3A_496 = tpu.unpack_subelements %bitcast3A_494, 1 {pack_format = #tpu.pack_format<interleaved>} : vector<32xbf16> -> vector<16xf32>
        %add3A_497 = arith.constant 11 : i32
        %add3A_498 = vector.broadcast %add3A_497 : i32 to vector<16xi32>
        %add3A_499 = arith.addi %add3A_143, %add3A_498 : vector<16xi32>
        %gather3A_500 = tpu.vector_load_idx %arg6[%add3A_499] : memref<68000xi32, #tpu.memory_space<vmem>>[vector<16xi32>], vector<16xi32>,
        %bitcast3A_501 = vector.bitcast %gather3A_500 : vector<16xi32> to vector<32xbf16>
        %unpack3A_502 = tpu.unpack_subelements %bitcast3A_501, 0 {pack_format = #tpu.pack_format<interleaved>} : vector<32xbf16> -> vector<16xf32>
        %unpack3A_503 = tpu.unpack_subelements %bitcast3A_501, 1 {pack_format = #tpu.pack_format<interleaved>} : vector<32xbf16> -> vector<16xf32>
        %mul3A_504 = arith.mulf %unpack3A_481, %gather3A : vector<16xf32>
        %mul3A_505 = arith.mulf %unpack3A_482, %gather3A_169 : vector<16xf32>
        %add3A_506 = arith.addf %mul3A_504, %mul3A_505 : vector<16xf32>
        %mul3A_507 = arith.mulf %unpack3A_488, %gather3A_185 : vector<16xf32>
        %add3A_508 = arith.addf %add3A_506, %mul3A_507 : vector<16xf32>
        %mul3A_509 = arith.mulf %unpack3A_489, %gather3A_201 : vector<16xf32>
        %add3A_510 = arith.addf %add3A_508, %mul3A_509 : vector<16xf32>
        %mul3A_511 = arith.mulf %unpack3A_495, %gather3A_217 : vector<16xf32>
        %add3A_512 = arith.addf %add3A_510, %mul3A_511 : vector<16xf32>
        %mul3A_513 = arith.mulf %unpack3A_496, %gather3A_233 : vector<16xf32>
        %add3A_514 = arith.addf %add3A_512, %mul3A_513 : vector<16xf32>
        %mul3A_515 = arith.mulf %unpack3A_502, %gather3A_249 : vector<16xf32>
        %add3A_516 = arith.addf %add3A_514, %mul3A_515 : vector<16xf32>
        %mul3A_517 = arith.mulf %unpack3A_503, %gather3A_265 : vector<16xf32>
        %add3A_518 = arith.addf %add3A_516, %mul3A_517 : vector<16xf32>
        %add3A_519 = arith.constant 8 : i32
        %add3A_520 = vector.broadcast %add3A_519 : i32 to vector<16xi32>
        %add3A_521 = arith.addi %mul3A_101, %add3A_520 : vector<16xi32>
        tpu.vector_store_idx %arg10[%add3A_521], %add3A_518 : memref<8320xf32, #tpu.memory_space<vmem>>[vector<16xi32>], vector<16xf32>,
        %mul3A_522 = arith.mulf %unpack3A_481, %gather3A_157 : vector<16xf32>
        %mul3A_523 = arith.mulf %unpack3A_482, %gather3A_173 : vector<16xf32>
        %add3A_524 = arith.addf %mul3A_522, %mul3A_523 : vector<16xf32>
        %mul3A_525 = arith.mulf %unpack3A_488, %gather3A_189 : vector<16xf32>
        %add3A_526 = arith.addf %add3A_524, %mul3A_525 : vector<16xf32>
        %mul3A_527 = arith.mulf %unpack3A_489, %gather3A_205 : vector<16xf32>
        %add3A_528 = arith.addf %add3A_526, %mul3A_527 : vector<16xf32>
        %mul3A_529 = arith.mulf %unpack3A_495, %gather3A_221 : vector<16xf32>
        %add3A_530 = arith.addf %add3A_528, %mul3A_529 : vector<16xf32>
        %mul3A_531 = arith.mulf %unpack3A_496, %gather3A_237 : vector<16xf32>
        %add3A_532 = arith.addf %add3A_530, %mul3A_531 : vector<16xf32>
        %mul3A_533 = arith.mulf %unpack3A_502, %gather3A_253 : vector<16xf32>
        %add3A_534 = arith.addf %add3A_532, %mul3A_533 : vector<16xf32>
        %mul3A_535 = arith.mulf %unpack3A_503, %gather3A_269 : vector<16xf32>
        %add3A_536 = arith.addf %add3A_534, %mul3A_535 : vector<16xf32>
        %add3A_537 = arith.constant 9 : i32
        %add3A_538 = vector.broadcast %add3A_537 : i32 to vector<16xi32>
        %add3A_539 = arith.addi %mul3A_101, %add3A_538 : vector<16xi32>
        tpu.vector_store_idx %arg10[%add3A_539], %add3A_536 : memref<8320xf32, #tpu.memory_space<vmem>>[vector<16xi32>], vector<16xf32>,
        %mul3A_540 = arith.mulf %unpack3A_481, %gather3A_161 : vector<16xf32>
        %mul3A_541 = arith.mulf %unpack3A_482, %gather3A_177 : vector<16xf32>
        %add3A_542 = arith.addf %mul3A_540, %mul3A_541 : vector<16xf32>
        %mul3A_543 = arith.mulf %unpack3A_488, %gather3A_193 : vector<16xf32>
        %add3A_544 = arith.addf %add3A_542, %mul3A_543 : vector<16xf32>
        %mul3A_545 = arith.mulf %unpack3A_489, %gather3A_209 : vector<16xf32>
        %add3A_546 = arith.addf %add3A_544, %mul3A_545 : vector<16xf32>
        %mul3A_547 = arith.mulf %unpack3A_495, %gather3A_225 : vector<16xf32>
        %add3A_548 = arith.addf %add3A_546, %mul3A_547 : vector<16xf32>
        %mul3A_549 = arith.mulf %unpack3A_496, %gather3A_241 : vector<16xf32>
        %add3A_550 = arith.addf %add3A_548, %mul3A_549 : vector<16xf32>
        %mul3A_551 = arith.mulf %unpack3A_502, %gather3A_257 : vector<16xf32>
        %add3A_552 = arith.addf %add3A_550, %mul3A_551 : vector<16xf32>
        %mul3A_553 = arith.mulf %unpack3A_503, %gather3A_273 : vector<16xf32>
        %add3A_554 = arith.addf %add3A_552, %mul3A_553 : vector<16xf32>
        %add3A_555 = arith.constant 10 : i32
        %add3A_556 = vector.broadcast %add3A_555 : i32 to vector<16xi32>
        %add3A_557 = arith.addi %mul3A_101, %add3A_556 : vector<16xi32>
        tpu.vector_store_idx %arg10[%add3A_557], %add3A_554 : memref<8320xf32, #tpu.memory_space<vmem>>[vector<16xi32>], vector<16xf32>,
        %mul3A_558 = arith.mulf %unpack3A_481, %gather3A_165 : vector<16xf32>
        %mul3A_559 = arith.mulf %unpack3A_482, %gather3A_181 : vector<16xf32>
        %add3A_560 = arith.addf %mul3A_558, %mul3A_559 : vector<16xf32>
        %mul3A_561 = arith.mulf %unpack3A_488, %gather3A_197 : vector<16xf32>
        %add3A_562 = arith.addf %add3A_560, %mul3A_561 : vector<16xf32>
        %mul3A_563 = arith.mulf %unpack3A_489, %gather3A_213 : vector<16xf32>
        %add3A_564 = arith.addf %add3A_562, %mul3A_563 : vector<16xf32>
        %mul3A_565 = arith.mulf %unpack3A_495, %gather3A_229 : vector<16xf32>
        %add3A_566 = arith.addf %add3A_564, %mul3A_565 : vector<16xf32>
        %mul3A_567 = arith.mulf %unpack3A_496, %gather3A_245 : vector<16xf32>
        %add3A_568 = arith.addf %add3A_566, %mul3A_567 : vector<16xf32>
        %mul3A_569 = arith.mulf %unpack3A_502, %gather3A_261 : vector<16xf32>
        %add3A_570 = arith.addf %add3A_568, %mul3A_569 : vector<16xf32>
        %mul3A_571 = arith.mulf %unpack3A_503, %gather3A_277 : vector<16xf32>
        %add3A_572 = arith.addf %add3A_570, %mul3A_571 : vector<16xf32>
        %add3A_573 = arith.constant 11 : i32
        %add3A_574 = vector.broadcast %add3A_573 : i32 to vector<16xi32>
        %add3A_575 = arith.addi %mul3A_101, %add3A_574 : vector<16xi32>
        tpu.vector_store_idx %arg10[%add3A_575], %add3A_572 : memref<8320xf32, #tpu.memory_space<vmem>>[vector<16xi32>], vector<16xf32>,
        %add3A_576 = arith.constant 12 : i32
        %add3A_577 = vector.broadcast %add3A_576 : i32 to vector<16xi32>
        %add3A_578 = arith.addi %add3A_143, %add3A_577 : vector<16xi32>
        %gather3A_579 = tpu.vector_load_idx %arg6[%add3A_578] : memref<68000xi32, #tpu.memory_space<vmem>>[vector<16xi32>], vector<16xi32>,
        %bitcast3A_580 = vector.bitcast %gather3A_579 : vector<16xi32> to vector<32xbf16>
        %unpack3A_581 = tpu.unpack_subelements %bitcast3A_580, 0 {pack_format = #tpu.pack_format<interleaved>} : vector<32xbf16> -> vector<16xf32>
        %unpack3A_582 = tpu.unpack_subelements %bitcast3A_580, 1 {pack_format = #tpu.pack_format<interleaved>} : vector<32xbf16> -> vector<16xf32>
        %add3A_583 = arith.constant 13 : i32
        %add3A_584 = vector.broadcast %add3A_583 : i32 to vector<16xi32>
        %add3A_585 = arith.addi %add3A_143, %add3A_584 : vector<16xi32>
        %gather3A_586 = tpu.vector_load_idx %arg6[%add3A_585] : memref<68000xi32, #tpu.memory_space<vmem>>[vector<16xi32>], vector<16xi32>,
        %bitcast3A_587 = vector.bitcast %gather3A_586 : vector<16xi32> to vector<32xbf16>
        %unpack3A_588 = tpu.unpack_subelements %bitcast3A_587, 0 {pack_format = #tpu.pack_format<interleaved>} : vector<32xbf16> -> vector<16xf32>
        %unpack3A_589 = tpu.unpack_subelements %bitcast3A_587, 1 {pack_format = #tpu.pack_format<interleaved>} : vector<32xbf16> -> vector<16xf32>
        %add3A_590 = arith.constant 14 : i32
        %add3A_591 = vector.broadcast %add3A_590 : i32 to vector<16xi32>
        %add3A_592 = arith.addi %add3A_143, %add3A_591 : vector<16xi32>
        %gather3A_593 = tpu.vector_load_idx %arg6[%add3A_592] : memref<68000xi32, #tpu.memory_space<vmem>>[vector<16xi32>], vector<16xi32>,
        %bitcast3A_594 = vector.bitcast %gather3A_593 : vector<16xi32> to vector<32xbf16>
        %unpack3A_595 = tpu.unpack_subelements %bitcast3A_594, 0 {pack_format = #tpu.pack_format<interleaved>} : vector<32xbf16> -> vector<16xf32>
        %unpack3A_596 = tpu.unpack_subelements %bitcast3A_594, 1 {pack_format = #tpu.pack_format<interleaved>} : vector<32xbf16> -> vector<16xf32>
        %add3A_597 = arith.constant 15 : i32
        %add3A_598 = vector.broadcast %add3A_597 : i32 to vector<16xi32>
        %add3A_599 = arith.addi %add3A_143, %add3A_598 : vector<16xi32>
        %gather3A_600 = tpu.vector_load_idx %arg6[%add3A_599] : memref<68000xi32, #tpu.memory_space<vmem>>[vector<16xi32>], vector<16xi32>,
        %bitcast3A_601 = vector.bitcast %gather3A_600 : vector<16xi32> to vector<32xbf16>
        %unpack3A_602 = tpu.unpack_subelements %bitcast3A_601, 0 {pack_format = #tpu.pack_format<interleaved>} : vector<32xbf16> -> vector<16xf32>
        %unpack3A_603 = tpu.unpack_subelements %bitcast3A_601, 1 {pack_format = #tpu.pack_format<interleaved>} : vector<32xbf16> -> vector<16xf32>
        %mul3A_604 = arith.mulf %unpack3A_581, %gather3A : vector<16xf32>
        %mul3A_605 = arith.mulf %unpack3A_582, %gather3A_169 : vector<16xf32>
        %add3A_606 = arith.addf %mul3A_604, %mul3A_605 : vector<16xf32>
        %mul3A_607 = arith.mulf %unpack3A_588, %gather3A_185 : vector<16xf32>
        %add3A_608 = arith.addf %add3A_606, %mul3A_607 : vector<16xf32>
        %mul3A_609 = arith.mulf %unpack3A_589, %gather3A_201 : vector<16xf32>
        %add3A_610 = arith.addf %add3A_608, %mul3A_609 : vector<16xf32>
        %mul3A_611 = arith.mulf %unpack3A_595, %gather3A_217 : vector<16xf32>
        %add3A_612 = arith.addf %add3A_610, %mul3A_611 : vector<16xf32>
        %mul3A_613 = arith.mulf %unpack3A_596, %gather3A_233 : vector<16xf32>
        %add3A_614 = arith.addf %add3A_612, %mul3A_613 : vector<16xf32>
        %mul3A_615 = arith.mulf %unpack3A_602, %gather3A_249 : vector<16xf32>
        %add3A_616 = arith.addf %add3A_614, %mul3A_615 : vector<16xf32>
        %mul3A_617 = arith.mulf %unpack3A_603, %gather3A_265 : vector<16xf32>
        %add3A_618 = arith.addf %add3A_616, %mul3A_617 : vector<16xf32>
        %add3A_619 = arith.constant 12 : i32
        %add3A_620 = vector.broadcast %add3A_619 : i32 to vector<16xi32>
        %add3A_621 = arith.addi %mul3A_101, %add3A_620 : vector<16xi32>
        tpu.vector_store_idx %arg10[%add3A_621], %add3A_618 : memref<8320xf32, #tpu.memory_space<vmem>>[vector<16xi32>], vector<16xf32>,
        %mul3A_622 = arith.mulf %unpack3A_581, %gather3A_157 : vector<16xf32>
        %mul3A_623 = arith.mulf %unpack3A_582, %gather3A_173 : vector<16xf32>
        %add3A_624 = arith.addf %mul3A_622, %mul3A_623 : vector<16xf32>
        %mul3A_625 = arith.mulf %unpack3A_588, %gather3A_189 : vector<16xf32>
        %add3A_626 = arith.addf %add3A_624, %mul3A_625 : vector<16xf32>
        %mul3A_627 = arith.mulf %unpack3A_589, %gather3A_205 : vector<16xf32>
        %add3A_628 = arith.addf %add3A_626, %mul3A_627 : vector<16xf32>
        %mul3A_629 = arith.mulf %unpack3A_595, %gather3A_221 : vector<16xf32>
        %add3A_630 = arith.addf %add3A_628, %mul3A_629 : vector<16xf32>
        %mul3A_631 = arith.mulf %unpack3A_596, %gather3A_237 : vector<16xf32>
        %add3A_632 = arith.addf %add3A_630, %mul3A_631 : vector<16xf32>
        %mul3A_633 = arith.mulf %unpack3A_602, %gather3A_253 : vector<16xf32>
        %add3A_634 = arith.addf %add3A_632, %mul3A_633 : vector<16xf32>
        %mul3A_635 = arith.mulf %unpack3A_603, %gather3A_269 : vector<16xf32>
        %add3A_636 = arith.addf %add3A_634, %mul3A_635 : vector<16xf32>
        %add3A_637 = arith.constant 13 : i32
        %add3A_638 = vector.broadcast %add3A_637 : i32 to vector<16xi32>
        %add3A_639 = arith.addi %mul3A_101, %add3A_638 : vector<16xi32>
        tpu.vector_store_idx %arg10[%add3A_639], %add3A_636 : memref<8320xf32, #tpu.memory_space<vmem>>[vector<16xi32>], vector<16xf32>,
        %mul3A_640 = arith.mulf %unpack3A_581, %gather3A_161 : vector<16xf32>
        %mul3A_641 = arith.mulf %unpack3A_582, %gather3A_177 : vector<16xf32>
        %add3A_642 = arith.addf %mul3A_640, %mul3A_641 : vector<16xf32>
        %mul3A_643 = arith.mulf %unpack3A_588, %gather3A_193 : vector<16xf32>
        %add3A_644 = arith.addf %add3A_642, %mul3A_643 : vector<16xf32>
        %mul3A_645 = arith.mulf %unpack3A_589, %gather3A_209 : vector<16xf32>
        %add3A_646 = arith.addf %add3A_644, %mul3A_645 : vector<16xf32>
        %mul3A_647 = arith.mulf %unpack3A_595, %gather3A_225 : vector<16xf32>
        %add3A_648 = arith.addf %add3A_646, %mul3A_647 : vector<16xf32>
        %mul3A_649 = arith.mulf %unpack3A_596, %gather3A_241 : vector<16xf32>
        %add3A_650 = arith.addf %add3A_648, %mul3A_649 : vector<16xf32>
        %mul3A_651 = arith.mulf %unpack3A_602, %gather3A_257 : vector<16xf32>
        %add3A_652 = arith.addf %add3A_650, %mul3A_651 : vector<16xf32>
        %mul3A_653 = arith.mulf %unpack3A_603, %gather3A_273 : vector<16xf32>
        %add3A_654 = arith.addf %add3A_652, %mul3A_653 : vector<16xf32>
        %add3A_655 = arith.constant 14 : i32
        %add3A_656 = vector.broadcast %add3A_655 : i32 to vector<16xi32>
        %add3A_657 = arith.addi %mul3A_101, %add3A_656 : vector<16xi32>
        tpu.vector_store_idx %arg10[%add3A_657], %add3A_654 : memref<8320xf32, #tpu.memory_space<vmem>>[vector<16xi32>], vector<16xf32>,
        %mul3A_658 = arith.mulf %unpack3A_581, %gather3A_165 : vector<16xf32>
        %mul3A_659 = arith.mulf %unpack3A_582, %gather3A_181 : vector<16xf32>
        %add3A_660 = arith.addf %mul3A_658, %mul3A_659 : vector<16xf32>
        %mul3A_661 = arith.mulf %unpack3A_588, %gather3A_197 : vector<16xf32>
        %add3A_662 = arith.addf %add3A_660, %mul3A_661 : vector<16xf32>
        %mul3A_663 = arith.mulf %unpack3A_589, %gather3A_213 : vector<16xf32>
        %add3A_664 = arith.addf %add3A_662, %mul3A_663 : vector<16xf32>
        %mul3A_665 = arith.mulf %unpack3A_595, %gather3A_229 : vector<16xf32>
        %add3A_666 = arith.addf %add3A_664, %mul3A_665 : vector<16xf32>
        %mul3A_667 = arith.mulf %unpack3A_596, %gather3A_245 : vector<16xf32>
        %add3A_668 = arith.addf %add3A_666, %mul3A_667 : vector<16xf32>
        %mul3A_669 = arith.mulf %unpack3A_602, %gather3A_261 : vector<16xf32>
        %add3A_670 = arith.addf %add3A_668, %mul3A_669 : vector<16xf32>
        %mul3A_671 = arith.mulf %unpack3A_603, %gather3A_277 : vector<16xf32>
        %add3A_672 = arith.addf %add3A_670, %mul3A_671 : vector<16xf32>
        %add3A_673 = arith.constant 15 : i32
        %add3A_674 = vector.broadcast %add3A_673 : i32 to vector<16xi32>
        %add3A_675 = arith.addi %mul3A_101, %add3A_674 : vector<16xi32>
        tpu.vector_store_idx %arg10[%add3A_675], %add3A_672 : memref<8320xf32, #tpu.memory_space<vmem>>[vector<16xi32>], vector<16xf32>,
        %add3A_676 = arith.constant 425 : i32
        %add3A_677 = vector.broadcast %add3A_676 : i32 to vector<16xi32>
        %add3A_678 = arith.addi %add3A_143, %add3A_677 : vector<16xi32>
        %gather3A_679 = tpu.vector_load_idx %arg6[%add3A_678] : memref<68000xi32, #tpu.memory_space<vmem>>[vector<16xi32>], vector<16xi32>,
        %bitcast3A_680 = vector.bitcast %gather3A_679 : vector<16xi32> to vector<32xbf16>
        %unpack3A_681 = tpu.unpack_subelements %bitcast3A_680, 0 {pack_format = #tpu.pack_format<interleaved>} : vector<32xbf16> -> vector<16xf32>
        %unpack3A_682 = tpu.unpack_subelements %bitcast3A_680, 1 {pack_format = #tpu.pack_format<interleaved>} : vector<32xbf16> -> vector<16xf32>
        %add3A_683 = arith.constant 426 : i32
        %add3A_684 = vector.broadcast %add3A_683 : i32 to vector<16xi32>
        %add3A_685 = arith.addi %add3A_143, %add3A_684 : vector<16xi32>
        %gather3A_686 = tpu.vector_load_idx %arg6[%add3A_685] : memref<68000xi32, #tpu.memory_space<vmem>>[vector<16xi32>], vector<16xi32>,
        %bitcast3A_687 = vector.bitcast %gather3A_686 : vector<16xi32> to vector<32xbf16>
        %unpack3A_688 = tpu.unpack_subelements %bitcast3A_687, 0 {pack_format = #tpu.pack_format<interleaved>} : vector<32xbf16> -> vector<16xf32>
        %unpack3A_689 = tpu.unpack_subelements %bitcast3A_687, 1 {pack_format = #tpu.pack_format<interleaved>} : vector<32xbf16> -> vector<16xf32>
        %add3A_690 = arith.constant 427 : i32
        %add3A_691 = vector.broadcast %add3A_690 : i32 to vector<16xi32>
        %add3A_692 = arith.addi %add3A_143, %add3A_691 : vector<16xi32>
        %gather3A_693 = tpu.vector_load_idx %arg6[%add3A_692] : memref<68000xi32, #tpu.memory_space<vmem>>[vector<16xi32>], vector<16xi32>,
        %bitcast3A_694 = vector.bitcast %gather3A_693 : vector<16xi32> to vector<32xbf16>
        %unpack3A_695 = tpu.unpack_subelements %bitcast3A_694, 0 {pack_format = #tpu.pack_format<interleaved>} : vector<32xbf16> -> vector<16xf32>
        %unpack3A_696 = tpu.unpack_subelements %bitcast3A_694, 1 {pack_format = #tpu.pack_format<interleaved>} : vector<32xbf16> -> vector<16xf32>
        %add3A_697 = arith.constant 428 : i32
        %add3A_698 = vector.broadcast %add3A_697 : i32 to vector<16xi32>
        %add3A_699 = arith.addi %add3A_143, %add3A_698 : vector<16xi32>
        %gather3A_700 = tpu.vector_load_idx %arg6[%add3A_699] : memref<68000xi32, #tpu.memory_space<vmem>>[vector<16xi32>], vector<16xi32>,
        %bitcast3A_701 = vector.bitcast %gather3A_700 : vector<16xi32> to vector<32xbf16>
        %unpack3A_702 = tpu.unpack_subelements %bitcast3A_701, 0 {pack_format = #tpu.pack_format<interleaved>} : vector<32xbf16> -> vector<16xf32>
        %unpack3A_703 = tpu.unpack_subelements %bitcast3A_701, 1 {pack_format = #tpu.pack_format<interleaved>} : vector<32xbf16> -> vector<16xf32>
        %mul3A_704 = arith.mulf %unpack3A_681, %gather3A : vector<16xf32>
        %mul3A_705 = arith.mulf %unpack3A_682, %gather3A_169 : vector<16xf32>
        %add3A_706 = arith.addf %mul3A_704, %mul3A_705 : vector<16xf32>
        %mul3A_707 = arith.mulf %unpack3A_688, %gather3A_185 : vector<16xf32>
        %add3A_708 = arith.addf %add3A_706, %mul3A_707 : vector<16xf32>
        %mul3A_709 = arith.mulf %unpack3A_689, %gather3A_201 : vector<16xf32>
        %add3A_710 = arith.addf %add3A_708, %mul3A_709 : vector<16xf32>
        %mul3A_711 = arith.mulf %unpack3A_695, %gather3A_217 : vector<16xf32>
        %add3A_712 = arith.addf %add3A_710, %mul3A_711 : vector<16xf32>
        %mul3A_713 = arith.mulf %unpack3A_696, %gather3A_233 : vector<16xf32>
        %add3A_714 = arith.addf %add3A_712, %mul3A_713 : vector<16xf32>
        %mul3A_715 = arith.mulf %unpack3A_702, %gather3A_249 : vector<16xf32>
        %add3A_716 = arith.addf %add3A_714, %mul3A_715 : vector<16xf32>
        %mul3A_717 = arith.mulf %unpack3A_703, %gather3A_265 : vector<16xf32>
        %add3A_718 = arith.addf %add3A_716, %mul3A_717 : vector<16xf32>
        %add3A_719 = arith.constant 16 : i32
        %add3A_720 = vector.broadcast %add3A_719 : i32 to vector<16xi32>
        %add3A_721 = arith.addi %mul3A_101, %add3A_720 : vector<16xi32>
        tpu.vector_store_idx %arg10[%add3A_721], %add3A_718 : memref<8320xf32, #tpu.memory_space<vmem>>[vector<16xi32>], vector<16xf32>,
        %mul3A_722 = arith.mulf %unpack3A_681, %gather3A_157 : vector<16xf32>
        %mul3A_723 = arith.mulf %unpack3A_682, %gather3A_173 : vector<16xf32>
        %add3A_724 = arith.addf %mul3A_722, %mul3A_723 : vector<16xf32>
        %mul3A_725 = arith.mulf %unpack3A_688, %gather3A_189 : vector<16xf32>
        %add3A_726 = arith.addf %add3A_724, %mul3A_725 : vector<16xf32>
        %mul3A_727 = arith.mulf %unpack3A_689, %gather3A_205 : vector<16xf32>
        %add3A_728 = arith.addf %add3A_726, %mul3A_727 : vector<16xf32>
        %mul3A_729 = arith.mulf %unpack3A_695, %gather3A_221 : vector<16xf32>
        %add3A_730 = arith.addf %add3A_728, %mul3A_729 : vector<16xf32>
        %mul3A_731 = arith.mulf %unpack3A_696, %gather3A_237 : vector<16xf32>
        %add3A_732 = arith.addf %add3A_730, %mul3A_731 : vector<16xf32>
        %mul3A_733 = arith.mulf %unpack3A_702, %gather3A_253 : vector<16xf32>
        %add3A_734 = arith.addf %add3A_732, %mul3A_733 : vector<16xf32>
        %mul3A_735 = arith.mulf %unpack3A_703, %gather3A_269 : vector<16xf32>
        %add3A_736 = arith.addf %add3A_734, %mul3A_735 : vector<16xf32>
        %add3A_737 = arith.constant 17 : i32
        %add3A_738 = vector.broadcast %add3A_737 : i32 to vector<16xi32>
        %add3A_739 = arith.addi %mul3A_101, %add3A_738 : vector<16xi32>
        tpu.vector_store_idx %arg10[%add3A_739], %add3A_736 : memref<8320xf32, #tpu.memory_space<vmem>>[vector<16xi32>], vector<16xf32>,
        %mul3A_740 = arith.mulf %unpack3A_681, %gather3A_161 : vector<16xf32>
        %mul3A_741 = arith.mulf %unpack3A_682, %gather3A_177 : vector<16xf32>
        %add3A_742 = arith.addf %mul3A_740, %mul3A_741 : vector<16xf32>
        %mul3A_743 = arith.mulf %unpack3A_688, %gather3A_193 : vector<16xf32>
        %add3A_744 = arith.addf %add3A_742, %mul3A_743 : vector<16xf32>
        %mul3A_745 = arith.mulf %unpack3A_689, %gather3A_209 : vector<16xf32>
        %add3A_746 = arith.addf %add3A_744, %mul3A_745 : vector<16xf32>
        %mul3A_747 = arith.mulf %unpack3A_695, %gather3A_225 : vector<16xf32>
        %add3A_748 = arith.addf %add3A_746, %mul3A_747 : vector<16xf32>
        %mul3A_749 = arith.mulf %unpack3A_696, %gather3A_241 : vector<16xf32>
        %add3A_750 = arith.addf %add3A_748, %mul3A_749 : vector<16xf32>
        %mul3A_751 = arith.mulf %unpack3A_702, %gather3A_257 : vector<16xf32>
        %add3A_752 = arith.addf %add3A_750, %mul3A_751 : vector<16xf32>
        %mul3A_753 = arith.mulf %unpack3A_703, %gather3A_273 : vector<16xf32>
        %add3A_754 = arith.addf %add3A_752, %mul3A_753 : vector<16xf32>
        %add3A_755 = arith.constant 18 : i32
        %add3A_756 = vector.broadcast %add3A_755 : i32 to vector<16xi32>
        %add3A_757 = arith.addi %mul3A_101, %add3A_756 : vector<16xi32>
        tpu.vector_store_idx %arg10[%add3A_757], %add3A_754 : memref<8320xf32, #tpu.memory_space<vmem>>[vector<16xi32>], vector<16xf32>,
        %mul3A_758 = arith.mulf %unpack3A_681, %gather3A_165 : vector<16xf32>
        %mul3A_759 = arith.mulf %unpack3A_682, %gather3A_181 : vector<16xf32>
        %add3A_760 = arith.addf %mul3A_758, %mul3A_759 : vector<16xf32>
        %mul3A_761 = arith.mulf %unpack3A_688, %gather3A_197 : vector<16xf32>
        %add3A_762 = arith.addf %add3A_760, %mul3A_761 : vector<16xf32>
        %mul3A_763 = arith.mulf %unpack3A_689, %gather3A_213 : vector<16xf32>
        %add3A_764 = arith.addf %add3A_762, %mul3A_763 : vector<16xf32>
        %mul3A_765 = arith.mulf %unpack3A_695, %gather3A_229 : vector<16xf32>
        %add3A_766 = arith.addf %add3A_764, %mul3A_765 : vector<16xf32>
        %mul3A_767 = arith.mulf %unpack3A_696, %gather3A_245 : vector<16xf32>
        %add3A_768 = arith.addf %add3A_766, %mul3A_767 : vector<16xf32>
        %mul3A_769 = arith.mulf %unpack3A_702, %gather3A_261 : vector<16xf32>
        %add3A_770 = arith.addf %add3A_768, %mul3A_769 : vector<16xf32>
        %mul3A_771 = arith.mulf %unpack3A_703, %gather3A_277 : vector<16xf32>
        %add3A_772 = arith.addf %add3A_770, %mul3A_771 : vector<16xf32>
        %add3A_773 = arith.constant 19 : i32
        %add3A_774 = vector.broadcast %add3A_773 : i32 to vector<16xi32>
        %add3A_775 = arith.addi %mul3A_101, %add3A_774 : vector<16xi32>
        tpu.vector_store_idx %arg10[%add3A_775], %add3A_772 : memref<8320xf32, #tpu.memory_space<vmem>>[vector<16xi32>], vector<16xf32>,
        %add3A_776 = arith.constant 429 : i32
        %add3A_777 = vector.broadcast %add3A_776 : i32 to vector<16xi32>
        %add3A_778 = arith.addi %add3A_143, %add3A_777 : vector<16xi32>
        %gather3A_779 = tpu.vector_load_idx %arg6[%add3A_778] : memref<68000xi32, #tpu.memory_space<vmem>>[vector<16xi32>], vector<16xi32>,
        %bitcast3A_780 = vector.bitcast %gather3A_779 : vector<16xi32> to vector<32xbf16>
        %unpack3A_781 = tpu.unpack_subelements %bitcast3A_780, 0 {pack_format = #tpu.pack_format<interleaved>} : vector<32xbf16> -> vector<16xf32>
        %unpack3A_782 = tpu.unpack_subelements %bitcast3A_780, 1 {pack_format = #tpu.pack_format<interleaved>} : vector<32xbf16> -> vector<16xf32>
        %add3A_783 = arith.constant 430 : i32
        %add3A_784 = vector.broadcast %add3A_783 : i32 to vector<16xi32>
        %add3A_785 = arith.addi %add3A_143, %add3A_784 : vector<16xi32>
        %gather3A_786 = tpu.vector_load_idx %arg6[%add3A_785] : memref<68000xi32, #tpu.memory_space<vmem>>[vector<16xi32>], vector<16xi32>,
        %bitcast3A_787 = vector.bitcast %gather3A_786 : vector<16xi32> to vector<32xbf16>
        %unpack3A_788 = tpu.unpack_subelements %bitcast3A_787, 0 {pack_format = #tpu.pack_format<interleaved>} : vector<32xbf16> -> vector<16xf32>
        %unpack3A_789 = tpu.unpack_subelements %bitcast3A_787, 1 {pack_format = #tpu.pack_format<interleaved>} : vector<32xbf16> -> vector<16xf32>
        %add3A_790 = arith.constant 431 : i32
        %add3A_791 = vector.broadcast %add3A_790 : i32 to vector<16xi32>
        %add3A_792 = arith.addi %add3A_143, %add3A_791 : vector<16xi32>
        %gather3A_793 = tpu.vector_load_idx %arg6[%add3A_792] : memref<68000xi32, #tpu.memory_space<vmem>>[vector<16xi32>], vector<16xi32>,
        %bitcast3A_794 = vector.bitcast %gather3A_793 : vector<16xi32> to vector<32xbf16>
        %unpack3A_795 = tpu.unpack_subelements %bitcast3A_794, 0 {pack_format = #tpu.pack_format<interleaved>} : vector<32xbf16> -> vector<16xf32>
        %unpack3A_796 = tpu.unpack_subelements %bitcast3A_794, 1 {pack_format = #tpu.pack_format<interleaved>} : vector<32xbf16> -> vector<16xf32>
        %add3A_797 = arith.constant 432 : i32
        %add3A_798 = vector.broadcast %add3A_797 : i32 to vector<16xi32>
        %add3A_799 = arith.addi %add3A_143, %add3A_798 : vector<16xi32>
        %gather3A_800 = tpu.vector_load_idx %arg6[%add3A_799] : memref<68000xi32, #tpu.memory_space<vmem>>[vector<16xi32>], vector<16xi32>,
        %bitcast3A_801 = vector.bitcast %gather3A_800 : vector<16xi32> to vector<32xbf16>
        %unpack3A_802 = tpu.unpack_subelements %bitcast3A_801, 0 {pack_format = #tpu.pack_format<interleaved>} : vector<32xbf16> -> vector<16xf32>
        %unpack3A_803 = tpu.unpack_subelements %bitcast3A_801, 1 {pack_format = #tpu.pack_format<interleaved>} : vector<32xbf16> -> vector<16xf32>
        %mul3A_804 = arith.mulf %unpack3A_781, %gather3A : vector<16xf32>
        %mul3A_805 = arith.mulf %unpack3A_782, %gather3A_169 : vector<16xf32>
        %add3A_806 = arith.addf %mul3A_804, %mul3A_805 : vector<16xf32>
        %mul3A_807 = arith.mulf %unpack3A_788, %gather3A_185 : vector<16xf32>
        %add3A_808 = arith.addf %add3A_806, %mul3A_807 : vector<16xf32>
        %mul3A_809 = arith.mulf %unpack3A_789, %gather3A_201 : vector<16xf32>
        %add3A_810 = arith.addf %add3A_808, %mul3A_809 : vector<16xf32>
        %mul3A_811 = arith.mulf %unpack3A_795, %gather3A_217 : vector<16xf32>
        %add3A_812 = arith.addf %add3A_810, %mul3A_811 : vector<16xf32>
        %mul3A_813 = arith.mulf %unpack3A_796, %gather3A_233 : vector<16xf32>
        %add3A_814 = arith.addf %add3A_812, %mul3A_813 : vector<16xf32>
        %mul3A_815 = arith.mulf %unpack3A_802, %gather3A_249 : vector<16xf32>
        %add3A_816 = arith.addf %add3A_814, %mul3A_815 : vector<16xf32>
        %mul3A_817 = arith.mulf %unpack3A_803, %gather3A_265 : vector<16xf32>
        %add3A_818 = arith.addf %add3A_816, %mul3A_817 : vector<16xf32>
        %add3A_819 = arith.constant 20 : i32
        %add3A_820 = vector.broadcast %add3A_819 : i32 to vector<16xi32>
        %add3A_821 = arith.addi %mul3A_101, %add3A_820 : vector<16xi32>
        tpu.vector_store_idx %arg10[%add3A_821], %add3A_818 : memref<8320xf32, #tpu.memory_space<vmem>>[vector<16xi32>], vector<16xf32>,
        %mul3A_822 = arith.mulf %unpack3A_781, %gather3A_157 : vector<16xf32>
        %mul3A_823 = arith.mulf %unpack3A_782, %gather3A_173 : vector<16xf32>
        %add3A_824 = arith.addf %mul3A_822, %mul3A_823 : vector<16xf32>
        %mul3A_825 = arith.mulf %unpack3A_788, %gather3A_189 : vector<16xf32>
        %add3A_826 = arith.addf %add3A_824, %mul3A_825 : vector<16xf32>
        %mul3A_827 = arith.mulf %unpack3A_789, %gather3A_205 : vector<16xf32>
        %add3A_828 = arith.addf %add3A_826, %mul3A_827 : vector<16xf32>
        %mul3A_829 = arith.mulf %unpack3A_795, %gather3A_221 : vector<16xf32>
        %add3A_830 = arith.addf %add3A_828, %mul3A_829 : vector<16xf32>
        %mul3A_831 = arith.mulf %unpack3A_796, %gather3A_237 : vector<16xf32>
        %add3A_832 = arith.addf %add3A_830, %mul3A_831 : vector<16xf32>
        %mul3A_833 = arith.mulf %unpack3A_802, %gather3A_253 : vector<16xf32>
        %add3A_834 = arith.addf %add3A_832, %mul3A_833 : vector<16xf32>
        %mul3A_835 = arith.mulf %unpack3A_803, %gather3A_269 : vector<16xf32>
        %add3A_836 = arith.addf %add3A_834, %mul3A_835 : vector<16xf32>
        %add3A_837 = arith.constant 21 : i32
        %add3A_838 = vector.broadcast %add3A_837 : i32 to vector<16xi32>
        %add3A_839 = arith.addi %mul3A_101, %add3A_838 : vector<16xi32>
        tpu.vector_store_idx %arg10[%add3A_839], %add3A_836 : memref<8320xf32, #tpu.memory_space<vmem>>[vector<16xi32>], vector<16xf32>,
        %mul3A_840 = arith.mulf %unpack3A_781, %gather3A_161 : vector<16xf32>
        %mul3A_841 = arith.mulf %unpack3A_782, %gather3A_177 : vector<16xf32>
        %add3A_842 = arith.addf %mul3A_840, %mul3A_841 : vector<16xf32>
        %mul3A_843 = arith.mulf %unpack3A_788, %gather3A_193 : vector<16xf32>
        %add3A_844 = arith.addf %add3A_842, %mul3A_843 : vector<16xf32>
        %mul3A_845 = arith.mulf %unpack3A_789, %gather3A_209 : vector<16xf32>
        %add3A_846 = arith.addf %add3A_844, %mul3A_845 : vector<16xf32>
        %mul3A_847 = arith.mulf %unpack3A_795, %gather3A_225 : vector<16xf32>
        %add3A_848 = arith.addf %add3A_846, %mul3A_847 : vector<16xf32>
        %mul3A_849 = arith.mulf %unpack3A_796, %gather3A_241 : vector<16xf32>
        %add3A_850 = arith.addf %add3A_848, %mul3A_849 : vector<16xf32>
        %mul3A_851 = arith.mulf %unpack3A_802, %gather3A_257 : vector<16xf32>
        %add3A_852 = arith.addf %add3A_850, %mul3A_851 : vector<16xf32>
        %mul3A_853 = arith.mulf %unpack3A_803, %gather3A_273 : vector<16xf32>
        %add3A_854 = arith.addf %add3A_852, %mul3A_853 : vector<16xf32>
        %add3A_855 = arith.constant 22 : i32
        %add3A_856 = vector.broadcast %add3A_855 : i32 to vector<16xi32>
        %add3A_857 = arith.addi %mul3A_101, %add3A_856 : vector<16xi32>
        tpu.vector_store_idx %arg10[%add3A_857], %add3A_854 : memref<8320xf32, #tpu.memory_space<vmem>>[vector<16xi32>], vector<16xf32>,
        %mul3A_858 = arith.mulf %unpack3A_781, %gather3A_165 : vector<16xf32>
        %mul3A_859 = arith.mulf %unpack3A_782, %gather3A_181 : vector<16xf32>
        %add3A_860 = arith.addf %mul3A_858, %mul3A_859 : vector<16xf32>
        %mul3A_861 = arith.mulf %unpack3A_788, %gather3A_197 : vector<16xf32>
        %add3A_862 = arith.addf %add3A_860, %mul3A_861 : vector<16xf32>
        %mul3A_863 = arith.mulf %unpack3A_789, %gather3A_213 : vector<16xf32>
        %add3A_864 = arith.addf %add3A_862, %mul3A_863 : vector<16xf32>
        %mul3A_865 = arith.mulf %unpack3A_795, %gather3A_229 : vector<16xf32>
        %add3A_866 = arith.addf %add3A_864, %mul3A_865 : vector<16xf32>
        %mul3A_867 = arith.mulf %unpack3A_796, %gather3A_245 : vector<16xf32>
        %add3A_868 = arith.addf %add3A_866, %mul3A_867 : vector<16xf32>
        %mul3A_869 = arith.mulf %unpack3A_802, %gather3A_261 : vector<16xf32>
        %add3A_870 = arith.addf %add3A_868, %mul3A_869 : vector<16xf32>
        %mul3A_871 = arith.mulf %unpack3A_803, %gather3A_277 : vector<16xf32>
        %add3A_872 = arith.addf %add3A_870, %mul3A_871 : vector<16xf32>
        %add3A_873 = arith.constant 23 : i32
        %add3A_874 = vector.broadcast %add3A_873 : i32 to vector<16xi32>
        %add3A_875 = arith.addi %mul3A_101, %add3A_874 : vector<16xi32>
        tpu.vector_store_idx %arg10[%add3A_875], %add3A_872 : memref<8320xf32, #tpu.memory_space<vmem>>[vector<16xi32>], vector<16xf32>,
        %add3A_876 = arith.constant 433 : i32
        %add3A_877 = vector.broadcast %add3A_876 : i32 to vector<16xi32>
        %add3A_878 = arith.addi %add3A_143, %add3A_877 : vector<16xi32>
        %gather3A_879 = tpu.vector_load_idx %arg6[%add3A_878] : memref<68000xi32, #tpu.memory_space<vmem>>[vector<16xi32>], vector<16xi32>,
        %bitcast3A_880 = vector.bitcast %gather3A_879 : vector<16xi32> to vector<32xbf16>
        %unpack3A_881 = tpu.unpack_subelements %bitcast3A_880, 0 {pack_format = #tpu.pack_format<interleaved>} : vector<32xbf16> -> vector<16xf32>
        %unpack3A_882 = tpu.unpack_subelements %bitcast3A_880, 1 {pack_format = #tpu.pack_format<interleaved>} : vector<32xbf16> -> vector<16xf32>
        %add3A_883 = arith.constant 434 : i32
        %add3A_884 = vector.broadcast %add3A_883 : i32 to vector<16xi32>
        %add3A_885 = arith.addi %add3A_143, %add3A_884 : vector<16xi32>
        %gather3A_886 = tpu.vector_load_idx %arg6[%add3A_885] : memref<68000xi32, #tpu.memory_space<vmem>>[vector<16xi32>], vector<16xi32>,
        %bitcast3A_887 = vector.bitcast %gather3A_886 : vector<16xi32> to vector<32xbf16>
        %unpack3A_888 = tpu.unpack_subelements %bitcast3A_887, 0 {pack_format = #tpu.pack_format<interleaved>} : vector<32xbf16> -> vector<16xf32>
        %unpack3A_889 = tpu.unpack_subelements %bitcast3A_887, 1 {pack_format = #tpu.pack_format<interleaved>} : vector<32xbf16> -> vector<16xf32>
        %add3A_890 = arith.constant 435 : i32
        %add3A_891 = vector.broadcast %add3A_890 : i32 to vector<16xi32>
        %add3A_892 = arith.addi %add3A_143, %add3A_891 : vector<16xi32>
        %gather3A_893 = tpu.vector_load_idx %arg6[%add3A_892] : memref<68000xi32, #tpu.memory_space<vmem>>[vector<16xi32>], vector<16xi32>,
        %bitcast3A_894 = vector.bitcast %gather3A_893 : vector<16xi32> to vector<32xbf16>
        %unpack3A_895 = tpu.unpack_subelements %bitcast3A_894, 0 {pack_format = #tpu.pack_format<interleaved>} : vector<32xbf16> -> vector<16xf32>
        %unpack3A_896 = tpu.unpack_subelements %bitcast3A_894, 1 {pack_format = #tpu.pack_format<interleaved>} : vector<32xbf16> -> vector<16xf32>
        %add3A_897 = arith.constant 436 : i32
        %add3A_898 = vector.broadcast %add3A_897 : i32 to vector<16xi32>
        %add3A_899 = arith.addi %add3A_143, %add3A_898 : vector<16xi32>
        %gather3A_900 = tpu.vector_load_idx %arg6[%add3A_899] : memref<68000xi32, #tpu.memory_space<vmem>>[vector<16xi32>], vector<16xi32>,
        %bitcast3A_901 = vector.bitcast %gather3A_900 : vector<16xi32> to vector<32xbf16>
        %unpack3A_902 = tpu.unpack_subelements %bitcast3A_901, 0 {pack_format = #tpu.pack_format<interleaved>} : vector<32xbf16> -> vector<16xf32>
        %unpack3A_903 = tpu.unpack_subelements %bitcast3A_901, 1 {pack_format = #tpu.pack_format<interleaved>} : vector<32xbf16> -> vector<16xf32>
        %mul3A_904 = arith.mulf %unpack3A_881, %gather3A : vector<16xf32>
        %mul3A_905 = arith.mulf %unpack3A_882, %gather3A_169 : vector<16xf32>
        %add3A_906 = arith.addf %mul3A_904, %mul3A_905 : vector<16xf32>
        %mul3A_907 = arith.mulf %unpack3A_888, %gather3A_185 : vector<16xf32>
        %add3A_908 = arith.addf %add3A_906, %mul3A_907 : vector<16xf32>
        %mul3A_909 = arith.mulf %unpack3A_889, %gather3A_201 : vector<16xf32>
        %add3A_910 = arith.addf %add3A_908, %mul3A_909 : vector<16xf32>
        %mul3A_911 = arith.mulf %unpack3A_895, %gather3A_217 : vector<16xf32>
        %add3A_912 = arith.addf %add3A_910, %mul3A_911 : vector<16xf32>
        %mul3A_913 = arith.mulf %unpack3A_896, %gather3A_233 : vector<16xf32>
        %add3A_914 = arith.addf %add3A_912, %mul3A_913 : vector<16xf32>
        %mul3A_915 = arith.mulf %unpack3A_902, %gather3A_249 : vector<16xf32>
        %add3A_916 = arith.addf %add3A_914, %mul3A_915 : vector<16xf32>
        %mul3A_917 = arith.mulf %unpack3A_903, %gather3A_265 : vector<16xf32>
        %add3A_918 = arith.addf %add3A_916, %mul3A_917 : vector<16xf32>
        %add3A_919 = arith.constant 24 : i32
        %add3A_920 = vector.broadcast %add3A_919 : i32 to vector<16xi32>
        %add3A_921 = arith.addi %mul3A_101, %add3A_920 : vector<16xi32>
        tpu.vector_store_idx %arg10[%add3A_921], %add3A_918 : memref<8320xf32, #tpu.memory_space<vmem>>[vector<16xi32>], vector<16xf32>,
        %mul3A_922 = arith.mulf %unpack3A_881, %gather3A_157 : vector<16xf32>
        %mul3A_923 = arith.mulf %unpack3A_882, %gather3A_173 : vector<16xf32>
        %add3A_924 = arith.addf %mul3A_922, %mul3A_923 : vector<16xf32>
        %mul3A_925 = arith.mulf %unpack3A_888, %gather3A_189 : vector<16xf32>
        %add3A_926 = arith.addf %add3A_924, %mul3A_925 : vector<16xf32>
        %mul3A_927 = arith.mulf %unpack3A_889, %gather3A_205 : vector<16xf32>
        %add3A_928 = arith.addf %add3A_926, %mul3A_927 : vector<16xf32>
        %mul3A_929 = arith.mulf %unpack3A_895, %gather3A_221 : vector<16xf32>
        %add3A_930 = arith.addf %add3A_928, %mul3A_929 : vector<16xf32>
        %mul3A_931 = arith.mulf %unpack3A_896, %gather3A_237 : vector<16xf32>
        %add3A_932 = arith.addf %add3A_930, %mul3A_931 : vector<16xf32>
        %mul3A_933 = arith.mulf %unpack3A_902, %gather3A_253 : vector<16xf32>
        %add3A_934 = arith.addf %add3A_932, %mul3A_933 : vector<16xf32>
        %mul3A_935 = arith.mulf %unpack3A_903, %gather3A_269 : vector<16xf32>
        %add3A_936 = arith.addf %add3A_934, %mul3A_935 : vector<16xf32>
        %add3A_937 = arith.constant 25 : i32
        %add3A_938 = vector.broadcast %add3A_937 : i32 to vector<16xi32>
        %add3A_939 = arith.addi %mul3A_101, %add3A_938 : vector<16xi32>
        tpu.vector_store_idx %arg10[%add3A_939], %add3A_936 : memref<8320xf32, #tpu.memory_space<vmem>>[vector<16xi32>], vector<16xf32>,
        %mul3A_940 = arith.mulf %unpack3A_881, %gather3A_161 : vector<16xf32>
        %mul3A_941 = arith.mulf %unpack3A_882, %gather3A_177 : vector<16xf32>
        %add3A_942 = arith.addf %mul3A_940, %mul3A_941 : vector<16xf32>
        %mul3A_943 = arith.mulf %unpack3A_888, %gather3A_193 : vector<16xf32>
        %add3A_944 = arith.addf %add3A_942, %mul3A_943 : vector<16xf32>
        %mul3A_945 = arith.mulf %unpack3A_889, %gather3A_209 : vector<16xf32>
        %add3A_946 = arith.addf %add3A_944, %mul3A_945 : vector<16xf32>
        %mul3A_947 = arith.mulf %unpack3A_895, %gather3A_225 : vector<16xf32>
        %add3A_948 = arith.addf %add3A_946, %mul3A_947 : vector<16xf32>
        %mul3A_949 = arith.mulf %unpack3A_896, %gather3A_241 : vector<16xf32>
        %add3A_950 = arith.addf %add3A_948, %mul3A_949 : vector<16xf32>
        %mul3A_951 = arith.mulf %unpack3A_902, %gather3A_257 : vector<16xf32>
        %add3A_952 = arith.addf %add3A_950, %mul3A_951 : vector<16xf32>
        %mul3A_953 = arith.mulf %unpack3A_903, %gather3A_273 : vector<16xf32>
        %add3A_954 = arith.addf %add3A_952, %mul3A_953 : vector<16xf32>
        %add3A_955 = arith.constant 26 : i32
        %add3A_956 = vector.broadcast %add3A_955 : i32 to vector<16xi32>
        %add3A_957 = arith.addi %mul3A_101, %add3A_956 : vector<16xi32>
        tpu.vector_store_idx %arg10[%add3A_957], %add3A_954 : memref<8320xf32, #tpu.memory_space<vmem>>[vector<16xi32>], vector<16xf32>,
        %mul3A_958 = arith.mulf %unpack3A_881, %gather3A_165 : vector<16xf32>
        %mul3A_959 = arith.mulf %unpack3A_882, %gather3A_181 : vector<16xf32>
        %add3A_960 = arith.addf %mul3A_958, %mul3A_959 : vector<16xf32>
        %mul3A_961 = arith.mulf %unpack3A_888, %gather3A_197 : vector<16xf32>
        %add3A_962 = arith.addf %add3A_960, %mul3A_961 : vector<16xf32>
        %mul3A_963 = arith.mulf %unpack3A_889, %gather3A_213 : vector<16xf32>
        %add3A_964 = arith.addf %add3A_962, %mul3A_963 : vector<16xf32>
        %mul3A_965 = arith.mulf %unpack3A_895, %gather3A_229 : vector<16xf32>
        %add3A_966 = arith.addf %add3A_964, %mul3A_965 : vector<16xf32>
        %mul3A_967 = arith.mulf %unpack3A_896, %gather3A_245 : vector<16xf32>
        %add3A_968 = arith.addf %add3A_966, %mul3A_967 : vector<16xf32>
        %mul3A_969 = arith.mulf %unpack3A_902, %gather3A_261 : vector<16xf32>
        %add3A_970 = arith.addf %add3A_968, %mul3A_969 : vector<16xf32>
        %mul3A_971 = arith.mulf %unpack3A_903, %gather3A_277 : vector<16xf32>
        %add3A_972 = arith.addf %add3A_970, %mul3A_971 : vector<16xf32>
        %add3A_973 = arith.constant 27 : i32
        %add3A_974 = vector.broadcast %add3A_973 : i32 to vector<16xi32>
        %add3A_975 = arith.addi %mul3A_101, %add3A_974 : vector<16xi32>
        tpu.vector_store_idx %arg10[%add3A_975], %add3A_972 : memref<8320xf32, #tpu.memory_space<vmem>>[vector<16xi32>], vector<16xf32>,
        %add3A_976 = arith.constant 437 : i32
        %add3A_977 = vector.broadcast %add3A_976 : i32 to vector<16xi32>
        %add3A_978 = arith.addi %add3A_143, %add3A_977 : vector<16xi32>
        %gather3A_979 = tpu.vector_load_idx %arg6[%add3A_978] : memref<68000xi32, #tpu.memory_space<vmem>>[vector<16xi32>], vector<16xi32>,
        %bitcast3A_980 = vector.bitcast %gather3A_979 : vector<16xi32> to vector<32xbf16>
        %unpack3A_981 = tpu.unpack_subelements %bitcast3A_980, 0 {pack_format = #tpu.pack_format<interleaved>} : vector<32xbf16> -> vector<16xf32>
        %unpack3A_982 = tpu.unpack_subelements %bitcast3A_980, 1 {pack_format = #tpu.pack_format<interleaved>} : vector<32xbf16> -> vector<16xf32>
        %add3A_983 = arith.constant 438 : i32
        %add3A_984 = vector.broadcast %add3A_983 : i32 to vector<16xi32>
        %add3A_985 = arith.addi %add3A_143, %add3A_984 : vector<16xi32>
        %gather3A_986 = tpu.vector_load_idx %arg6[%add3A_985] : memref<68000xi32, #tpu.memory_space<vmem>>[vector<16xi32>], vector<16xi32>,
        %bitcast3A_987 = vector.bitcast %gather3A_986 : vector<16xi32> to vector<32xbf16>
        %unpack3A_988 = tpu.unpack_subelements %bitcast3A_987, 0 {pack_format = #tpu.pack_format<interleaved>} : vector<32xbf16> -> vector<16xf32>
        %unpack3A_989 = tpu.unpack_subelements %bitcast3A_987, 1 {pack_format = #tpu.pack_format<interleaved>} : vector<32xbf16> -> vector<16xf32>
        %add3A_990 = arith.constant 439 : i32
        %add3A_991 = vector.broadcast %add3A_990 : i32 to vector<16xi32>
        %add3A_992 = arith.addi %add3A_143, %add3A_991 : vector<16xi32>
        %gather3A_993 = tpu.vector_load_idx %arg6[%add3A_992] : memref<68000xi32, #tpu.memory_space<vmem>>[vector<16xi32>], vector<16xi32>,
        %bitcast3A_994 = vector.bitcast %gather3A_993 : vector<16xi32> to vector<32xbf16>
        %unpack3A_995 = tpu.unpack_subelements %bitcast3A_994, 0 {pack_format = #tpu.pack_format<interleaved>} : vector<32xbf16> -> vector<16xf32>
        %unpack3A_996 = tpu.unpack_subelements %bitcast3A_994, 1 {pack_format = #tpu.pack_format<interleaved>} : vector<32xbf16> -> vector<16xf32>
        %add3A_997 = arith.constant 440 : i32
        %add3A_998 = vector.broadcast %add3A_997 : i32 to vector<16xi32>
        %add3A_999 = arith.addi %add3A_143, %add3A_998 : vector<16xi32>
        %gather3A_1000 = tpu.vector_load_idx %arg6[%add3A_999] : memref<68000xi32, #tpu.memory_space<vmem>>[vector<16xi32>], vector<16xi32>,
        %bitcast3A_1001 = vector.bitcast %gather3A_1000 : vector<16xi32> to vector<32xbf16>
        %unpack3A_1002 = tpu.unpack_subelements %bitcast3A_1001, 0 {pack_format = #tpu.pack_format<interleaved>} : vector<32xbf16> -> vector<16xf32>
        %unpack3A_1003 = tpu.unpack_subelements %bitcast3A_1001, 1 {pack_format = #tpu.pack_format<interleaved>} : vector<32xbf16> -> vector<16xf32>
        %mul3A_1004 = arith.mulf %unpack3A_981, %gather3A : vector<16xf32>
        %mul3A_1005 = arith.mulf %unpack3A_982, %gather3A_169 : vector<16xf32>
        %add3A_1006 = arith.addf %mul3A_1004, %mul3A_1005 : vector<16xf32>
        %mul3A_1007 = arith.mulf %unpack3A_988, %gather3A_185 : vector<16xf32>
        %add3A_1008 = arith.addf %add3A_1006, %mul3A_1007 : vector<16xf32>
        %mul3A_1009 = arith.mulf %unpack3A_989, %gather3A_201 : vector<16xf32>
        %add3A_1010 = arith.addf %add3A_1008, %mul3A_1009 : vector<16xf32>
        %mul3A_1011 = arith.mulf %unpack3A_995, %gather3A_217 : vector<16xf32>
        %add3A_1012 = arith.addf %add3A_1010, %mul3A_1011 : vector<16xf32>
        %mul3A_1013 = arith.mulf %unpack3A_996, %gather3A_233 : vector<16xf32>
        %add3A_1014 = arith.addf %add3A_1012, %mul3A_1013 : vector<16xf32>
        %mul3A_1015 = arith.mulf %unpack3A_1002, %gather3A_249 : vector<16xf32>
        %add3A_1016 = arith.addf %add3A_1014, %mul3A_1015 : vector<16xf32>
        %mul3A_1017 = arith.mulf %unpack3A_1003, %gather3A_265 : vector<16xf32>
        %add3A_1018 = arith.addf %add3A_1016, %mul3A_1017 : vector<16xf32>
        %add3A_1019 = arith.constant 28 : i32
        %add3A_1020 = vector.broadcast %add3A_1019 : i32 to vector<16xi32>
        %add3A_1021 = arith.addi %mul3A_101, %add3A_1020 : vector<16xi32>
        tpu.vector_store_idx %arg10[%add3A_1021], %add3A_1018 : memref<8320xf32, #tpu.memory_space<vmem>>[vector<16xi32>], vector<16xf32>,
        %mul3A_1022 = arith.mulf %unpack3A_981, %gather3A_157 : vector<16xf32>
        %mul3A_1023 = arith.mulf %unpack3A_982, %gather3A_173 : vector<16xf32>
        %add3A_1024 = arith.addf %mul3A_1022, %mul3A_1023 : vector<16xf32>
        %mul3A_1025 = arith.mulf %unpack3A_988, %gather3A_189 : vector<16xf32>
        %add3A_1026 = arith.addf %add3A_1024, %mul3A_1025 : vector<16xf32>
        %mul3A_1027 = arith.mulf %unpack3A_989, %gather3A_205 : vector<16xf32>
        %add3A_1028 = arith.addf %add3A_1026, %mul3A_1027 : vector<16xf32>
        %mul3A_1029 = arith.mulf %unpack3A_995, %gather3A_221 : vector<16xf32>
        %add3A_1030 = arith.addf %add3A_1028, %mul3A_1029 : vector<16xf32>
        %mul3A_1031 = arith.mulf %unpack3A_996, %gather3A_237 : vector<16xf32>
        %add3A_1032 = arith.addf %add3A_1030, %mul3A_1031 : vector<16xf32>
        %mul3A_1033 = arith.mulf %unpack3A_1002, %gather3A_253 : vector<16xf32>
        %add3A_1034 = arith.addf %add3A_1032, %mul3A_1033 : vector<16xf32>
        %mul3A_1035 = arith.mulf %unpack3A_1003, %gather3A_269 : vector<16xf32>
        %add3A_1036 = arith.addf %add3A_1034, %mul3A_1035 : vector<16xf32>
        %add3A_1037 = arith.constant 29 : i32
        %add3A_1038 = vector.broadcast %add3A_1037 : i32 to vector<16xi32>
        %add3A_1039 = arith.addi %mul3A_101, %add3A_1038 : vector<16xi32>
        tpu.vector_store_idx %arg10[%add3A_1039], %add3A_1036 : memref<8320xf32, #tpu.memory_space<vmem>>[vector<16xi32>], vector<16xf32>,
        %mul3A_1040 = arith.mulf %unpack3A_981, %gather3A_161 : vector<16xf32>
        %mul3A_1041 = arith.mulf %unpack3A_982, %gather3A_177 : vector<16xf32>
        %add3A_1042 = arith.addf %mul3A_1040, %mul3A_1041 : vector<16xf32>
        %mul3A_1043 = arith.mulf %unpack3A_988, %gather3A_193 : vector<16xf32>
        %add3A_1044 = arith.addf %add3A_1042, %mul3A_1043 : vector<16xf32>
        %mul3A_1045 = arith.mulf %unpack3A_989, %gather3A_209 : vector<16xf32>
        %add3A_1046 = arith.addf %add3A_1044, %mul3A_1045 : vector<16xf32>
        %mul3A_1047 = arith.mulf %unpack3A_995, %gather3A_225 : vector<16xf32>
        %add3A_1048 = arith.addf %add3A_1046, %mul3A_1047 : vector<16xf32>
        %mul3A_1049 = arith.mulf %unpack3A_996, %gather3A_241 : vector<16xf32>
        %add3A_1050 = arith.addf %add3A_1048, %mul3A_1049 : vector<16xf32>
        %mul3A_1051 = arith.mulf %unpack3A_1002, %gather3A_257 : vector<16xf32>
        %add3A_1052 = arith.addf %add3A_1050, %mul3A_1051 : vector<16xf32>
        %mul3A_1053 = arith.mulf %unpack3A_1003, %gather3A_273 : vector<16xf32>
        %add3A_1054 = arith.addf %add3A_1052, %mul3A_1053 : vector<16xf32>
        %add3A_1055 = arith.constant 30 : i32
        %add3A_1056 = vector.broadcast %add3A_1055 : i32 to vector<16xi32>
        %add3A_1057 = arith.addi %mul3A_101, %add3A_1056 : vector<16xi32>
        tpu.vector_store_idx %arg10[%add3A_1057], %add3A_1054 : memref<8320xf32, #tpu.memory_space<vmem>>[vector<16xi32>], vector<16xf32>,
        %mul3A_1058 = arith.mulf %unpack3A_981, %gather3A_165 : vector<16xf32>
        %mul3A_1059 = arith.mulf %unpack3A_982, %gather3A_181 : vector<16xf32>
        %add3A_1060 = arith.addf %mul3A_1058, %mul3A_1059 : vector<16xf32>
        %mul3A_1061 = arith.mulf %unpack3A_988, %gather3A_197 : vector<16xf32>
        %add3A_1062 = arith.addf %add3A_1060, %mul3A_1061 : vector<16xf32>
        %mul3A_1063 = arith.mulf %unpack3A_989, %gather3A_213 : vector<16xf32>
        %add3A_1064 = arith.addf %add3A_1062, %mul3A_1063 : vector<16xf32>
        %mul3A_1065 = arith.mulf %unpack3A_995, %gather3A_229 : vector<16xf32>
        %add3A_1066 = arith.addf %add3A_1064, %mul3A_1065 : vector<16xf32>
        %mul3A_1067 = arith.mulf %unpack3A_996, %gather3A_245 : vector<16xf32>
        %add3A_1068 = arith.addf %add3A_1066, %mul3A_1067 : vector<16xf32>
        %mul3A_1069 = arith.mulf %unpack3A_1002, %gather3A_261 : vector<16xf32>
        %add3A_1070 = arith.addf %add3A_1068, %mul3A_1069 : vector<16xf32>
        %mul3A_1071 = arith.mulf %unpack3A_1003, %gather3A_277 : vector<16xf32>
        %add3A_1072 = arith.addf %add3A_1070, %mul3A_1071 : vector<16xf32>
        %add3A_1073 = arith.constant 31 : i32
        %add3A_1074 = vector.broadcast %add3A_1073 : i32 to vector<16xi32>
        %add3A_1075 = arith.addi %mul3A_101, %add3A_1074 : vector<16xi32>
        tpu.vector_store_idx %arg10[%add3A_1075], %add3A_1072 : memref<8320xf32, #tpu.memory_space<vmem>>[vector<16xi32>], vector<16xf32>,
        %add3A_1076 = arith.constant 850 : i32
        %add3A_1077 = vector.broadcast %add3A_1076 : i32 to vector<16xi32>
        %add3A_1078 = arith.addi %add3A_143, %add3A_1077 : vector<16xi32>
        %gather3A_1079 = tpu.vector_load_idx %arg6[%add3A_1078] : memref<68000xi32, #tpu.memory_space<vmem>>[vector<16xi32>], vector<16xi32>,
        %bitcast3A_1080 = vector.bitcast %gather3A_1079 : vector<16xi32> to vector<32xbf16>
        %unpack3A_1081 = tpu.unpack_subelements %bitcast3A_1080, 0 {pack_format = #tpu.pack_format<interleaved>} : vector<32xbf16> -> vector<16xf32>
        %unpack3A_1082 = tpu.unpack_subelements %bitcast3A_1080, 1 {pack_format = #tpu.pack_format<interleaved>} : vector<32xbf16> -> vector<16xf32>
        %add3A_1083 = arith.constant 851 : i32
        %add3A_1084 = vector.broadcast %add3A_1083 : i32 to vector<16xi32>
        %add3A_1085 = arith.addi %add3A_143, %add3A_1084 : vector<16xi32>
        %gather3A_1086 = tpu.vector_load_idx %arg6[%add3A_1085] : memref<68000xi32, #tpu.memory_space<vmem>>[vector<16xi32>], vector<16xi32>,
        %bitcast3A_1087 = vector.bitcast %gather3A_1086 : vector<16xi32> to vector<32xbf16>
        %unpack3A_1088 = tpu.unpack_subelements %bitcast3A_1087, 0 {pack_format = #tpu.pack_format<interleaved>} : vector<32xbf16> -> vector<16xf32>
        %unpack3A_1089 = tpu.unpack_subelements %bitcast3A_1087, 1 {pack_format = #tpu.pack_format<interleaved>} : vector<32xbf16> -> vector<16xf32>
        %add3A_1090 = arith.constant 852 : i32
        %add3A_1091 = vector.broadcast %add3A_1090 : i32 to vector<16xi32>
        %add3A_1092 = arith.addi %add3A_143, %add3A_1091 : vector<16xi32>
        %gather3A_1093 = tpu.vector_load_idx %arg6[%add3A_1092] : memref<68000xi32, #tpu.memory_space<vmem>>[vector<16xi32>], vector<16xi32>,
        %bitcast3A_1094 = vector.bitcast %gather3A_1093 : vector<16xi32> to vector<32xbf16>
        %unpack3A_1095 = tpu.unpack_subelements %bitcast3A_1094, 0 {pack_format = #tpu.pack_format<interleaved>} : vector<32xbf16> -> vector<16xf32>
        %unpack3A_1096 = tpu.unpack_subelements %bitcast3A_1094, 1 {pack_format = #tpu.pack_format<interleaved>} : vector<32xbf16> -> vector<16xf32>
        %add3A_1097 = arith.constant 853 : i32
        %add3A_1098 = vector.broadcast %add3A_1097 : i32 to vector<16xi32>
        %add3A_1099 = arith.addi %add3A_143, %add3A_1098 : vector<16xi32>
        %gather3A_1100 = tpu.vector_load_idx %arg6[%add3A_1099] : memref<68000xi32, #tpu.memory_space<vmem>>[vector<16xi32>], vector<16xi32>,
        %bitcast3A_1101 = vector.bitcast %gather3A_1100 : vector<16xi32> to vector<32xbf16>
        %unpack3A_1102 = tpu.unpack_subelements %bitcast3A_1101, 0 {pack_format = #tpu.pack_format<interleaved>} : vector<32xbf16> -> vector<16xf32>
        %unpack3A_1103 = tpu.unpack_subelements %bitcast3A_1101, 1 {pack_format = #tpu.pack_format<interleaved>} : vector<32xbf16> -> vector<16xf32>
        %mul3A_1104 = arith.mulf %unpack3A_1081, %gather3A : vector<16xf32>
        %mul3A_1105 = arith.mulf %unpack3A_1082, %gather3A_169 : vector<16xf32>
        %add3A_1106 = arith.addf %mul3A_1104, %mul3A_1105 : vector<16xf32>
        %mul3A_1107 = arith.mulf %unpack3A_1088, %gather3A_185 : vector<16xf32>
        %add3A_1108 = arith.addf %add3A_1106, %mul3A_1107 : vector<16xf32>
        %mul3A_1109 = arith.mulf %unpack3A_1089, %gather3A_201 : vector<16xf32>
        %add3A_1110 = arith.addf %add3A_1108, %mul3A_1109 : vector<16xf32>
        %mul3A_1111 = arith.mulf %unpack3A_1095, %gather3A_217 : vector<16xf32>
        %add3A_1112 = arith.addf %add3A_1110, %mul3A_1111 : vector<16xf32>
        %mul3A_1113 = arith.mulf %unpack3A_1096, %gather3A_233 : vector<16xf32>
        %add3A_1114 = arith.addf %add3A_1112, %mul3A_1113 : vector<16xf32>
        %mul3A_1115 = arith.mulf %unpack3A_1102, %gather3A_249 : vector<16xf32>
        %add3A_1116 = arith.addf %add3A_1114, %mul3A_1115 : vector<16xf32>
        %mul3A_1117 = arith.mulf %unpack3A_1103, %gather3A_265 : vector<16xf32>
        %add3A_1118 = arith.addf %add3A_1116, %mul3A_1117 : vector<16xf32>
        %add3A_1119 = arith.constant 32 : i32
        %add3A_1120 = vector.broadcast %add3A_1119 : i32 to vector<16xi32>
        %add3A_1121 = arith.addi %mul3A_101, %add3A_1120 : vector<16xi32>
        tpu.vector_store_idx %arg10[%add3A_1121], %add3A_1118 : memref<8320xf32, #tpu.memory_space<vmem>>[vector<16xi32>], vector<16xf32>,
        %mul3A_1122 = arith.mulf %unpack3A_1081, %gather3A_157 : vector<16xf32>
        %mul3A_1123 = arith.mulf %unpack3A_1082, %gather3A_173 : vector<16xf32>
        %add3A_1124 = arith.addf %mul3A_1122, %mul3A_1123 : vector<16xf32>
        %mul3A_1125 = arith.mulf %unpack3A_1088, %gather3A_189 : vector<16xf32>
        %add3A_1126 = arith.addf %add3A_1124, %mul3A_1125 : vector<16xf32>
        %mul3A_1127 = arith.mulf %unpack3A_1089, %gather3A_205 : vector<16xf32>
        %add3A_1128 = arith.addf %add3A_1126, %mul3A_1127 : vector<16xf32>
        %mul3A_1129 = arith.mulf %unpack3A_1095, %gather3A_221 : vector<16xf32>
        %add3A_1130 = arith.addf %add3A_1128, %mul3A_1129 : vector<16xf32>
        %mul3A_1131 = arith.mulf %unpack3A_1096, %gather3A_237 : vector<16xf32>
        %add3A_1132 = arith.addf %add3A_1130, %mul3A_1131 : vector<16xf32>
        %mul3A_1133 = arith.mulf %unpack3A_1102, %gather3A_253 : vector<16xf32>
        %add3A_1134 = arith.addf %add3A_1132, %mul3A_1133 : vector<16xf32>
        %mul3A_1135 = arith.mulf %unpack3A_1103, %gather3A_269 : vector<16xf32>
        %add3A_1136 = arith.addf %add3A_1134, %mul3A_1135 : vector<16xf32>
        %add3A_1137 = arith.constant 33 : i32
        %add3A_1138 = vector.broadcast %add3A_1137 : i32 to vector<16xi32>
        %add3A_1139 = arith.addi %mul3A_101, %add3A_1138 : vector<16xi32>
        tpu.vector_store_idx %arg10[%add3A_1139], %add3A_1136 : memref<8320xf32, #tpu.memory_space<vmem>>[vector<16xi32>], vector<16xf32>,
        %mul3A_1140 = arith.mulf %unpack3A_1081, %gather3A_161 : vector<16xf32>
        %mul3A_1141 = arith.mulf %unpack3A_1082, %gather3A_177 : vector<16xf32>
        %add3A_1142 = arith.addf %mul3A_1140, %mul3A_1141 : vector<16xf32>
        %mul3A_1143 = arith.mulf %unpack3A_1088, %gather3A_193 : vector<16xf32>
        %add3A_1144 = arith.addf %add3A_1142, %mul3A_1143 : vector<16xf32>
        %mul3A_1145 = arith.mulf %unpack3A_1089, %gather3A_209 : vector<16xf32>
        %add3A_1146 = arith.addf %add3A_1144, %mul3A_1145 : vector<16xf32>
        %mul3A_1147 = arith.mulf %unpack3A_1095, %gather3A_225 : vector<16xf32>
        %add3A_1148 = arith.addf %add3A_1146, %mul3A_1147 : vector<16xf32>
        %mul3A_1149 = arith.mulf %unpack3A_1096, %gather3A_241 : vector<16xf32>
        %add3A_1150 = arith.addf %add3A_1148, %mul3A_1149 : vector<16xf32>
        %mul3A_1151 = arith.mulf %unpack3A_1102, %gather3A_257 : vector<16xf32>
        %add3A_1152 = arith.addf %add3A_1150, %mul3A_1151 : vector<16xf32>
        %mul3A_1153 = arith.mulf %unpack3A_1103, %gather3A_273 : vector<16xf32>
        %add3A_1154 = arith.addf %add3A_1152, %mul3A_1153 : vector<16xf32>
        %add3A_1155 = arith.constant 34 : i32
        %add3A_1156 = vector.broadcast %add3A_1155 : i32 to vector<16xi32>
        %add3A_1157 = arith.addi %mul3A_101, %add3A_1156 : vector<16xi32>
        tpu.vector_store_idx %arg10[%add3A_1157], %add3A_1154 : memref<8320xf32, #tpu.memory_space<vmem>>[vector<16xi32>], vector<16xf32>,
        %mul3A_1158 = arith.mulf %unpack3A_1081, %gather3A_165 : vector<16xf32>
        %mul3A_1159 = arith.mulf %unpack3A_1082, %gather3A_181 : vector<16xf32>
        %add3A_1160 = arith.addf %mul3A_1158, %mul3A_1159 : vector<16xf32>
        %mul3A_1161 = arith.mulf %unpack3A_1088, %gather3A_197 : vector<16xf32>
        %add3A_1162 = arith.addf %add3A_1160, %mul3A_1161 : vector<16xf32>
        %mul3A_1163 = arith.mulf %unpack3A_1089, %gather3A_213 : vector<16xf32>
        %add3A_1164 = arith.addf %add3A_1162, %mul3A_1163 : vector<16xf32>
        %mul3A_1165 = arith.mulf %unpack3A_1095, %gather3A_229 : vector<16xf32>
        %add3A_1166 = arith.addf %add3A_1164, %mul3A_1165 : vector<16xf32>
        %mul3A_1167 = arith.mulf %unpack3A_1096, %gather3A_245 : vector<16xf32>
        %add3A_1168 = arith.addf %add3A_1166, %mul3A_1167 : vector<16xf32>
        %mul3A_1169 = arith.mulf %unpack3A_1102, %gather3A_261 : vector<16xf32>
        %add3A_1170 = arith.addf %add3A_1168, %mul3A_1169 : vector<16xf32>
        %mul3A_1171 = arith.mulf %unpack3A_1103, %gather3A_277 : vector<16xf32>
        %add3A_1172 = arith.addf %add3A_1170, %mul3A_1171 : vector<16xf32>
        %add3A_1173 = arith.constant 35 : i32
        %add3A_1174 = vector.broadcast %add3A_1173 : i32 to vector<16xi32>
        %add3A_1175 = arith.addi %mul3A_101, %add3A_1174 : vector<16xi32>
        tpu.vector_store_idx %arg10[%add3A_1175], %add3A_1172 : memref<8320xf32, #tpu.memory_space<vmem>>[vector<16xi32>], vector<16xf32>,
        %add3A_1176 = arith.constant 854 : i32
        %add3A_1177 = vector.broadcast %add3A_1176 : i32 to vector<16xi32>
        %add3A_1178 = arith.addi %add3A_143, %add3A_1177 : vector<16xi32>
        %gather3A_1179 = tpu.vector_load_idx %arg6[%add3A_1178] : memref<68000xi32, #tpu.memory_space<vmem>>[vector<16xi32>], vector<16xi32>,
        %bitcast3A_1180 = vector.bitcast %gather3A_1179 : vector<16xi32> to vector<32xbf16>
        %unpack3A_1181 = tpu.unpack_subelements %bitcast3A_1180, 0 {pack_format = #tpu.pack_format<interleaved>} : vector<32xbf16> -> vector<16xf32>
        %unpack3A_1182 = tpu.unpack_subelements %bitcast3A_1180, 1 {pack_format = #tpu.pack_format<interleaved>} : vector<32xbf16> -> vector<16xf32>
        %add3A_1183 = arith.constant 855 : i32
        %add3A_1184 = vector.broadcast %add3A_1183 : i32 to vector<16xi32>
        %add3A_1185 = arith.addi %add3A_143, %add3A_1184 : vector<16xi32>
        %gather3A_1186 = tpu.vector_load_idx %arg6[%add3A_1185] : memref<68000xi32, #tpu.memory_space<vmem>>[vector<16xi32>], vector<16xi32>,
        %bitcast3A_1187 = vector.bitcast %gather3A_1186 : vector<16xi32> to vector<32xbf16>
        %unpack3A_1188 = tpu.unpack_subelements %bitcast3A_1187, 0 {pack_format = #tpu.pack_format<interleaved>} : vector<32xbf16> -> vector<16xf32>
        %unpack3A_1189 = tpu.unpack_subelements %bitcast3A_1187, 1 {pack_format = #tpu.pack_format<interleaved>} : vector<32xbf16> -> vector<16xf32>
        %add3A_1190 = arith.constant 856 : i32
        %add3A_1191 = vector.broadcast %add3A_1190 : i32 to vector<16xi32>
        %add3A_1192 = arith.addi %add3A_143, %add3A_1191 : vector<16xi32>
        %gather3A_1193 = tpu.vector_load_idx %arg6[%add3A_1192] : memref<68000xi32, #tpu.memory_space<vmem>>[vector<16xi32>], vector<16xi32>,
        %bitcast3A_1194 = vector.bitcast %gather3A_1193 : vector<16xi32> to vector<32xbf16>
        %unpack3A_1195 = tpu.unpack_subelements %bitcast3A_1194, 0 {pack_format = #tpu.pack_format<interleaved>} : vector<32xbf16> -> vector<16xf32>
        %unpack3A_1196 = tpu.unpack_subelements %bitcast3A_1194, 1 {pack_format = #tpu.pack_format<interleaved>} : vector<32xbf16> -> vector<16xf32>
        %add3A_1197 = arith.constant 857 : i32
        %add3A_1198 = vector.broadcast %add3A_1197 : i32 to vector<16xi32>
        %add3A_1199 = arith.addi %add3A_143, %add3A_1198 : vector<16xi32>
        %gather3A_1200 = tpu.vector_load_idx %arg6[%add3A_1199] : memref<68000xi32, #tpu.memory_space<vmem>>[vector<16xi32>], vector<16xi32>,
        %bitcast3A_1201 = vector.bitcast %gather3A_1200 : vector<16xi32> to vector<32xbf16>
        %unpack3A_1202 = tpu.unpack_subelements %bitcast3A_1201, 0 {pack_format = #tpu.pack_format<interleaved>} : vector<32xbf16> -> vector<16xf32>
        %unpack3A_1203 = tpu.unpack_subelements %bitcast3A_1201, 1 {pack_format = #tpu.pack_format<interleaved>} : vector<32xbf16> -> vector<16xf32>
        %mul3A_1204 = arith.mulf %unpack3A_1181, %gather3A : vector<16xf32>
        %mul3A_1205 = arith.mulf %unpack3A_1182, %gather3A_169 : vector<16xf32>
        %add3A_1206 = arith.addf %mul3A_1204, %mul3A_1205 : vector<16xf32>
        %mul3A_1207 = arith.mulf %unpack3A_1188, %gather3A_185 : vector<16xf32>
        %add3A_1208 = arith.addf %add3A_1206, %mul3A_1207 : vector<16xf32>
        %mul3A_1209 = arith.mulf %unpack3A_1189, %gather3A_201 : vector<16xf32>
        %add3A_1210 = arith.addf %add3A_1208, %mul3A_1209 : vector<16xf32>
        %mul3A_1211 = arith.mulf %unpack3A_1195, %gather3A_217 : vector<16xf32>
        %add3A_1212 = arith.addf %add3A_1210, %mul3A_1211 : vector<16xf32>
        %mul3A_1213 = arith.mulf %unpack3A_1196, %gather3A_233 : vector<16xf32>
        %add3A_1214 = arith.addf %add3A_1212, %mul3A_1213 : vector<16xf32>
        %mul3A_1215 = arith.mulf %unpack3A_1202, %gather3A_249 : vector<16xf32>
        %add3A_1216 = arith.addf %add3A_1214, %mul3A_1215 : vector<16xf32>
        %mul3A_1217 = arith.mulf %unpack3A_1203, %gather3A_265 : vector<16xf32>
        %add3A_1218 = arith.addf %add3A_1216, %mul3A_1217 : vector<16xf32>
        %add3A_1219 = arith.constant 36 : i32
        %add3A_1220 = vector.broadcast %add3A_1219 : i32 to vector<16xi32>
        %add3A_1221 = arith.addi %mul3A_101, %add3A_1220 : vector<16xi32>
        tpu.vector_store_idx %arg10[%add3A_1221], %add3A_1218 : memref<8320xf32, #tpu.memory_space<vmem>>[vector<16xi32>], vector<16xf32>,
        %mul3A_1222 = arith.mulf %unpack3A_1181, %gather3A_157 : vector<16xf32>
        %mul3A_1223 = arith.mulf %unpack3A_1182, %gather3A_173 : vector<16xf32>
        %add3A_1224 = arith.addf %mul3A_1222, %mul3A_1223 : vector<16xf32>
        %mul3A_1225 = arith.mulf %unpack3A_1188, %gather3A_189 : vector<16xf32>
        %add3A_1226 = arith.addf %add3A_1224, %mul3A_1225 : vector<16xf32>
        %mul3A_1227 = arith.mulf %unpack3A_1189, %gather3A_205 : vector<16xf32>
        %add3A_1228 = arith.addf %add3A_1226, %mul3A_1227 : vector<16xf32>
        %mul3A_1229 = arith.mulf %unpack3A_1195, %gather3A_221 : vector<16xf32>
        %add3A_1230 = arith.addf %add3A_1228, %mul3A_1229 : vector<16xf32>
        %mul3A_1231 = arith.mulf %unpack3A_1196, %gather3A_237 : vector<16xf32>
        %add3A_1232 = arith.addf %add3A_1230, %mul3A_1231 : vector<16xf32>
        %mul3A_1233 = arith.mulf %unpack3A_1202, %gather3A_253 : vector<16xf32>
        %add3A_1234 = arith.addf %add3A_1232, %mul3A_1233 : vector<16xf32>
        %mul3A_1235 = arith.mulf %unpack3A_1203, %gather3A_269 : vector<16xf32>
        %add3A_1236 = arith.addf %add3A_1234, %mul3A_1235 : vector<16xf32>
        %add3A_1237 = arith.constant 37 : i32
        %add3A_1238 = vector.broadcast %add3A_1237 : i32 to vector<16xi32>
        %add3A_1239 = arith.addi %mul3A_101, %add3A_1238 : vector<16xi32>
        tpu.vector_store_idx %arg10[%add3A_1239], %add3A_1236 : memref<8320xf32, #tpu.memory_space<vmem>>[vector<16xi32>], vector<16xf32>,
        %mul3A_1240 = arith.mulf %unpack3A_1181, %gather3A_161 : vector<16xf32>
        %mul3A_1241 = arith.mulf %unpack3A_1182, %gather3A_177 : vector<16xf32>
        %add3A_1242 = arith.addf %mul3A_1240, %mul3A_1241 : vector<16xf32>
        %mul3A_1243 = arith.mulf %unpack3A_1188, %gather3A_193 : vector<16xf32>
        %add3A_1244 = arith.addf %add3A_1242, %mul3A_1243 : vector<16xf32>
        %mul3A_1245 = arith.mulf %unpack3A_1189, %gather3A_209 : vector<16xf32>
        %add3A_1246 = arith.addf %add3A_1244, %mul3A_1245 : vector<16xf32>
        %mul3A_1247 = arith.mulf %unpack3A_1195, %gather3A_225 : vector<16xf32>
        %add3A_1248 = arith.addf %add3A_1246, %mul3A_1247 : vector<16xf32>
        %mul3A_1249 = arith.mulf %unpack3A_1196, %gather3A_241 : vector<16xf32>
        %add3A_1250 = arith.addf %add3A_1248, %mul3A_1249 : vector<16xf32>
        %mul3A_1251 = arith.mulf %unpack3A_1202, %gather3A_257 : vector<16xf32>
        %add3A_1252 = arith.addf %add3A_1250, %mul3A_1251 : vector<16xf32>
        %mul3A_1253 = arith.mulf %unpack3A_1203, %gather3A_273 : vector<16xf32>
        %add3A_1254 = arith.addf %add3A_1252, %mul3A_1253 : vector<16xf32>
        %add3A_1255 = arith.constant 38 : i32
        %add3A_1256 = vector.broadcast %add3A_1255 : i32 to vector<16xi32>
        %add3A_1257 = arith.addi %mul3A_101, %add3A_1256 : vector<16xi32>
        tpu.vector_store_idx %arg10[%add3A_1257], %add3A_1254 : memref<8320xf32, #tpu.memory_space<vmem>>[vector<16xi32>], vector<16xf32>,
        %mul3A_1258 = arith.mulf %unpack3A_1181, %gather3A_165 : vector<16xf32>
        %mul3A_1259 = arith.mulf %unpack3A_1182, %gather3A_181 : vector<16xf32>
        %add3A_1260 = arith.addf %mul3A_1258, %mul3A_1259 : vector<16xf32>
        %mul3A_1261 = arith.mulf %unpack3A_1188, %gather3A_197 : vector<16xf32>
        %add3A_1262 = arith.addf %add3A_1260, %mul3A_1261 : vector<16xf32>
        %mul3A_1263 = arith.mulf %unpack3A_1189, %gather3A_213 : vector<16xf32>
        %add3A_1264 = arith.addf %add3A_1262, %mul3A_1263 : vector<16xf32>
        %mul3A_1265 = arith.mulf %unpack3A_1195, %gather3A_229 : vector<16xf32>
        %add3A_1266 = arith.addf %add3A_1264, %mul3A_1265 : vector<16xf32>
        %mul3A_1267 = arith.mulf %unpack3A_1196, %gather3A_245 : vector<16xf32>
        %add3A_1268 = arith.addf %add3A_1266, %mul3A_1267 : vector<16xf32>
        %mul3A_1269 = arith.mulf %unpack3A_1202, %gather3A_261 : vector<16xf32>
        %add3A_1270 = arith.addf %add3A_1268, %mul3A_1269 : vector<16xf32>
        %mul3A_1271 = arith.mulf %unpack3A_1203, %gather3A_277 : vector<16xf32>
        %add3A_1272 = arith.addf %add3A_1270, %mul3A_1271 : vector<16xf32>
        %add3A_1273 = arith.constant 39 : i32
        %add3A_1274 = vector.broadcast %add3A_1273 : i32 to vector<16xi32>
        %add3A_1275 = arith.addi %mul3A_101, %add3A_1274 : vector<16xi32>
        tpu.vector_store_idx %arg10[%add3A_1275], %add3A_1272 : memref<8320xf32, #tpu.memory_space<vmem>>[vector<16xi32>], vector<16xf32>,
        %add3A_1276 = arith.constant 858 : i32
        %add3A_1277 = vector.broadcast %add3A_1276 : i32 to vector<16xi32>
        %add3A_1278 = arith.addi %add3A_143, %add3A_1277 : vector<16xi32>
        %gather3A_1279 = tpu.vector_load_idx %arg6[%add3A_1278] : memref<68000xi32, #tpu.memory_space<vmem>>[vector<16xi32>], vector<16xi32>,
        %bitcast3A_1280 = vector.bitcast %gather3A_1279 : vector<16xi32> to vector<32xbf16>
        %unpack3A_1281 = tpu.unpack_subelements %bitcast3A_1280, 0 {pack_format = #tpu.pack_format<interleaved>} : vector<32xbf16> -> vector<16xf32>
        %unpack3A_1282 = tpu.unpack_subelements %bitcast3A_1280, 1 {pack_format = #tpu.pack_format<interleaved>} : vector<32xbf16> -> vector<16xf32>
        %add3A_1283 = arith.constant 859 : i32
        %add3A_1284 = vector.broadcast %add3A_1283 : i32 to vector<16xi32>
        %add3A_1285 = arith.addi %add3A_143, %add3A_1284 : vector<16xi32>
        %gather3A_1286 = tpu.vector_load_idx %arg6[%add3A_1285] : memref<68000xi32, #tpu.memory_space<vmem>>[vector<16xi32>], vector<16xi32>,
        %bitcast3A_1287 = vector.bitcast %gather3A_1286 : vector<16xi32> to vector<32xbf16>
        %unpack3A_1288 = tpu.unpack_subelements %bitcast3A_1287, 0 {pack_format = #tpu.pack_format<interleaved>} : vector<32xbf16> -> vector<16xf32>
        %unpack3A_1289 = tpu.unpack_subelements %bitcast3A_1287, 1 {pack_format = #tpu.pack_format<interleaved>} : vector<32xbf16> -> vector<16xf32>
        %add3A_1290 = arith.constant 860 : i32
        %add3A_1291 = vector.broadcast %add3A_1290 : i32 to vector<16xi32>
        %add3A_1292 = arith.addi %add3A_143, %add3A_1291 : vector<16xi32>
        %gather3A_1293 = tpu.vector_load_idx %arg6[%add3A_1292] : memref<68000xi32, #tpu.memory_space<vmem>>[vector<16xi32>], vector<16xi32>,
        %bitcast3A_1294 = vector.bitcast %gather3A_1293 : vector<16xi32> to vector<32xbf16>
        %unpack3A_1295 = tpu.unpack_subelements %bitcast3A_1294, 0 {pack_format = #tpu.pack_format<interleaved>} : vector<32xbf16> -> vector<16xf32>
        %unpack3A_1296 = tpu.unpack_subelements %bitcast3A_1294, 1 {pack_format = #tpu.pack_format<interleaved>} : vector<32xbf16> -> vector<16xf32>
        %add3A_1297 = arith.constant 861 : i32
        %add3A_1298 = vector.broadcast %add3A_1297 : i32 to vector<16xi32>
        %add3A_1299 = arith.addi %add3A_143, %add3A_1298 : vector<16xi32>
        %gather3A_1300 = tpu.vector_load_idx %arg6[%add3A_1299] : memref<68000xi32, #tpu.memory_space<vmem>>[vector<16xi32>], vector<16xi32>,
        %bitcast3A_1301 = vector.bitcast %gather3A_1300 : vector<16xi32> to vector<32xbf16>
        %unpack3A_1302 = tpu.unpack_subelements %bitcast3A_1301, 0 {pack_format = #tpu.pack_format<interleaved>} : vector<32xbf16> -> vector<16xf32>
        %unpack3A_1303 = tpu.unpack_subelements %bitcast3A_1301, 1 {pack_format = #tpu.pack_format<interleaved>} : vector<32xbf16> -> vector<16xf32>
        %mul3A_1304 = arith.mulf %unpack3A_1281, %gather3A : vector<16xf32>
        %mul3A_1305 = arith.mulf %unpack3A_1282, %gather3A_169 : vector<16xf32>
        %add3A_1306 = arith.addf %mul3A_1304, %mul3A_1305 : vector<16xf32>
        %mul3A_1307 = arith.mulf %unpack3A_1288, %gather3A_185 : vector<16xf32>
        %add3A_1308 = arith.addf %add3A_1306, %mul3A_1307 : vector<16xf32>
        %mul3A_1309 = arith.mulf %unpack3A_1289, %gather3A_201 : vector<16xf32>
        %add3A_1310 = arith.addf %add3A_1308, %mul3A_1309 : vector<16xf32>
        %mul3A_1311 = arith.mulf %unpack3A_1295, %gather3A_217 : vector<16xf32>
        %add3A_1312 = arith.addf %add3A_1310, %mul3A_1311 : vector<16xf32>
        %mul3A_1313 = arith.mulf %unpack3A_1296, %gather3A_233 : vector<16xf32>
        %add3A_1314 = arith.addf %add3A_1312, %mul3A_1313 : vector<16xf32>
        %mul3A_1315 = arith.mulf %unpack3A_1302, %gather3A_249 : vector<16xf32>
        %add3A_1316 = arith.addf %add3A_1314, %mul3A_1315 : vector<16xf32>
        %mul3A_1317 = arith.mulf %unpack3A_1303, %gather3A_265 : vector<16xf32>
        %add3A_1318 = arith.addf %add3A_1316, %mul3A_1317 : vector<16xf32>
        %add3A_1319 = arith.constant 40 : i32
        %add3A_1320 = vector.broadcast %add3A_1319 : i32 to vector<16xi32>
        %add3A_1321 = arith.addi %mul3A_101, %add3A_1320 : vector<16xi32>
        tpu.vector_store_idx %arg10[%add3A_1321], %add3A_1318 : memref<8320xf32, #tpu.memory_space<vmem>>[vector<16xi32>], vector<16xf32>,
        %mul3A_1322 = arith.mulf %unpack3A_1281, %gather3A_157 : vector<16xf32>
        %mul3A_1323 = arith.mulf %unpack3A_1282, %gather3A_173 : vector<16xf32>
        %add3A_1324 = arith.addf %mul3A_1322, %mul3A_1323 : vector<16xf32>
        %mul3A_1325 = arith.mulf %unpack3A_1288, %gather3A_189 : vector<16xf32>
        %add3A_1326 = arith.addf %add3A_1324, %mul3A_1325 : vector<16xf32>
        %mul3A_1327 = arith.mulf %unpack3A_1289, %gather3A_205 : vector<16xf32>
        %add3A_1328 = arith.addf %add3A_1326, %mul3A_1327 : vector<16xf32>
        %mul3A_1329 = arith.mulf %unpack3A_1295, %gather3A_221 : vector<16xf32>
        %add3A_1330 = arith.addf %add3A_1328, %mul3A_1329 : vector<16xf32>
        %mul3A_1331 = arith.mulf %unpack3A_1296, %gather3A_237 : vector<16xf32>
        %add3A_1332 = arith.addf %add3A_1330, %mul3A_1331 : vector<16xf32>
        %mul3A_1333 = arith.mulf %unpack3A_1302, %gather3A_253 : vector<16xf32>
        %add3A_1334 = arith.addf %add3A_1332, %mul3A_1333 : vector<16xf32>
        %mul3A_1335 = arith.mulf %unpack3A_1303, %gather3A_269 : vector<16xf32>
        %add3A_1336 = arith.addf %add3A_1334, %mul3A_1335 : vector<16xf32>
        %add3A_1337 = arith.constant 41 : i32
        %add3A_1338 = vector.broadcast %add3A_1337 : i32 to vector<16xi32>
        %add3A_1339 = arith.addi %mul3A_101, %add3A_1338 : vector<16xi32>
        tpu.vector_store_idx %arg10[%add3A_1339], %add3A_1336 : memref<8320xf32, #tpu.memory_space<vmem>>[vector<16xi32>], vector<16xf32>,
        %mul3A_1340 = arith.mulf %unpack3A_1281, %gather3A_161 : vector<16xf32>
        %mul3A_1341 = arith.mulf %unpack3A_1282, %gather3A_177 : vector<16xf32>
        %add3A_1342 = arith.addf %mul3A_1340, %mul3A_1341 : vector<16xf32>
        %mul3A_1343 = arith.mulf %unpack3A_1288, %gather3A_193 : vector<16xf32>
        %add3A_1344 = arith.addf %add3A_1342, %mul3A_1343 : vector<16xf32>
        %mul3A_1345 = arith.mulf %unpack3A_1289, %gather3A_209 : vector<16xf32>
        %add3A_1346 = arith.addf %add3A_1344, %mul3A_1345 : vector<16xf32>
        %mul3A_1347 = arith.mulf %unpack3A_1295, %gather3A_225 : vector<16xf32>
        %add3A_1348 = arith.addf %add3A_1346, %mul3A_1347 : vector<16xf32>
        %mul3A_1349 = arith.mulf %unpack3A_1296, %gather3A_241 : vector<16xf32>
        %add3A_1350 = arith.addf %add3A_1348, %mul3A_1349 : vector<16xf32>
        %mul3A_1351 = arith.mulf %unpack3A_1302, %gather3A_257 : vector<16xf32>
        %add3A_1352 = arith.addf %add3A_1350, %mul3A_1351 : vector<16xf32>
        %mul3A_1353 = arith.mulf %unpack3A_1303, %gather3A_273 : vector<16xf32>
        %add3A_1354 = arith.addf %add3A_1352, %mul3A_1353 : vector<16xf32>
        %add3A_1355 = arith.constant 42 : i32
        %add3A_1356 = vector.broadcast %add3A_1355 : i32 to vector<16xi32>
        %add3A_1357 = arith.addi %mul3A_101, %add3A_1356 : vector<16xi32>
        tpu.vector_store_idx %arg10[%add3A_1357], %add3A_1354 : memref<8320xf32, #tpu.memory_space<vmem>>[vector<16xi32>], vector<16xf32>,
        %mul3A_1358 = arith.mulf %unpack3A_1281, %gather3A_165 : vector<16xf32>
        %mul3A_1359 = arith.mulf %unpack3A_1282, %gather3A_181 : vector<16xf32>
        %add3A_1360 = arith.addf %mul3A_1358, %mul3A_1359 : vector<16xf32>
        %mul3A_1361 = arith.mulf %unpack3A_1288, %gather3A_197 : vector<16xf32>
        %add3A_1362 = arith.addf %add3A_1360, %mul3A_1361 : vector<16xf32>
        %mul3A_1363 = arith.mulf %unpack3A_1289, %gather3A_213 : vector<16xf32>
        %add3A_1364 = arith.addf %add3A_1362, %mul3A_1363 : vector<16xf32>
        %mul3A_1365 = arith.mulf %unpack3A_1295, %gather3A_229 : vector<16xf32>
        %add3A_1366 = arith.addf %add3A_1364, %mul3A_1365 : vector<16xf32>
        %mul3A_1367 = arith.mulf %unpack3A_1296, %gather3A_245 : vector<16xf32>
        %add3A_1368 = arith.addf %add3A_1366, %mul3A_1367 : vector<16xf32>
        %mul3A_1369 = arith.mulf %unpack3A_1302, %gather3A_261 : vector<16xf32>
        %add3A_1370 = arith.addf %add3A_1368, %mul3A_1369 : vector<16xf32>
        %mul3A_1371 = arith.mulf %unpack3A_1303, %gather3A_277 : vector<16xf32>
        %add3A_1372 = arith.addf %add3A_1370, %mul3A_1371 : vector<16xf32>
        %add3A_1373 = arith.constant 43 : i32
        %add3A_1374 = vector.broadcast %add3A_1373 : i32 to vector<16xi32>
        %add3A_1375 = arith.addi %mul3A_101, %add3A_1374 : vector<16xi32>
        tpu.vector_store_idx %arg10[%add3A_1375], %add3A_1372 : memref<8320xf32, #tpu.memory_space<vmem>>[vector<16xi32>], vector<16xf32>,
        %add3A_1376 = arith.constant 862 : i32
        %add3A_1377 = vector.broadcast %add3A_1376 : i32 to vector<16xi32>
        %add3A_1378 = arith.addi %add3A_143, %add3A_1377 : vector<16xi32>
        %gather3A_1379 = tpu.vector_load_idx %arg6[%add3A_1378] : memref<68000xi32, #tpu.memory_space<vmem>>[vector<16xi32>], vector<16xi32>,
        %bitcast3A_1380 = vector.bitcast %gather3A_1379 : vector<16xi32> to vector<32xbf16>
        %unpack3A_1381 = tpu.unpack_subelements %bitcast3A_1380, 0 {pack_format = #tpu.pack_format<interleaved>} : vector<32xbf16> -> vector<16xf32>
        %unpack3A_1382 = tpu.unpack_subelements %bitcast3A_1380, 1 {pack_format = #tpu.pack_format<interleaved>} : vector<32xbf16> -> vector<16xf32>
        %add3A_1383 = arith.constant 863 : i32
        %add3A_1384 = vector.broadcast %add3A_1383 : i32 to vector<16xi32>
        %add3A_1385 = arith.addi %add3A_143, %add3A_1384 : vector<16xi32>
        %gather3A_1386 = tpu.vector_load_idx %arg6[%add3A_1385] : memref<68000xi32, #tpu.memory_space<vmem>>[vector<16xi32>], vector<16xi32>,
        %bitcast3A_1387 = vector.bitcast %gather3A_1386 : vector<16xi32> to vector<32xbf16>
        %unpack3A_1388 = tpu.unpack_subelements %bitcast3A_1387, 0 {pack_format = #tpu.pack_format<interleaved>} : vector<32xbf16> -> vector<16xf32>
        %unpack3A_1389 = tpu.unpack_subelements %bitcast3A_1387, 1 {pack_format = #tpu.pack_format<interleaved>} : vector<32xbf16> -> vector<16xf32>
        %add3A_1390 = arith.constant 864 : i32
        %add3A_1391 = vector.broadcast %add3A_1390 : i32 to vector<16xi32>
        %add3A_1392 = arith.addi %add3A_143, %add3A_1391 : vector<16xi32>
        %gather3A_1393 = tpu.vector_load_idx %arg6[%add3A_1392] : memref<68000xi32, #tpu.memory_space<vmem>>[vector<16xi32>], vector<16xi32>,
        %bitcast3A_1394 = vector.bitcast %gather3A_1393 : vector<16xi32> to vector<32xbf16>
        %unpack3A_1395 = tpu.unpack_subelements %bitcast3A_1394, 0 {pack_format = #tpu.pack_format<interleaved>} : vector<32xbf16> -> vector<16xf32>
        %unpack3A_1396 = tpu.unpack_subelements %bitcast3A_1394, 1 {pack_format = #tpu.pack_format<interleaved>} : vector<32xbf16> -> vector<16xf32>
        %add3A_1397 = arith.constant 865 : i32
        %add3A_1398 = vector.broadcast %add3A_1397 : i32 to vector<16xi32>
        %add3A_1399 = arith.addi %add3A_143, %add3A_1398 : vector<16xi32>
        %gather3A_1400 = tpu.vector_load_idx %arg6[%add3A_1399] : memref<68000xi32, #tpu.memory_space<vmem>>[vector<16xi32>], vector<16xi32>,
        %bitcast3A_1401 = vector.bitcast %gather3A_1400 : vector<16xi32> to vector<32xbf16>
        %unpack3A_1402 = tpu.unpack_subelements %bitcast3A_1401, 0 {pack_format = #tpu.pack_format<interleaved>} : vector<32xbf16> -> vector<16xf32>
        %unpack3A_1403 = tpu.unpack_subelements %bitcast3A_1401, 1 {pack_format = #tpu.pack_format<interleaved>} : vector<32xbf16> -> vector<16xf32>
        %mul3A_1404 = arith.mulf %unpack3A_1381, %gather3A : vector<16xf32>
        %mul3A_1405 = arith.mulf %unpack3A_1382, %gather3A_169 : vector<16xf32>
        %add3A_1406 = arith.addf %mul3A_1404, %mul3A_1405 : vector<16xf32>
        %mul3A_1407 = arith.mulf %unpack3A_1388, %gather3A_185 : vector<16xf32>
        %add3A_1408 = arith.addf %add3A_1406, %mul3A_1407 : vector<16xf32>
        %mul3A_1409 = arith.mulf %unpack3A_1389, %gather3A_201 : vector<16xf32>
        %add3A_1410 = arith.addf %add3A_1408, %mul3A_1409 : vector<16xf32>
        %mul3A_1411 = arith.mulf %unpack3A_1395, %gather3A_217 : vector<16xf32>
        %add3A_1412 = arith.addf %add3A_1410, %mul3A_1411 : vector<16xf32>
        %mul3A_1413 = arith.mulf %unpack3A_1396, %gather3A_233 : vector<16xf32>
        %add3A_1414 = arith.addf %add3A_1412, %mul3A_1413 : vector<16xf32>
        %mul3A_1415 = arith.mulf %unpack3A_1402, %gather3A_249 : vector<16xf32>
        %add3A_1416 = arith.addf %add3A_1414, %mul3A_1415 : vector<16xf32>
        %mul3A_1417 = arith.mulf %unpack3A_1403, %gather3A_265 : vector<16xf32>
        %add3A_1418 = arith.addf %add3A_1416, %mul3A_1417 : vector<16xf32>
        %add3A_1419 = arith.constant 44 : i32
        %add3A_1420 = vector.broadcast %add3A_1419 : i32 to vector<16xi32>
        %add3A_1421 = arith.addi %mul3A_101, %add3A_1420 : vector<16xi32>
        tpu.vector_store_idx %arg10[%add3A_1421], %add3A_1418 : memref<8320xf32, #tpu.memory_space<vmem>>[vector<16xi32>], vector<16xf32>,
        %mul3A_1422 = arith.mulf %unpack3A_1381, %gather3A_157 : vector<16xf32>
        %mul3A_1423 = arith.mulf %unpack3A_1382, %gather3A_173 : vector<16xf32>
        %add3A_1424 = arith.addf %mul3A_1422, %mul3A_1423 : vector<16xf32>
        %mul3A_1425 = arith.mulf %unpack3A_1388, %gather3A_189 : vector<16xf32>
        %add3A_1426 = arith.addf %add3A_1424, %mul3A_1425 : vector<16xf32>
        %mul3A_1427 = arith.mulf %unpack3A_1389, %gather3A_205 : vector<16xf32>
        %add3A_1428 = arith.addf %add3A_1426, %mul3A_1427 : vector<16xf32>
        %mul3A_1429 = arith.mulf %unpack3A_1395, %gather3A_221 : vector<16xf32>
        %add3A_1430 = arith.addf %add3A_1428, %mul3A_1429 : vector<16xf32>
        %mul3A_1431 = arith.mulf %unpack3A_1396, %gather3A_237 : vector<16xf32>
        %add3A_1432 = arith.addf %add3A_1430, %mul3A_1431 : vector<16xf32>
        %mul3A_1433 = arith.mulf %unpack3A_1402, %gather3A_253 : vector<16xf32>
        %add3A_1434 = arith.addf %add3A_1432, %mul3A_1433 : vector<16xf32>
        %mul3A_1435 = arith.mulf %unpack3A_1403, %gather3A_269 : vector<16xf32>
        %add3A_1436 = arith.addf %add3A_1434, %mul3A_1435 : vector<16xf32>
        %add3A_1437 = arith.constant 45 : i32
        %add3A_1438 = vector.broadcast %add3A_1437 : i32 to vector<16xi32>
        %add3A_1439 = arith.addi %mul3A_101, %add3A_1438 : vector<16xi32>
        tpu.vector_store_idx %arg10[%add3A_1439], %add3A_1436 : memref<8320xf32, #tpu.memory_space<vmem>>[vector<16xi32>], vector<16xf32>,
        %mul3A_1440 = arith.mulf %unpack3A_1381, %gather3A_161 : vector<16xf32>
        %mul3A_1441 = arith.mulf %unpack3A_1382, %gather3A_177 : vector<16xf32>
        %add3A_1442 = arith.addf %mul3A_1440, %mul3A_1441 : vector<16xf32>
        %mul3A_1443 = arith.mulf %unpack3A_1388, %gather3A_193 : vector<16xf32>
        %add3A_1444 = arith.addf %add3A_1442, %mul3A_1443 : vector<16xf32>
        %mul3A_1445 = arith.mulf %unpack3A_1389, %gather3A_209 : vector<16xf32>
        %add3A_1446 = arith.addf %add3A_1444, %mul3A_1445 : vector<16xf32>
        %mul3A_1447 = arith.mulf %unpack3A_1395, %gather3A_225 : vector<16xf32>
        %add3A_1448 = arith.addf %add3A_1446, %mul3A_1447 : vector<16xf32>
        %mul3A_1449 = arith.mulf %unpack3A_1396, %gather3A_241 : vector<16xf32>
        %add3A_1450 = arith.addf %add3A_1448, %mul3A_1449 : vector<16xf32>
        %mul3A_1451 = arith.mulf %unpack3A_1402, %gather3A_257 : vector<16xf32>
        %add3A_1452 = arith.addf %add3A_1450, %mul3A_1451 : vector<16xf32>
        %mul3A_1453 = arith.mulf %unpack3A_1403, %gather3A_273 : vector<16xf32>
        %add3A_1454 = arith.addf %add3A_1452, %mul3A_1453 : vector<16xf32>
        %add3A_1455 = arith.constant 46 : i32
        %add3A_1456 = vector.broadcast %add3A_1455 : i32 to vector<16xi32>
        %add3A_1457 = arith.addi %mul3A_101, %add3A_1456 : vector<16xi32>
        tpu.vector_store_idx %arg10[%add3A_1457], %add3A_1454 : memref<8320xf32, #tpu.memory_space<vmem>>[vector<16xi32>], vector<16xf32>,
        %mul3A_1458 = arith.mulf %unpack3A_1381, %gather3A_165 : vector<16xf32>
        %mul3A_1459 = arith.mulf %unpack3A_1382, %gather3A_181 : vector<16xf32>
        %add3A_1460 = arith.addf %mul3A_1458, %mul3A_1459 : vector<16xf32>
        %mul3A_1461 = arith.mulf %unpack3A_1388, %gather3A_197 : vector<16xf32>
        %add3A_1462 = arith.addf %add3A_1460, %mul3A_1461 : vector<16xf32>
        %mul3A_1463 = arith.mulf %unpack3A_1389, %gather3A_213 : vector<16xf32>
        %add3A_1464 = arith.addf %add3A_1462, %mul3A_1463 : vector<16xf32>
        %mul3A_1465 = arith.mulf %unpack3A_1395, %gather3A_229 : vector<16xf32>
        %add3A_1466 = arith.addf %add3A_1464, %mul3A_1465 : vector<16xf32>
        %mul3A_1467 = arith.mulf %unpack3A_1396, %gather3A_245 : vector<16xf32>
        %add3A_1468 = arith.addf %add3A_1466, %mul3A_1467 : vector<16xf32>
        %mul3A_1469 = arith.mulf %unpack3A_1402, %gather3A_261 : vector<16xf32>
        %add3A_1470 = arith.addf %add3A_1468, %mul3A_1469 : vector<16xf32>
        %mul3A_1471 = arith.mulf %unpack3A_1403, %gather3A_277 : vector<16xf32>
        %add3A_1472 = arith.addf %add3A_1470, %mul3A_1471 : vector<16xf32>
        %add3A_1473 = arith.constant 47 : i32
        %add3A_1474 = vector.broadcast %add3A_1473 : i32 to vector<16xi32>
        %add3A_1475 = arith.addi %mul3A_101, %add3A_1474 : vector<16xi32>
        tpu.vector_store_idx %arg10[%add3A_1475], %add3A_1472 : memref<8320xf32, #tpu.memory_space<vmem>>[vector<16xi32>], vector<16xf32>,
        %add3A_1476 = arith.constant 1275 : i32
        %add3A_1477 = vector.broadcast %add3A_1476 : i32 to vector<16xi32>
        %add3A_1478 = arith.addi %add3A_143, %add3A_1477 : vector<16xi32>
        %gather3A_1479 = tpu.vector_load_idx %arg6[%add3A_1478] : memref<68000xi32, #tpu.memory_space<vmem>>[vector<16xi32>], vector<16xi32>,
        %bitcast3A_1480 = vector.bitcast %gather3A_1479 : vector<16xi32> to vector<32xbf16>
        %unpack3A_1481 = tpu.unpack_subelements %bitcast3A_1480, 0 {pack_format = #tpu.pack_format<interleaved>} : vector<32xbf16> -> vector<16xf32>
        %unpack3A_1482 = tpu.unpack_subelements %bitcast3A_1480, 1 {pack_format = #tpu.pack_format<interleaved>} : vector<32xbf16> -> vector<16xf32>
        %add3A_1483 = arith.constant 1276 : i32
        %add3A_1484 = vector.broadcast %add3A_1483 : i32 to vector<16xi32>
        %add3A_1485 = arith.addi %add3A_143, %add3A_1484 : vector<16xi32>
        %gather3A_1486 = tpu.vector_load_idx %arg6[%add3A_1485] : memref<68000xi32, #tpu.memory_space<vmem>>[vector<16xi32>], vector<16xi32>,
        %bitcast3A_1487 = vector.bitcast %gather3A_1486 : vector<16xi32> to vector<32xbf16>
        %unpack3A_1488 = tpu.unpack_subelements %bitcast3A_1487, 0 {pack_format = #tpu.pack_format<interleaved>} : vector<32xbf16> -> vector<16xf32>
        %unpack3A_1489 = tpu.unpack_subelements %bitcast3A_1487, 1 {pack_format = #tpu.pack_format<interleaved>} : vector<32xbf16> -> vector<16xf32>
        %add3A_1490 = arith.constant 1277 : i32
        %add3A_1491 = vector.broadcast %add3A_1490 : i32 to vector<16xi32>
        %add3A_1492 = arith.addi %add3A_143, %add3A_1491 : vector<16xi32>
        %gather3A_1493 = tpu.vector_load_idx %arg6[%add3A_1492] : memref<68000xi32, #tpu.memory_space<vmem>>[vector<16xi32>], vector<16xi32>,
        %bitcast3A_1494 = vector.bitcast %gather3A_1493 : vector<16xi32> to vector<32xbf16>
        %unpack3A_1495 = tpu.unpack_subelements %bitcast3A_1494, 0 {pack_format = #tpu.pack_format<interleaved>} : vector<32xbf16> -> vector<16xf32>
        %unpack3A_1496 = tpu.unpack_subelements %bitcast3A_1494, 1 {pack_format = #tpu.pack_format<interleaved>} : vector<32xbf16> -> vector<16xf32>
        %add3A_1497 = arith.constant 1278 : i32
        %add3A_1498 = vector.broadcast %add3A_1497 : i32 to vector<16xi32>
        %add3A_1499 = arith.addi %add3A_143, %add3A_1498 : vector<16xi32>
        %gather3A_1500 = tpu.vector_load_idx %arg6[%add3A_1499] : memref<68000xi32, #tpu.memory_space<vmem>>[vector<16xi32>], vector<16xi32>,
        %bitcast3A_1501 = vector.bitcast %gather3A_1500 : vector<16xi32> to vector<32xbf16>
        %unpack3A_1502 = tpu.unpack_subelements %bitcast3A_1501, 0 {pack_format = #tpu.pack_format<interleaved>} : vector<32xbf16> -> vector<16xf32>
        %unpack3A_1503 = tpu.unpack_subelements %bitcast3A_1501, 1 {pack_format = #tpu.pack_format<interleaved>} : vector<32xbf16> -> vector<16xf32>
        %mul3A_1504 = arith.mulf %unpack3A_1481, %gather3A : vector<16xf32>
        %mul3A_1505 = arith.mulf %unpack3A_1482, %gather3A_169 : vector<16xf32>
        %add3A_1506 = arith.addf %mul3A_1504, %mul3A_1505 : vector<16xf32>
        %mul3A_1507 = arith.mulf %unpack3A_1488, %gather3A_185 : vector<16xf32>
        %add3A_1508 = arith.addf %add3A_1506, %mul3A_1507 : vector<16xf32>
        %mul3A_1509 = arith.mulf %unpack3A_1489, %gather3A_201 : vector<16xf32>
        %add3A_1510 = arith.addf %add3A_1508, %mul3A_1509 : vector<16xf32>
        %mul3A_1511 = arith.mulf %unpack3A_1495, %gather3A_217 : vector<16xf32>
        %add3A_1512 = arith.addf %add3A_1510, %mul3A_1511 : vector<16xf32>
        %mul3A_1513 = arith.mulf %unpack3A_1496, %gather3A_233 : vector<16xf32>
        %add3A_1514 = arith.addf %add3A_1512, %mul3A_1513 : vector<16xf32>
        %mul3A_1515 = arith.mulf %unpack3A_1502, %gather3A_249 : vector<16xf32>
        %add3A_1516 = arith.addf %add3A_1514, %mul3A_1515 : vector<16xf32>
        %mul3A_1517 = arith.mulf %unpack3A_1503, %gather3A_265 : vector<16xf32>
        %add3A_1518 = arith.addf %add3A_1516, %mul3A_1517 : vector<16xf32>
        %add3A_1519 = arith.constant 48 : i32
        %add3A_1520 = vector.broadcast %add3A_1519 : i32 to vector<16xi32>
        %add3A_1521 = arith.addi %mul3A_101, %add3A_1520 : vector<16xi32>
        tpu.vector_store_idx %arg10[%add3A_1521], %add3A_1518 : memref<8320xf32, #tpu.memory_space<vmem>>[vector<16xi32>], vector<16xf32>,
        %mul3A_1522 = arith.mulf %unpack3A_1481, %gather3A_157 : vector<16xf32>
        %mul3A_1523 = arith.mulf %unpack3A_1482, %gather3A_173 : vector<16xf32>
        %add3A_1524 = arith.addf %mul3A_1522, %mul3A_1523 : vector<16xf32>
        %mul3A_1525 = arith.mulf %unpack3A_1488, %gather3A_189 : vector<16xf32>
        %add3A_1526 = arith.addf %add3A_1524, %mul3A_1525 : vector<16xf32>
        %mul3A_1527 = arith.mulf %unpack3A_1489, %gather3A_205 : vector<16xf32>
        %add3A_1528 = arith.addf %add3A_1526, %mul3A_1527 : vector<16xf32>
        %mul3A_1529 = arith.mulf %unpack3A_1495, %gather3A_221 : vector<16xf32>
        %add3A_1530 = arith.addf %add3A_1528, %mul3A_1529 : vector<16xf32>
        %mul3A_1531 = arith.mulf %unpack3A_1496, %gather3A_237 : vector<16xf32>
        %add3A_1532 = arith.addf %add3A_1530, %mul3A_1531 : vector<16xf32>
        %mul3A_1533 = arith.mulf %unpack3A_1502, %gather3A_253 : vector<16xf32>
        %add3A_1534 = arith.addf %add3A_1532, %mul3A_1533 : vector<16xf32>
        %mul3A_1535 = arith.mulf %unpack3A_1503, %gather3A_269 : vector<16xf32>
        %add3A_1536 = arith.addf %add3A_1534, %mul3A_1535 : vector<16xf32>
        %add3A_1537 = arith.constant 49 : i32
        %add3A_1538 = vector.broadcast %add3A_1537 : i32 to vector<16xi32>
        %add3A_1539 = arith.addi %mul3A_101, %add3A_1538 : vector<16xi32>
        tpu.vector_store_idx %arg10[%add3A_1539], %add3A_1536 : memref<8320xf32, #tpu.memory_space<vmem>>[vector<16xi32>], vector<16xf32>,
        %mul3A_1540 = arith.mulf %unpack3A_1481, %gather3A_161 : vector<16xf32>
        %mul3A_1541 = arith.mulf %unpack3A_1482, %gather3A_177 : vector<16xf32>
        %add3A_1542 = arith.addf %mul3A_1540, %mul3A_1541 : vector<16xf32>
        %mul3A_1543 = arith.mulf %unpack3A_1488, %gather3A_193 : vector<16xf32>
        %add3A_1544 = arith.addf %add3A_1542, %mul3A_1543 : vector<16xf32>
        %mul3A_1545 = arith.mulf %unpack3A_1489, %gather3A_209 : vector<16xf32>
        %add3A_1546 = arith.addf %add3A_1544, %mul3A_1545 : vector<16xf32>
        %mul3A_1547 = arith.mulf %unpack3A_1495, %gather3A_225 : vector<16xf32>
        %add3A_1548 = arith.addf %add3A_1546, %mul3A_1547 : vector<16xf32>
        %mul3A_1549 = arith.mulf %unpack3A_1496, %gather3A_241 : vector<16xf32>
        %add3A_1550 = arith.addf %add3A_1548, %mul3A_1549 : vector<16xf32>
        %mul3A_1551 = arith.mulf %unpack3A_1502, %gather3A_257 : vector<16xf32>
        %add3A_1552 = arith.addf %add3A_1550, %mul3A_1551 : vector<16xf32>
        %mul3A_1553 = arith.mulf %unpack3A_1503, %gather3A_273 : vector<16xf32>
        %add3A_1554 = arith.addf %add3A_1552, %mul3A_1553 : vector<16xf32>
        %add3A_1555 = arith.constant 50 : i32
        %add3A_1556 = vector.broadcast %add3A_1555 : i32 to vector<16xi32>
        %add3A_1557 = arith.addi %mul3A_101, %add3A_1556 : vector<16xi32>
        tpu.vector_store_idx %arg10[%add3A_1557], %add3A_1554 : memref<8320xf32, #tpu.memory_space<vmem>>[vector<16xi32>], vector<16xf32>,
        %mul3A_1558 = arith.mulf %unpack3A_1481, %gather3A_165 : vector<16xf32>
        %mul3A_1559 = arith.mulf %unpack3A_1482, %gather3A_181 : vector<16xf32>
        %add3A_1560 = arith.addf %mul3A_1558, %mul3A_1559 : vector<16xf32>
        %mul3A_1561 = arith.mulf %unpack3A_1488, %gather3A_197 : vector<16xf32>
        %add3A_1562 = arith.addf %add3A_1560, %mul3A_1561 : vector<16xf32>
        %mul3A_1563 = arith.mulf %unpack3A_1489, %gather3A_213 : vector<16xf32>
        %add3A_1564 = arith.addf %add3A_1562, %mul3A_1563 : vector<16xf32>
        %mul3A_1565 = arith.mulf %unpack3A_1495, %gather3A_229 : vector<16xf32>
        %add3A_1566 = arith.addf %add3A_1564, %mul3A_1565 : vector<16xf32>
        %mul3A_1567 = arith.mulf %unpack3A_1496, %gather3A_245 : vector<16xf32>
        %add3A_1568 = arith.addf %add3A_1566, %mul3A_1567 : vector<16xf32>
        %mul3A_1569 = arith.mulf %unpack3A_1502, %gather3A_261 : vector<16xf32>
        %add3A_1570 = arith.addf %add3A_1568, %mul3A_1569 : vector<16xf32>
        %mul3A_1571 = arith.mulf %unpack3A_1503, %gather3A_277 : vector<16xf32>
        %add3A_1572 = arith.addf %add3A_1570, %mul3A_1571 : vector<16xf32>
        %add3A_1573 = arith.constant 51 : i32
        %add3A_1574 = vector.broadcast %add3A_1573 : i32 to vector<16xi32>
        %add3A_1575 = arith.addi %mul3A_101, %add3A_1574 : vector<16xi32>
        tpu.vector_store_idx %arg10[%add3A_1575], %add3A_1572 : memref<8320xf32, #tpu.memory_space<vmem>>[vector<16xi32>], vector<16xf32>,
        %add3A_1576 = arith.constant 1279 : i32
        %add3A_1577 = vector.broadcast %add3A_1576 : i32 to vector<16xi32>
        %add3A_1578 = arith.addi %add3A_143, %add3A_1577 : vector<16xi32>
        %gather3A_1579 = tpu.vector_load_idx %arg6[%add3A_1578] : memref<68000xi32, #tpu.memory_space<vmem>>[vector<16xi32>], vector<16xi32>,
        %bitcast3A_1580 = vector.bitcast %gather3A_1579 : vector<16xi32> to vector<32xbf16>
        %unpack3A_1581 = tpu.unpack_subelements %bitcast3A_1580, 0 {pack_format = #tpu.pack_format<interleaved>} : vector<32xbf16> -> vector<16xf32>
        %unpack3A_1582 = tpu.unpack_subelements %bitcast3A_1580, 1 {pack_format = #tpu.pack_format<interleaved>} : vector<32xbf16> -> vector<16xf32>
        %add3A_1583 = arith.constant 1280 : i32
        %add3A_1584 = vector.broadcast %add3A_1583 : i32 to vector<16xi32>
        %add3A_1585 = arith.addi %add3A_143, %add3A_1584 : vector<16xi32>
        %gather3A_1586 = tpu.vector_load_idx %arg6[%add3A_1585] : memref<68000xi32, #tpu.memory_space<vmem>>[vector<16xi32>], vector<16xi32>,
        %bitcast3A_1587 = vector.bitcast %gather3A_1586 : vector<16xi32> to vector<32xbf16>
        %unpack3A_1588 = tpu.unpack_subelements %bitcast3A_1587, 0 {pack_format = #tpu.pack_format<interleaved>} : vector<32xbf16> -> vector<16xf32>
        %unpack3A_1589 = tpu.unpack_subelements %bitcast3A_1587, 1 {pack_format = #tpu.pack_format<interleaved>} : vector<32xbf16> -> vector<16xf32>
        %add3A_1590 = arith.constant 1281 : i32
        %add3A_1591 = vector.broadcast %add3A_1590 : i32 to vector<16xi32>
        %add3A_1592 = arith.addi %add3A_143, %add3A_1591 : vector<16xi32>
        %gather3A_1593 = tpu.vector_load_idx %arg6[%add3A_1592] : memref<68000xi32, #tpu.memory_space<vmem>>[vector<16xi32>], vector<16xi32>,
        %bitcast3A_1594 = vector.bitcast %gather3A_1593 : vector<16xi32> to vector<32xbf16>
        %unpack3A_1595 = tpu.unpack_subelements %bitcast3A_1594, 0 {pack_format = #tpu.pack_format<interleaved>} : vector<32xbf16> -> vector<16xf32>
        %unpack3A_1596 = tpu.unpack_subelements %bitcast3A_1594, 1 {pack_format = #tpu.pack_format<interleaved>} : vector<32xbf16> -> vector<16xf32>
        %add3A_1597 = arith.constant 1282 : i32
        %add3A_1598 = vector.broadcast %add3A_1597 : i32 to vector<16xi32>
        %add3A_1599 = arith.addi %add3A_143, %add3A_1598 : vector<16xi32>
        %gather3A_1600 = tpu.vector_load_idx %arg6[%add3A_1599] : memref<68000xi32, #tpu.memory_space<vmem>>[vector<16xi32>], vector<16xi32>,
        %bitcast3A_1601 = vector.bitcast %gather3A_1600 : vector<16xi32> to vector<32xbf16>
        %unpack3A_1602 = tpu.unpack_subelements %bitcast3A_1601, 0 {pack_format = #tpu.pack_format<interleaved>} : vector<32xbf16> -> vector<16xf32>
        %unpack3A_1603 = tpu.unpack_subelements %bitcast3A_1601, 1 {pack_format = #tpu.pack_format<interleaved>} : vector<32xbf16> -> vector<16xf32>
        %mul3A_1604 = arith.mulf %unpack3A_1581, %gather3A : vector<16xf32>
        %mul3A_1605 = arith.mulf %unpack3A_1582, %gather3A_169 : vector<16xf32>
        %add3A_1606 = arith.addf %mul3A_1604, %mul3A_1605 : vector<16xf32>
        %mul3A_1607 = arith.mulf %unpack3A_1588, %gather3A_185 : vector<16xf32>
        %add3A_1608 = arith.addf %add3A_1606, %mul3A_1607 : vector<16xf32>
        %mul3A_1609 = arith.mulf %unpack3A_1589, %gather3A_201 : vector<16xf32>
        %add3A_1610 = arith.addf %add3A_1608, %mul3A_1609 : vector<16xf32>
        %mul3A_1611 = arith.mulf %unpack3A_1595, %gather3A_217 : vector<16xf32>
        %add3A_1612 = arith.addf %add3A_1610, %mul3A_1611 : vector<16xf32>
        %mul3A_1613 = arith.mulf %unpack3A_1596, %gather3A_233 : vector<16xf32>
        %add3A_1614 = arith.addf %add3A_1612, %mul3A_1613 : vector<16xf32>
        %mul3A_1615 = arith.mulf %unpack3A_1602, %gather3A_249 : vector<16xf32>
        %add3A_1616 = arith.addf %add3A_1614, %mul3A_1615 : vector<16xf32>
        %mul3A_1617 = arith.mulf %unpack3A_1603, %gather3A_265 : vector<16xf32>
        %add3A_1618 = arith.addf %add3A_1616, %mul3A_1617 : vector<16xf32>
        %add3A_1619 = arith.constant 52 : i32
        %add3A_1620 = vector.broadcast %add3A_1619 : i32 to vector<16xi32>
        %add3A_1621 = arith.addi %mul3A_101, %add3A_1620 : vector<16xi32>
        tpu.vector_store_idx %arg10[%add3A_1621], %add3A_1618 : memref<8320xf32, #tpu.memory_space<vmem>>[vector<16xi32>], vector<16xf32>,
        %mul3A_1622 = arith.mulf %unpack3A_1581, %gather3A_157 : vector<16xf32>
        %mul3A_1623 = arith.mulf %unpack3A_1582, %gather3A_173 : vector<16xf32>
        %add3A_1624 = arith.addf %mul3A_1622, %mul3A_1623 : vector<16xf32>
        %mul3A_1625 = arith.mulf %unpack3A_1588, %gather3A_189 : vector<16xf32>
        %add3A_1626 = arith.addf %add3A_1624, %mul3A_1625 : vector<16xf32>
        %mul3A_1627 = arith.mulf %unpack3A_1589, %gather3A_205 : vector<16xf32>
        %add3A_1628 = arith.addf %add3A_1626, %mul3A_1627 : vector<16xf32>
        %mul3A_1629 = arith.mulf %unpack3A_1595, %gather3A_221 : vector<16xf32>
        %add3A_1630 = arith.addf %add3A_1628, %mul3A_1629 : vector<16xf32>
        %mul3A_1631 = arith.mulf %unpack3A_1596, %gather3A_237 : vector<16xf32>
        %add3A_1632 = arith.addf %add3A_1630, %mul3A_1631 : vector<16xf32>
        %mul3A_1633 = arith.mulf %unpack3A_1602, %gather3A_253 : vector<16xf32>
        %add3A_1634 = arith.addf %add3A_1632, %mul3A_1633 : vector<16xf32>
        %mul3A_1635 = arith.mulf %unpack3A_1603, %gather3A_269 : vector<16xf32>
        %add3A_1636 = arith.addf %add3A_1634, %mul3A_1635 : vector<16xf32>
        %add3A_1637 = arith.constant 53 : i32
        %add3A_1638 = vector.broadcast %add3A_1637 : i32 to vector<16xi32>
        %add3A_1639 = arith.addi %mul3A_101, %add3A_1638 : vector<16xi32>
        tpu.vector_store_idx %arg10[%add3A_1639], %add3A_1636 : memref<8320xf32, #tpu.memory_space<vmem>>[vector<16xi32>], vector<16xf32>,
        %mul3A_1640 = arith.mulf %unpack3A_1581, %gather3A_161 : vector<16xf32>
        %mul3A_1641 = arith.mulf %unpack3A_1582, %gather3A_177 : vector<16xf32>
        %add3A_1642 = arith.addf %mul3A_1640, %mul3A_1641 : vector<16xf32>
        %mul3A_1643 = arith.mulf %unpack3A_1588, %gather3A_193 : vector<16xf32>
        %add3A_1644 = arith.addf %add3A_1642, %mul3A_1643 : vector<16xf32>
        %mul3A_1645 = arith.mulf %unpack3A_1589, %gather3A_209 : vector<16xf32>
        %add3A_1646 = arith.addf %add3A_1644, %mul3A_1645 : vector<16xf32>
        %mul3A_1647 = arith.mulf %unpack3A_1595, %gather3A_225 : vector<16xf32>
        %add3A_1648 = arith.addf %add3A_1646, %mul3A_1647 : vector<16xf32>
        %mul3A_1649 = arith.mulf %unpack3A_1596, %gather3A_241 : vector<16xf32>
        %add3A_1650 = arith.addf %add3A_1648, %mul3A_1649 : vector<16xf32>
        %mul3A_1651 = arith.mulf %unpack3A_1602, %gather3A_257 : vector<16xf32>
        %add3A_1652 = arith.addf %add3A_1650, %mul3A_1651 : vector<16xf32>
        %mul3A_1653 = arith.mulf %unpack3A_1603, %gather3A_273 : vector<16xf32>
        %add3A_1654 = arith.addf %add3A_1652, %mul3A_1653 : vector<16xf32>
        %add3A_1655 = arith.constant 54 : i32
        %add3A_1656 = vector.broadcast %add3A_1655 : i32 to vector<16xi32>
        %add3A_1657 = arith.addi %mul3A_101, %add3A_1656 : vector<16xi32>
        tpu.vector_store_idx %arg10[%add3A_1657], %add3A_1654 : memref<8320xf32, #tpu.memory_space<vmem>>[vector<16xi32>], vector<16xf32>,
        %mul3A_1658 = arith.mulf %unpack3A_1581, %gather3A_165 : vector<16xf32>
        %mul3A_1659 = arith.mulf %unpack3A_1582, %gather3A_181 : vector<16xf32>
        %add3A_1660 = arith.addf %mul3A_1658, %mul3A_1659 : vector<16xf32>
        %mul3A_1661 = arith.mulf %unpack3A_1588, %gather3A_197 : vector<16xf32>
        %add3A_1662 = arith.addf %add3A_1660, %mul3A_1661 : vector<16xf32>
        %mul3A_1663 = arith.mulf %unpack3A_1589, %gather3A_213 : vector<16xf32>
        %add3A_1664 = arith.addf %add3A_1662, %mul3A_1663 : vector<16xf32>
        %mul3A_1665 = arith.mulf %unpack3A_1595, %gather3A_229 : vector<16xf32>
        %add3A_1666 = arith.addf %add3A_1664, %mul3A_1665 : vector<16xf32>
        %mul3A_1667 = arith.mulf %unpack3A_1596, %gather3A_245 : vector<16xf32>
        %add3A_1668 = arith.addf %add3A_1666, %mul3A_1667 : vector<16xf32>
        %mul3A_1669 = arith.mulf %unpack3A_1602, %gather3A_261 : vector<16xf32>
        %add3A_1670 = arith.addf %add3A_1668, %mul3A_1669 : vector<16xf32>
        %mul3A_1671 = arith.mulf %unpack3A_1603, %gather3A_277 : vector<16xf32>
        %add3A_1672 = arith.addf %add3A_1670, %mul3A_1671 : vector<16xf32>
        %add3A_1673 = arith.constant 55 : i32
        %add3A_1674 = vector.broadcast %add3A_1673 : i32 to vector<16xi32>
        %add3A_1675 = arith.addi %mul3A_101, %add3A_1674 : vector<16xi32>
        tpu.vector_store_idx %arg10[%add3A_1675], %add3A_1672 : memref<8320xf32, #tpu.memory_space<vmem>>[vector<16xi32>], vector<16xf32>,
        %add3A_1676 = arith.constant 1283 : i32
        %add3A_1677 = vector.broadcast %add3A_1676 : i32 to vector<16xi32>
        %add3A_1678 = arith.addi %add3A_143, %add3A_1677 : vector<16xi32>
        %gather3A_1679 = tpu.vector_load_idx %arg6[%add3A_1678] : memref<68000xi32, #tpu.memory_space<vmem>>[vector<16xi32>], vector<16xi32>,
        %bitcast3A_1680 = vector.bitcast %gather3A_1679 : vector<16xi32> to vector<32xbf16>
        %unpack3A_1681 = tpu.unpack_subelements %bitcast3A_1680, 0 {pack_format = #tpu.pack_format<interleaved>} : vector<32xbf16> -> vector<16xf32>
        %unpack3A_1682 = tpu.unpack_subelements %bitcast3A_1680, 1 {pack_format = #tpu.pack_format<interleaved>} : vector<32xbf16> -> vector<16xf32>
        %add3A_1683 = arith.constant 1284 : i32
        %add3A_1684 = vector.broadcast %add3A_1683 : i32 to vector<16xi32>
        %add3A_1685 = arith.addi %add3A_143, %add3A_1684 : vector<16xi32>
        %gather3A_1686 = tpu.vector_load_idx %arg6[%add3A_1685] : memref<68000xi32, #tpu.memory_space<vmem>>[vector<16xi32>], vector<16xi32>,
        %bitcast3A_1687 = vector.bitcast %gather3A_1686 : vector<16xi32> to vector<32xbf16>
        %unpack3A_1688 = tpu.unpack_subelements %bitcast3A_1687, 0 {pack_format = #tpu.pack_format<interleaved>} : vector<32xbf16> -> vector<16xf32>
        %unpack3A_1689 = tpu.unpack_subelements %bitcast3A_1687, 1 {pack_format = #tpu.pack_format<interleaved>} : vector<32xbf16> -> vector<16xf32>
        %add3A_1690 = arith.constant 1285 : i32
        %add3A_1691 = vector.broadcast %add3A_1690 : i32 to vector<16xi32>
        %add3A_1692 = arith.addi %add3A_143, %add3A_1691 : vector<16xi32>
        %gather3A_1693 = tpu.vector_load_idx %arg6[%add3A_1692] : memref<68000xi32, #tpu.memory_space<vmem>>[vector<16xi32>], vector<16xi32>,
        %bitcast3A_1694 = vector.bitcast %gather3A_1693 : vector<16xi32> to vector<32xbf16>
        %unpack3A_1695 = tpu.unpack_subelements %bitcast3A_1694, 0 {pack_format = #tpu.pack_format<interleaved>} : vector<32xbf16> -> vector<16xf32>
        %unpack3A_1696 = tpu.unpack_subelements %bitcast3A_1694, 1 {pack_format = #tpu.pack_format<interleaved>} : vector<32xbf16> -> vector<16xf32>
        %add3A_1697 = arith.constant 1286 : i32
        %add3A_1698 = vector.broadcast %add3A_1697 : i32 to vector<16xi32>
        %add3A_1699 = arith.addi %add3A_143, %add3A_1698 : vector<16xi32>
        %gather3A_1700 = tpu.vector_load_idx %arg6[%add3A_1699] : memref<68000xi32, #tpu.memory_space<vmem>>[vector<16xi32>], vector<16xi32>,
        %bitcast3A_1701 = vector.bitcast %gather3A_1700 : vector<16xi32> to vector<32xbf16>
        %unpack3A_1702 = tpu.unpack_subelements %bitcast3A_1701, 0 {pack_format = #tpu.pack_format<interleaved>} : vector<32xbf16> -> vector<16xf32>
        %unpack3A_1703 = tpu.unpack_subelements %bitcast3A_1701, 1 {pack_format = #tpu.pack_format<interleaved>} : vector<32xbf16> -> vector<16xf32>
        %mul3A_1704 = arith.mulf %unpack3A_1681, %gather3A : vector<16xf32>
        %mul3A_1705 = arith.mulf %unpack3A_1682, %gather3A_169 : vector<16xf32>
        %add3A_1706 = arith.addf %mul3A_1704, %mul3A_1705 : vector<16xf32>
        %mul3A_1707 = arith.mulf %unpack3A_1688, %gather3A_185 : vector<16xf32>
        %add3A_1708 = arith.addf %add3A_1706, %mul3A_1707 : vector<16xf32>
        %mul3A_1709 = arith.mulf %unpack3A_1689, %gather3A_201 : vector<16xf32>
        %add3A_1710 = arith.addf %add3A_1708, %mul3A_1709 : vector<16xf32>
        %mul3A_1711 = arith.mulf %unpack3A_1695, %gather3A_217 : vector<16xf32>
        %add3A_1712 = arith.addf %add3A_1710, %mul3A_1711 : vector<16xf32>
        %mul3A_1713 = arith.mulf %unpack3A_1696, %gather3A_233 : vector<16xf32>
        %add3A_1714 = arith.addf %add3A_1712, %mul3A_1713 : vector<16xf32>
        %mul3A_1715 = arith.mulf %unpack3A_1702, %gather3A_249 : vector<16xf32>
        %add3A_1716 = arith.addf %add3A_1714, %mul3A_1715 : vector<16xf32>
        %mul3A_1717 = arith.mulf %unpack3A_1703, %gather3A_265 : vector<16xf32>
        %add3A_1718 = arith.addf %add3A_1716, %mul3A_1717 : vector<16xf32>
        %add3A_1719 = arith.constant 56 : i32
        %add3A_1720 = vector.broadcast %add3A_1719 : i32 to vector<16xi32>
        %add3A_1721 = arith.addi %mul3A_101, %add3A_1720 : vector<16xi32>
        tpu.vector_store_idx %arg10[%add3A_1721], %add3A_1718 : memref<8320xf32, #tpu.memory_space<vmem>>[vector<16xi32>], vector<16xf32>,
        %mul3A_1722 = arith.mulf %unpack3A_1681, %gather3A_157 : vector<16xf32>
        %mul3A_1723 = arith.mulf %unpack3A_1682, %gather3A_173 : vector<16xf32>
        %add3A_1724 = arith.addf %mul3A_1722, %mul3A_1723 : vector<16xf32>
        %mul3A_1725 = arith.mulf %unpack3A_1688, %gather3A_189 : vector<16xf32>
        %add3A_1726 = arith.addf %add3A_1724, %mul3A_1725 : vector<16xf32>
        %mul3A_1727 = arith.mulf %unpack3A_1689, %gather3A_205 : vector<16xf32>
        %add3A_1728 = arith.addf %add3A_1726, %mul3A_1727 : vector<16xf32>
        %mul3A_1729 = arith.mulf %unpack3A_1695, %gather3A_221 : vector<16xf32>
        %add3A_1730 = arith.addf %add3A_1728, %mul3A_1729 : vector<16xf32>
        %mul3A_1731 = arith.mulf %unpack3A_1696, %gather3A_237 : vector<16xf32>
        %add3A_1732 = arith.addf %add3A_1730, %mul3A_1731 : vector<16xf32>
        %mul3A_1733 = arith.mulf %unpack3A_1702, %gather3A_253 : vector<16xf32>
        %add3A_1734 = arith.addf %add3A_1732, %mul3A_1733 : vector<16xf32>
        %mul3A_1735 = arith.mulf %unpack3A_1703, %gather3A_269 : vector<16xf32>
        %add3A_1736 = arith.addf %add3A_1734, %mul3A_1735 : vector<16xf32>
        %add3A_1737 = arith.constant 57 : i32
        %add3A_1738 = vector.broadcast %add3A_1737 : i32 to vector<16xi32>
        %add3A_1739 = arith.addi %mul3A_101, %add3A_1738 : vector<16xi32>
        tpu.vector_store_idx %arg10[%add3A_1739], %add3A_1736 : memref<8320xf32, #tpu.memory_space<vmem>>[vector<16xi32>], vector<16xf32>,
        %mul3A_1740 = arith.mulf %unpack3A_1681, %gather3A_161 : vector<16xf32>
        %mul3A_1741 = arith.mulf %unpack3A_1682, %gather3A_177 : vector<16xf32>
        %add3A_1742 = arith.addf %mul3A_1740, %mul3A_1741 : vector<16xf32>
        %mul3A_1743 = arith.mulf %unpack3A_1688, %gather3A_193 : vector<16xf32>
        %add3A_1744 = arith.addf %add3A_1742, %mul3A_1743 : vector<16xf32>
        %mul3A_1745 = arith.mulf %unpack3A_1689, %gather3A_209 : vector<16xf32>
        %add3A_1746 = arith.addf %add3A_1744, %mul3A_1745 : vector<16xf32>
        %mul3A_1747 = arith.mulf %unpack3A_1695, %gather3A_225 : vector<16xf32>
        %add3A_1748 = arith.addf %add3A_1746, %mul3A_1747 : vector<16xf32>
        %mul3A_1749 = arith.mulf %unpack3A_1696, %gather3A_241 : vector<16xf32>
        %add3A_1750 = arith.addf %add3A_1748, %mul3A_1749 : vector<16xf32>
        %mul3A_1751 = arith.mulf %unpack3A_1702, %gather3A_257 : vector<16xf32>
        %add3A_1752 = arith.addf %add3A_1750, %mul3A_1751 : vector<16xf32>
        %mul3A_1753 = arith.mulf %unpack3A_1703, %gather3A_273 : vector<16xf32>
        %add3A_1754 = arith.addf %add3A_1752, %mul3A_1753 : vector<16xf32>
        %add3A_1755 = arith.constant 58 : i32
        %add3A_1756 = vector.broadcast %add3A_1755 : i32 to vector<16xi32>
        %add3A_1757 = arith.addi %mul3A_101, %add3A_1756 : vector<16xi32>
        tpu.vector_store_idx %arg10[%add3A_1757], %add3A_1754 : memref<8320xf32, #tpu.memory_space<vmem>>[vector<16xi32>], vector<16xf32>,
        %mul3A_1758 = arith.mulf %unpack3A_1681, %gather3A_165 : vector<16xf32>
        %mul3A_1759 = arith.mulf %unpack3A_1682, %gather3A_181 : vector<16xf32>
        %add3A_1760 = arith.addf %mul3A_1758, %mul3A_1759 : vector<16xf32>
        %mul3A_1761 = arith.mulf %unpack3A_1688, %gather3A_197 : vector<16xf32>
        %add3A_1762 = arith.addf %add3A_1760, %mul3A_1761 : vector<16xf32>
        %mul3A_1763 = arith.mulf %unpack3A_1689, %gather3A_213 : vector<16xf32>
        %add3A_1764 = arith.addf %add3A_1762, %mul3A_1763 : vector<16xf32>
        %mul3A_1765 = arith.mulf %unpack3A_1695, %gather3A_229 : vector<16xf32>
        %add3A_1766 = arith.addf %add3A_1764, %mul3A_1765 : vector<16xf32>
        %mul3A_1767 = arith.mulf %unpack3A_1696, %gather3A_245 : vector<16xf32>
        %add3A_1768 = arith.addf %add3A_1766, %mul3A_1767 : vector<16xf32>
        %mul3A_1769 = arith.mulf %unpack3A_1702, %gather3A_261 : vector<16xf32>
        %add3A_1770 = arith.addf %add3A_1768, %mul3A_1769 : vector<16xf32>
        %mul3A_1771 = arith.mulf %unpack3A_1703, %gather3A_277 : vector<16xf32>
        %add3A_1772 = arith.addf %add3A_1770, %mul3A_1771 : vector<16xf32>
        %add3A_1773 = arith.constant 59 : i32
        %add3A_1774 = vector.broadcast %add3A_1773 : i32 to vector<16xi32>
        %add3A_1775 = arith.addi %mul3A_101, %add3A_1774 : vector<16xi32>
        tpu.vector_store_idx %arg10[%add3A_1775], %add3A_1772 : memref<8320xf32, #tpu.memory_space<vmem>>[vector<16xi32>], vector<16xf32>,
        %add3A_1776 = arith.constant 1287 : i32
        %add3A_1777 = vector.broadcast %add3A_1776 : i32 to vector<16xi32>
        %add3A_1778 = arith.addi %add3A_143, %add3A_1777 : vector<16xi32>
        %gather3A_1779 = tpu.vector_load_idx %arg6[%add3A_1778] : memref<68000xi32, #tpu.memory_space<vmem>>[vector<16xi32>], vector<16xi32>,
        %bitcast3A_1780 = vector.bitcast %gather3A_1779 : vector<16xi32> to vector<32xbf16>
        %unpack3A_1781 = tpu.unpack_subelements %bitcast3A_1780, 0 {pack_format = #tpu.pack_format<interleaved>} : vector<32xbf16> -> vector<16xf32>
        %unpack3A_1782 = tpu.unpack_subelements %bitcast3A_1780, 1 {pack_format = #tpu.pack_format<interleaved>} : vector<32xbf16> -> vector<16xf32>
        %add3A_1783 = arith.constant 1288 : i32
        %add3A_1784 = vector.broadcast %add3A_1783 : i32 to vector<16xi32>
        %add3A_1785 = arith.addi %add3A_143, %add3A_1784 : vector<16xi32>
        %gather3A_1786 = tpu.vector_load_idx %arg6[%add3A_1785] : memref<68000xi32, #tpu.memory_space<vmem>>[vector<16xi32>], vector<16xi32>,
        %bitcast3A_1787 = vector.bitcast %gather3A_1786 : vector<16xi32> to vector<32xbf16>
        %unpack3A_1788 = tpu.unpack_subelements %bitcast3A_1787, 0 {pack_format = #tpu.pack_format<interleaved>} : vector<32xbf16> -> vector<16xf32>
        %unpack3A_1789 = tpu.unpack_subelements %bitcast3A_1787, 1 {pack_format = #tpu.pack_format<interleaved>} : vector<32xbf16> -> vector<16xf32>
        %add3A_1790 = arith.constant 1289 : i32
        %add3A_1791 = vector.broadcast %add3A_1790 : i32 to vector<16xi32>
        %add3A_1792 = arith.addi %add3A_143, %add3A_1791 : vector<16xi32>
        %gather3A_1793 = tpu.vector_load_idx %arg6[%add3A_1792] : memref<68000xi32, #tpu.memory_space<vmem>>[vector<16xi32>], vector<16xi32>,
        %bitcast3A_1794 = vector.bitcast %gather3A_1793 : vector<16xi32> to vector<32xbf16>
        %unpack3A_1795 = tpu.unpack_subelements %bitcast3A_1794, 0 {pack_format = #tpu.pack_format<interleaved>} : vector<32xbf16> -> vector<16xf32>
        %unpack3A_1796 = tpu.unpack_subelements %bitcast3A_1794, 1 {pack_format = #tpu.pack_format<interleaved>} : vector<32xbf16> -> vector<16xf32>
        %add3A_1797 = arith.constant 1290 : i32
        %add3A_1798 = vector.broadcast %add3A_1797 : i32 to vector<16xi32>
        %add3A_1799 = arith.addi %add3A_143, %add3A_1798 : vector<16xi32>
        %gather3A_1800 = tpu.vector_load_idx %arg6[%add3A_1799] : memref<68000xi32, #tpu.memory_space<vmem>>[vector<16xi32>], vector<16xi32>,
        %bitcast3A_1801 = vector.bitcast %gather3A_1800 : vector<16xi32> to vector<32xbf16>
        %unpack3A_1802 = tpu.unpack_subelements %bitcast3A_1801, 0 {pack_format = #tpu.pack_format<interleaved>} : vector<32xbf16> -> vector<16xf32>
        %unpack3A_1803 = tpu.unpack_subelements %bitcast3A_1801, 1 {pack_format = #tpu.pack_format<interleaved>} : vector<32xbf16> -> vector<16xf32>
        %mul3A_1804 = arith.mulf %unpack3A_1781, %gather3A : vector<16xf32>
        %mul3A_1805 = arith.mulf %unpack3A_1782, %gather3A_169 : vector<16xf32>
        %add3A_1806 = arith.addf %mul3A_1804, %mul3A_1805 : vector<16xf32>
        %mul3A_1807 = arith.mulf %unpack3A_1788, %gather3A_185 : vector<16xf32>
        %add3A_1808 = arith.addf %add3A_1806, %mul3A_1807 : vector<16xf32>
        %mul3A_1809 = arith.mulf %unpack3A_1789, %gather3A_201 : vector<16xf32>
        %add3A_1810 = arith.addf %add3A_1808, %mul3A_1809 : vector<16xf32>
        %mul3A_1811 = arith.mulf %unpack3A_1795, %gather3A_217 : vector<16xf32>
        %add3A_1812 = arith.addf %add3A_1810, %mul3A_1811 : vector<16xf32>
        %mul3A_1813 = arith.mulf %unpack3A_1796, %gather3A_233 : vector<16xf32>
        %add3A_1814 = arith.addf %add3A_1812, %mul3A_1813 : vector<16xf32>
        %mul3A_1815 = arith.mulf %unpack3A_1802, %gather3A_249 : vector<16xf32>
        %add3A_1816 = arith.addf %add3A_1814, %mul3A_1815 : vector<16xf32>
        %mul3A_1817 = arith.mulf %unpack3A_1803, %gather3A_265 : vector<16xf32>
        %add3A_1818 = arith.addf %add3A_1816, %mul3A_1817 : vector<16xf32>
        %add3A_1819 = arith.constant 60 : i32
        %add3A_1820 = vector.broadcast %add3A_1819 : i32 to vector<16xi32>
        %add3A_1821 = arith.addi %mul3A_101, %add3A_1820 : vector<16xi32>
        tpu.vector_store_idx %arg10[%add3A_1821], %add3A_1818 : memref<8320xf32, #tpu.memory_space<vmem>>[vector<16xi32>], vector<16xf32>,
        %mul3A_1822 = arith.mulf %unpack3A_1781, %gather3A_157 : vector<16xf32>
        %mul3A_1823 = arith.mulf %unpack3A_1782, %gather3A_173 : vector<16xf32>
        %add3A_1824 = arith.addf %mul3A_1822, %mul3A_1823 : vector<16xf32>
        %mul3A_1825 = arith.mulf %unpack3A_1788, %gather3A_189 : vector<16xf32>
        %add3A_1826 = arith.addf %add3A_1824, %mul3A_1825 : vector<16xf32>
        %mul3A_1827 = arith.mulf %unpack3A_1789, %gather3A_205 : vector<16xf32>
        %add3A_1828 = arith.addf %add3A_1826, %mul3A_1827 : vector<16xf32>
        %mul3A_1829 = arith.mulf %unpack3A_1795, %gather3A_221 : vector<16xf32>
        %add3A_1830 = arith.addf %add3A_1828, %mul3A_1829 : vector<16xf32>
        %mul3A_1831 = arith.mulf %unpack3A_1796, %gather3A_237 : vector<16xf32>
        %add3A_1832 = arith.addf %add3A_1830, %mul3A_1831 : vector<16xf32>
        %mul3A_1833 = arith.mulf %unpack3A_1802, %gather3A_253 : vector<16xf32>
        %add3A_1834 = arith.addf %add3A_1832, %mul3A_1833 : vector<16xf32>
        %mul3A_1835 = arith.mulf %unpack3A_1803, %gather3A_269 : vector<16xf32>
        %add3A_1836 = arith.addf %add3A_1834, %mul3A_1835 : vector<16xf32>
        %add3A_1837 = arith.constant 61 : i32
        %add3A_1838 = vector.broadcast %add3A_1837 : i32 to vector<16xi32>
        %add3A_1839 = arith.addi %mul3A_101, %add3A_1838 : vector<16xi32>
        tpu.vector_store_idx %arg10[%add3A_1839], %add3A_1836 : memref<8320xf32, #tpu.memory_space<vmem>>[vector<16xi32>], vector<16xf32>,
        %mul3A_1840 = arith.mulf %unpack3A_1781, %gather3A_161 : vector<16xf32>
        %mul3A_1841 = arith.mulf %unpack3A_1782, %gather3A_177 : vector<16xf32>
        %add3A_1842 = arith.addf %mul3A_1840, %mul3A_1841 : vector<16xf32>
        %mul3A_1843 = arith.mulf %unpack3A_1788, %gather3A_193 : vector<16xf32>
        %add3A_1844 = arith.addf %add3A_1842, %mul3A_1843 : vector<16xf32>
        %mul3A_1845 = arith.mulf %unpack3A_1789, %gather3A_209 : vector<16xf32>
        %add3A_1846 = arith.addf %add3A_1844, %mul3A_1845 : vector<16xf32>
        %mul3A_1847 = arith.mulf %unpack3A_1795, %gather3A_225 : vector<16xf32>
        %add3A_1848 = arith.addf %add3A_1846, %mul3A_1847 : vector<16xf32>
        %mul3A_1849 = arith.mulf %unpack3A_1796, %gather3A_241 : vector<16xf32>
        %add3A_1850 = arith.addf %add3A_1848, %mul3A_1849 : vector<16xf32>
        %mul3A_1851 = arith.mulf %unpack3A_1802, %gather3A_257 : vector<16xf32>
        %add3A_1852 = arith.addf %add3A_1850, %mul3A_1851 : vector<16xf32>
        %mul3A_1853 = arith.mulf %unpack3A_1803, %gather3A_273 : vector<16xf32>
        %add3A_1854 = arith.addf %add3A_1852, %mul3A_1853 : vector<16xf32>
        %add3A_1855 = arith.constant 62 : i32
        %add3A_1856 = vector.broadcast %add3A_1855 : i32 to vector<16xi32>
        %add3A_1857 = arith.addi %mul3A_101, %add3A_1856 : vector<16xi32>
        tpu.vector_store_idx %arg10[%add3A_1857], %add3A_1854 : memref<8320xf32, #tpu.memory_space<vmem>>[vector<16xi32>], vector<16xf32>,
        %mul3A_1858 = arith.mulf %unpack3A_1781, %gather3A_165 : vector<16xf32>
        %mul3A_1859 = arith.mulf %unpack3A_1782, %gather3A_181 : vector<16xf32>
        %add3A_1860 = arith.addf %mul3A_1858, %mul3A_1859 : vector<16xf32>
        %mul3A_1861 = arith.mulf %unpack3A_1788, %gather3A_197 : vector<16xf32>
        %add3A_1862 = arith.addf %add3A_1860, %mul3A_1861 : vector<16xf32>
        %mul3A_1863 = arith.mulf %unpack3A_1789, %gather3A_213 : vector<16xf32>
        %add3A_1864 = arith.addf %add3A_1862, %mul3A_1863 : vector<16xf32>
        %mul3A_1865 = arith.mulf %unpack3A_1795, %gather3A_229 : vector<16xf32>
        %add3A_1866 = arith.addf %add3A_1864, %mul3A_1865 : vector<16xf32>
        %mul3A_1867 = arith.mulf %unpack3A_1796, %gather3A_245 : vector<16xf32>
        %add3A_1868 = arith.addf %add3A_1866, %mul3A_1867 : vector<16xf32>
        %mul3A_1869 = arith.mulf %unpack3A_1802, %gather3A_261 : vector<16xf32>
        %add3A_1870 = arith.addf %add3A_1868, %mul3A_1869 : vector<16xf32>
        %mul3A_1871 = arith.mulf %unpack3A_1803, %gather3A_277 : vector<16xf32>
        %add3A_1872 = arith.addf %add3A_1870, %mul3A_1871 : vector<16xf32>
        %add3A_1873 = arith.constant 63 : i32
        %add3A_1874 = vector.broadcast %add3A_1873 : i32 to vector<16xi32>
        %add3A_1875 = arith.addi %mul3A_101, %add3A_1874 : vector<16xi32>
        tpu.vector_store_idx %arg10[%add3A_1875], %add3A_1872 : memref<8320xf32, #tpu.memory_space<vmem>>[vector<16xi32>], vector<16xf32>,
      }
      %scan3A_39 = arith.constant 8 : i32
      %ge3A = arith.constant 2 : i32
      %ge3A_40 = arith.cmpi sge, %mul3A_20, %ge3A : i32
      %convert_element_type3A = arith.extui %ge3A_40 : i1 to i32
      %cond3A = arith.constant 0 : i32
      %cond3A_41 = arith.cmpi ne, %convert_element_type3A, %cond3A : i32
      scf.if %cond3A_41 {
        %dma_wait3A_91 = arith.constant 0 : i32
        %dma_wait3A_92 = tpu.memref_slice %arg5[%dma_wait3A_91] : memref<27262976xf32, #tpu.memory_space<hbm>> -> memref<8192xf32, #tpu.memory_space<hbm>>
        %dma_wait3A_93 = arith.constant 0 : i32
        %dma_wait3A_94 = tpu.memref_slice %arg5[%dma_wait3A_93] : memref<27262976xf32, #tpu.memory_space<hbm>> -> memref<8192xf32, #tpu.memory_space<hbm>>
        tpu.wait_dma2 semaphore(%arg15 : memref<!tpu.dma_semaphore, #tpu.memory_space<semaphore_mem>>) src(%arg11 : memref<8192xf32, #tpu.memory_space<vmem>>) dst(%dma_wait3A_94 : memref<8192xf32, #tpu.memory_space<hbm>>)
      } else {
      }
      %scan3A_42 = arith.constant 0 : i32
      %scan3A_43 = arith.constant 0 : i32
      %scan3A_44 = arith.constant 128 : i32
      %scan3A_45 = arith.addi %scan3A_43, %scan3A_44 : i32
      %scan3A_46 = arith.constant 1 : i32
      scf.for %scan3A_91 = %scan3A_43 to %scan3A_45 step %scan3A_46  : i32 {
        %mul3A_92 = arith.constant 65 : i32
        %mul3A_93 = arith.muli %scan3A_91, %mul3A_92 : i32
        %add3A_94 = arith.constant 0 : i32
        %add3A_95 = arith.addi %mul3A_93, %add3A_94 : i32
        %get3A = arith.index_cast %add3A_95 : i32 to index
        %get3A_96 = tpu.vector_load %arg10[%get3A] {strides = array<i32>} : memref<8320xf32, #tpu.memory_space<vmem>>, vector<16xf32>,
        %mul3A_97 = arith.constant 64 : i32
        %mul3A_98 = arith.muli %scan3A_91, %mul3A_97 : i32
        %add3A_99 = arith.constant 0 : i32
        %add3A_100 = arith.addi %mul3A_98, %add3A_99 : i32
        %swap3A = arith.index_cast %add3A_100 : i32 to index
        %swap3A_101 = tpu.vector_load %arg11[%swap3A] {strides = array<i32>} : memref<8192xf32, #tpu.memory_space<vmem>>, vector<16xf32>,
        tpu.vector_store %arg11[%swap3A], %get3A_96 {strides = array<i32>} : memref<8192xf32, #tpu.memory_space<vmem>>, vector<16xf32>,
        %mul3A_102 = arith.constant 65 : i32
        %mul3A_103 = arith.muli %scan3A_91, %mul3A_102 : i32
        %add3A_104 = arith.constant 16 : i32
        %add3A_105 = arith.addi %mul3A_103, %add3A_104 : i32
        %get3A_106 = arith.index_cast %add3A_105 : i32 to index
        %get3A_107 = tpu.vector_load %arg10[%get3A_106] {strides = array<i32>} : memref<8320xf32, #tpu.memory_space<vmem>>, vector<16xf32>,
        %mul3A_108 = arith.constant 64 : i32
        %mul3A_109 = arith.muli %scan3A_91, %mul3A_108 : i32
        %add3A_110 = arith.constant 16 : i32
        %add3A_111 = arith.addi %mul3A_109, %add3A_110 : i32
        %swap3A_112 = arith.index_cast %add3A_111 : i32 to index
        %swap3A_113 = tpu.vector_load %arg11[%swap3A_112] {strides = array<i32>} : memref<8192xf32, #tpu.memory_space<vmem>>, vector<16xf32>,
        tpu.vector_store %arg11[%swap3A_112], %get3A_107 {strides = array<i32>} : memref<8192xf32, #tpu.memory_space<vmem>>, vector<16xf32>,
        %mul3A_114 = arith.constant 65 : i32
        %mul3A_115 = arith.muli %scan3A_91, %mul3A_114 : i32
        %add3A_116 = arith.constant 32 : i32
        %add3A_117 = arith.addi %mul3A_115, %add3A_116 : i32
        %get3A_118 = arith.index_cast %add3A_117 : i32 to index
        %get3A_119 = tpu.vector_load %arg10[%get3A_118] {strides = array<i32>} : memref<8320xf32, #tpu.memory_space<vmem>>, vector<16xf32>,
        %mul3A_120 = arith.constant 64 : i32
        %mul3A_121 = arith.muli %scan3A_91, %mul3A_120 : i32
        %add3A_122 = arith.constant 32 : i32
        %add3A_123 = arith.addi %mul3A_121, %add3A_122 : i32
        %swap3A_124 = arith.index_cast %add3A_123 : i32 to index
        %swap3A_125 = tpu.vector_load %arg11[%swap3A_124] {strides = array<i32>} : memref<8192xf32, #tpu.memory_space<vmem>>, vector<16xf32>,
        tpu.vector_store %arg11[%swap3A_124], %get3A_119 {strides = array<i32>} : memref<8192xf32, #tpu.memory_space<vmem>>, vector<16xf32>,
        %mul3A_126 = arith.constant 65 : i32
        %mul3A_127 = arith.muli %scan3A_91, %mul3A_126 : i32
        %add3A_128 = arith.constant 48 : i32
        %add3A_129 = arith.addi %mul3A_127, %add3A_128 : i32
        %get3A_130 = arith.index_cast %add3A_129 : i32 to index
        %get3A_131 = tpu.vector_load %arg10[%get3A_130] {strides = array<i32>} : memref<8320xf32, #tpu.memory_space<vmem>>, vector<16xf32>,
        %mul3A_132 = arith.constant 64 : i32
        %mul3A_133 = arith.muli %scan3A_91, %mul3A_132 : i32
        %add3A_134 = arith.constant 48 : i32
        %add3A_135 = arith.addi %mul3A_133, %add3A_134 : i32
        %swap3A_136 = arith.index_cast %add3A_135 : i32 to index
        %swap3A_137 = tpu.vector_load %arg11[%swap3A_136] {strides = array<i32>} : memref<8192xf32, #tpu.memory_space<vmem>>, vector<16xf32>,
        tpu.vector_store %arg11[%swap3A_136], %get3A_131 {strides = array<i32>} : memref<8192xf32, #tpu.memory_space<vmem>>, vector<16xf32>,
      }
      %scan3A_47 = arith.constant 128 : i32
      %mul3A_48 = arith.constant 128 : i32
      %mul3A_49 = arith.muli %add3A_22, %mul3A_48 : i32
      %add3A_50 = arith.addi %mul3A_2, %mul3A_49 : i32
      %mul3A_51 = arith.constant 64 : i32
      %mul3A_52 = arith.muli %add3A_50, %mul3A_51 : i32
      %dma_start3A_53 = tpu.memref_slice %arg5[%mul3A_52] : memref<27262976xf32, #tpu.memory_space<hbm>> -> memref<8192xf32, #tpu.memory_space<hbm>>
      %dma_start3A_54 = tpu.memref_slice %arg5[%mul3A_52] : memref<27262976xf32, #tpu.memory_space<hbm>> -> memref<8192xf32, #tpu.memory_space<hbm>>
      tpu.enqueue_dma source(%arg11 : memref<8192xf32, #tpu.memory_space<vmem>>) target(%dma_start3A_54 : memref<8192xf32, #tpu.memory_space<hbm>>) target_semaphore(%arg15 : memref<!tpu.dma_semaphore, #tpu.memory_space<semaphore_mem>>)
      %add3A_55 = arith.constant 1 : i32
      %add3A_56 = arith.addi %mul3A_20, %add3A_55 : i32
      %add3A_57 = arith.constant 1 : i32
      %add3A_58 = arith.addi %add3A_56, %add3A_57 : i32
      %lt3A = arith.constant 104 : i32
      %lt3A_59 = arith.cmpi slt, %add3A_58, %lt3A : i32
      %convert_element_type3A_60 = arith.extui %lt3A_59 : i1 to i32
      %cond3A_61 = arith.constant 0 : i32
      %cond3A_62 = arith.cmpi ne, %convert_element_type3A_60, %cond3A_61 : i32
      scf.if %cond3A_62 {
        %add3A_91 = arith.constant 1 : i32
        %add3A_92 = arith.addi %add3A_56, %add3A_91 : i32
        %mul3A_93 = arith.constant 128 : i32
        %mul3A_94 = arith.muli %add3A_92, %mul3A_93 : i32
        %add3A_95 = arith.addi %mul3A_2, %mul3A_94 : i32
        %dma_start3A_96 = tpu.memref_slice %arg2[%add3A_95] : memref<425984xi32, #tpu.memory_space<hbm>> -> memref<128xi32, #tpu.memory_space<hbm>>
        %dma_start3A_97 = tpu.memref_slice %arg2[%add3A_95] : memref<425984xi32, #tpu.memory_space<hbm>> -> memref<128xi32, #tpu.memory_space<hbm>>
        tpu.enqueue_dma source(%dma_start3A_97 : memref<128xi32, #tpu.memory_space<hbm>>) target(%arg8 : memref<128xi32, #tpu.memory_space<vmem>>) target_semaphore(%arg13 : memref<!tpu.dma_semaphore, #tpu.memory_space<semaphore_mem>>)
      } else {
      }
      %dma_wait3A_63 = arith.constant 0 : i32
      %dma_wait3A_64 = tpu.memref_slice %arg2[%dma_wait3A_63] : memref<425984xi32, #tpu.memory_space<hbm>> -> memref<128xi32, #tpu.memory_space<hbm>>
      %dma_wait3A_65 = arith.constant 0 : i32
      %dma_wait3A_66 = tpu.memref_slice %arg2[%dma_wait3A_65] : memref<425984xi32, #tpu.memory_space<hbm>> -> memref<128xi32, #tpu.memory_space<hbm>>
      tpu.wait_dma2 semaphore(%arg14 : memref<!tpu.dma_semaphore, #tpu.memory_space<semaphore_mem>>) src(%dma_wait3A_66 : memref<128xi32, #tpu.memory_space<hbm>>) dst(%arg9 : memref<128xi32, #tpu.memory_space<vmem>>)
      %scan3A_67 = arith.constant 0 : i32
      %scan3A_68 = arith.constant 0 : i32
      %scan3A_69 = arith.constant 8 : i32
      %scan3A_70 = arith.addi %scan3A_68, %scan3A_69 : i32
      %scan3A_71 = arith.constant 1 : i32
      scf.for %scan3A_91 = %scan3A_68 to %scan3A_70 step %scan3A_71  : i32 {
        %mul3A_92 = arith.constant 16 : i32
        %mul3A_93 = arith.muli %scan3A_91, %mul3A_92 : i32
        %get3A = arith.index_cast %mul3A_93 : i32 to index
        %get3A_94 = tpu.vector_load %arg9[%get3A] {strides = array<i32>} : memref<128xi32, #tpu.memory_space<vmem>>, vector<16xi32>,
        %mul3A_95 = arith.constant 16 : i32
        %mul3A_96 = arith.muli %scan3A_91, %mul3A_95 : i32
        %add3A_97 = vector.broadcast %mul3A_96 : i32 to vector<16xi32>
        %add3A_98 = arith.addi %iota3A, %add3A_97 : vector<16xi32>
        %mul3A_99 = arith.constant 65 : i32
        %mul3A_100 = vector.broadcast %mul3A_99 : i32 to vector<16xi32>
        %mul3A_101 = arith.muli %add3A_98, %mul3A_100 : vector<16xi32>
        %convert_element_type3A_102 = arith.sitofp %get3A_94 : vector<16xi32> to vector<16xf32>
        %add3A_103 = arith.constant 5.000000e-01 : f32
        %add3A_104 = vector.broadcast %add3A_103 : f32 to vector<16xf32>
        %add3A_105 = arith.addf %convert_element_type3A_102, %add3A_104 : vector<16xf32>
        %mul3A_106 = arith.constant 1.000000e-03 : f32
        %mul3A_107 = vector.broadcast %mul3A_106 : f32 to vector<16xf32>
        %mul3A_108 = arith.mulf %add3A_105, %mul3A_107 : vector<16xf32>
        %convert_element_type3A_109 = arith.fptosi %mul3A_108 : vector<16xf32> to vector<16xi32>
        %mul3A_110 = arith.constant 1000 : i32
        %mul3A_111 = vector.broadcast %mul3A_110 : i32 to vector<16xi32>
        %mul3A_112 = arith.muli %convert_element_type3A_109, %mul3A_111 : vector<16xi32>
        %sub3A = arith.subi %get3A_94, %mul3A_112 : vector<16xi32>
        %convert_element_type3A_113 = arith.sitofp %convert_element_type3A_109 : vector<16xi32> to vector<16xf32>
        %add3A_114 = arith.constant 5.000000e-01 : f32
        %add3A_115 = vector.broadcast %add3A_114 : f32 to vector<16xf32>
        %add3A_116 = arith.addf %convert_element_type3A_113, %add3A_115 : vector<16xf32>
        %mul3A_117 = arith.constant 4.000000e-02 : f32
        %mul3A_118 = vector.broadcast %mul3A_117 : f32 to vector<16xf32>
        %mul3A_119 = arith.mulf %add3A_116, %mul3A_118 : vector<16xf32>
        %convert_element_type3A_120 = arith.fptosi %mul3A_119 : vector<16xf32> to vector<16xi32>
        %mul3A_121 = arith.constant 25 : i32
        %mul3A_122 = vector.broadcast %mul3A_121 : i32 to vector<16xi32>
        %mul3A_123 = arith.muli %convert_element_type3A_120, %mul3A_122 : vector<16xi32>
        %sub3A_124 = arith.subi %convert_element_type3A_109, %mul3A_123 : vector<16xi32>
        %convert_element_type3A_125 = arith.sitofp %sub3A : vector<16xi32> to vector<16xf32>
        %add3A_126 = arith.constant 5.000000e-01 : f32
        %add3A_127 = vector.broadcast %add3A_126 : f32 to vector<16xf32>
        %add3A_128 = arith.addf %convert_element_type3A_125, %add3A_127 : vector<16xf32>
        %mul3A_129 = arith.constant 4.000000e-02 : f32
        %mul3A_130 = vector.broadcast %mul3A_129 : f32 to vector<16xf32>
        %mul3A_131 = arith.mulf %add3A_128, %mul3A_130 : vector<16xf32>
        %convert_element_type3A_132 = arith.fptosi %mul3A_131 : vector<16xf32> to vector<16xi32>
        %mul3A_133 = arith.constant 25 : i32
        %mul3A_134 = vector.broadcast %mul3A_133 : i32 to vector<16xi32>
        %mul3A_135 = arith.muli %convert_element_type3A_132, %mul3A_134 : vector<16xi32>
        %sub3A_136 = arith.subi %sub3A, %mul3A_135 : vector<16xi32>
        %mul3A_137 = arith.constant 1700 : i32
        %mul3A_138 = vector.broadcast %mul3A_137 : i32 to vector<16xi32>
        %mul3A_139 = arith.muli %convert_element_type3A_120, %mul3A_138 : vector<16xi32>
        %mul3A_140 = arith.constant 17 : i32
        %mul3A_141 = vector.broadcast %mul3A_140 : i32 to vector<16xi32>
        %mul3A_142 = arith.muli %sub3A_124, %mul3A_141 : vector<16xi32>
        %add3A_143 = arith.addi %mul3A_139, %mul3A_142 : vector<16xi32>
        %mul3A_144 = arith.constant 101 : i32
        %mul3A_145 = vector.broadcast %mul3A_144 : i32 to vector<16xi32>
        %mul3A_146 = arith.muli %convert_element_type3A_132, %mul3A_145 : vector<16xi32>
        %mul3A_147 = arith.constant 2 : i32
        %mul3A_148 = vector.broadcast %mul3A_147 : i32 to vector<16xi32>
        %mul3A_149 = arith.muli %sub3A_136, %mul3A_148 : vector<16xi32>
        %add3A_150 = arith.addi %mul3A_146, %mul3A_149 : vector<16xi32>
        %add3A_151 = arith.constant 0 : i32
        %add3A_152 = vector.broadcast %add3A_151 : i32 to vector<16xi32>
        %add3A_153 = arith.addi %add3A_150, %add3A_152 : vector<16xi32>
        %gather3A = tpu.vector_load_idx %arg7[%add3A_153] : memref<32320xf32, #tpu.memory_space<vmem>>[vector<16xi32>], vector<16xf32>,
        %add3A_154 = arith.constant 1 : i32
        %add3A_155 = vector.broadcast %add3A_154 : i32 to vector<16xi32>
        %add3A_156 = arith.addi %add3A_150, %add3A_155 : vector<16xi32>
        %gather3A_157 = tpu.vector_load_idx %arg7[%add3A_156] : memref<32320xf32, #tpu.memory_space<vmem>>[vector<16xi32>], vector<16xf32>,
        %add3A_158 = arith.constant 50 : i32
        %add3A_159 = vector.broadcast %add3A_158 : i32 to vector<16xi32>
        %add3A_160 = arith.addi %add3A_150, %add3A_159 : vector<16xi32>
        %gather3A_161 = tpu.vector_load_idx %arg7[%add3A_160] : memref<32320xf32, #tpu.memory_space<vmem>>[vector<16xi32>], vector<16xf32>,
        %add3A_162 = arith.constant 51 : i32
        %add3A_163 = vector.broadcast %add3A_162 : i32 to vector<16xi32>
        %add3A_164 = arith.addi %add3A_150, %add3A_163 : vector<16xi32>
        %gather3A_165 = tpu.vector_load_idx %arg7[%add3A_164] : memref<32320xf32, #tpu.memory_space<vmem>>[vector<16xi32>], vector<16xf32>,
        %add3A_166 = arith.constant 4040 : i32
        %add3A_167 = vector.broadcast %add3A_166 : i32 to vector<16xi32>
        %add3A_168 = arith.addi %add3A_150, %add3A_167 : vector<16xi32>
        %gather3A_169 = tpu.vector_load_idx %arg7[%add3A_168] : memref<32320xf32, #tpu.memory_space<vmem>>[vector<16xi32>], vector<16xf32>,
        %add3A_170 = arith.constant 4041 : i32
        %add3A_171 = vector.broadcast %add3A_170 : i32 to vector<16xi32>
        %add3A_172 = arith.addi %add3A_150, %add3A_171 : vector<16xi32>
        %gather3A_173 = tpu.vector_load_idx %arg7[%add3A_172] : memref<32320xf32, #tpu.memory_space<vmem>>[vector<16xi32>], vector<16xf32>,
        %add3A_174 = arith.constant 4090 : i32
        %add3A_175 = vector.broadcast %add3A_174 : i32 to vector<16xi32>
        %add3A_176 = arith.addi %add3A_150, %add3A_175 : vector<16xi32>
        %gather3A_177 = tpu.vector_load_idx %arg7[%add3A_176] : memref<32320xf32, #tpu.memory_space<vmem>>[vector<16xi32>], vector<16xf32>,
        %add3A_178 = arith.constant 4091 : i32
        %add3A_179 = vector.broadcast %add3A_178 : i32 to vector<16xi32>
        %add3A_180 = arith.addi %add3A_150, %add3A_179 : vector<16xi32>
        %gather3A_181 = tpu.vector_load_idx %arg7[%add3A_180] : memref<32320xf32, #tpu.memory_space<vmem>>[vector<16xi32>], vector<16xf32>,
        %add3A_182 = arith.constant 8080 : i32
        %add3A_183 = vector.broadcast %add3A_182 : i32 to vector<16xi32>
        %add3A_184 = arith.addi %add3A_150, %add3A_183 : vector<16xi32>
        %gather3A_185 = tpu.vector_load_idx %arg7[%add3A_184] : memref<32320xf32, #tpu.memory_space<vmem>>[vector<16xi32>], vector<16xf32>,
        %add3A_186 = arith.constant 8081 : i32
        %add3A_187 = vector.broadcast %add3A_186 : i32 to vector<16xi32>
        %add3A_188 = arith.addi %add3A_150, %add3A_187 : vector<16xi32>
        %gather3A_189 = tpu.vector_load_idx %arg7[%add3A_188] : memref<32320xf32, #tpu.memory_space<vmem>>[vector<16xi32>], vector<16xf32>,
        %add3A_190 = arith.constant 8130 : i32
        %add3A_191 = vector.broadcast %add3A_190 : i32 to vector<16xi32>
        %add3A_192 = arith.addi %add3A_150, %add3A_191 : vector<16xi32>
        %gather3A_193 = tpu.vector_load_idx %arg7[%add3A_192] : memref<32320xf32, #tpu.memory_space<vmem>>[vector<16xi32>], vector<16xf32>,
        %add3A_194 = arith.constant 8131 : i32
        %add3A_195 = vector.broadcast %add3A_194 : i32 to vector<16xi32>
        %add3A_196 = arith.addi %add3A_150, %add3A_195 : vector<16xi32>
        %gather3A_197 = tpu.vector_load_idx %arg7[%add3A_196] : memref<32320xf32, #tpu.memory_space<vmem>>[vector<16xi32>], vector<16xf32>,
        %add3A_198 = arith.constant 12120 : i32
        %add3A_199 = vector.broadcast %add3A_198 : i32 to vector<16xi32>
        %add3A_200 = arith.addi %add3A_150, %add3A_199 : vector<16xi32>
        %gather3A_201 = tpu.vector_load_idx %arg7[%add3A_200] : memref<32320xf32, #tpu.memory_space<vmem>>[vector<16xi32>], vector<16xf32>,
        %add3A_202 = arith.constant 12121 : i32
        %add3A_203 = vector.broadcast %add3A_202 : i32 to vector<16xi32>
        %add3A_204 = arith.addi %add3A_150, %add3A_203 : vector<16xi32>
        %gather3A_205 = tpu.vector_load_idx %arg7[%add3A_204] : memref<32320xf32, #tpu.memory_space<vmem>>[vector<16xi32>], vector<16xf32>,
        %add3A_206 = arith.constant 12170 : i32
        %add3A_207 = vector.broadcast %add3A_206 : i32 to vector<16xi32>
        %add3A_208 = arith.addi %add3A_150, %add3A_207 : vector<16xi32>
        %gather3A_209 = tpu.vector_load_idx %arg7[%add3A_208] : memref<32320xf32, #tpu.memory_space<vmem>>[vector<16xi32>], vector<16xf32>,
        %add3A_210 = arith.constant 12171 : i32
        %add3A_211 = vector.broadcast %add3A_210 : i32 to vector<16xi32>
        %add3A_212 = arith.addi %add3A_150, %add3A_211 : vector<16xi32>
        %gather3A_213 = tpu.vector_load_idx %arg7[%add3A_212] : memref<32320xf32, #tpu.memory_space<vmem>>[vector<16xi32>], vector<16xf32>,
        %add3A_214 = arith.constant 16160 : i32
        %add3A_215 = vector.broadcast %add3A_214 : i32 to vector<16xi32>
        %add3A_216 = arith.addi %add3A_150, %add3A_215 : vector<16xi32>
        %gather3A_217 = tpu.vector_load_idx %arg7[%add3A_216] : memref<32320xf32, #tpu.memory_space<vmem>>[vector<16xi32>], vector<16xf32>,
        %add3A_218 = arith.constant 16161 : i32
        %add3A_219 = vector.broadcast %add3A_218 : i32 to vector<16xi32>
        %add3A_220 = arith.addi %add3A_150, %add3A_219 : vector<16xi32>
        %gather3A_221 = tpu.vector_load_idx %arg7[%add3A_220] : memref<32320xf32, #tpu.memory_space<vmem>>[vector<16xi32>], vector<16xf32>,
        %add3A_222 = arith.constant 16210 : i32
        %add3A_223 = vector.broadcast %add3A_222 : i32 to vector<16xi32>
        %add3A_224 = arith.addi %add3A_150, %add3A_223 : vector<16xi32>
        %gather3A_225 = tpu.vector_load_idx %arg7[%add3A_224] : memref<32320xf32, #tpu.memory_space<vmem>>[vector<16xi32>], vector<16xf32>,
        %add3A_226 = arith.constant 16211 : i32
        %add3A_227 = vector.broadcast %add3A_226 : i32 to vector<16xi32>
        %add3A_228 = arith.addi %add3A_150, %add3A_227 : vector<16xi32>
        %gather3A_229 = tpu.vector_load_idx %arg7[%add3A_228] : memref<32320xf32, #tpu.memory_space<vmem>>[vector<16xi32>], vector<16xf32>,
        %add3A_230 = arith.constant 20200 : i32
        %add3A_231 = vector.broadcast %add3A_230 : i32 to vector<16xi32>
        %add3A_232 = arith.addi %add3A_150, %add3A_231 : vector<16xi32>
        %gather3A_233 = tpu.vector_load_idx %arg7[%add3A_232] : memref<32320xf32, #tpu.memory_space<vmem>>[vector<16xi32>], vector<16xf32>,
        %add3A_234 = arith.constant 20201 : i32
        %add3A_235 = vector.broadcast %add3A_234 : i32 to vector<16xi32>
        %add3A_236 = arith.addi %add3A_150, %add3A_235 : vector<16xi32>
        %gather3A_237 = tpu.vector_load_idx %arg7[%add3A_236] : memref<32320xf32, #tpu.memory_space<vmem>>[vector<16xi32>], vector<16xf32>,
        %add3A_238 = arith.constant 20250 : i32
        %add3A_239 = vector.broadcast %add3A_238 : i32 to vector<16xi32>
        %add3A_240 = arith.addi %add3A_150, %add3A_239 : vector<16xi32>
        %gather3A_241 = tpu.vector_load_idx %arg7[%add3A_240] : memref<32320xf32, #tpu.memory_space<vmem>>[vector<16xi32>], vector<16xf32>,
        %add3A_242 = arith.constant 20251 : i32
        %add3A_243 = vector.broadcast %add3A_242 : i32 to vector<16xi32>
        %add3A_244 = arith.addi %add3A_150, %add3A_243 : vector<16xi32>
        %gather3A_245 = tpu.vector_load_idx %arg7[%add3A_244] : memref<32320xf32, #tpu.memory_space<vmem>>[vector<16xi32>], vector<16xf32>,
        %add3A_246 = arith.constant 24240 : i32
        %add3A_247 = vector.broadcast %add3A_246 : i32 to vector<16xi32>
        %add3A_248 = arith.addi %add3A_150, %add3A_247 : vector<16xi32>
        %gather3A_249 = tpu.vector_load_idx %arg7[%add3A_248] : memref<32320xf32, #tpu.memory_space<vmem>>[vector<16xi32>], vector<16xf32>,
        %add3A_250 = arith.constant 24241 : i32
        %add3A_251 = vector.broadcast %add3A_250 : i32 to vector<16xi32>
        %add3A_252 = arith.addi %add3A_150, %add3A_251 : vector<16xi32>
        %gather3A_253 = tpu.vector_load_idx %arg7[%add3A_252] : memref<32320xf32, #tpu.memory_space<vmem>>[vector<16xi32>], vector<16xf32>,
        %add3A_254 = arith.constant 24290 : i32
        %add3A_255 = vector.broadcast %add3A_254 : i32 to vector<16xi32>
        %add3A_256 = arith.addi %add3A_150, %add3A_255 : vector<16xi32>
        %gather3A_257 = tpu.vector_load_idx %arg7[%add3A_256] : memref<32320xf32, #tpu.memory_space<vmem>>[vector<16xi32>], vector<16xf32>,
        %add3A_258 = arith.constant 24291 : i32
        %add3A_259 = vector.broadcast %add3A_258 : i32 to vector<16xi32>
        %add3A_260 = arith.addi %add3A_150, %add3A_259 : vector<16xi32>
        %gather3A_261 = tpu.vector_load_idx %arg7[%add3A_260] : memref<32320xf32, #tpu.memory_space<vmem>>[vector<16xi32>], vector<16xf32>,
        %add3A_262 = arith.constant 28280 : i32
        %add3A_263 = vector.broadcast %add3A_262 : i32 to vector<16xi32>
        %add3A_264 = arith.addi %add3A_150, %add3A_263 : vector<16xi32>
        %gather3A_265 = tpu.vector_load_idx %arg7[%add3A_264] : memref<32320xf32, #tpu.memory_space<vmem>>[vector<16xi32>], vector<16xf32>,
        %add3A_266 = arith.constant 28281 : i32
        %add3A_267 = vector.broadcast %add3A_266 : i32 to vector<16xi32>
        %add3A_268 = arith.addi %add3A_150, %add3A_267 : vector<16xi32>
        %gather3A_269 = tpu.vector_load_idx %arg7[%add3A_268] : memref<32320xf32, #tpu.memory_space<vmem>>[vector<16xi32>], vector<16xf32>,
        %add3A_270 = arith.constant 28330 : i32
        %add3A_271 = vector.broadcast %add3A_270 : i32 to vector<16xi32>
        %add3A_272 = arith.addi %add3A_150, %add3A_271 : vector<16xi32>
        %gather3A_273 = tpu.vector_load_idx %arg7[%add3A_272] : memref<32320xf32, #tpu.memory_space<vmem>>[vector<16xi32>], vector<16xf32>,
        %add3A_274 = arith.constant 28331 : i32
        %add3A_275 = vector.broadcast %add3A_274 : i32 to vector<16xi32>
        %add3A_276 = arith.addi %add3A_150, %add3A_275 : vector<16xi32>
        %gather3A_277 = tpu.vector_load_idx %arg7[%add3A_276] : memref<32320xf32, #tpu.memory_space<vmem>>[vector<16xi32>], vector<16xf32>,
        %add3A_278 = arith.constant 0 : i32
        %add3A_279 = vector.broadcast %add3A_278 : i32 to vector<16xi32>
        %add3A_280 = arith.addi %add3A_143, %add3A_279 : vector<16xi32>
        %gather3A_281 = tpu.vector_load_idx %arg6[%add3A_280] : memref<68000xi32, #tpu.memory_space<vmem>>[vector<16xi32>], vector<16xi32>,
        %bitcast3A = vector.bitcast %gather3A_281 : vector<16xi32> to vector<32xbf16>
        %unpack3A = tpu.unpack_subelements %bitcast3A, 0 {pack_format = #tpu.pack_format<interleaved>} : vector<32xbf16> -> vector<16xf32>
        %unpack3A_282 = tpu.unpack_subelements %bitcast3A, 1 {pack_format = #tpu.pack_format<interleaved>} : vector<32xbf16> -> vector<16xf32>
        %add3A_283 = arith.constant 1 : i32
        %add3A_284 = vector.broadcast %add3A_283 : i32 to vector<16xi32>
        %add3A_285 = arith.addi %add3A_143, %add3A_284 : vector<16xi32>
        %gather3A_286 = tpu.vector_load_idx %arg6[%add3A_285] : memref<68000xi32, #tpu.memory_space<vmem>>[vector<16xi32>], vector<16xi32>,
        %bitcast3A_287 = vector.bitcast %gather3A_286 : vector<16xi32> to vector<32xbf16>
        %unpack3A_288 = tpu.unpack_subelements %bitcast3A_287, 0 {pack_format = #tpu.pack_format<interleaved>} : vector<32xbf16> -> vector<16xf32>
        %unpack3A_289 = tpu.unpack_subelements %bitcast3A_287, 1 {pack_format = #tpu.pack_format<interleaved>} : vector<32xbf16> -> vector<16xf32>
        %add3A_290 = arith.constant 2 : i32
        %add3A_291 = vector.broadcast %add3A_290 : i32 to vector<16xi32>
        %add3A_292 = arith.addi %add3A_143, %add3A_291 : vector<16xi32>
        %gather3A_293 = tpu.vector_load_idx %arg6[%add3A_292] : memref<68000xi32, #tpu.memory_space<vmem>>[vector<16xi32>], vector<16xi32>,
        %bitcast3A_294 = vector.bitcast %gather3A_293 : vector<16xi32> to vector<32xbf16>
        %unpack3A_295 = tpu.unpack_subelements %bitcast3A_294, 0 {pack_format = #tpu.pack_format<interleaved>} : vector<32xbf16> -> vector<16xf32>
        %unpack3A_296 = tpu.unpack_subelements %bitcast3A_294, 1 {pack_format = #tpu.pack_format<interleaved>} : vector<32xbf16> -> vector<16xf32>
        %add3A_297 = arith.constant 3 : i32
        %add3A_298 = vector.broadcast %add3A_297 : i32 to vector<16xi32>
        %add3A_299 = arith.addi %add3A_143, %add3A_298 : vector<16xi32>
        %gather3A_300 = tpu.vector_load_idx %arg6[%add3A_299] : memref<68000xi32, #tpu.memory_space<vmem>>[vector<16xi32>], vector<16xi32>,
        %bitcast3A_301 = vector.bitcast %gather3A_300 : vector<16xi32> to vector<32xbf16>
        %unpack3A_302 = tpu.unpack_subelements %bitcast3A_301, 0 {pack_format = #tpu.pack_format<interleaved>} : vector<32xbf16> -> vector<16xf32>
        %unpack3A_303 = tpu.unpack_subelements %bitcast3A_301, 1 {pack_format = #tpu.pack_format<interleaved>} : vector<32xbf16> -> vector<16xf32>
        %mul3A_304 = arith.mulf %unpack3A, %gather3A : vector<16xf32>
        %mul3A_305 = arith.mulf %unpack3A_282, %gather3A_169 : vector<16xf32>
        %add3A_306 = arith.addf %mul3A_304, %mul3A_305 : vector<16xf32>
        %mul3A_307 = arith.mulf %unpack3A_288, %gather3A_185 : vector<16xf32>
        %add3A_308 = arith.addf %add3A_306, %mul3A_307 : vector<16xf32>
        %mul3A_309 = arith.mulf %unpack3A_289, %gather3A_201 : vector<16xf32>
        %add3A_310 = arith.addf %add3A_308, %mul3A_309 : vector<16xf32>
        %mul3A_311 = arith.mulf %unpack3A_295, %gather3A_217 : vector<16xf32>
        %add3A_312 = arith.addf %add3A_310, %mul3A_311 : vector<16xf32>
        %mul3A_313 = arith.mulf %unpack3A_296, %gather3A_233 : vector<16xf32>
        %add3A_314 = arith.addf %add3A_312, %mul3A_313 : vector<16xf32>
        %mul3A_315 = arith.mulf %unpack3A_302, %gather3A_249 : vector<16xf32>
        %add3A_316 = arith.addf %add3A_314, %mul3A_315 : vector<16xf32>
        %mul3A_317 = arith.mulf %unpack3A_303, %gather3A_265 : vector<16xf32>
        %add3A_318 = arith.addf %add3A_316, %mul3A_317 : vector<16xf32>
        %add3A_319 = arith.constant 0 : i32
        %add3A_320 = vector.broadcast %add3A_319 : i32 to vector<16xi32>
        %add3A_321 = arith.addi %mul3A_101, %add3A_320 : vector<16xi32>
        tpu.vector_store_idx %arg10[%add3A_321], %add3A_318 : memref<8320xf32, #tpu.memory_space<vmem>>[vector<16xi32>], vector<16xf32>,
        %mul3A_322 = arith.mulf %unpack3A, %gather3A_157 : vector<16xf32>
        %mul3A_323 = arith.mulf %unpack3A_282, %gather3A_173 : vector<16xf32>
        %add3A_324 = arith.addf %mul3A_322, %mul3A_323 : vector<16xf32>
        %mul3A_325 = arith.mulf %unpack3A_288, %gather3A_189 : vector<16xf32>
        %add3A_326 = arith.addf %add3A_324, %mul3A_325 : vector<16xf32>
        %mul3A_327 = arith.mulf %unpack3A_289, %gather3A_205 : vector<16xf32>
        %add3A_328 = arith.addf %add3A_326, %mul3A_327 : vector<16xf32>
        %mul3A_329 = arith.mulf %unpack3A_295, %gather3A_221 : vector<16xf32>
        %add3A_330 = arith.addf %add3A_328, %mul3A_329 : vector<16xf32>
        %mul3A_331 = arith.mulf %unpack3A_296, %gather3A_237 : vector<16xf32>
        %add3A_332 = arith.addf %add3A_330, %mul3A_331 : vector<16xf32>
        %mul3A_333 = arith.mulf %unpack3A_302, %gather3A_253 : vector<16xf32>
        %add3A_334 = arith.addf %add3A_332, %mul3A_333 : vector<16xf32>
        %mul3A_335 = arith.mulf %unpack3A_303, %gather3A_269 : vector<16xf32>
        %add3A_336 = arith.addf %add3A_334, %mul3A_335 : vector<16xf32>
        %add3A_337 = arith.constant 1 : i32
        %add3A_338 = vector.broadcast %add3A_337 : i32 to vector<16xi32>
        %add3A_339 = arith.addi %mul3A_101, %add3A_338 : vector<16xi32>
        tpu.vector_store_idx %arg10[%add3A_339], %add3A_336 : memref<8320xf32, #tpu.memory_space<vmem>>[vector<16xi32>], vector<16xf32>,
        %mul3A_340 = arith.mulf %unpack3A, %gather3A_161 : vector<16xf32>
        %mul3A_341 = arith.mulf %unpack3A_282, %gather3A_177 : vector<16xf32>
        %add3A_342 = arith.addf %mul3A_340, %mul3A_341 : vector<16xf32>
        %mul3A_343 = arith.mulf %unpack3A_288, %gather3A_193 : vector<16xf32>
        %add3A_344 = arith.addf %add3A_342, %mul3A_343 : vector<16xf32>
        %mul3A_345 = arith.mulf %unpack3A_289, %gather3A_209 : vector<16xf32>
        %add3A_346 = arith.addf %add3A_344, %mul3A_345 : vector<16xf32>
        %mul3A_347 = arith.mulf %unpack3A_295, %gather3A_225 : vector<16xf32>
        %add3A_348 = arith.addf %add3A_346, %mul3A_347 : vector<16xf32>
        %mul3A_349 = arith.mulf %unpack3A_296, %gather3A_241 : vector<16xf32>
        %add3A_350 = arith.addf %add3A_348, %mul3A_349 : vector<16xf32>
        %mul3A_351 = arith.mulf %unpack3A_302, %gather3A_257 : vector<16xf32>
        %add3A_352 = arith.addf %add3A_350, %mul3A_351 : vector<16xf32>
        %mul3A_353 = arith.mulf %unpack3A_303, %gather3A_273 : vector<16xf32>
        %add3A_354 = arith.addf %add3A_352, %mul3A_353 : vector<16xf32>
        %add3A_355 = arith.constant 2 : i32
        %add3A_356 = vector.broadcast %add3A_355 : i32 to vector<16xi32>
        %add3A_357 = arith.addi %mul3A_101, %add3A_356 : vector<16xi32>
        tpu.vector_store_idx %arg10[%add3A_357], %add3A_354 : memref<8320xf32, #tpu.memory_space<vmem>>[vector<16xi32>], vector<16xf32>,
        %mul3A_358 = arith.mulf %unpack3A, %gather3A_165 : vector<16xf32>
        %mul3A_359 = arith.mulf %unpack3A_282, %gather3A_181 : vector<16xf32>
        %add3A_360 = arith.addf %mul3A_358, %mul3A_359 : vector<16xf32>
        %mul3A_361 = arith.mulf %unpack3A_288, %gather3A_197 : vector<16xf32>
        %add3A_362 = arith.addf %add3A_360, %mul3A_361 : vector<16xf32>
        %mul3A_363 = arith.mulf %unpack3A_289, %gather3A_213 : vector<16xf32>
        %add3A_364 = arith.addf %add3A_362, %mul3A_363 : vector<16xf32>
        %mul3A_365 = arith.mulf %unpack3A_295, %gather3A_229 : vector<16xf32>
        %add3A_366 = arith.addf %add3A_364, %mul3A_365 : vector<16xf32>
        %mul3A_367 = arith.mulf %unpack3A_296, %gather3A_245 : vector<16xf32>
        %add3A_368 = arith.addf %add3A_366, %mul3A_367 : vector<16xf32>
        %mul3A_369 = arith.mulf %unpack3A_302, %gather3A_261 : vector<16xf32>
        %add3A_370 = arith.addf %add3A_368, %mul3A_369 : vector<16xf32>
        %mul3A_371 = arith.mulf %unpack3A_303, %gather3A_277 : vector<16xf32>
        %add3A_372 = arith.addf %add3A_370, %mul3A_371 : vector<16xf32>
        %add3A_373 = arith.constant 3 : i32
        %add3A_374 = vector.broadcast %add3A_373 : i32 to vector<16xi32>
        %add3A_375 = arith.addi %mul3A_101, %add3A_374 : vector<16xi32>
        tpu.vector_store_idx %arg10[%add3A_375], %add3A_372 : memref<8320xf32, #tpu.memory_space<vmem>>[vector<16xi32>], vector<16xf32>,
        %add3A_376 = arith.constant 4 : i32
        %add3A_377 = vector.broadcast %add3A_376 : i32 to vector<16xi32>
        %add3A_378 = arith.addi %add3A_143, %add3A_377 : vector<16xi32>
        %gather3A_379 = tpu.vector_load_idx %arg6[%add3A_378] : memref<68000xi32, #tpu.memory_space<vmem>>[vector<16xi32>], vector<16xi32>,
        %bitcast3A_380 = vector.bitcast %gather3A_379 : vector<16xi32> to vector<32xbf16>
        %unpack3A_381 = tpu.unpack_subelements %bitcast3A_380, 0 {pack_format = #tpu.pack_format<interleaved>} : vector<32xbf16> -> vector<16xf32>
        %unpack3A_382 = tpu.unpack_subelements %bitcast3A_380, 1 {pack_format = #tpu.pack_format<interleaved>} : vector<32xbf16> -> vector<16xf32>
        %add3A_383 = arith.constant 5 : i32
        %add3A_384 = vector.broadcast %add3A_383 : i32 to vector<16xi32>
        %add3A_385 = arith.addi %add3A_143, %add3A_384 : vector<16xi32>
        %gather3A_386 = tpu.vector_load_idx %arg6[%add3A_385] : memref<68000xi32, #tpu.memory_space<vmem>>[vector<16xi32>], vector<16xi32>,
        %bitcast3A_387 = vector.bitcast %gather3A_386 : vector<16xi32> to vector<32xbf16>
        %unpack3A_388 = tpu.unpack_subelements %bitcast3A_387, 0 {pack_format = #tpu.pack_format<interleaved>} : vector<32xbf16> -> vector<16xf32>
        %unpack3A_389 = tpu.unpack_subelements %bitcast3A_387, 1 {pack_format = #tpu.pack_format<interleaved>} : vector<32xbf16> -> vector<16xf32>
        %add3A_390 = arith.constant 6 : i32
        %add3A_391 = vector.broadcast %add3A_390 : i32 to vector<16xi32>
        %add3A_392 = arith.addi %add3A_143, %add3A_391 : vector<16xi32>
        %gather3A_393 = tpu.vector_load_idx %arg6[%add3A_392] : memref<68000xi32, #tpu.memory_space<vmem>>[vector<16xi32>], vector<16xi32>,
        %bitcast3A_394 = vector.bitcast %gather3A_393 : vector<16xi32> to vector<32xbf16>
        %unpack3A_395 = tpu.unpack_subelements %bitcast3A_394, 0 {pack_format = #tpu.pack_format<interleaved>} : vector<32xbf16> -> vector<16xf32>
        %unpack3A_396 = tpu.unpack_subelements %bitcast3A_394, 1 {pack_format = #tpu.pack_format<interleaved>} : vector<32xbf16> -> vector<16xf32>
        %add3A_397 = arith.constant 7 : i32
        %add3A_398 = vector.broadcast %add3A_397 : i32 to vector<16xi32>
        %add3A_399 = arith.addi %add3A_143, %add3A_398 : vector<16xi32>
        %gather3A_400 = tpu.vector_load_idx %arg6[%add3A_399] : memref<68000xi32, #tpu.memory_space<vmem>>[vector<16xi32>], vector<16xi32>,
        %bitcast3A_401 = vector.bitcast %gather3A_400 : vector<16xi32> to vector<32xbf16>
        %unpack3A_402 = tpu.unpack_subelements %bitcast3A_401, 0 {pack_format = #tpu.pack_format<interleaved>} : vector<32xbf16> -> vector<16xf32>
        %unpack3A_403 = tpu.unpack_subelements %bitcast3A_401, 1 {pack_format = #tpu.pack_format<interleaved>} : vector<32xbf16> -> vector<16xf32>
        %mul3A_404 = arith.mulf %unpack3A_381, %gather3A : vector<16xf32>
        %mul3A_405 = arith.mulf %unpack3A_382, %gather3A_169 : vector<16xf32>
        %add3A_406 = arith.addf %mul3A_404, %mul3A_405 : vector<16xf32>
        %mul3A_407 = arith.mulf %unpack3A_388, %gather3A_185 : vector<16xf32>
        %add3A_408 = arith.addf %add3A_406, %mul3A_407 : vector<16xf32>
        %mul3A_409 = arith.mulf %unpack3A_389, %gather3A_201 : vector<16xf32>
        %add3A_410 = arith.addf %add3A_408, %mul3A_409 : vector<16xf32>
        %mul3A_411 = arith.mulf %unpack3A_395, %gather3A_217 : vector<16xf32>
        %add3A_412 = arith.addf %add3A_410, %mul3A_411 : vector<16xf32>
        %mul3A_413 = arith.mulf %unpack3A_396, %gather3A_233 : vector<16xf32>
        %add3A_414 = arith.addf %add3A_412, %mul3A_413 : vector<16xf32>
        %mul3A_415 = arith.mulf %unpack3A_402, %gather3A_249 : vector<16xf32>
        %add3A_416 = arith.addf %add3A_414, %mul3A_415 : vector<16xf32>
        %mul3A_417 = arith.mulf %unpack3A_403, %gather3A_265 : vector<16xf32>
        %add3A_418 = arith.addf %add3A_416, %mul3A_417 : vector<16xf32>
        %add3A_419 = arith.constant 4 : i32
        %add3A_420 = vector.broadcast %add3A_419 : i32 to vector<16xi32>
        %add3A_421 = arith.addi %mul3A_101, %add3A_420 : vector<16xi32>
        tpu.vector_store_idx %arg10[%add3A_421], %add3A_418 : memref<8320xf32, #tpu.memory_space<vmem>>[vector<16xi32>], vector<16xf32>,
        %mul3A_422 = arith.mulf %unpack3A_381, %gather3A_157 : vector<16xf32>
        %mul3A_423 = arith.mulf %unpack3A_382, %gather3A_173 : vector<16xf32>
        %add3A_424 = arith.addf %mul3A_422, %mul3A_423 : vector<16xf32>
        %mul3A_425 = arith.mulf %unpack3A_388, %gather3A_189 : vector<16xf32>
        %add3A_426 = arith.addf %add3A_424, %mul3A_425 : vector<16xf32>
        %mul3A_427 = arith.mulf %unpack3A_389, %gather3A_205 : vector<16xf32>
        %add3A_428 = arith.addf %add3A_426, %mul3A_427 : vector<16xf32>
        %mul3A_429 = arith.mulf %unpack3A_395, %gather3A_221 : vector<16xf32>
        %add3A_430 = arith.addf %add3A_428, %mul3A_429 : vector<16xf32>
        %mul3A_431 = arith.mulf %unpack3A_396, %gather3A_237 : vector<16xf32>
        %add3A_432 = arith.addf %add3A_430, %mul3A_431 : vector<16xf32>
        %mul3A_433 = arith.mulf %unpack3A_402, %gather3A_253 : vector<16xf32>
        %add3A_434 = arith.addf %add3A_432, %mul3A_433 : vector<16xf32>
        %mul3A_435 = arith.mulf %unpack3A_403, %gather3A_269 : vector<16xf32>
        %add3A_436 = arith.addf %add3A_434, %mul3A_435 : vector<16xf32>
        %add3A_437 = arith.constant 5 : i32
        %add3A_438 = vector.broadcast %add3A_437 : i32 to vector<16xi32>
        %add3A_439 = arith.addi %mul3A_101, %add3A_438 : vector<16xi32>
        tpu.vector_store_idx %arg10[%add3A_439], %add3A_436 : memref<8320xf32, #tpu.memory_space<vmem>>[vector<16xi32>], vector<16xf32>,
        %mul3A_440 = arith.mulf %unpack3A_381, %gather3A_161 : vector<16xf32>
        %mul3A_441 = arith.mulf %unpack3A_382, %gather3A_177 : vector<16xf32>
        %add3A_442 = arith.addf %mul3A_440, %mul3A_441 : vector<16xf32>
        %mul3A_443 = arith.mulf %unpack3A_388, %gather3A_193 : vector<16xf32>
        %add3A_444 = arith.addf %add3A_442, %mul3A_443 : vector<16xf32>
        %mul3A_445 = arith.mulf %unpack3A_389, %gather3A_209 : vector<16xf32>
        %add3A_446 = arith.addf %add3A_444, %mul3A_445 : vector<16xf32>
        %mul3A_447 = arith.mulf %unpack3A_395, %gather3A_225 : vector<16xf32>
        %add3A_448 = arith.addf %add3A_446, %mul3A_447 : vector<16xf32>
        %mul3A_449 = arith.mulf %unpack3A_396, %gather3A_241 : vector<16xf32>
        %add3A_450 = arith.addf %add3A_448, %mul3A_449 : vector<16xf32>
        %mul3A_451 = arith.mulf %unpack3A_402, %gather3A_257 : vector<16xf32>
        %add3A_452 = arith.addf %add3A_450, %mul3A_451 : vector<16xf32>
        %mul3A_453 = arith.mulf %unpack3A_403, %gather3A_273 : vector<16xf32>
        %add3A_454 = arith.addf %add3A_452, %mul3A_453 : vector<16xf32>
        %add3A_455 = arith.constant 6 : i32
        %add3A_456 = vector.broadcast %add3A_455 : i32 to vector<16xi32>
        %add3A_457 = arith.addi %mul3A_101, %add3A_456 : vector<16xi32>
        tpu.vector_store_idx %arg10[%add3A_457], %add3A_454 : memref<8320xf32, #tpu.memory_space<vmem>>[vector<16xi32>], vector<16xf32>,
        %mul3A_458 = arith.mulf %unpack3A_381, %gather3A_165 : vector<16xf32>
        %mul3A_459 = arith.mulf %unpack3A_382, %gather3A_181 : vector<16xf32>
        %add3A_460 = arith.addf %mul3A_458, %mul3A_459 : vector<16xf32>
        %mul3A_461 = arith.mulf %unpack3A_388, %gather3A_197 : vector<16xf32>
        %add3A_462 = arith.addf %add3A_460, %mul3A_461 : vector<16xf32>
        %mul3A_463 = arith.mulf %unpack3A_389, %gather3A_213 : vector<16xf32>
        %add3A_464 = arith.addf %add3A_462, %mul3A_463 : vector<16xf32>
        %mul3A_465 = arith.mulf %unpack3A_395, %gather3A_229 : vector<16xf32>
        %add3A_466 = arith.addf %add3A_464, %mul3A_465 : vector<16xf32>
        %mul3A_467 = arith.mulf %unpack3A_396, %gather3A_245 : vector<16xf32>
        %add3A_468 = arith.addf %add3A_466, %mul3A_467 : vector<16xf32>
        %mul3A_469 = arith.mulf %unpack3A_402, %gather3A_261 : vector<16xf32>
        %add3A_470 = arith.addf %add3A_468, %mul3A_469 : vector<16xf32>
        %mul3A_471 = arith.mulf %unpack3A_403, %gather3A_277 : vector<16xf32>
        %add3A_472 = arith.addf %add3A_470, %mul3A_471 : vector<16xf32>
        %add3A_473 = arith.constant 7 : i32
        %add3A_474 = vector.broadcast %add3A_473 : i32 to vector<16xi32>
        %add3A_475 = arith.addi %mul3A_101, %add3A_474 : vector<16xi32>
        tpu.vector_store_idx %arg10[%add3A_475], %add3A_472 : memref<8320xf32, #tpu.memory_space<vmem>>[vector<16xi32>], vector<16xf32>,
        %add3A_476 = arith.constant 8 : i32
        %add3A_477 = vector.broadcast %add3A_476 : i32 to vector<16xi32>
        %add3A_478 = arith.addi %add3A_143, %add3A_477 : vector<16xi32>
        %gather3A_479 = tpu.vector_load_idx %arg6[%add3A_478] : memref<68000xi32, #tpu.memory_space<vmem>>[vector<16xi32>], vector<16xi32>,
        %bitcast3A_480 = vector.bitcast %gather3A_479 : vector<16xi32> to vector<32xbf16>
        %unpack3A_481 = tpu.unpack_subelements %bitcast3A_480, 0 {pack_format = #tpu.pack_format<interleaved>} : vector<32xbf16> -> vector<16xf32>
        %unpack3A_482 = tpu.unpack_subelements %bitcast3A_480, 1 {pack_format = #tpu.pack_format<interleaved>} : vector<32xbf16> -> vector<16xf32>
        %add3A_483 = arith.constant 9 : i32
        %add3A_484 = vector.broadcast %add3A_483 : i32 to vector<16xi32>
        %add3A_485 = arith.addi %add3A_143, %add3A_484 : vector<16xi32>
        %gather3A_486 = tpu.vector_load_idx %arg6[%add3A_485] : memref<68000xi32, #tpu.memory_space<vmem>>[vector<16xi32>], vector<16xi32>,
        %bitcast3A_487 = vector.bitcast %gather3A_486 : vector<16xi32> to vector<32xbf16>
        %unpack3A_488 = tpu.unpack_subelements %bitcast3A_487, 0 {pack_format = #tpu.pack_format<interleaved>} : vector<32xbf16> -> vector<16xf32>
        %unpack3A_489 = tpu.unpack_subelements %bitcast3A_487, 1 {pack_format = #tpu.pack_format<interleaved>} : vector<32xbf16> -> vector<16xf32>
        %add3A_490 = arith.constant 10 : i32
        %add3A_491 = vector.broadcast %add3A_490 : i32 to vector<16xi32>
        %add3A_492 = arith.addi %add3A_143, %add3A_491 : vector<16xi32>
        %gather3A_493 = tpu.vector_load_idx %arg6[%add3A_492] : memref<68000xi32, #tpu.memory_space<vmem>>[vector<16xi32>], vector<16xi32>,
        %bitcast3A_494 = vector.bitcast %gather3A_493 : vector<16xi32> to vector<32xbf16>
        %unpack3A_495 = tpu.unpack_subelements %bitcast3A_494, 0 {pack_format = #tpu.pack_format<interleaved>} : vector<32xbf16> -> vector<16xf32>
        %unpack3A_496 = tpu.unpack_subelements %bitcast3A_494, 1 {pack_format = #tpu.pack_format<interleaved>} : vector<32xbf16> -> vector<16xf32>
        %add3A_497 = arith.constant 11 : i32
        %add3A_498 = vector.broadcast %add3A_497 : i32 to vector<16xi32>
        %add3A_499 = arith.addi %add3A_143, %add3A_498 : vector<16xi32>
        %gather3A_500 = tpu.vector_load_idx %arg6[%add3A_499] : memref<68000xi32, #tpu.memory_space<vmem>>[vector<16xi32>], vector<16xi32>,
        %bitcast3A_501 = vector.bitcast %gather3A_500 : vector<16xi32> to vector<32xbf16>
        %unpack3A_502 = tpu.unpack_subelements %bitcast3A_501, 0 {pack_format = #tpu.pack_format<interleaved>} : vector<32xbf16> -> vector<16xf32>
        %unpack3A_503 = tpu.unpack_subelements %bitcast3A_501, 1 {pack_format = #tpu.pack_format<interleaved>} : vector<32xbf16> -> vector<16xf32>
        %mul3A_504 = arith.mulf %unpack3A_481, %gather3A : vector<16xf32>
        %mul3A_505 = arith.mulf %unpack3A_482, %gather3A_169 : vector<16xf32>
        %add3A_506 = arith.addf %mul3A_504, %mul3A_505 : vector<16xf32>
        %mul3A_507 = arith.mulf %unpack3A_488, %gather3A_185 : vector<16xf32>
        %add3A_508 = arith.addf %add3A_506, %mul3A_507 : vector<16xf32>
        %mul3A_509 = arith.mulf %unpack3A_489, %gather3A_201 : vector<16xf32>
        %add3A_510 = arith.addf %add3A_508, %mul3A_509 : vector<16xf32>
        %mul3A_511 = arith.mulf %unpack3A_495, %gather3A_217 : vector<16xf32>
        %add3A_512 = arith.addf %add3A_510, %mul3A_511 : vector<16xf32>
        %mul3A_513 = arith.mulf %unpack3A_496, %gather3A_233 : vector<16xf32>
        %add3A_514 = arith.addf %add3A_512, %mul3A_513 : vector<16xf32>
        %mul3A_515 = arith.mulf %unpack3A_502, %gather3A_249 : vector<16xf32>
        %add3A_516 = arith.addf %add3A_514, %mul3A_515 : vector<16xf32>
        %mul3A_517 = arith.mulf %unpack3A_503, %gather3A_265 : vector<16xf32>
        %add3A_518 = arith.addf %add3A_516, %mul3A_517 : vector<16xf32>
        %add3A_519 = arith.constant 8 : i32
        %add3A_520 = vector.broadcast %add3A_519 : i32 to vector<16xi32>
        %add3A_521 = arith.addi %mul3A_101, %add3A_520 : vector<16xi32>
        tpu.vector_store_idx %arg10[%add3A_521], %add3A_518 : memref<8320xf32, #tpu.memory_space<vmem>>[vector<16xi32>], vector<16xf32>,
        %mul3A_522 = arith.mulf %unpack3A_481, %gather3A_157 : vector<16xf32>
        %mul3A_523 = arith.mulf %unpack3A_482, %gather3A_173 : vector<16xf32>
        %add3A_524 = arith.addf %mul3A_522, %mul3A_523 : vector<16xf32>
        %mul3A_525 = arith.mulf %unpack3A_488, %gather3A_189 : vector<16xf32>
        %add3A_526 = arith.addf %add3A_524, %mul3A_525 : vector<16xf32>
        %mul3A_527 = arith.mulf %unpack3A_489, %gather3A_205 : vector<16xf32>
        %add3A_528 = arith.addf %add3A_526, %mul3A_527 : vector<16xf32>
        %mul3A_529 = arith.mulf %unpack3A_495, %gather3A_221 : vector<16xf32>
        %add3A_530 = arith.addf %add3A_528, %mul3A_529 : vector<16xf32>
        %mul3A_531 = arith.mulf %unpack3A_496, %gather3A_237 : vector<16xf32>
        %add3A_532 = arith.addf %add3A_530, %mul3A_531 : vector<16xf32>
        %mul3A_533 = arith.mulf %unpack3A_502, %gather3A_253 : vector<16xf32>
        %add3A_534 = arith.addf %add3A_532, %mul3A_533 : vector<16xf32>
        %mul3A_535 = arith.mulf %unpack3A_503, %gather3A_269 : vector<16xf32>
        %add3A_536 = arith.addf %add3A_534, %mul3A_535 : vector<16xf32>
        %add3A_537 = arith.constant 9 : i32
        %add3A_538 = vector.broadcast %add3A_537 : i32 to vector<16xi32>
        %add3A_539 = arith.addi %mul3A_101, %add3A_538 : vector<16xi32>
        tpu.vector_store_idx %arg10[%add3A_539], %add3A_536 : memref<8320xf32, #tpu.memory_space<vmem>>[vector<16xi32>], vector<16xf32>,
        %mul3A_540 = arith.mulf %unpack3A_481, %gather3A_161 : vector<16xf32>
        %mul3A_541 = arith.mulf %unpack3A_482, %gather3A_177 : vector<16xf32>
        %add3A_542 = arith.addf %mul3A_540, %mul3A_541 : vector<16xf32>
        %mul3A_543 = arith.mulf %unpack3A_488, %gather3A_193 : vector<16xf32>
        %add3A_544 = arith.addf %add3A_542, %mul3A_543 : vector<16xf32>
        %mul3A_545 = arith.mulf %unpack3A_489, %gather3A_209 : vector<16xf32>
        %add3A_546 = arith.addf %add3A_544, %mul3A_545 : vector<16xf32>
        %mul3A_547 = arith.mulf %unpack3A_495, %gather3A_225 : vector<16xf32>
        %add3A_548 = arith.addf %add3A_546, %mul3A_547 : vector<16xf32>
        %mul3A_549 = arith.mulf %unpack3A_496, %gather3A_241 : vector<16xf32>
        %add3A_550 = arith.addf %add3A_548, %mul3A_549 : vector<16xf32>
        %mul3A_551 = arith.mulf %unpack3A_502, %gather3A_257 : vector<16xf32>
        %add3A_552 = arith.addf %add3A_550, %mul3A_551 : vector<16xf32>
        %mul3A_553 = arith.mulf %unpack3A_503, %gather3A_273 : vector<16xf32>
        %add3A_554 = arith.addf %add3A_552, %mul3A_553 : vector<16xf32>
        %add3A_555 = arith.constant 10 : i32
        %add3A_556 = vector.broadcast %add3A_555 : i32 to vector<16xi32>
        %add3A_557 = arith.addi %mul3A_101, %add3A_556 : vector<16xi32>
        tpu.vector_store_idx %arg10[%add3A_557], %add3A_554 : memref<8320xf32, #tpu.memory_space<vmem>>[vector<16xi32>], vector<16xf32>,
        %mul3A_558 = arith.mulf %unpack3A_481, %gather3A_165 : vector<16xf32>
        %mul3A_559 = arith.mulf %unpack3A_482, %gather3A_181 : vector<16xf32>
        %add3A_560 = arith.addf %mul3A_558, %mul3A_559 : vector<16xf32>
        %mul3A_561 = arith.mulf %unpack3A_488, %gather3A_197 : vector<16xf32>
        %add3A_562 = arith.addf %add3A_560, %mul3A_561 : vector<16xf32>
        %mul3A_563 = arith.mulf %unpack3A_489, %gather3A_213 : vector<16xf32>
        %add3A_564 = arith.addf %add3A_562, %mul3A_563 : vector<16xf32>
        %mul3A_565 = arith.mulf %unpack3A_495, %gather3A_229 : vector<16xf32>
        %add3A_566 = arith.addf %add3A_564, %mul3A_565 : vector<16xf32>
        %mul3A_567 = arith.mulf %unpack3A_496, %gather3A_245 : vector<16xf32>
        %add3A_568 = arith.addf %add3A_566, %mul3A_567 : vector<16xf32>
        %mul3A_569 = arith.mulf %unpack3A_502, %gather3A_261 : vector<16xf32>
        %add3A_570 = arith.addf %add3A_568, %mul3A_569 : vector<16xf32>
        %mul3A_571 = arith.mulf %unpack3A_503, %gather3A_277 : vector<16xf32>
        %add3A_572 = arith.addf %add3A_570, %mul3A_571 : vector<16xf32>
        %add3A_573 = arith.constant 11 : i32
        %add3A_574 = vector.broadcast %add3A_573 : i32 to vector<16xi32>
        %add3A_575 = arith.addi %mul3A_101, %add3A_574 : vector<16xi32>
        tpu.vector_store_idx %arg10[%add3A_575], %add3A_572 : memref<8320xf32, #tpu.memory_space<vmem>>[vector<16xi32>], vector<16xf32>,
        %add3A_576 = arith.constant 12 : i32
        %add3A_577 = vector.broadcast %add3A_576 : i32 to vector<16xi32>
        %add3A_578 = arith.addi %add3A_143, %add3A_577 : vector<16xi32>
        %gather3A_579 = tpu.vector_load_idx %arg6[%add3A_578] : memref<68000xi32, #tpu.memory_space<vmem>>[vector<16xi32>], vector<16xi32>,
        %bitcast3A_580 = vector.bitcast %gather3A_579 : vector<16xi32> to vector<32xbf16>
        %unpack3A_581 = tpu.unpack_subelements %bitcast3A_580, 0 {pack_format = #tpu.pack_format<interleaved>} : vector<32xbf16> -> vector<16xf32>
        %unpack3A_582 = tpu.unpack_subelements %bitcast3A_580, 1 {pack_format = #tpu.pack_format<interleaved>} : vector<32xbf16> -> vector<16xf32>
        %add3A_583 = arith.constant 13 : i32
        %add3A_584 = vector.broadcast %add3A_583 : i32 to vector<16xi32>
        %add3A_585 = arith.addi %add3A_143, %add3A_584 : vector<16xi32>
        %gather3A_586 = tpu.vector_load_idx %arg6[%add3A_585] : memref<68000xi32, #tpu.memory_space<vmem>>[vector<16xi32>], vector<16xi32>,
        %bitcast3A_587 = vector.bitcast %gather3A_586 : vector<16xi32> to vector<32xbf16>
        %unpack3A_588 = tpu.unpack_subelements %bitcast3A_587, 0 {pack_format = #tpu.pack_format<interleaved>} : vector<32xbf16> -> vector<16xf32>
        %unpack3A_589 = tpu.unpack_subelements %bitcast3A_587, 1 {pack_format = #tpu.pack_format<interleaved>} : vector<32xbf16> -> vector<16xf32>
        %add3A_590 = arith.constant 14 : i32
        %add3A_591 = vector.broadcast %add3A_590 : i32 to vector<16xi32>
        %add3A_592 = arith.addi %add3A_143, %add3A_591 : vector<16xi32>
        %gather3A_593 = tpu.vector_load_idx %arg6[%add3A_592] : memref<68000xi32, #tpu.memory_space<vmem>>[vector<16xi32>], vector<16xi32>,
        %bitcast3A_594 = vector.bitcast %gather3A_593 : vector<16xi32> to vector<32xbf16>
        %unpack3A_595 = tpu.unpack_subelements %bitcast3A_594, 0 {pack_format = #tpu.pack_format<interleaved>} : vector<32xbf16> -> vector<16xf32>
        %unpack3A_596 = tpu.unpack_subelements %bitcast3A_594, 1 {pack_format = #tpu.pack_format<interleaved>} : vector<32xbf16> -> vector<16xf32>
        %add3A_597 = arith.constant 15 : i32
        %add3A_598 = vector.broadcast %add3A_597 : i32 to vector<16xi32>
        %add3A_599 = arith.addi %add3A_143, %add3A_598 : vector<16xi32>
        %gather3A_600 = tpu.vector_load_idx %arg6[%add3A_599] : memref<68000xi32, #tpu.memory_space<vmem>>[vector<16xi32>], vector<16xi32>,
        %bitcast3A_601 = vector.bitcast %gather3A_600 : vector<16xi32> to vector<32xbf16>
        %unpack3A_602 = tpu.unpack_subelements %bitcast3A_601, 0 {pack_format = #tpu.pack_format<interleaved>} : vector<32xbf16> -> vector<16xf32>
        %unpack3A_603 = tpu.unpack_subelements %bitcast3A_601, 1 {pack_format = #tpu.pack_format<interleaved>} : vector<32xbf16> -> vector<16xf32>
        %mul3A_604 = arith.mulf %unpack3A_581, %gather3A : vector<16xf32>
        %mul3A_605 = arith.mulf %unpack3A_582, %gather3A_169 : vector<16xf32>
        %add3A_606 = arith.addf %mul3A_604, %mul3A_605 : vector<16xf32>
        %mul3A_607 = arith.mulf %unpack3A_588, %gather3A_185 : vector<16xf32>
        %add3A_608 = arith.addf %add3A_606, %mul3A_607 : vector<16xf32>
        %mul3A_609 = arith.mulf %unpack3A_589, %gather3A_201 : vector<16xf32>
        %add3A_610 = arith.addf %add3A_608, %mul3A_609 : vector<16xf32>
        %mul3A_611 = arith.mulf %unpack3A_595, %gather3A_217 : vector<16xf32>
        %add3A_612 = arith.addf %add3A_610, %mul3A_611 : vector<16xf32>
        %mul3A_613 = arith.mulf %unpack3A_596, %gather3A_233 : vector<16xf32>
        %add3A_614 = arith.addf %add3A_612, %mul3A_613 : vector<16xf32>
        %mul3A_615 = arith.mulf %unpack3A_602, %gather3A_249 : vector<16xf32>
        %add3A_616 = arith.addf %add3A_614, %mul3A_615 : vector<16xf32>
        %mul3A_617 = arith.mulf %unpack3A_603, %gather3A_265 : vector<16xf32>
        %add3A_618 = arith.addf %add3A_616, %mul3A_617 : vector<16xf32>
        %add3A_619 = arith.constant 12 : i32
        %add3A_620 = vector.broadcast %add3A_619 : i32 to vector<16xi32>
        %add3A_621 = arith.addi %mul3A_101, %add3A_620 : vector<16xi32>
        tpu.vector_store_idx %arg10[%add3A_621], %add3A_618 : memref<8320xf32, #tpu.memory_space<vmem>>[vector<16xi32>], vector<16xf32>,
        %mul3A_622 = arith.mulf %unpack3A_581, %gather3A_157 : vector<16xf32>
        %mul3A_623 = arith.mulf %unpack3A_582, %gather3A_173 : vector<16xf32>
        %add3A_624 = arith.addf %mul3A_622, %mul3A_623 : vector<16xf32>
        %mul3A_625 = arith.mulf %unpack3A_588, %gather3A_189 : vector<16xf32>
        %add3A_626 = arith.addf %add3A_624, %mul3A_625 : vector<16xf32>
        %mul3A_627 = arith.mulf %unpack3A_589, %gather3A_205 : vector<16xf32>
        %add3A_628 = arith.addf %add3A_626, %mul3A_627 : vector<16xf32>
        %mul3A_629 = arith.mulf %unpack3A_595, %gather3A_221 : vector<16xf32>
        %add3A_630 = arith.addf %add3A_628, %mul3A_629 : vector<16xf32>
        %mul3A_631 = arith.mulf %unpack3A_596, %gather3A_237 : vector<16xf32>
        %add3A_632 = arith.addf %add3A_630, %mul3A_631 : vector<16xf32>
        %mul3A_633 = arith.mulf %unpack3A_602, %gather3A_253 : vector<16xf32>
        %add3A_634 = arith.addf %add3A_632, %mul3A_633 : vector<16xf32>
        %mul3A_635 = arith.mulf %unpack3A_603, %gather3A_269 : vector<16xf32>
        %add3A_636 = arith.addf %add3A_634, %mul3A_635 : vector<16xf32>
        %add3A_637 = arith.constant 13 : i32
        %add3A_638 = vector.broadcast %add3A_637 : i32 to vector<16xi32>
        %add3A_639 = arith.addi %mul3A_101, %add3A_638 : vector<16xi32>
        tpu.vector_store_idx %arg10[%add3A_639], %add3A_636 : memref<8320xf32, #tpu.memory_space<vmem>>[vector<16xi32>], vector<16xf32>,
        %mul3A_640 = arith.mulf %unpack3A_581, %gather3A_161 : vector<16xf32>
        %mul3A_641 = arith.mulf %unpack3A_582, %gather3A_177 : vector<16xf32>
        %add3A_642 = arith.addf %mul3A_640, %mul3A_641 : vector<16xf32>
        %mul3A_643 = arith.mulf %unpack3A_588, %gather3A_193 : vector<16xf32>
        %add3A_644 = arith.addf %add3A_642, %mul3A_643 : vector<16xf32>
        %mul3A_645 = arith.mulf %unpack3A_589, %gather3A_209 : vector<16xf32>
        %add3A_646 = arith.addf %add3A_644, %mul3A_645 : vector<16xf32>
        %mul3A_647 = arith.mulf %unpack3A_595, %gather3A_225 : vector<16xf32>
        %add3A_648 = arith.addf %add3A_646, %mul3A_647 : vector<16xf32>
        %mul3A_649 = arith.mulf %unpack3A_596, %gather3A_241 : vector<16xf32>
        %add3A_650 = arith.addf %add3A_648, %mul3A_649 : vector<16xf32>
        %mul3A_651 = arith.mulf %unpack3A_602, %gather3A_257 : vector<16xf32>
        %add3A_652 = arith.addf %add3A_650, %mul3A_651 : vector<16xf32>
        %mul3A_653 = arith.mulf %unpack3A_603, %gather3A_273 : vector<16xf32>
        %add3A_654 = arith.addf %add3A_652, %mul3A_653 : vector<16xf32>
        %add3A_655 = arith.constant 14 : i32
        %add3A_656 = vector.broadcast %add3A_655 : i32 to vector<16xi32>
        %add3A_657 = arith.addi %mul3A_101, %add3A_656 : vector<16xi32>
        tpu.vector_store_idx %arg10[%add3A_657], %add3A_654 : memref<8320xf32, #tpu.memory_space<vmem>>[vector<16xi32>], vector<16xf32>,
        %mul3A_658 = arith.mulf %unpack3A_581, %gather3A_165 : vector<16xf32>
        %mul3A_659 = arith.mulf %unpack3A_582, %gather3A_181 : vector<16xf32>
        %add3A_660 = arith.addf %mul3A_658, %mul3A_659 : vector<16xf32>
        %mul3A_661 = arith.mulf %unpack3A_588, %gather3A_197 : vector<16xf32>
        %add3A_662 = arith.addf %add3A_660, %mul3A_661 : vector<16xf32>
        %mul3A_663 = arith.mulf %unpack3A_589, %gather3A_213 : vector<16xf32>
        %add3A_664 = arith.addf %add3A_662, %mul3A_663 : vector<16xf32>
        %mul3A_665 = arith.mulf %unpack3A_595, %gather3A_229 : vector<16xf32>
        %add3A_666 = arith.addf %add3A_664, %mul3A_665 : vector<16xf32>
        %mul3A_667 = arith.mulf %unpack3A_596, %gather3A_245 : vector<16xf32>
        %add3A_668 = arith.addf %add3A_666, %mul3A_667 : vector<16xf32>
        %mul3A_669 = arith.mulf %unpack3A_602, %gather3A_261 : vector<16xf32>
        %add3A_670 = arith.addf %add3A_668, %mul3A_669 : vector<16xf32>
        %mul3A_671 = arith.mulf %unpack3A_603, %gather3A_277 : vector<16xf32>
        %add3A_672 = arith.addf %add3A_670, %mul3A_671 : vector<16xf32>
        %add3A_673 = arith.constant 15 : i32
        %add3A_674 = vector.broadcast %add3A_673 : i32 to vector<16xi32>
        %add3A_675 = arith.addi %mul3A_101, %add3A_674 : vector<16xi32>
        tpu.vector_store_idx %arg10[%add3A_675], %add3A_672 : memref<8320xf32, #tpu.memory_space<vmem>>[vector<16xi32>], vector<16xf32>,
        %add3A_676 = arith.constant 425 : i32
        %add3A_677 = vector.broadcast %add3A_676 : i32 to vector<16xi32>
        %add3A_678 = arith.addi %add3A_143, %add3A_677 : vector<16xi32>
        %gather3A_679 = tpu.vector_load_idx %arg6[%add3A_678] : memref<68000xi32, #tpu.memory_space<vmem>>[vector<16xi32>], vector<16xi32>,
        %bitcast3A_680 = vector.bitcast %gather3A_679 : vector<16xi32> to vector<32xbf16>
        %unpack3A_681 = tpu.unpack_subelements %bitcast3A_680, 0 {pack_format = #tpu.pack_format<interleaved>} : vector<32xbf16> -> vector<16xf32>
        %unpack3A_682 = tpu.unpack_subelements %bitcast3A_680, 1 {pack_format = #tpu.pack_format<interleaved>} : vector<32xbf16> -> vector<16xf32>
        %add3A_683 = arith.constant 426 : i32
        %add3A_684 = vector.broadcast %add3A_683 : i32 to vector<16xi32>
        %add3A_685 = arith.addi %add3A_143, %add3A_684 : vector<16xi32>
        %gather3A_686 = tpu.vector_load_idx %arg6[%add3A_685] : memref<68000xi32, #tpu.memory_space<vmem>>[vector<16xi32>], vector<16xi32>,
        %bitcast3A_687 = vector.bitcast %gather3A_686 : vector<16xi32> to vector<32xbf16>
        %unpack3A_688 = tpu.unpack_subelements %bitcast3A_687, 0 {pack_format = #tpu.pack_format<interleaved>} : vector<32xbf16> -> vector<16xf32>
        %unpack3A_689 = tpu.unpack_subelements %bitcast3A_687, 1 {pack_format = #tpu.pack_format<interleaved>} : vector<32xbf16> -> vector<16xf32>
        %add3A_690 = arith.constant 427 : i32
        %add3A_691 = vector.broadcast %add3A_690 : i32 to vector<16xi32>
        %add3A_692 = arith.addi %add3A_143, %add3A_691 : vector<16xi32>
        %gather3A_693 = tpu.vector_load_idx %arg6[%add3A_692] : memref<68000xi32, #tpu.memory_space<vmem>>[vector<16xi32>], vector<16xi32>,
        %bitcast3A_694 = vector.bitcast %gather3A_693 : vector<16xi32> to vector<32xbf16>
        %unpack3A_695 = tpu.unpack_subelements %bitcast3A_694, 0 {pack_format = #tpu.pack_format<interleaved>} : vector<32xbf16> -> vector<16xf32>
        %unpack3A_696 = tpu.unpack_subelements %bitcast3A_694, 1 {pack_format = #tpu.pack_format<interleaved>} : vector<32xbf16> -> vector<16xf32>
        %add3A_697 = arith.constant 428 : i32
        %add3A_698 = vector.broadcast %add3A_697 : i32 to vector<16xi32>
        %add3A_699 = arith.addi %add3A_143, %add3A_698 : vector<16xi32>
        %gather3A_700 = tpu.vector_load_idx %arg6[%add3A_699] : memref<68000xi32, #tpu.memory_space<vmem>>[vector<16xi32>], vector<16xi32>,
        %bitcast3A_701 = vector.bitcast %gather3A_700 : vector<16xi32> to vector<32xbf16>
        %unpack3A_702 = tpu.unpack_subelements %bitcast3A_701, 0 {pack_format = #tpu.pack_format<interleaved>} : vector<32xbf16> -> vector<16xf32>
        %unpack3A_703 = tpu.unpack_subelements %bitcast3A_701, 1 {pack_format = #tpu.pack_format<interleaved>} : vector<32xbf16> -> vector<16xf32>
        %mul3A_704 = arith.mulf %unpack3A_681, %gather3A : vector<16xf32>
        %mul3A_705 = arith.mulf %unpack3A_682, %gather3A_169 : vector<16xf32>
        %add3A_706 = arith.addf %mul3A_704, %mul3A_705 : vector<16xf32>
        %mul3A_707 = arith.mulf %unpack3A_688, %gather3A_185 : vector<16xf32>
        %add3A_708 = arith.addf %add3A_706, %mul3A_707 : vector<16xf32>
        %mul3A_709 = arith.mulf %unpack3A_689, %gather3A_201 : vector<16xf32>
        %add3A_710 = arith.addf %add3A_708, %mul3A_709 : vector<16xf32>
        %mul3A_711 = arith.mulf %unpack3A_695, %gather3A_217 : vector<16xf32>
        %add3A_712 = arith.addf %add3A_710, %mul3A_711 : vector<16xf32>
        %mul3A_713 = arith.mulf %unpack3A_696, %gather3A_233 : vector<16xf32>
        %add3A_714 = arith.addf %add3A_712, %mul3A_713 : vector<16xf32>
        %mul3A_715 = arith.mulf %unpack3A_702, %gather3A_249 : vector<16xf32>
        %add3A_716 = arith.addf %add3A_714, %mul3A_715 : vector<16xf32>
        %mul3A_717 = arith.mulf %unpack3A_703, %gather3A_265 : vector<16xf32>
        %add3A_718 = arith.addf %add3A_716, %mul3A_717 : vector<16xf32>
        %add3A_719 = arith.constant 16 : i32
        %add3A_720 = vector.broadcast %add3A_719 : i32 to vector<16xi32>
        %add3A_721 = arith.addi %mul3A_101, %add3A_720 : vector<16xi32>
        tpu.vector_store_idx %arg10[%add3A_721], %add3A_718 : memref<8320xf32, #tpu.memory_space<vmem>>[vector<16xi32>], vector<16xf32>,
        %mul3A_722 = arith.mulf %unpack3A_681, %gather3A_157 : vector<16xf32>
        %mul3A_723 = arith.mulf %unpack3A_682, %gather3A_173 : vector<16xf32>
        %add3A_724 = arith.addf %mul3A_722, %mul3A_723 : vector<16xf32>
        %mul3A_725 = arith.mulf %unpack3A_688, %gather3A_189 : vector<16xf32>
        %add3A_726 = arith.addf %add3A_724, %mul3A_725 : vector<16xf32>
        %mul3A_727 = arith.mulf %unpack3A_689, %gather3A_205 : vector<16xf32>
        %add3A_728 = arith.addf %add3A_726, %mul3A_727 : vector<16xf32>
        %mul3A_729 = arith.mulf %unpack3A_695, %gather3A_221 : vector<16xf32>
        %add3A_730 = arith.addf %add3A_728, %mul3A_729 : vector<16xf32>
        %mul3A_731 = arith.mulf %unpack3A_696, %gather3A_237 : vector<16xf32>
        %add3A_732 = arith.addf %add3A_730, %mul3A_731 : vector<16xf32>
        %mul3A_733 = arith.mulf %unpack3A_702, %gather3A_253 : vector<16xf32>
        %add3A_734 = arith.addf %add3A_732, %mul3A_733 : vector<16xf32>
        %mul3A_735 = arith.mulf %unpack3A_703, %gather3A_269 : vector<16xf32>
        %add3A_736 = arith.addf %add3A_734, %mul3A_735 : vector<16xf32>
        %add3A_737 = arith.constant 17 : i32
        %add3A_738 = vector.broadcast %add3A_737 : i32 to vector<16xi32>
        %add3A_739 = arith.addi %mul3A_101, %add3A_738 : vector<16xi32>
        tpu.vector_store_idx %arg10[%add3A_739], %add3A_736 : memref<8320xf32, #tpu.memory_space<vmem>>[vector<16xi32>], vector<16xf32>,
        %mul3A_740 = arith.mulf %unpack3A_681, %gather3A_161 : vector<16xf32>
        %mul3A_741 = arith.mulf %unpack3A_682, %gather3A_177 : vector<16xf32>
        %add3A_742 = arith.addf %mul3A_740, %mul3A_741 : vector<16xf32>
        %mul3A_743 = arith.mulf %unpack3A_688, %gather3A_193 : vector<16xf32>
        %add3A_744 = arith.addf %add3A_742, %mul3A_743 : vector<16xf32>
        %mul3A_745 = arith.mulf %unpack3A_689, %gather3A_209 : vector<16xf32>
        %add3A_746 = arith.addf %add3A_744, %mul3A_745 : vector<16xf32>
        %mul3A_747 = arith.mulf %unpack3A_695, %gather3A_225 : vector<16xf32>
        %add3A_748 = arith.addf %add3A_746, %mul3A_747 : vector<16xf32>
        %mul3A_749 = arith.mulf %unpack3A_696, %gather3A_241 : vector<16xf32>
        %add3A_750 = arith.addf %add3A_748, %mul3A_749 : vector<16xf32>
        %mul3A_751 = arith.mulf %unpack3A_702, %gather3A_257 : vector<16xf32>
        %add3A_752 = arith.addf %add3A_750, %mul3A_751 : vector<16xf32>
        %mul3A_753 = arith.mulf %unpack3A_703, %gather3A_273 : vector<16xf32>
        %add3A_754 = arith.addf %add3A_752, %mul3A_753 : vector<16xf32>
        %add3A_755 = arith.constant 18 : i32
        %add3A_756 = vector.broadcast %add3A_755 : i32 to vector<16xi32>
        %add3A_757 = arith.addi %mul3A_101, %add3A_756 : vector<16xi32>
        tpu.vector_store_idx %arg10[%add3A_757], %add3A_754 : memref<8320xf32, #tpu.memory_space<vmem>>[vector<16xi32>], vector<16xf32>,
        %mul3A_758 = arith.mulf %unpack3A_681, %gather3A_165 : vector<16xf32>
        %mul3A_759 = arith.mulf %unpack3A_682, %gather3A_181 : vector<16xf32>
        %add3A_760 = arith.addf %mul3A_758, %mul3A_759 : vector<16xf32>
        %mul3A_761 = arith.mulf %unpack3A_688, %gather3A_197 : vector<16xf32>
        %add3A_762 = arith.addf %add3A_760, %mul3A_761 : vector<16xf32>
        %mul3A_763 = arith.mulf %unpack3A_689, %gather3A_213 : vector<16xf32>
        %add3A_764 = arith.addf %add3A_762, %mul3A_763 : vector<16xf32>
        %mul3A_765 = arith.mulf %unpack3A_695, %gather3A_229 : vector<16xf32>
        %add3A_766 = arith.addf %add3A_764, %mul3A_765 : vector<16xf32>
        %mul3A_767 = arith.mulf %unpack3A_696, %gather3A_245 : vector<16xf32>
        %add3A_768 = arith.addf %add3A_766, %mul3A_767 : vector<16xf32>
        %mul3A_769 = arith.mulf %unpack3A_702, %gather3A_261 : vector<16xf32>
        %add3A_770 = arith.addf %add3A_768, %mul3A_769 : vector<16xf32>
        %mul3A_771 = arith.mulf %unpack3A_703, %gather3A_277 : vector<16xf32>
        %add3A_772 = arith.addf %add3A_770, %mul3A_771 : vector<16xf32>
        %add3A_773 = arith.constant 19 : i32
        %add3A_774 = vector.broadcast %add3A_773 : i32 to vector<16xi32>
        %add3A_775 = arith.addi %mul3A_101, %add3A_774 : vector<16xi32>
        tpu.vector_store_idx %arg10[%add3A_775], %add3A_772 : memref<8320xf32, #tpu.memory_space<vmem>>[vector<16xi32>], vector<16xf32>,
        %add3A_776 = arith.constant 429 : i32
        %add3A_777 = vector.broadcast %add3A_776 : i32 to vector<16xi32>
        %add3A_778 = arith.addi %add3A_143, %add3A_777 : vector<16xi32>
        %gather3A_779 = tpu.vector_load_idx %arg6[%add3A_778] : memref<68000xi32, #tpu.memory_space<vmem>>[vector<16xi32>], vector<16xi32>,
        %bitcast3A_780 = vector.bitcast %gather3A_779 : vector<16xi32> to vector<32xbf16>
        %unpack3A_781 = tpu.unpack_subelements %bitcast3A_780, 0 {pack_format = #tpu.pack_format<interleaved>} : vector<32xbf16> -> vector<16xf32>
        %unpack3A_782 = tpu.unpack_subelements %bitcast3A_780, 1 {pack_format = #tpu.pack_format<interleaved>} : vector<32xbf16> -> vector<16xf32>
        %add3A_783 = arith.constant 430 : i32
        %add3A_784 = vector.broadcast %add3A_783 : i32 to vector<16xi32>
        %add3A_785 = arith.addi %add3A_143, %add3A_784 : vector<16xi32>
        %gather3A_786 = tpu.vector_load_idx %arg6[%add3A_785] : memref<68000xi32, #tpu.memory_space<vmem>>[vector<16xi32>], vector<16xi32>,
        %bitcast3A_787 = vector.bitcast %gather3A_786 : vector<16xi32> to vector<32xbf16>
        %unpack3A_788 = tpu.unpack_subelements %bitcast3A_787, 0 {pack_format = #tpu.pack_format<interleaved>} : vector<32xbf16> -> vector<16xf32>
        %unpack3A_789 = tpu.unpack_subelements %bitcast3A_787, 1 {pack_format = #tpu.pack_format<interleaved>} : vector<32xbf16> -> vector<16xf32>
        %add3A_790 = arith.constant 431 : i32
        %add3A_791 = vector.broadcast %add3A_790 : i32 to vector<16xi32>
        %add3A_792 = arith.addi %add3A_143, %add3A_791 : vector<16xi32>
        %gather3A_793 = tpu.vector_load_idx %arg6[%add3A_792] : memref<68000xi32, #tpu.memory_space<vmem>>[vector<16xi32>], vector<16xi32>,
        %bitcast3A_794 = vector.bitcast %gather3A_793 : vector<16xi32> to vector<32xbf16>
        %unpack3A_795 = tpu.unpack_subelements %bitcast3A_794, 0 {pack_format = #tpu.pack_format<interleaved>} : vector<32xbf16> -> vector<16xf32>
        %unpack3A_796 = tpu.unpack_subelements %bitcast3A_794, 1 {pack_format = #tpu.pack_format<interleaved>} : vector<32xbf16> -> vector<16xf32>
        %add3A_797 = arith.constant 432 : i32
        %add3A_798 = vector.broadcast %add3A_797 : i32 to vector<16xi32>
        %add3A_799 = arith.addi %add3A_143, %add3A_798 : vector<16xi32>
        %gather3A_800 = tpu.vector_load_idx %arg6[%add3A_799] : memref<68000xi32, #tpu.memory_space<vmem>>[vector<16xi32>], vector<16xi32>,
        %bitcast3A_801 = vector.bitcast %gather3A_800 : vector<16xi32> to vector<32xbf16>
        %unpack3A_802 = tpu.unpack_subelements %bitcast3A_801, 0 {pack_format = #tpu.pack_format<interleaved>} : vector<32xbf16> -> vector<16xf32>
        %unpack3A_803 = tpu.unpack_subelements %bitcast3A_801, 1 {pack_format = #tpu.pack_format<interleaved>} : vector<32xbf16> -> vector<16xf32>
        %mul3A_804 = arith.mulf %unpack3A_781, %gather3A : vector<16xf32>
        %mul3A_805 = arith.mulf %unpack3A_782, %gather3A_169 : vector<16xf32>
        %add3A_806 = arith.addf %mul3A_804, %mul3A_805 : vector<16xf32>
        %mul3A_807 = arith.mulf %unpack3A_788, %gather3A_185 : vector<16xf32>
        %add3A_808 = arith.addf %add3A_806, %mul3A_807 : vector<16xf32>
        %mul3A_809 = arith.mulf %unpack3A_789, %gather3A_201 : vector<16xf32>
        %add3A_810 = arith.addf %add3A_808, %mul3A_809 : vector<16xf32>
        %mul3A_811 = arith.mulf %unpack3A_795, %gather3A_217 : vector<16xf32>
        %add3A_812 = arith.addf %add3A_810, %mul3A_811 : vector<16xf32>
        %mul3A_813 = arith.mulf %unpack3A_796, %gather3A_233 : vector<16xf32>
        %add3A_814 = arith.addf %add3A_812, %mul3A_813 : vector<16xf32>
        %mul3A_815 = arith.mulf %unpack3A_802, %gather3A_249 : vector<16xf32>
        %add3A_816 = arith.addf %add3A_814, %mul3A_815 : vector<16xf32>
        %mul3A_817 = arith.mulf %unpack3A_803, %gather3A_265 : vector<16xf32>
        %add3A_818 = arith.addf %add3A_816, %mul3A_817 : vector<16xf32>
        %add3A_819 = arith.constant 20 : i32
        %add3A_820 = vector.broadcast %add3A_819 : i32 to vector<16xi32>
        %add3A_821 = arith.addi %mul3A_101, %add3A_820 : vector<16xi32>
        tpu.vector_store_idx %arg10[%add3A_821], %add3A_818 : memref<8320xf32, #tpu.memory_space<vmem>>[vector<16xi32>], vector<16xf32>,
        %mul3A_822 = arith.mulf %unpack3A_781, %gather3A_157 : vector<16xf32>
        %mul3A_823 = arith.mulf %unpack3A_782, %gather3A_173 : vector<16xf32>
        %add3A_824 = arith.addf %mul3A_822, %mul3A_823 : vector<16xf32>
        %mul3A_825 = arith.mulf %unpack3A_788, %gather3A_189 : vector<16xf32>
        %add3A_826 = arith.addf %add3A_824, %mul3A_825 : vector<16xf32>
        %mul3A_827 = arith.mulf %unpack3A_789, %gather3A_205 : vector<16xf32>
        %add3A_828 = arith.addf %add3A_826, %mul3A_827 : vector<16xf32>
        %mul3A_829 = arith.mulf %unpack3A_795, %gather3A_221 : vector<16xf32>
        %add3A_830 = arith.addf %add3A_828, %mul3A_829 : vector<16xf32>
        %mul3A_831 = arith.mulf %unpack3A_796, %gather3A_237 : vector<16xf32>
        %add3A_832 = arith.addf %add3A_830, %mul3A_831 : vector<16xf32>
        %mul3A_833 = arith.mulf %unpack3A_802, %gather3A_253 : vector<16xf32>
        %add3A_834 = arith.addf %add3A_832, %mul3A_833 : vector<16xf32>
        %mul3A_835 = arith.mulf %unpack3A_803, %gather3A_269 : vector<16xf32>
        %add3A_836 = arith.addf %add3A_834, %mul3A_835 : vector<16xf32>
        %add3A_837 = arith.constant 21 : i32
        %add3A_838 = vector.broadcast %add3A_837 : i32 to vector<16xi32>
        %add3A_839 = arith.addi %mul3A_101, %add3A_838 : vector<16xi32>
        tpu.vector_store_idx %arg10[%add3A_839], %add3A_836 : memref<8320xf32, #tpu.memory_space<vmem>>[vector<16xi32>], vector<16xf32>,
        %mul3A_840 = arith.mulf %unpack3A_781, %gather3A_161 : vector<16xf32>
        %mul3A_841 = arith.mulf %unpack3A_782, %gather3A_177 : vector<16xf32>
        %add3A_842 = arith.addf %mul3A_840, %mul3A_841 : vector<16xf32>
        %mul3A_843 = arith.mulf %unpack3A_788, %gather3A_193 : vector<16xf32>
        %add3A_844 = arith.addf %add3A_842, %mul3A_843 : vector<16xf32>
        %mul3A_845 = arith.mulf %unpack3A_789, %gather3A_209 : vector<16xf32>
        %add3A_846 = arith.addf %add3A_844, %mul3A_845 : vector<16xf32>
        %mul3A_847 = arith.mulf %unpack3A_795, %gather3A_225 : vector<16xf32>
        %add3A_848 = arith.addf %add3A_846, %mul3A_847 : vector<16xf32>
        %mul3A_849 = arith.mulf %unpack3A_796, %gather3A_241 : vector<16xf32>
        %add3A_850 = arith.addf %add3A_848, %mul3A_849 : vector<16xf32>
        %mul3A_851 = arith.mulf %unpack3A_802, %gather3A_257 : vector<16xf32>
        %add3A_852 = arith.addf %add3A_850, %mul3A_851 : vector<16xf32>
        %mul3A_853 = arith.mulf %unpack3A_803, %gather3A_273 : vector<16xf32>
        %add3A_854 = arith.addf %add3A_852, %mul3A_853 : vector<16xf32>
        %add3A_855 = arith.constant 22 : i32
        %add3A_856 = vector.broadcast %add3A_855 : i32 to vector<16xi32>
        %add3A_857 = arith.addi %mul3A_101, %add3A_856 : vector<16xi32>
        tpu.vector_store_idx %arg10[%add3A_857], %add3A_854 : memref<8320xf32, #tpu.memory_space<vmem>>[vector<16xi32>], vector<16xf32>,
        %mul3A_858 = arith.mulf %unpack3A_781, %gather3A_165 : vector<16xf32>
        %mul3A_859 = arith.mulf %unpack3A_782, %gather3A_181 : vector<16xf32>
        %add3A_860 = arith.addf %mul3A_858, %mul3A_859 : vector<16xf32>
        %mul3A_861 = arith.mulf %unpack3A_788, %gather3A_197 : vector<16xf32>
        %add3A_862 = arith.addf %add3A_860, %mul3A_861 : vector<16xf32>
        %mul3A_863 = arith.mulf %unpack3A_789, %gather3A_213 : vector<16xf32>
        %add3A_864 = arith.addf %add3A_862, %mul3A_863 : vector<16xf32>
        %mul3A_865 = arith.mulf %unpack3A_795, %gather3A_229 : vector<16xf32>
        %add3A_866 = arith.addf %add3A_864, %mul3A_865 : vector<16xf32>
        %mul3A_867 = arith.mulf %unpack3A_796, %gather3A_245 : vector<16xf32>
        %add3A_868 = arith.addf %add3A_866, %mul3A_867 : vector<16xf32>
        %mul3A_869 = arith.mulf %unpack3A_802, %gather3A_261 : vector<16xf32>
        %add3A_870 = arith.addf %add3A_868, %mul3A_869 : vector<16xf32>
        %mul3A_871 = arith.mulf %unpack3A_803, %gather3A_277 : vector<16xf32>
        %add3A_872 = arith.addf %add3A_870, %mul3A_871 : vector<16xf32>
        %add3A_873 = arith.constant 23 : i32
        %add3A_874 = vector.broadcast %add3A_873 : i32 to vector<16xi32>
        %add3A_875 = arith.addi %mul3A_101, %add3A_874 : vector<16xi32>
        tpu.vector_store_idx %arg10[%add3A_875], %add3A_872 : memref<8320xf32, #tpu.memory_space<vmem>>[vector<16xi32>], vector<16xf32>,
        %add3A_876 = arith.constant 433 : i32
        %add3A_877 = vector.broadcast %add3A_876 : i32 to vector<16xi32>
        %add3A_878 = arith.addi %add3A_143, %add3A_877 : vector<16xi32>
        %gather3A_879 = tpu.vector_load_idx %arg6[%add3A_878] : memref<68000xi32, #tpu.memory_space<vmem>>[vector<16xi32>], vector<16xi32>,
        %bitcast3A_880 = vector.bitcast %gather3A_879 : vector<16xi32> to vector<32xbf16>
        %unpack3A_881 = tpu.unpack_subelements %bitcast3A_880, 0 {pack_format = #tpu.pack_format<interleaved>} : vector<32xbf16> -> vector<16xf32>
        %unpack3A_882 = tpu.unpack_subelements %bitcast3A_880, 1 {pack_format = #tpu.pack_format<interleaved>} : vector<32xbf16> -> vector<16xf32>
        %add3A_883 = arith.constant 434 : i32
        %add3A_884 = vector.broadcast %add3A_883 : i32 to vector<16xi32>
        %add3A_885 = arith.addi %add3A_143, %add3A_884 : vector<16xi32>
        %gather3A_886 = tpu.vector_load_idx %arg6[%add3A_885] : memref<68000xi32, #tpu.memory_space<vmem>>[vector<16xi32>], vector<16xi32>,
        %bitcast3A_887 = vector.bitcast %gather3A_886 : vector<16xi32> to vector<32xbf16>
        %unpack3A_888 = tpu.unpack_subelements %bitcast3A_887, 0 {pack_format = #tpu.pack_format<interleaved>} : vector<32xbf16> -> vector<16xf32>
        %unpack3A_889 = tpu.unpack_subelements %bitcast3A_887, 1 {pack_format = #tpu.pack_format<interleaved>} : vector<32xbf16> -> vector<16xf32>
        %add3A_890 = arith.constant 435 : i32
        %add3A_891 = vector.broadcast %add3A_890 : i32 to vector<16xi32>
        %add3A_892 = arith.addi %add3A_143, %add3A_891 : vector<16xi32>
        %gather3A_893 = tpu.vector_load_idx %arg6[%add3A_892] : memref<68000xi32, #tpu.memory_space<vmem>>[vector<16xi32>], vector<16xi32>,
        %bitcast3A_894 = vector.bitcast %gather3A_893 : vector<16xi32> to vector<32xbf16>
        %unpack3A_895 = tpu.unpack_subelements %bitcast3A_894, 0 {pack_format = #tpu.pack_format<interleaved>} : vector<32xbf16> -> vector<16xf32>
        %unpack3A_896 = tpu.unpack_subelements %bitcast3A_894, 1 {pack_format = #tpu.pack_format<interleaved>} : vector<32xbf16> -> vector<16xf32>
        %add3A_897 = arith.constant 436 : i32
        %add3A_898 = vector.broadcast %add3A_897 : i32 to vector<16xi32>
        %add3A_899 = arith.addi %add3A_143, %add3A_898 : vector<16xi32>
        %gather3A_900 = tpu.vector_load_idx %arg6[%add3A_899] : memref<68000xi32, #tpu.memory_space<vmem>>[vector<16xi32>], vector<16xi32>,
        %bitcast3A_901 = vector.bitcast %gather3A_900 : vector<16xi32> to vector<32xbf16>
        %unpack3A_902 = tpu.unpack_subelements %bitcast3A_901, 0 {pack_format = #tpu.pack_format<interleaved>} : vector<32xbf16> -> vector<16xf32>
        %unpack3A_903 = tpu.unpack_subelements %bitcast3A_901, 1 {pack_format = #tpu.pack_format<interleaved>} : vector<32xbf16> -> vector<16xf32>
        %mul3A_904 = arith.mulf %unpack3A_881, %gather3A : vector<16xf32>
        %mul3A_905 = arith.mulf %unpack3A_882, %gather3A_169 : vector<16xf32>
        %add3A_906 = arith.addf %mul3A_904, %mul3A_905 : vector<16xf32>
        %mul3A_907 = arith.mulf %unpack3A_888, %gather3A_185 : vector<16xf32>
        %add3A_908 = arith.addf %add3A_906, %mul3A_907 : vector<16xf32>
        %mul3A_909 = arith.mulf %unpack3A_889, %gather3A_201 : vector<16xf32>
        %add3A_910 = arith.addf %add3A_908, %mul3A_909 : vector<16xf32>
        %mul3A_911 = arith.mulf %unpack3A_895, %gather3A_217 : vector<16xf32>
        %add3A_912 = arith.addf %add3A_910, %mul3A_911 : vector<16xf32>
        %mul3A_913 = arith.mulf %unpack3A_896, %gather3A_233 : vector<16xf32>
        %add3A_914 = arith.addf %add3A_912, %mul3A_913 : vector<16xf32>
        %mul3A_915 = arith.mulf %unpack3A_902, %gather3A_249 : vector<16xf32>
        %add3A_916 = arith.addf %add3A_914, %mul3A_915 : vector<16xf32>
        %mul3A_917 = arith.mulf %unpack3A_903, %gather3A_265 : vector<16xf32>
        %add3A_918 = arith.addf %add3A_916, %mul3A_917 : vector<16xf32>
        %add3A_919 = arith.constant 24 : i32
        %add3A_920 = vector.broadcast %add3A_919 : i32 to vector<16xi32>
        %add3A_921 = arith.addi %mul3A_101, %add3A_920 : vector<16xi32>
        tpu.vector_store_idx %arg10[%add3A_921], %add3A_918 : memref<8320xf32, #tpu.memory_space<vmem>>[vector<16xi32>], vector<16xf32>,
        %mul3A_922 = arith.mulf %unpack3A_881, %gather3A_157 : vector<16xf32>
        %mul3A_923 = arith.mulf %unpack3A_882, %gather3A_173 : vector<16xf32>
        %add3A_924 = arith.addf %mul3A_922, %mul3A_923 : vector<16xf32>
        %mul3A_925 = arith.mulf %unpack3A_888, %gather3A_189 : vector<16xf32>
        %add3A_926 = arith.addf %add3A_924, %mul3A_925 : vector<16xf32>
        %mul3A_927 = arith.mulf %unpack3A_889, %gather3A_205 : vector<16xf32>
        %add3A_928 = arith.addf %add3A_926, %mul3A_927 : vector<16xf32>
        %mul3A_929 = arith.mulf %unpack3A_895, %gather3A_221 : vector<16xf32>
        %add3A_930 = arith.addf %add3A_928, %mul3A_929 : vector<16xf32>
        %mul3A_931 = arith.mulf %unpack3A_896, %gather3A_237 : vector<16xf32>
        %add3A_932 = arith.addf %add3A_930, %mul3A_931 : vector<16xf32>
        %mul3A_933 = arith.mulf %unpack3A_902, %gather3A_253 : vector<16xf32>
        %add3A_934 = arith.addf %add3A_932, %mul3A_933 : vector<16xf32>
        %mul3A_935 = arith.mulf %unpack3A_903, %gather3A_269 : vector<16xf32>
        %add3A_936 = arith.addf %add3A_934, %mul3A_935 : vector<16xf32>
        %add3A_937 = arith.constant 25 : i32
        %add3A_938 = vector.broadcast %add3A_937 : i32 to vector<16xi32>
        %add3A_939 = arith.addi %mul3A_101, %add3A_938 : vector<16xi32>
        tpu.vector_store_idx %arg10[%add3A_939], %add3A_936 : memref<8320xf32, #tpu.memory_space<vmem>>[vector<16xi32>], vector<16xf32>,
        %mul3A_940 = arith.mulf %unpack3A_881, %gather3A_161 : vector<16xf32>
        %mul3A_941 = arith.mulf %unpack3A_882, %gather3A_177 : vector<16xf32>
        %add3A_942 = arith.addf %mul3A_940, %mul3A_941 : vector<16xf32>
        %mul3A_943 = arith.mulf %unpack3A_888, %gather3A_193 : vector<16xf32>
        %add3A_944 = arith.addf %add3A_942, %mul3A_943 : vector<16xf32>
        %mul3A_945 = arith.mulf %unpack3A_889, %gather3A_209 : vector<16xf32>
        %add3A_946 = arith.addf %add3A_944, %mul3A_945 : vector<16xf32>
        %mul3A_947 = arith.mulf %unpack3A_895, %gather3A_225 : vector<16xf32>
        %add3A_948 = arith.addf %add3A_946, %mul3A_947 : vector<16xf32>
        %mul3A_949 = arith.mulf %unpack3A_896, %gather3A_241 : vector<16xf32>
        %add3A_950 = arith.addf %add3A_948, %mul3A_949 : vector<16xf32>
        %mul3A_951 = arith.mulf %unpack3A_902, %gather3A_257 : vector<16xf32>
        %add3A_952 = arith.addf %add3A_950, %mul3A_951 : vector<16xf32>
        %mul3A_953 = arith.mulf %unpack3A_903, %gather3A_273 : vector<16xf32>
        %add3A_954 = arith.addf %add3A_952, %mul3A_953 : vector<16xf32>
        %add3A_955 = arith.constant 26 : i32
        %add3A_956 = vector.broadcast %add3A_955 : i32 to vector<16xi32>
        %add3A_957 = arith.addi %mul3A_101, %add3A_956 : vector<16xi32>
        tpu.vector_store_idx %arg10[%add3A_957], %add3A_954 : memref<8320xf32, #tpu.memory_space<vmem>>[vector<16xi32>], vector<16xf32>,
        %mul3A_958 = arith.mulf %unpack3A_881, %gather3A_165 : vector<16xf32>
        %mul3A_959 = arith.mulf %unpack3A_882, %gather3A_181 : vector<16xf32>
        %add3A_960 = arith.addf %mul3A_958, %mul3A_959 : vector<16xf32>
        %mul3A_961 = arith.mulf %unpack3A_888, %gather3A_197 : vector<16xf32>
        %add3A_962 = arith.addf %add3A_960, %mul3A_961 : vector<16xf32>
        %mul3A_963 = arith.mulf %unpack3A_889, %gather3A_213 : vector<16xf32>
        %add3A_964 = arith.addf %add3A_962, %mul3A_963 : vector<16xf32>
        %mul3A_965 = arith.mulf %unpack3A_895, %gather3A_229 : vector<16xf32>
        %add3A_966 = arith.addf %add3A_964, %mul3A_965 : vector<16xf32>
        %mul3A_967 = arith.mulf %unpack3A_896, %gather3A_245 : vector<16xf32>
        %add3A_968 = arith.addf %add3A_966, %mul3A_967 : vector<16xf32>
        %mul3A_969 = arith.mulf %unpack3A_902, %gather3A_261 : vector<16xf32>
        %add3A_970 = arith.addf %add3A_968, %mul3A_969 : vector<16xf32>
        %mul3A_971 = arith.mulf %unpack3A_903, %gather3A_277 : vector<16xf32>
        %add3A_972 = arith.addf %add3A_970, %mul3A_971 : vector<16xf32>
        %add3A_973 = arith.constant 27 : i32
        %add3A_974 = vector.broadcast %add3A_973 : i32 to vector<16xi32>
        %add3A_975 = arith.addi %mul3A_101, %add3A_974 : vector<16xi32>
        tpu.vector_store_idx %arg10[%add3A_975], %add3A_972 : memref<8320xf32, #tpu.memory_space<vmem>>[vector<16xi32>], vector<16xf32>,
        %add3A_976 = arith.constant 437 : i32
        %add3A_977 = vector.broadcast %add3A_976 : i32 to vector<16xi32>
        %add3A_978 = arith.addi %add3A_143, %add3A_977 : vector<16xi32>
        %gather3A_979 = tpu.vector_load_idx %arg6[%add3A_978] : memref<68000xi32, #tpu.memory_space<vmem>>[vector<16xi32>], vector<16xi32>,
        %bitcast3A_980 = vector.bitcast %gather3A_979 : vector<16xi32> to vector<32xbf16>
        %unpack3A_981 = tpu.unpack_subelements %bitcast3A_980, 0 {pack_format = #tpu.pack_format<interleaved>} : vector<32xbf16> -> vector<16xf32>
        %unpack3A_982 = tpu.unpack_subelements %bitcast3A_980, 1 {pack_format = #tpu.pack_format<interleaved>} : vector<32xbf16> -> vector<16xf32>
        %add3A_983 = arith.constant 438 : i32
        %add3A_984 = vector.broadcast %add3A_983 : i32 to vector<16xi32>
        %add3A_985 = arith.addi %add3A_143, %add3A_984 : vector<16xi32>
        %gather3A_986 = tpu.vector_load_idx %arg6[%add3A_985] : memref<68000xi32, #tpu.memory_space<vmem>>[vector<16xi32>], vector<16xi32>,
        %bitcast3A_987 = vector.bitcast %gather3A_986 : vector<16xi32> to vector<32xbf16>
        %unpack3A_988 = tpu.unpack_subelements %bitcast3A_987, 0 {pack_format = #tpu.pack_format<interleaved>} : vector<32xbf16> -> vector<16xf32>
        %unpack3A_989 = tpu.unpack_subelements %bitcast3A_987, 1 {pack_format = #tpu.pack_format<interleaved>} : vector<32xbf16> -> vector<16xf32>
        %add3A_990 = arith.constant 439 : i32
        %add3A_991 = vector.broadcast %add3A_990 : i32 to vector<16xi32>
        %add3A_992 = arith.addi %add3A_143, %add3A_991 : vector<16xi32>
        %gather3A_993 = tpu.vector_load_idx %arg6[%add3A_992] : memref<68000xi32, #tpu.memory_space<vmem>>[vector<16xi32>], vector<16xi32>,
        %bitcast3A_994 = vector.bitcast %gather3A_993 : vector<16xi32> to vector<32xbf16>
        %unpack3A_995 = tpu.unpack_subelements %bitcast3A_994, 0 {pack_format = #tpu.pack_format<interleaved>} : vector<32xbf16> -> vector<16xf32>
        %unpack3A_996 = tpu.unpack_subelements %bitcast3A_994, 1 {pack_format = #tpu.pack_format<interleaved>} : vector<32xbf16> -> vector<16xf32>
        %add3A_997 = arith.constant 440 : i32
        %add3A_998 = vector.broadcast %add3A_997 : i32 to vector<16xi32>
        %add3A_999 = arith.addi %add3A_143, %add3A_998 : vector<16xi32>
        %gather3A_1000 = tpu.vector_load_idx %arg6[%add3A_999] : memref<68000xi32, #tpu.memory_space<vmem>>[vector<16xi32>], vector<16xi32>,
        %bitcast3A_1001 = vector.bitcast %gather3A_1000 : vector<16xi32> to vector<32xbf16>
        %unpack3A_1002 = tpu.unpack_subelements %bitcast3A_1001, 0 {pack_format = #tpu.pack_format<interleaved>} : vector<32xbf16> -> vector<16xf32>
        %unpack3A_1003 = tpu.unpack_subelements %bitcast3A_1001, 1 {pack_format = #tpu.pack_format<interleaved>} : vector<32xbf16> -> vector<16xf32>
        %mul3A_1004 = arith.mulf %unpack3A_981, %gather3A : vector<16xf32>
        %mul3A_1005 = arith.mulf %unpack3A_982, %gather3A_169 : vector<16xf32>
        %add3A_1006 = arith.addf %mul3A_1004, %mul3A_1005 : vector<16xf32>
        %mul3A_1007 = arith.mulf %unpack3A_988, %gather3A_185 : vector<16xf32>
        %add3A_1008 = arith.addf %add3A_1006, %mul3A_1007 : vector<16xf32>
        %mul3A_1009 = arith.mulf %unpack3A_989, %gather3A_201 : vector<16xf32>
        %add3A_1010 = arith.addf %add3A_1008, %mul3A_1009 : vector<16xf32>
        %mul3A_1011 = arith.mulf %unpack3A_995, %gather3A_217 : vector<16xf32>
        %add3A_1012 = arith.addf %add3A_1010, %mul3A_1011 : vector<16xf32>
        %mul3A_1013 = arith.mulf %unpack3A_996, %gather3A_233 : vector<16xf32>
        %add3A_1014 = arith.addf %add3A_1012, %mul3A_1013 : vector<16xf32>
        %mul3A_1015 = arith.mulf %unpack3A_1002, %gather3A_249 : vector<16xf32>
        %add3A_1016 = arith.addf %add3A_1014, %mul3A_1015 : vector<16xf32>
        %mul3A_1017 = arith.mulf %unpack3A_1003, %gather3A_265 : vector<16xf32>
        %add3A_1018 = arith.addf %add3A_1016, %mul3A_1017 : vector<16xf32>
        %add3A_1019 = arith.constant 28 : i32
        %add3A_1020 = vector.broadcast %add3A_1019 : i32 to vector<16xi32>
        %add3A_1021 = arith.addi %mul3A_101, %add3A_1020 : vector<16xi32>
        tpu.vector_store_idx %arg10[%add3A_1021], %add3A_1018 : memref<8320xf32, #tpu.memory_space<vmem>>[vector<16xi32>], vector<16xf32>,
        %mul3A_1022 = arith.mulf %unpack3A_981, %gather3A_157 : vector<16xf32>
        %mul3A_1023 = arith.mulf %unpack3A_982, %gather3A_173 : vector<16xf32>
        %add3A_1024 = arith.addf %mul3A_1022, %mul3A_1023 : vector<16xf32>
        %mul3A_1025 = arith.mulf %unpack3A_988, %gather3A_189 : vector<16xf32>
        %add3A_1026 = arith.addf %add3A_1024, %mul3A_1025 : vector<16xf32>
        %mul3A_1027 = arith.mulf %unpack3A_989, %gather3A_205 : vector<16xf32>
        %add3A_1028 = arith.addf %add3A_1026, %mul3A_1027 : vector<16xf32>
        %mul3A_1029 = arith.mulf %unpack3A_995, %gather3A_221 : vector<16xf32>
        %add3A_1030 = arith.addf %add3A_1028, %mul3A_1029 : vector<16xf32>
        %mul3A_1031 = arith.mulf %unpack3A_996, %gather3A_237 : vector<16xf32>
        %add3A_1032 = arith.addf %add3A_1030, %mul3A_1031 : vector<16xf32>
        %mul3A_1033 = arith.mulf %unpack3A_1002, %gather3A_253 : vector<16xf32>
        %add3A_1034 = arith.addf %add3A_1032, %mul3A_1033 : vector<16xf32>
        %mul3A_1035 = arith.mulf %unpack3A_1003, %gather3A_269 : vector<16xf32>
        %add3A_1036 = arith.addf %add3A_1034, %mul3A_1035 : vector<16xf32>
        %add3A_1037 = arith.constant 29 : i32
        %add3A_1038 = vector.broadcast %add3A_1037 : i32 to vector<16xi32>
        %add3A_1039 = arith.addi %mul3A_101, %add3A_1038 : vector<16xi32>
        tpu.vector_store_idx %arg10[%add3A_1039], %add3A_1036 : memref<8320xf32, #tpu.memory_space<vmem>>[vector<16xi32>], vector<16xf32>,
        %mul3A_1040 = arith.mulf %unpack3A_981, %gather3A_161 : vector<16xf32>
        %mul3A_1041 = arith.mulf %unpack3A_982, %gather3A_177 : vector<16xf32>
        %add3A_1042 = arith.addf %mul3A_1040, %mul3A_1041 : vector<16xf32>
        %mul3A_1043 = arith.mulf %unpack3A_988, %gather3A_193 : vector<16xf32>
        %add3A_1044 = arith.addf %add3A_1042, %mul3A_1043 : vector<16xf32>
        %mul3A_1045 = arith.mulf %unpack3A_989, %gather3A_209 : vector<16xf32>
        %add3A_1046 = arith.addf %add3A_1044, %mul3A_1045 : vector<16xf32>
        %mul3A_1047 = arith.mulf %unpack3A_995, %gather3A_225 : vector<16xf32>
        %add3A_1048 = arith.addf %add3A_1046, %mul3A_1047 : vector<16xf32>
        %mul3A_1049 = arith.mulf %unpack3A_996, %gather3A_241 : vector<16xf32>
        %add3A_1050 = arith.addf %add3A_1048, %mul3A_1049 : vector<16xf32>
        %mul3A_1051 = arith.mulf %unpack3A_1002, %gather3A_257 : vector<16xf32>
        %add3A_1052 = arith.addf %add3A_1050, %mul3A_1051 : vector<16xf32>
        %mul3A_1053 = arith.mulf %unpack3A_1003, %gather3A_273 : vector<16xf32>
        %add3A_1054 = arith.addf %add3A_1052, %mul3A_1053 : vector<16xf32>
        %add3A_1055 = arith.constant 30 : i32
        %add3A_1056 = vector.broadcast %add3A_1055 : i32 to vector<16xi32>
        %add3A_1057 = arith.addi %mul3A_101, %add3A_1056 : vector<16xi32>
        tpu.vector_store_idx %arg10[%add3A_1057], %add3A_1054 : memref<8320xf32, #tpu.memory_space<vmem>>[vector<16xi32>], vector<16xf32>,
        %mul3A_1058 = arith.mulf %unpack3A_981, %gather3A_165 : vector<16xf32>
        %mul3A_1059 = arith.mulf %unpack3A_982, %gather3A_181 : vector<16xf32>
        %add3A_1060 = arith.addf %mul3A_1058, %mul3A_1059 : vector<16xf32>
        %mul3A_1061 = arith.mulf %unpack3A_988, %gather3A_197 : vector<16xf32>
        %add3A_1062 = arith.addf %add3A_1060, %mul3A_1061 : vector<16xf32>
        %mul3A_1063 = arith.mulf %unpack3A_989, %gather3A_213 : vector<16xf32>
        %add3A_1064 = arith.addf %add3A_1062, %mul3A_1063 : vector<16xf32>
        %mul3A_1065 = arith.mulf %unpack3A_995, %gather3A_229 : vector<16xf32>
        %add3A_1066 = arith.addf %add3A_1064, %mul3A_1065 : vector<16xf32>
        %mul3A_1067 = arith.mulf %unpack3A_996, %gather3A_245 : vector<16xf32>
        %add3A_1068 = arith.addf %add3A_1066, %mul3A_1067 : vector<16xf32>
        %mul3A_1069 = arith.mulf %unpack3A_1002, %gather3A_261 : vector<16xf32>
        %add3A_1070 = arith.addf %add3A_1068, %mul3A_1069 : vector<16xf32>
        %mul3A_1071 = arith.mulf %unpack3A_1003, %gather3A_277 : vector<16xf32>
        %add3A_1072 = arith.addf %add3A_1070, %mul3A_1071 : vector<16xf32>
        %add3A_1073 = arith.constant 31 : i32
        %add3A_1074 = vector.broadcast %add3A_1073 : i32 to vector<16xi32>
        %add3A_1075 = arith.addi %mul3A_101, %add3A_1074 : vector<16xi32>
        tpu.vector_store_idx %arg10[%add3A_1075], %add3A_1072 : memref<8320xf32, #tpu.memory_space<vmem>>[vector<16xi32>], vector<16xf32>,
        %add3A_1076 = arith.constant 850 : i32
        %add3A_1077 = vector.broadcast %add3A_1076 : i32 to vector<16xi32>
        %add3A_1078 = arith.addi %add3A_143, %add3A_1077 : vector<16xi32>
        %gather3A_1079 = tpu.vector_load_idx %arg6[%add3A_1078] : memref<68000xi32, #tpu.memory_space<vmem>>[vector<16xi32>], vector<16xi32>,
        %bitcast3A_1080 = vector.bitcast %gather3A_1079 : vector<16xi32> to vector<32xbf16>
        %unpack3A_1081 = tpu.unpack_subelements %bitcast3A_1080, 0 {pack_format = #tpu.pack_format<interleaved>} : vector<32xbf16> -> vector<16xf32>
        %unpack3A_1082 = tpu.unpack_subelements %bitcast3A_1080, 1 {pack_format = #tpu.pack_format<interleaved>} : vector<32xbf16> -> vector<16xf32>
        %add3A_1083 = arith.constant 851 : i32
        %add3A_1084 = vector.broadcast %add3A_1083 : i32 to vector<16xi32>
        %add3A_1085 = arith.addi %add3A_143, %add3A_1084 : vector<16xi32>
        %gather3A_1086 = tpu.vector_load_idx %arg6[%add3A_1085] : memref<68000xi32, #tpu.memory_space<vmem>>[vector<16xi32>], vector<16xi32>,
        %bitcast3A_1087 = vector.bitcast %gather3A_1086 : vector<16xi32> to vector<32xbf16>
        %unpack3A_1088 = tpu.unpack_subelements %bitcast3A_1087, 0 {pack_format = #tpu.pack_format<interleaved>} : vector<32xbf16> -> vector<16xf32>
        %unpack3A_1089 = tpu.unpack_subelements %bitcast3A_1087, 1 {pack_format = #tpu.pack_format<interleaved>} : vector<32xbf16> -> vector<16xf32>
        %add3A_1090 = arith.constant 852 : i32
        %add3A_1091 = vector.broadcast %add3A_1090 : i32 to vector<16xi32>
        %add3A_1092 = arith.addi %add3A_143, %add3A_1091 : vector<16xi32>
        %gather3A_1093 = tpu.vector_load_idx %arg6[%add3A_1092] : memref<68000xi32, #tpu.memory_space<vmem>>[vector<16xi32>], vector<16xi32>,
        %bitcast3A_1094 = vector.bitcast %gather3A_1093 : vector<16xi32> to vector<32xbf16>
        %unpack3A_1095 = tpu.unpack_subelements %bitcast3A_1094, 0 {pack_format = #tpu.pack_format<interleaved>} : vector<32xbf16> -> vector<16xf32>
        %unpack3A_1096 = tpu.unpack_subelements %bitcast3A_1094, 1 {pack_format = #tpu.pack_format<interleaved>} : vector<32xbf16> -> vector<16xf32>
        %add3A_1097 = arith.constant 853 : i32
        %add3A_1098 = vector.broadcast %add3A_1097 : i32 to vector<16xi32>
        %add3A_1099 = arith.addi %add3A_143, %add3A_1098 : vector<16xi32>
        %gather3A_1100 = tpu.vector_load_idx %arg6[%add3A_1099] : memref<68000xi32, #tpu.memory_space<vmem>>[vector<16xi32>], vector<16xi32>,
        %bitcast3A_1101 = vector.bitcast %gather3A_1100 : vector<16xi32> to vector<32xbf16>
        %unpack3A_1102 = tpu.unpack_subelements %bitcast3A_1101, 0 {pack_format = #tpu.pack_format<interleaved>} : vector<32xbf16> -> vector<16xf32>
        %unpack3A_1103 = tpu.unpack_subelements %bitcast3A_1101, 1 {pack_format = #tpu.pack_format<interleaved>} : vector<32xbf16> -> vector<16xf32>
        %mul3A_1104 = arith.mulf %unpack3A_1081, %gather3A : vector<16xf32>
        %mul3A_1105 = arith.mulf %unpack3A_1082, %gather3A_169 : vector<16xf32>
        %add3A_1106 = arith.addf %mul3A_1104, %mul3A_1105 : vector<16xf32>
        %mul3A_1107 = arith.mulf %unpack3A_1088, %gather3A_185 : vector<16xf32>
        %add3A_1108 = arith.addf %add3A_1106, %mul3A_1107 : vector<16xf32>
        %mul3A_1109 = arith.mulf %unpack3A_1089, %gather3A_201 : vector<16xf32>
        %add3A_1110 = arith.addf %add3A_1108, %mul3A_1109 : vector<16xf32>
        %mul3A_1111 = arith.mulf %unpack3A_1095, %gather3A_217 : vector<16xf32>
        %add3A_1112 = arith.addf %add3A_1110, %mul3A_1111 : vector<16xf32>
        %mul3A_1113 = arith.mulf %unpack3A_1096, %gather3A_233 : vector<16xf32>
        %add3A_1114 = arith.addf %add3A_1112, %mul3A_1113 : vector<16xf32>
        %mul3A_1115 = arith.mulf %unpack3A_1102, %gather3A_249 : vector<16xf32>
        %add3A_1116 = arith.addf %add3A_1114, %mul3A_1115 : vector<16xf32>
        %mul3A_1117 = arith.mulf %unpack3A_1103, %gather3A_265 : vector<16xf32>
        %add3A_1118 = arith.addf %add3A_1116, %mul3A_1117 : vector<16xf32>
        %add3A_1119 = arith.constant 32 : i32
        %add3A_1120 = vector.broadcast %add3A_1119 : i32 to vector<16xi32>
        %add3A_1121 = arith.addi %mul3A_101, %add3A_1120 : vector<16xi32>
        tpu.vector_store_idx %arg10[%add3A_1121], %add3A_1118 : memref<8320xf32, #tpu.memory_space<vmem>>[vector<16xi32>], vector<16xf32>,
        %mul3A_1122 = arith.mulf %unpack3A_1081, %gather3A_157 : vector<16xf32>
        %mul3A_1123 = arith.mulf %unpack3A_1082, %gather3A_173 : vector<16xf32>
        %add3A_1124 = arith.addf %mul3A_1122, %mul3A_1123 : vector<16xf32>
        %mul3A_1125 = arith.mulf %unpack3A_1088, %gather3A_189 : vector<16xf32>
        %add3A_1126 = arith.addf %add3A_1124, %mul3A_1125 : vector<16xf32>
        %mul3A_1127 = arith.mulf %unpack3A_1089, %gather3A_205 : vector<16xf32>
        %add3A_1128 = arith.addf %add3A_1126, %mul3A_1127 : vector<16xf32>
        %mul3A_1129 = arith.mulf %unpack3A_1095, %gather3A_221 : vector<16xf32>
        %add3A_1130 = arith.addf %add3A_1128, %mul3A_1129 : vector<16xf32>
        %mul3A_1131 = arith.mulf %unpack3A_1096, %gather3A_237 : vector<16xf32>
        %add3A_1132 = arith.addf %add3A_1130, %mul3A_1131 : vector<16xf32>
        %mul3A_1133 = arith.mulf %unpack3A_1102, %gather3A_253 : vector<16xf32>
        %add3A_1134 = arith.addf %add3A_1132, %mul3A_1133 : vector<16xf32>
        %mul3A_1135 = arith.mulf %unpack3A_1103, %gather3A_269 : vector<16xf32>
        %add3A_1136 = arith.addf %add3A_1134, %mul3A_1135 : vector<16xf32>
        %add3A_1137 = arith.constant 33 : i32
        %add3A_1138 = vector.broadcast %add3A_1137 : i32 to vector<16xi32>
        %add3A_1139 = arith.addi %mul3A_101, %add3A_1138 : vector<16xi32>
        tpu.vector_store_idx %arg10[%add3A_1139], %add3A_1136 : memref<8320xf32, #tpu.memory_space<vmem>>[vector<16xi32>], vector<16xf32>,
        %mul3A_1140 = arith.mulf %unpack3A_1081, %gather3A_161 : vector<16xf32>
        %mul3A_1141 = arith.mulf %unpack3A_1082, %gather3A_177 : vector<16xf32>
        %add3A_1142 = arith.addf %mul3A_1140, %mul3A_1141 : vector<16xf32>
        %mul3A_1143 = arith.mulf %unpack3A_1088, %gather3A_193 : vector<16xf32>
        %add3A_1144 = arith.addf %add3A_1142, %mul3A_1143 : vector<16xf32>
        %mul3A_1145 = arith.mulf %unpack3A_1089, %gather3A_209 : vector<16xf32>
        %add3A_1146 = arith.addf %add3A_1144, %mul3A_1145 : vector<16xf32>
        %mul3A_1147 = arith.mulf %unpack3A_1095, %gather3A_225 : vector<16xf32>
        %add3A_1148 = arith.addf %add3A_1146, %mul3A_1147 : vector<16xf32>
        %mul3A_1149 = arith.mulf %unpack3A_1096, %gather3A_241 : vector<16xf32>
        %add3A_1150 = arith.addf %add3A_1148, %mul3A_1149 : vector<16xf32>
        %mul3A_1151 = arith.mulf %unpack3A_1102, %gather3A_257 : vector<16xf32>
        %add3A_1152 = arith.addf %add3A_1150, %mul3A_1151 : vector<16xf32>
        %mul3A_1153 = arith.mulf %unpack3A_1103, %gather3A_273 : vector<16xf32>
        %add3A_1154 = arith.addf %add3A_1152, %mul3A_1153 : vector<16xf32>
        %add3A_1155 = arith.constant 34 : i32
        %add3A_1156 = vector.broadcast %add3A_1155 : i32 to vector<16xi32>
        %add3A_1157 = arith.addi %mul3A_101, %add3A_1156 : vector<16xi32>
        tpu.vector_store_idx %arg10[%add3A_1157], %add3A_1154 : memref<8320xf32, #tpu.memory_space<vmem>>[vector<16xi32>], vector<16xf32>,
        %mul3A_1158 = arith.mulf %unpack3A_1081, %gather3A_165 : vector<16xf32>
        %mul3A_1159 = arith.mulf %unpack3A_1082, %gather3A_181 : vector<16xf32>
        %add3A_1160 = arith.addf %mul3A_1158, %mul3A_1159 : vector<16xf32>
        %mul3A_1161 = arith.mulf %unpack3A_1088, %gather3A_197 : vector<16xf32>
        %add3A_1162 = arith.addf %add3A_1160, %mul3A_1161 : vector<16xf32>
        %mul3A_1163 = arith.mulf %unpack3A_1089, %gather3A_213 : vector<16xf32>
        %add3A_1164 = arith.addf %add3A_1162, %mul3A_1163 : vector<16xf32>
        %mul3A_1165 = arith.mulf %unpack3A_1095, %gather3A_229 : vector<16xf32>
        %add3A_1166 = arith.addf %add3A_1164, %mul3A_1165 : vector<16xf32>
        %mul3A_1167 = arith.mulf %unpack3A_1096, %gather3A_245 : vector<16xf32>
        %add3A_1168 = arith.addf %add3A_1166, %mul3A_1167 : vector<16xf32>
        %mul3A_1169 = arith.mulf %unpack3A_1102, %gather3A_261 : vector<16xf32>
        %add3A_1170 = arith.addf %add3A_1168, %mul3A_1169 : vector<16xf32>
        %mul3A_1171 = arith.mulf %unpack3A_1103, %gather3A_277 : vector<16xf32>
        %add3A_1172 = arith.addf %add3A_1170, %mul3A_1171 : vector<16xf32>
        %add3A_1173 = arith.constant 35 : i32
        %add3A_1174 = vector.broadcast %add3A_1173 : i32 to vector<16xi32>
        %add3A_1175 = arith.addi %mul3A_101, %add3A_1174 : vector<16xi32>
        tpu.vector_store_idx %arg10[%add3A_1175], %add3A_1172 : memref<8320xf32, #tpu.memory_space<vmem>>[vector<16xi32>], vector<16xf32>,
        %add3A_1176 = arith.constant 854 : i32
        %add3A_1177 = vector.broadcast %add3A_1176 : i32 to vector<16xi32>
        %add3A_1178 = arith.addi %add3A_143, %add3A_1177 : vector<16xi32>
        %gather3A_1179 = tpu.vector_load_idx %arg6[%add3A_1178] : memref<68000xi32, #tpu.memory_space<vmem>>[vector<16xi32>], vector<16xi32>,
        %bitcast3A_1180 = vector.bitcast %gather3A_1179 : vector<16xi32> to vector<32xbf16>
        %unpack3A_1181 = tpu.unpack_subelements %bitcast3A_1180, 0 {pack_format = #tpu.pack_format<interleaved>} : vector<32xbf16> -> vector<16xf32>
        %unpack3A_1182 = tpu.unpack_subelements %bitcast3A_1180, 1 {pack_format = #tpu.pack_format<interleaved>} : vector<32xbf16> -> vector<16xf32>
        %add3A_1183 = arith.constant 855 : i32
        %add3A_1184 = vector.broadcast %add3A_1183 : i32 to vector<16xi32>
        %add3A_1185 = arith.addi %add3A_143, %add3A_1184 : vector<16xi32>
        %gather3A_1186 = tpu.vector_load_idx %arg6[%add3A_1185] : memref<68000xi32, #tpu.memory_space<vmem>>[vector<16xi32>], vector<16xi32>,
        %bitcast3A_1187 = vector.bitcast %gather3A_1186 : vector<16xi32> to vector<32xbf16>
        %unpack3A_1188 = tpu.unpack_subelements %bitcast3A_1187, 0 {pack_format = #tpu.pack_format<interleaved>} : vector<32xbf16> -> vector<16xf32>
        %unpack3A_1189 = tpu.unpack_subelements %bitcast3A_1187, 1 {pack_format = #tpu.pack_format<interleaved>} : vector<32xbf16> -> vector<16xf32>
        %add3A_1190 = arith.constant 856 : i32
        %add3A_1191 = vector.broadcast %add3A_1190 : i32 to vector<16xi32>
        %add3A_1192 = arith.addi %add3A_143, %add3A_1191 : vector<16xi32>
        %gather3A_1193 = tpu.vector_load_idx %arg6[%add3A_1192] : memref<68000xi32, #tpu.memory_space<vmem>>[vector<16xi32>], vector<16xi32>,
        %bitcast3A_1194 = vector.bitcast %gather3A_1193 : vector<16xi32> to vector<32xbf16>
        %unpack3A_1195 = tpu.unpack_subelements %bitcast3A_1194, 0 {pack_format = #tpu.pack_format<interleaved>} : vector<32xbf16> -> vector<16xf32>
        %unpack3A_1196 = tpu.unpack_subelements %bitcast3A_1194, 1 {pack_format = #tpu.pack_format<interleaved>} : vector<32xbf16> -> vector<16xf32>
        %add3A_1197 = arith.constant 857 : i32
        %add3A_1198 = vector.broadcast %add3A_1197 : i32 to vector<16xi32>
        %add3A_1199 = arith.addi %add3A_143, %add3A_1198 : vector<16xi32>
        %gather3A_1200 = tpu.vector_load_idx %arg6[%add3A_1199] : memref<68000xi32, #tpu.memory_space<vmem>>[vector<16xi32>], vector<16xi32>,
        %bitcast3A_1201 = vector.bitcast %gather3A_1200 : vector<16xi32> to vector<32xbf16>
        %unpack3A_1202 = tpu.unpack_subelements %bitcast3A_1201, 0 {pack_format = #tpu.pack_format<interleaved>} : vector<32xbf16> -> vector<16xf32>
        %unpack3A_1203 = tpu.unpack_subelements %bitcast3A_1201, 1 {pack_format = #tpu.pack_format<interleaved>} : vector<32xbf16> -> vector<16xf32>
        %mul3A_1204 = arith.mulf %unpack3A_1181, %gather3A : vector<16xf32>
        %mul3A_1205 = arith.mulf %unpack3A_1182, %gather3A_169 : vector<16xf32>
        %add3A_1206 = arith.addf %mul3A_1204, %mul3A_1205 : vector<16xf32>
        %mul3A_1207 = arith.mulf %unpack3A_1188, %gather3A_185 : vector<16xf32>
        %add3A_1208 = arith.addf %add3A_1206, %mul3A_1207 : vector<16xf32>
        %mul3A_1209 = arith.mulf %unpack3A_1189, %gather3A_201 : vector<16xf32>
        %add3A_1210 = arith.addf %add3A_1208, %mul3A_1209 : vector<16xf32>
        %mul3A_1211 = arith.mulf %unpack3A_1195, %gather3A_217 : vector<16xf32>
        %add3A_1212 = arith.addf %add3A_1210, %mul3A_1211 : vector<16xf32>
        %mul3A_1213 = arith.mulf %unpack3A_1196, %gather3A_233 : vector<16xf32>
        %add3A_1214 = arith.addf %add3A_1212, %mul3A_1213 : vector<16xf32>
        %mul3A_1215 = arith.mulf %unpack3A_1202, %gather3A_249 : vector<16xf32>
        %add3A_1216 = arith.addf %add3A_1214, %mul3A_1215 : vector<16xf32>
        %mul3A_1217 = arith.mulf %unpack3A_1203, %gather3A_265 : vector<16xf32>
        %add3A_1218 = arith.addf %add3A_1216, %mul3A_1217 : vector<16xf32>
        %add3A_1219 = arith.constant 36 : i32
        %add3A_1220 = vector.broadcast %add3A_1219 : i32 to vector<16xi32>
        %add3A_1221 = arith.addi %mul3A_101, %add3A_1220 : vector<16xi32>
        tpu.vector_store_idx %arg10[%add3A_1221], %add3A_1218 : memref<8320xf32, #tpu.memory_space<vmem>>[vector<16xi32>], vector<16xf32>,
        %mul3A_1222 = arith.mulf %unpack3A_1181, %gather3A_157 : vector<16xf32>
        %mul3A_1223 = arith.mulf %unpack3A_1182, %gather3A_173 : vector<16xf32>
        %add3A_1224 = arith.addf %mul3A_1222, %mul3A_1223 : vector<16xf32>
        %mul3A_1225 = arith.mulf %unpack3A_1188, %gather3A_189 : vector<16xf32>
        %add3A_1226 = arith.addf %add3A_1224, %mul3A_1225 : vector<16xf32>
        %mul3A_1227 = arith.mulf %unpack3A_1189, %gather3A_205 : vector<16xf32>
        %add3A_1228 = arith.addf %add3A_1226, %mul3A_1227 : vector<16xf32>
        %mul3A_1229 = arith.mulf %unpack3A_1195, %gather3A_221 : vector<16xf32>
        %add3A_1230 = arith.addf %add3A_1228, %mul3A_1229 : vector<16xf32>
        %mul3A_1231 = arith.mulf %unpack3A_1196, %gather3A_237 : vector<16xf32>
        %add3A_1232 = arith.addf %add3A_1230, %mul3A_1231 : vector<16xf32>
        %mul3A_1233 = arith.mulf %unpack3A_1202, %gather3A_253 : vector<16xf32>
        %add3A_1234 = arith.addf %add3A_1232, %mul3A_1233 : vector<16xf32>
        %mul3A_1235 = arith.mulf %unpack3A_1203, %gather3A_269 : vector<16xf32>
        %add3A_1236 = arith.addf %add3A_1234, %mul3A_1235 : vector<16xf32>
        %add3A_1237 = arith.constant 37 : i32
        %add3A_1238 = vector.broadcast %add3A_1237 : i32 to vector<16xi32>
        %add3A_1239 = arith.addi %mul3A_101, %add3A_1238 : vector<16xi32>
        tpu.vector_store_idx %arg10[%add3A_1239], %add3A_1236 : memref<8320xf32, #tpu.memory_space<vmem>>[vector<16xi32>], vector<16xf32>,
        %mul3A_1240 = arith.mulf %unpack3A_1181, %gather3A_161 : vector<16xf32>
        %mul3A_1241 = arith.mulf %unpack3A_1182, %gather3A_177 : vector<16xf32>
        %add3A_1242 = arith.addf %mul3A_1240, %mul3A_1241 : vector<16xf32>
        %mul3A_1243 = arith.mulf %unpack3A_1188, %gather3A_193 : vector<16xf32>
        %add3A_1244 = arith.addf %add3A_1242, %mul3A_1243 : vector<16xf32>
        %mul3A_1245 = arith.mulf %unpack3A_1189, %gather3A_209 : vector<16xf32>
        %add3A_1246 = arith.addf %add3A_1244, %mul3A_1245 : vector<16xf32>
        %mul3A_1247 = arith.mulf %unpack3A_1195, %gather3A_225 : vector<16xf32>
        %add3A_1248 = arith.addf %add3A_1246, %mul3A_1247 : vector<16xf32>
        %mul3A_1249 = arith.mulf %unpack3A_1196, %gather3A_241 : vector<16xf32>
        %add3A_1250 = arith.addf %add3A_1248, %mul3A_1249 : vector<16xf32>
        %mul3A_1251 = arith.mulf %unpack3A_1202, %gather3A_257 : vector<16xf32>
        %add3A_1252 = arith.addf %add3A_1250, %mul3A_1251 : vector<16xf32>
        %mul3A_1253 = arith.mulf %unpack3A_1203, %gather3A_273 : vector<16xf32>
        %add3A_1254 = arith.addf %add3A_1252, %mul3A_1253 : vector<16xf32>
        %add3A_1255 = arith.constant 38 : i32
        %add3A_1256 = vector.broadcast %add3A_1255 : i32 to vector<16xi32>
        %add3A_1257 = arith.addi %mul3A_101, %add3A_1256 : vector<16xi32>
        tpu.vector_store_idx %arg10[%add3A_1257], %add3A_1254 : memref<8320xf32, #tpu.memory_space<vmem>>[vector<16xi32>], vector<16xf32>,
        %mul3A_1258 = arith.mulf %unpack3A_1181, %gather3A_165 : vector<16xf32>
        %mul3A_1259 = arith.mulf %unpack3A_1182, %gather3A_181 : vector<16xf32>
        %add3A_1260 = arith.addf %mul3A_1258, %mul3A_1259 : vector<16xf32>
        %mul3A_1261 = arith.mulf %unpack3A_1188, %gather3A_197 : vector<16xf32>
        %add3A_1262 = arith.addf %add3A_1260, %mul3A_1261 : vector<16xf32>
        %mul3A_1263 = arith.mulf %unpack3A_1189, %gather3A_213 : vector<16xf32>
        %add3A_1264 = arith.addf %add3A_1262, %mul3A_1263 : vector<16xf32>
        %mul3A_1265 = arith.mulf %unpack3A_1195, %gather3A_229 : vector<16xf32>
        %add3A_1266 = arith.addf %add3A_1264, %mul3A_1265 : vector<16xf32>
        %mul3A_1267 = arith.mulf %unpack3A_1196, %gather3A_245 : vector<16xf32>
        %add3A_1268 = arith.addf %add3A_1266, %mul3A_1267 : vector<16xf32>
        %mul3A_1269 = arith.mulf %unpack3A_1202, %gather3A_261 : vector<16xf32>
        %add3A_1270 = arith.addf %add3A_1268, %mul3A_1269 : vector<16xf32>
        %mul3A_1271 = arith.mulf %unpack3A_1203, %gather3A_277 : vector<16xf32>
        %add3A_1272 = arith.addf %add3A_1270, %mul3A_1271 : vector<16xf32>
        %add3A_1273 = arith.constant 39 : i32
        %add3A_1274 = vector.broadcast %add3A_1273 : i32 to vector<16xi32>
        %add3A_1275 = arith.addi %mul3A_101, %add3A_1274 : vector<16xi32>
        tpu.vector_store_idx %arg10[%add3A_1275], %add3A_1272 : memref<8320xf32, #tpu.memory_space<vmem>>[vector<16xi32>], vector<16xf32>,
        %add3A_1276 = arith.constant 858 : i32
        %add3A_1277 = vector.broadcast %add3A_1276 : i32 to vector<16xi32>
        %add3A_1278 = arith.addi %add3A_143, %add3A_1277 : vector<16xi32>
        %gather3A_1279 = tpu.vector_load_idx %arg6[%add3A_1278] : memref<68000xi32, #tpu.memory_space<vmem>>[vector<16xi32>], vector<16xi32>,
        %bitcast3A_1280 = vector.bitcast %gather3A_1279 : vector<16xi32> to vector<32xbf16>
        %unpack3A_1281 = tpu.unpack_subelements %bitcast3A_1280, 0 {pack_format = #tpu.pack_format<interleaved>} : vector<32xbf16> -> vector<16xf32>
        %unpack3A_1282 = tpu.unpack_subelements %bitcast3A_1280, 1 {pack_format = #tpu.pack_format<interleaved>} : vector<32xbf16> -> vector<16xf32>
        %add3A_1283 = arith.constant 859 : i32
        %add3A_1284 = vector.broadcast %add3A_1283 : i32 to vector<16xi32>
        %add3A_1285 = arith.addi %add3A_143, %add3A_1284 : vector<16xi32>
        %gather3A_1286 = tpu.vector_load_idx %arg6[%add3A_1285] : memref<68000xi32, #tpu.memory_space<vmem>>[vector<16xi32>], vector<16xi32>,
        %bitcast3A_1287 = vector.bitcast %gather3A_1286 : vector<16xi32> to vector<32xbf16>
        %unpack3A_1288 = tpu.unpack_subelements %bitcast3A_1287, 0 {pack_format = #tpu.pack_format<interleaved>} : vector<32xbf16> -> vector<16xf32>
        %unpack3A_1289 = tpu.unpack_subelements %bitcast3A_1287, 1 {pack_format = #tpu.pack_format<interleaved>} : vector<32xbf16> -> vector<16xf32>
        %add3A_1290 = arith.constant 860 : i32
        %add3A_1291 = vector.broadcast %add3A_1290 : i32 to vector<16xi32>
        %add3A_1292 = arith.addi %add3A_143, %add3A_1291 : vector<16xi32>
        %gather3A_1293 = tpu.vector_load_idx %arg6[%add3A_1292] : memref<68000xi32, #tpu.memory_space<vmem>>[vector<16xi32>], vector<16xi32>,
        %bitcast3A_1294 = vector.bitcast %gather3A_1293 : vector<16xi32> to vector<32xbf16>
        %unpack3A_1295 = tpu.unpack_subelements %bitcast3A_1294, 0 {pack_format = #tpu.pack_format<interleaved>} : vector<32xbf16> -> vector<16xf32>
        %unpack3A_1296 = tpu.unpack_subelements %bitcast3A_1294, 1 {pack_format = #tpu.pack_format<interleaved>} : vector<32xbf16> -> vector<16xf32>
        %add3A_1297 = arith.constant 861 : i32
        %add3A_1298 = vector.broadcast %add3A_1297 : i32 to vector<16xi32>
        %add3A_1299 = arith.addi %add3A_143, %add3A_1298 : vector<16xi32>
        %gather3A_1300 = tpu.vector_load_idx %arg6[%add3A_1299] : memref<68000xi32, #tpu.memory_space<vmem>>[vector<16xi32>], vector<16xi32>,
        %bitcast3A_1301 = vector.bitcast %gather3A_1300 : vector<16xi32> to vector<32xbf16>
        %unpack3A_1302 = tpu.unpack_subelements %bitcast3A_1301, 0 {pack_format = #tpu.pack_format<interleaved>} : vector<32xbf16> -> vector<16xf32>
        %unpack3A_1303 = tpu.unpack_subelements %bitcast3A_1301, 1 {pack_format = #tpu.pack_format<interleaved>} : vector<32xbf16> -> vector<16xf32>
        %mul3A_1304 = arith.mulf %unpack3A_1281, %gather3A : vector<16xf32>
        %mul3A_1305 = arith.mulf %unpack3A_1282, %gather3A_169 : vector<16xf32>
        %add3A_1306 = arith.addf %mul3A_1304, %mul3A_1305 : vector<16xf32>
        %mul3A_1307 = arith.mulf %unpack3A_1288, %gather3A_185 : vector<16xf32>
        %add3A_1308 = arith.addf %add3A_1306, %mul3A_1307 : vector<16xf32>
        %mul3A_1309 = arith.mulf %unpack3A_1289, %gather3A_201 : vector<16xf32>
        %add3A_1310 = arith.addf %add3A_1308, %mul3A_1309 : vector<16xf32>
        %mul3A_1311 = arith.mulf %unpack3A_1295, %gather3A_217 : vector<16xf32>
        %add3A_1312 = arith.addf %add3A_1310, %mul3A_1311 : vector<16xf32>
        %mul3A_1313 = arith.mulf %unpack3A_1296, %gather3A_233 : vector<16xf32>
        %add3A_1314 = arith.addf %add3A_1312, %mul3A_1313 : vector<16xf32>
        %mul3A_1315 = arith.mulf %unpack3A_1302, %gather3A_249 : vector<16xf32>
        %add3A_1316 = arith.addf %add3A_1314, %mul3A_1315 : vector<16xf32>
        %mul3A_1317 = arith.mulf %unpack3A_1303, %gather3A_265 : vector<16xf32>
        %add3A_1318 = arith.addf %add3A_1316, %mul3A_1317 : vector<16xf32>
        %add3A_1319 = arith.constant 40 : i32
        %add3A_1320 = vector.broadcast %add3A_1319 : i32 to vector<16xi32>
        %add3A_1321 = arith.addi %mul3A_101, %add3A_1320 : vector<16xi32>
        tpu.vector_store_idx %arg10[%add3A_1321], %add3A_1318 : memref<8320xf32, #tpu.memory_space<vmem>>[vector<16xi32>], vector<16xf32>,
        %mul3A_1322 = arith.mulf %unpack3A_1281, %gather3A_157 : vector<16xf32>
        %mul3A_1323 = arith.mulf %unpack3A_1282, %gather3A_173 : vector<16xf32>
        %add3A_1324 = arith.addf %mul3A_1322, %mul3A_1323 : vector<16xf32>
        %mul3A_1325 = arith.mulf %unpack3A_1288, %gather3A_189 : vector<16xf32>
        %add3A_1326 = arith.addf %add3A_1324, %mul3A_1325 : vector<16xf32>
        %mul3A_1327 = arith.mulf %unpack3A_1289, %gather3A_205 : vector<16xf32>
        %add3A_1328 = arith.addf %add3A_1326, %mul3A_1327 : vector<16xf32>
        %mul3A_1329 = arith.mulf %unpack3A_1295, %gather3A_221 : vector<16xf32>
        %add3A_1330 = arith.addf %add3A_1328, %mul3A_1329 : vector<16xf32>
        %mul3A_1331 = arith.mulf %unpack3A_1296, %gather3A_237 : vector<16xf32>
        %add3A_1332 = arith.addf %add3A_1330, %mul3A_1331 : vector<16xf32>
        %mul3A_1333 = arith.mulf %unpack3A_1302, %gather3A_253 : vector<16xf32>
        %add3A_1334 = arith.addf %add3A_1332, %mul3A_1333 : vector<16xf32>
        %mul3A_1335 = arith.mulf %unpack3A_1303, %gather3A_269 : vector<16xf32>
        %add3A_1336 = arith.addf %add3A_1334, %mul3A_1335 : vector<16xf32>
        %add3A_1337 = arith.constant 41 : i32
        %add3A_1338 = vector.broadcast %add3A_1337 : i32 to vector<16xi32>
        %add3A_1339 = arith.addi %mul3A_101, %add3A_1338 : vector<16xi32>
        tpu.vector_store_idx %arg10[%add3A_1339], %add3A_1336 : memref<8320xf32, #tpu.memory_space<vmem>>[vector<16xi32>], vector<16xf32>,
        %mul3A_1340 = arith.mulf %unpack3A_1281, %gather3A_161 : vector<16xf32>
        %mul3A_1341 = arith.mulf %unpack3A_1282, %gather3A_177 : vector<16xf32>
        %add3A_1342 = arith.addf %mul3A_1340, %mul3A_1341 : vector<16xf32>
        %mul3A_1343 = arith.mulf %unpack3A_1288, %gather3A_193 : vector<16xf32>
        %add3A_1344 = arith.addf %add3A_1342, %mul3A_1343 : vector<16xf32>
        %mul3A_1345 = arith.mulf %unpack3A_1289, %gather3A_209 : vector<16xf32>
        %add3A_1346 = arith.addf %add3A_1344, %mul3A_1345 : vector<16xf32>
        %mul3A_1347 = arith.mulf %unpack3A_1295, %gather3A_225 : vector<16xf32>
        %add3A_1348 = arith.addf %add3A_1346, %mul3A_1347 : vector<16xf32>
        %mul3A_1349 = arith.mulf %unpack3A_1296, %gather3A_241 : vector<16xf32>
        %add3A_1350 = arith.addf %add3A_1348, %mul3A_1349 : vector<16xf32>
        %mul3A_1351 = arith.mulf %unpack3A_1302, %gather3A_257 : vector<16xf32>
        %add3A_1352 = arith.addf %add3A_1350, %mul3A_1351 : vector<16xf32>
        %mul3A_1353 = arith.mulf %unpack3A_1303, %gather3A_273 : vector<16xf32>
        %add3A_1354 = arith.addf %add3A_1352, %mul3A_1353 : vector<16xf32>
        %add3A_1355 = arith.constant 42 : i32
        %add3A_1356 = vector.broadcast %add3A_1355 : i32 to vector<16xi32>
        %add3A_1357 = arith.addi %mul3A_101, %add3A_1356 : vector<16xi32>
        tpu.vector_store_idx %arg10[%add3A_1357], %add3A_1354 : memref<8320xf32, #tpu.memory_space<vmem>>[vector<16xi32>], vector<16xf32>,
        %mul3A_1358 = arith.mulf %unpack3A_1281, %gather3A_165 : vector<16xf32>
        %mul3A_1359 = arith.mulf %unpack3A_1282, %gather3A_181 : vector<16xf32>
        %add3A_1360 = arith.addf %mul3A_1358, %mul3A_1359 : vector<16xf32>
        %mul3A_1361 = arith.mulf %unpack3A_1288, %gather3A_197 : vector<16xf32>
        %add3A_1362 = arith.addf %add3A_1360, %mul3A_1361 : vector<16xf32>
        %mul3A_1363 = arith.mulf %unpack3A_1289, %gather3A_213 : vector<16xf32>
        %add3A_1364 = arith.addf %add3A_1362, %mul3A_1363 : vector<16xf32>
        %mul3A_1365 = arith.mulf %unpack3A_1295, %gather3A_229 : vector<16xf32>
        %add3A_1366 = arith.addf %add3A_1364, %mul3A_1365 : vector<16xf32>
        %mul3A_1367 = arith.mulf %unpack3A_1296, %gather3A_245 : vector<16xf32>
        %add3A_1368 = arith.addf %add3A_1366, %mul3A_1367 : vector<16xf32>
        %mul3A_1369 = arith.mulf %unpack3A_1302, %gather3A_261 : vector<16xf32>
        %add3A_1370 = arith.addf %add3A_1368, %mul3A_1369 : vector<16xf32>
        %mul3A_1371 = arith.mulf %unpack3A_1303, %gather3A_277 : vector<16xf32>
        %add3A_1372 = arith.addf %add3A_1370, %mul3A_1371 : vector<16xf32>
        %add3A_1373 = arith.constant 43 : i32
        %add3A_1374 = vector.broadcast %add3A_1373 : i32 to vector<16xi32>
        %add3A_1375 = arith.addi %mul3A_101, %add3A_1374 : vector<16xi32>
        tpu.vector_store_idx %arg10[%add3A_1375], %add3A_1372 : memref<8320xf32, #tpu.memory_space<vmem>>[vector<16xi32>], vector<16xf32>,
        %add3A_1376 = arith.constant 862 : i32
        %add3A_1377 = vector.broadcast %add3A_1376 : i32 to vector<16xi32>
        %add3A_1378 = arith.addi %add3A_143, %add3A_1377 : vector<16xi32>
        %gather3A_1379 = tpu.vector_load_idx %arg6[%add3A_1378] : memref<68000xi32, #tpu.memory_space<vmem>>[vector<16xi32>], vector<16xi32>,
        %bitcast3A_1380 = vector.bitcast %gather3A_1379 : vector<16xi32> to vector<32xbf16>
        %unpack3A_1381 = tpu.unpack_subelements %bitcast3A_1380, 0 {pack_format = #tpu.pack_format<interleaved>} : vector<32xbf16> -> vector<16xf32>
        %unpack3A_1382 = tpu.unpack_subelements %bitcast3A_1380, 1 {pack_format = #tpu.pack_format<interleaved>} : vector<32xbf16> -> vector<16xf32>
        %add3A_1383 = arith.constant 863 : i32
        %add3A_1384 = vector.broadcast %add3A_1383 : i32 to vector<16xi32>
        %add3A_1385 = arith.addi %add3A_143, %add3A_1384 : vector<16xi32>
        %gather3A_1386 = tpu.vector_load_idx %arg6[%add3A_1385] : memref<68000xi32, #tpu.memory_space<vmem>>[vector<16xi32>], vector<16xi32>,
        %bitcast3A_1387 = vector.bitcast %gather3A_1386 : vector<16xi32> to vector<32xbf16>
        %unpack3A_1388 = tpu.unpack_subelements %bitcast3A_1387, 0 {pack_format = #tpu.pack_format<interleaved>} : vector<32xbf16> -> vector<16xf32>
        %unpack3A_1389 = tpu.unpack_subelements %bitcast3A_1387, 1 {pack_format = #tpu.pack_format<interleaved>} : vector<32xbf16> -> vector<16xf32>
        %add3A_1390 = arith.constant 864 : i32
        %add3A_1391 = vector.broadcast %add3A_1390 : i32 to vector<16xi32>
        %add3A_1392 = arith.addi %add3A_143, %add3A_1391 : vector<16xi32>
        %gather3A_1393 = tpu.vector_load_idx %arg6[%add3A_1392] : memref<68000xi32, #tpu.memory_space<vmem>>[vector<16xi32>], vector<16xi32>,
        %bitcast3A_1394 = vector.bitcast %gather3A_1393 : vector<16xi32> to vector<32xbf16>
        %unpack3A_1395 = tpu.unpack_subelements %bitcast3A_1394, 0 {pack_format = #tpu.pack_format<interleaved>} : vector<32xbf16> -> vector<16xf32>
        %unpack3A_1396 = tpu.unpack_subelements %bitcast3A_1394, 1 {pack_format = #tpu.pack_format<interleaved>} : vector<32xbf16> -> vector<16xf32>
        %add3A_1397 = arith.constant 865 : i32
        %add3A_1398 = vector.broadcast %add3A_1397 : i32 to vector<16xi32>
        %add3A_1399 = arith.addi %add3A_143, %add3A_1398 : vector<16xi32>
        %gather3A_1400 = tpu.vector_load_idx %arg6[%add3A_1399] : memref<68000xi32, #tpu.memory_space<vmem>>[vector<16xi32>], vector<16xi32>,
        %bitcast3A_1401 = vector.bitcast %gather3A_1400 : vector<16xi32> to vector<32xbf16>
        %unpack3A_1402 = tpu.unpack_subelements %bitcast3A_1401, 0 {pack_format = #tpu.pack_format<interleaved>} : vector<32xbf16> -> vector<16xf32>
        %unpack3A_1403 = tpu.unpack_subelements %bitcast3A_1401, 1 {pack_format = #tpu.pack_format<interleaved>} : vector<32xbf16> -> vector<16xf32>
        %mul3A_1404 = arith.mulf %unpack3A_1381, %gather3A : vector<16xf32>
        %mul3A_1405 = arith.mulf %unpack3A_1382, %gather3A_169 : vector<16xf32>
        %add3A_1406 = arith.addf %mul3A_1404, %mul3A_1405 : vector<16xf32>
        %mul3A_1407 = arith.mulf %unpack3A_1388, %gather3A_185 : vector<16xf32>
        %add3A_1408 = arith.addf %add3A_1406, %mul3A_1407 : vector<16xf32>
        %mul3A_1409 = arith.mulf %unpack3A_1389, %gather3A_201 : vector<16xf32>
        %add3A_1410 = arith.addf %add3A_1408, %mul3A_1409 : vector<16xf32>
        %mul3A_1411 = arith.mulf %unpack3A_1395, %gather3A_217 : vector<16xf32>
        %add3A_1412 = arith.addf %add3A_1410, %mul3A_1411 : vector<16xf32>
        %mul3A_1413 = arith.mulf %unpack3A_1396, %gather3A_233 : vector<16xf32>
        %add3A_1414 = arith.addf %add3A_1412, %mul3A_1413 : vector<16xf32>
        %mul3A_1415 = arith.mulf %unpack3A_1402, %gather3A_249 : vector<16xf32>
        %add3A_1416 = arith.addf %add3A_1414, %mul3A_1415 : vector<16xf32>
        %mul3A_1417 = arith.mulf %unpack3A_1403, %gather3A_265 : vector<16xf32>
        %add3A_1418 = arith.addf %add3A_1416, %mul3A_1417 : vector<16xf32>
        %add3A_1419 = arith.constant 44 : i32
        %add3A_1420 = vector.broadcast %add3A_1419 : i32 to vector<16xi32>
        %add3A_1421 = arith.addi %mul3A_101, %add3A_1420 : vector<16xi32>
        tpu.vector_store_idx %arg10[%add3A_1421], %add3A_1418 : memref<8320xf32, #tpu.memory_space<vmem>>[vector<16xi32>], vector<16xf32>,
        %mul3A_1422 = arith.mulf %unpack3A_1381, %gather3A_157 : vector<16xf32>
        %mul3A_1423 = arith.mulf %unpack3A_1382, %gather3A_173 : vector<16xf32>
        %add3A_1424 = arith.addf %mul3A_1422, %mul3A_1423 : vector<16xf32>
        %mul3A_1425 = arith.mulf %unpack3A_1388, %gather3A_189 : vector<16xf32>
        %add3A_1426 = arith.addf %add3A_1424, %mul3A_1425 : vector<16xf32>
        %mul3A_1427 = arith.mulf %unpack3A_1389, %gather3A_205 : vector<16xf32>
        %add3A_1428 = arith.addf %add3A_1426, %mul3A_1427 : vector<16xf32>
        %mul3A_1429 = arith.mulf %unpack3A_1395, %gather3A_221 : vector<16xf32>
        %add3A_1430 = arith.addf %add3A_1428, %mul3A_1429 : vector<16xf32>
        %mul3A_1431 = arith.mulf %unpack3A_1396, %gather3A_237 : vector<16xf32>
        %add3A_1432 = arith.addf %add3A_1430, %mul3A_1431 : vector<16xf32>
        %mul3A_1433 = arith.mulf %unpack3A_1402, %gather3A_253 : vector<16xf32>
        %add3A_1434 = arith.addf %add3A_1432, %mul3A_1433 : vector<16xf32>
        %mul3A_1435 = arith.mulf %unpack3A_1403, %gather3A_269 : vector<16xf32>
        %add3A_1436 = arith.addf %add3A_1434, %mul3A_1435 : vector<16xf32>
        %add3A_1437 = arith.constant 45 : i32
        %add3A_1438 = vector.broadcast %add3A_1437 : i32 to vector<16xi32>
        %add3A_1439 = arith.addi %mul3A_101, %add3A_1438 : vector<16xi32>
        tpu.vector_store_idx %arg10[%add3A_1439], %add3A_1436 : memref<8320xf32, #tpu.memory_space<vmem>>[vector<16xi32>], vector<16xf32>,
        %mul3A_1440 = arith.mulf %unpack3A_1381, %gather3A_161 : vector<16xf32>
        %mul3A_1441 = arith.mulf %unpack3A_1382, %gather3A_177 : vector<16xf32>
        %add3A_1442 = arith.addf %mul3A_1440, %mul3A_1441 : vector<16xf32>
        %mul3A_1443 = arith.mulf %unpack3A_1388, %gather3A_193 : vector<16xf32>
        %add3A_1444 = arith.addf %add3A_1442, %mul3A_1443 : vector<16xf32>
        %mul3A_1445 = arith.mulf %unpack3A_1389, %gather3A_209 : vector<16xf32>
        %add3A_1446 = arith.addf %add3A_1444, %mul3A_1445 : vector<16xf32>
        %mul3A_1447 = arith.mulf %unpack3A_1395, %gather3A_225 : vector<16xf32>
        %add3A_1448 = arith.addf %add3A_1446, %mul3A_1447 : vector<16xf32>
        %mul3A_1449 = arith.mulf %unpack3A_1396, %gather3A_241 : vector<16xf32>
        %add3A_1450 = arith.addf %add3A_1448, %mul3A_1449 : vector<16xf32>
        %mul3A_1451 = arith.mulf %unpack3A_1402, %gather3A_257 : vector<16xf32>
        %add3A_1452 = arith.addf %add3A_1450, %mul3A_1451 : vector<16xf32>
        %mul3A_1453 = arith.mulf %unpack3A_1403, %gather3A_273 : vector<16xf32>
        %add3A_1454 = arith.addf %add3A_1452, %mul3A_1453 : vector<16xf32>
        %add3A_1455 = arith.constant 46 : i32
        %add3A_1456 = vector.broadcast %add3A_1455 : i32 to vector<16xi32>
        %add3A_1457 = arith.addi %mul3A_101, %add3A_1456 : vector<16xi32>
        tpu.vector_store_idx %arg10[%add3A_1457], %add3A_1454 : memref<8320xf32, #tpu.memory_space<vmem>>[vector<16xi32>], vector<16xf32>,
        %mul3A_1458 = arith.mulf %unpack3A_1381, %gather3A_165 : vector<16xf32>
        %mul3A_1459 = arith.mulf %unpack3A_1382, %gather3A_181 : vector<16xf32>
        %add3A_1460 = arith.addf %mul3A_1458, %mul3A_1459 : vector<16xf32>
        %mul3A_1461 = arith.mulf %unpack3A_1388, %gather3A_197 : vector<16xf32>
        %add3A_1462 = arith.addf %add3A_1460, %mul3A_1461 : vector<16xf32>
        %mul3A_1463 = arith.mulf %unpack3A_1389, %gather3A_213 : vector<16xf32>
        %add3A_1464 = arith.addf %add3A_1462, %mul3A_1463 : vector<16xf32>
        %mul3A_1465 = arith.mulf %unpack3A_1395, %gather3A_229 : vector<16xf32>
        %add3A_1466 = arith.addf %add3A_1464, %mul3A_1465 : vector<16xf32>
        %mul3A_1467 = arith.mulf %unpack3A_1396, %gather3A_245 : vector<16xf32>
        %add3A_1468 = arith.addf %add3A_1466, %mul3A_1467 : vector<16xf32>
        %mul3A_1469 = arith.mulf %unpack3A_1402, %gather3A_261 : vector<16xf32>
        %add3A_1470 = arith.addf %add3A_1468, %mul3A_1469 : vector<16xf32>
        %mul3A_1471 = arith.mulf %unpack3A_1403, %gather3A_277 : vector<16xf32>
        %add3A_1472 = arith.addf %add3A_1470, %mul3A_1471 : vector<16xf32>
        %add3A_1473 = arith.constant 47 : i32
        %add3A_1474 = vector.broadcast %add3A_1473 : i32 to vector<16xi32>
        %add3A_1475 = arith.addi %mul3A_101, %add3A_1474 : vector<16xi32>
        tpu.vector_store_idx %arg10[%add3A_1475], %add3A_1472 : memref<8320xf32, #tpu.memory_space<vmem>>[vector<16xi32>], vector<16xf32>,
        %add3A_1476 = arith.constant 1275 : i32
        %add3A_1477 = vector.broadcast %add3A_1476 : i32 to vector<16xi32>
        %add3A_1478 = arith.addi %add3A_143, %add3A_1477 : vector<16xi32>
        %gather3A_1479 = tpu.vector_load_idx %arg6[%add3A_1478] : memref<68000xi32, #tpu.memory_space<vmem>>[vector<16xi32>], vector<16xi32>,
        %bitcast3A_1480 = vector.bitcast %gather3A_1479 : vector<16xi32> to vector<32xbf16>
        %unpack3A_1481 = tpu.unpack_subelements %bitcast3A_1480, 0 {pack_format = #tpu.pack_format<interleaved>} : vector<32xbf16> -> vector<16xf32>
        %unpack3A_1482 = tpu.unpack_subelements %bitcast3A_1480, 1 {pack_format = #tpu.pack_format<interleaved>} : vector<32xbf16> -> vector<16xf32>
        %add3A_1483 = arith.constant 1276 : i32
        %add3A_1484 = vector.broadcast %add3A_1483 : i32 to vector<16xi32>
        %add3A_1485 = arith.addi %add3A_143, %add3A_1484 : vector<16xi32>
        %gather3A_1486 = tpu.vector_load_idx %arg6[%add3A_1485] : memref<68000xi32, #tpu.memory_space<vmem>>[vector<16xi32>], vector<16xi32>,
        %bitcast3A_1487 = vector.bitcast %gather3A_1486 : vector<16xi32> to vector<32xbf16>
        %unpack3A_1488 = tpu.unpack_subelements %bitcast3A_1487, 0 {pack_format = #tpu.pack_format<interleaved>} : vector<32xbf16> -> vector<16xf32>
        %unpack3A_1489 = tpu.unpack_subelements %bitcast3A_1487, 1 {pack_format = #tpu.pack_format<interleaved>} : vector<32xbf16> -> vector<16xf32>
        %add3A_1490 = arith.constant 1277 : i32
        %add3A_1491 = vector.broadcast %add3A_1490 : i32 to vector<16xi32>
        %add3A_1492 = arith.addi %add3A_143, %add3A_1491 : vector<16xi32>
        %gather3A_1493 = tpu.vector_load_idx %arg6[%add3A_1492] : memref<68000xi32, #tpu.memory_space<vmem>>[vector<16xi32>], vector<16xi32>,
        %bitcast3A_1494 = vector.bitcast %gather3A_1493 : vector<16xi32> to vector<32xbf16>
        %unpack3A_1495 = tpu.unpack_subelements %bitcast3A_1494, 0 {pack_format = #tpu.pack_format<interleaved>} : vector<32xbf16> -> vector<16xf32>
        %unpack3A_1496 = tpu.unpack_subelements %bitcast3A_1494, 1 {pack_format = #tpu.pack_format<interleaved>} : vector<32xbf16> -> vector<16xf32>
        %add3A_1497 = arith.constant 1278 : i32
        %add3A_1498 = vector.broadcast %add3A_1497 : i32 to vector<16xi32>
        %add3A_1499 = arith.addi %add3A_143, %add3A_1498 : vector<16xi32>
        %gather3A_1500 = tpu.vector_load_idx %arg6[%add3A_1499] : memref<68000xi32, #tpu.memory_space<vmem>>[vector<16xi32>], vector<16xi32>,
        %bitcast3A_1501 = vector.bitcast %gather3A_1500 : vector<16xi32> to vector<32xbf16>
        %unpack3A_1502 = tpu.unpack_subelements %bitcast3A_1501, 0 {pack_format = #tpu.pack_format<interleaved>} : vector<32xbf16> -> vector<16xf32>
        %unpack3A_1503 = tpu.unpack_subelements %bitcast3A_1501, 1 {pack_format = #tpu.pack_format<interleaved>} : vector<32xbf16> -> vector<16xf32>
        %mul3A_1504 = arith.mulf %unpack3A_1481, %gather3A : vector<16xf32>
        %mul3A_1505 = arith.mulf %unpack3A_1482, %gather3A_169 : vector<16xf32>
        %add3A_1506 = arith.addf %mul3A_1504, %mul3A_1505 : vector<16xf32>
        %mul3A_1507 = arith.mulf %unpack3A_1488, %gather3A_185 : vector<16xf32>
        %add3A_1508 = arith.addf %add3A_1506, %mul3A_1507 : vector<16xf32>
        %mul3A_1509 = arith.mulf %unpack3A_1489, %gather3A_201 : vector<16xf32>
        %add3A_1510 = arith.addf %add3A_1508, %mul3A_1509 : vector<16xf32>
        %mul3A_1511 = arith.mulf %unpack3A_1495, %gather3A_217 : vector<16xf32>
        %add3A_1512 = arith.addf %add3A_1510, %mul3A_1511 : vector<16xf32>
        %mul3A_1513 = arith.mulf %unpack3A_1496, %gather3A_233 : vector<16xf32>
        %add3A_1514 = arith.addf %add3A_1512, %mul3A_1513 : vector<16xf32>
        %mul3A_1515 = arith.mulf %unpack3A_1502, %gather3A_249 : vector<16xf32>
        %add3A_1516 = arith.addf %add3A_1514, %mul3A_1515 : vector<16xf32>
        %mul3A_1517 = arith.mulf %unpack3A_1503, %gather3A_265 : vector<16xf32>
        %add3A_1518 = arith.addf %add3A_1516, %mul3A_1517 : vector<16xf32>
        %add3A_1519 = arith.constant 48 : i32
        %add3A_1520 = vector.broadcast %add3A_1519 : i32 to vector<16xi32>
        %add3A_1521 = arith.addi %mul3A_101, %add3A_1520 : vector<16xi32>
        tpu.vector_store_idx %arg10[%add3A_1521], %add3A_1518 : memref<8320xf32, #tpu.memory_space<vmem>>[vector<16xi32>], vector<16xf32>,
        %mul3A_1522 = arith.mulf %unpack3A_1481, %gather3A_157 : vector<16xf32>
        %mul3A_1523 = arith.mulf %unpack3A_1482, %gather3A_173 : vector<16xf32>
        %add3A_1524 = arith.addf %mul3A_1522, %mul3A_1523 : vector<16xf32>
        %mul3A_1525 = arith.mulf %unpack3A_1488, %gather3A_189 : vector<16xf32>
        %add3A_1526 = arith.addf %add3A_1524, %mul3A_1525 : vector<16xf32>
        %mul3A_1527 = arith.mulf %unpack3A_1489, %gather3A_205 : vector<16xf32>
        %add3A_1528 = arith.addf %add3A_1526, %mul3A_1527 : vector<16xf32>
        %mul3A_1529 = arith.mulf %unpack3A_1495, %gather3A_221 : vector<16xf32>
        %add3A_1530 = arith.addf %add3A_1528, %mul3A_1529 : vector<16xf32>
        %mul3A_1531 = arith.mulf %unpack3A_1496, %gather3A_237 : vector<16xf32>
        %add3A_1532 = arith.addf %add3A_1530, %mul3A_1531 : vector<16xf32>
        %mul3A_1533 = arith.mulf %unpack3A_1502, %gather3A_253 : vector<16xf32>
        %add3A_1534 = arith.addf %add3A_1532, %mul3A_1533 : vector<16xf32>
        %mul3A_1535 = arith.mulf %unpack3A_1503, %gather3A_269 : vector<16xf32>
        %add3A_1536 = arith.addf %add3A_1534, %mul3A_1535 : vector<16xf32>
        %add3A_1537 = arith.constant 49 : i32
        %add3A_1538 = vector.broadcast %add3A_1537 : i32 to vector<16xi32>
        %add3A_1539 = arith.addi %mul3A_101, %add3A_1538 : vector<16xi32>
        tpu.vector_store_idx %arg10[%add3A_1539], %add3A_1536 : memref<8320xf32, #tpu.memory_space<vmem>>[vector<16xi32>], vector<16xf32>,
        %mul3A_1540 = arith.mulf %unpack3A_1481, %gather3A_161 : vector<16xf32>
        %mul3A_1541 = arith.mulf %unpack3A_1482, %gather3A_177 : vector<16xf32>
        %add3A_1542 = arith.addf %mul3A_1540, %mul3A_1541 : vector<16xf32>
        %mul3A_1543 = arith.mulf %unpack3A_1488, %gather3A_193 : vector<16xf32>
        %add3A_1544 = arith.addf %add3A_1542, %mul3A_1543 : vector<16xf32>
        %mul3A_1545 = arith.mulf %unpack3A_1489, %gather3A_209 : vector<16xf32>
        %add3A_1546 = arith.addf %add3A_1544, %mul3A_1545 : vector<16xf32>
        %mul3A_1547 = arith.mulf %unpack3A_1495, %gather3A_225 : vector<16xf32>
        %add3A_1548 = arith.addf %add3A_1546, %mul3A_1547 : vector<16xf32>
        %mul3A_1549 = arith.mulf %unpack3A_1496, %gather3A_241 : vector<16xf32>
        %add3A_1550 = arith.addf %add3A_1548, %mul3A_1549 : vector<16xf32>
        %mul3A_1551 = arith.mulf %unpack3A_1502, %gather3A_257 : vector<16xf32>
        %add3A_1552 = arith.addf %add3A_1550, %mul3A_1551 : vector<16xf32>
        %mul3A_1553 = arith.mulf %unpack3A_1503, %gather3A_273 : vector<16xf32>
        %add3A_1554 = arith.addf %add3A_1552, %mul3A_1553 : vector<16xf32>
        %add3A_1555 = arith.constant 50 : i32
        %add3A_1556 = vector.broadcast %add3A_1555 : i32 to vector<16xi32>
        %add3A_1557 = arith.addi %mul3A_101, %add3A_1556 : vector<16xi32>
        tpu.vector_store_idx %arg10[%add3A_1557], %add3A_1554 : memref<8320xf32, #tpu.memory_space<vmem>>[vector<16xi32>], vector<16xf32>,
        %mul3A_1558 = arith.mulf %unpack3A_1481, %gather3A_165 : vector<16xf32>
        %mul3A_1559 = arith.mulf %unpack3A_1482, %gather3A_181 : vector<16xf32>
        %add3A_1560 = arith.addf %mul3A_1558, %mul3A_1559 : vector<16xf32>
        %mul3A_1561 = arith.mulf %unpack3A_1488, %gather3A_197 : vector<16xf32>
        %add3A_1562 = arith.addf %add3A_1560, %mul3A_1561 : vector<16xf32>
        %mul3A_1563 = arith.mulf %unpack3A_1489, %gather3A_213 : vector<16xf32>
        %add3A_1564 = arith.addf %add3A_1562, %mul3A_1563 : vector<16xf32>
        %mul3A_1565 = arith.mulf %unpack3A_1495, %gather3A_229 : vector<16xf32>
        %add3A_1566 = arith.addf %add3A_1564, %mul3A_1565 : vector<16xf32>
        %mul3A_1567 = arith.mulf %unpack3A_1496, %gather3A_245 : vector<16xf32>
        %add3A_1568 = arith.addf %add3A_1566, %mul3A_1567 : vector<16xf32>
        %mul3A_1569 = arith.mulf %unpack3A_1502, %gather3A_261 : vector<16xf32>
        %add3A_1570 = arith.addf %add3A_1568, %mul3A_1569 : vector<16xf32>
        %mul3A_1571 = arith.mulf %unpack3A_1503, %gather3A_277 : vector<16xf32>
        %add3A_1572 = arith.addf %add3A_1570, %mul3A_1571 : vector<16xf32>
        %add3A_1573 = arith.constant 51 : i32
        %add3A_1574 = vector.broadcast %add3A_1573 : i32 to vector<16xi32>
        %add3A_1575 = arith.addi %mul3A_101, %add3A_1574 : vector<16xi32>
        tpu.vector_store_idx %arg10[%add3A_1575], %add3A_1572 : memref<8320xf32, #tpu.memory_space<vmem>>[vector<16xi32>], vector<16xf32>,
        %add3A_1576 = arith.constant 1279 : i32
        %add3A_1577 = vector.broadcast %add3A_1576 : i32 to vector<16xi32>
        %add3A_1578 = arith.addi %add3A_143, %add3A_1577 : vector<16xi32>
        %gather3A_1579 = tpu.vector_load_idx %arg6[%add3A_1578] : memref<68000xi32, #tpu.memory_space<vmem>>[vector<16xi32>], vector<16xi32>,
        %bitcast3A_1580 = vector.bitcast %gather3A_1579 : vector<16xi32> to vector<32xbf16>
        %unpack3A_1581 = tpu.unpack_subelements %bitcast3A_1580, 0 {pack_format = #tpu.pack_format<interleaved>} : vector<32xbf16> -> vector<16xf32>
        %unpack3A_1582 = tpu.unpack_subelements %bitcast3A_1580, 1 {pack_format = #tpu.pack_format<interleaved>} : vector<32xbf16> -> vector<16xf32>
        %add3A_1583 = arith.constant 1280 : i32
        %add3A_1584 = vector.broadcast %add3A_1583 : i32 to vector<16xi32>
        %add3A_1585 = arith.addi %add3A_143, %add3A_1584 : vector<16xi32>
        %gather3A_1586 = tpu.vector_load_idx %arg6[%add3A_1585] : memref<68000xi32, #tpu.memory_space<vmem>>[vector<16xi32>], vector<16xi32>,
        %bitcast3A_1587 = vector.bitcast %gather3A_1586 : vector<16xi32> to vector<32xbf16>
        %unpack3A_1588 = tpu.unpack_subelements %bitcast3A_1587, 0 {pack_format = #tpu.pack_format<interleaved>} : vector<32xbf16> -> vector<16xf32>
        %unpack3A_1589 = tpu.unpack_subelements %bitcast3A_1587, 1 {pack_format = #tpu.pack_format<interleaved>} : vector<32xbf16> -> vector<16xf32>
        %add3A_1590 = arith.constant 1281 : i32
        %add3A_1591 = vector.broadcast %add3A_1590 : i32 to vector<16xi32>
        %add3A_1592 = arith.addi %add3A_143, %add3A_1591 : vector<16xi32>
        %gather3A_1593 = tpu.vector_load_idx %arg6[%add3A_1592] : memref<68000xi32, #tpu.memory_space<vmem>>[vector<16xi32>], vector<16xi32>,
        %bitcast3A_1594 = vector.bitcast %gather3A_1593 : vector<16xi32> to vector<32xbf16>
        %unpack3A_1595 = tpu.unpack_subelements %bitcast3A_1594, 0 {pack_format = #tpu.pack_format<interleaved>} : vector<32xbf16> -> vector<16xf32>
        %unpack3A_1596 = tpu.unpack_subelements %bitcast3A_1594, 1 {pack_format = #tpu.pack_format<interleaved>} : vector<32xbf16> -> vector<16xf32>
        %add3A_1597 = arith.constant 1282 : i32
        %add3A_1598 = vector.broadcast %add3A_1597 : i32 to vector<16xi32>
        %add3A_1599 = arith.addi %add3A_143, %add3A_1598 : vector<16xi32>
        %gather3A_1600 = tpu.vector_load_idx %arg6[%add3A_1599] : memref<68000xi32, #tpu.memory_space<vmem>>[vector<16xi32>], vector<16xi32>,
        %bitcast3A_1601 = vector.bitcast %gather3A_1600 : vector<16xi32> to vector<32xbf16>
        %unpack3A_1602 = tpu.unpack_subelements %bitcast3A_1601, 0 {pack_format = #tpu.pack_format<interleaved>} : vector<32xbf16> -> vector<16xf32>
        %unpack3A_1603 = tpu.unpack_subelements %bitcast3A_1601, 1 {pack_format = #tpu.pack_format<interleaved>} : vector<32xbf16> -> vector<16xf32>
        %mul3A_1604 = arith.mulf %unpack3A_1581, %gather3A : vector<16xf32>
        %mul3A_1605 = arith.mulf %unpack3A_1582, %gather3A_169 : vector<16xf32>
        %add3A_1606 = arith.addf %mul3A_1604, %mul3A_1605 : vector<16xf32>
        %mul3A_1607 = arith.mulf %unpack3A_1588, %gather3A_185 : vector<16xf32>
        %add3A_1608 = arith.addf %add3A_1606, %mul3A_1607 : vector<16xf32>
        %mul3A_1609 = arith.mulf %unpack3A_1589, %gather3A_201 : vector<16xf32>
        %add3A_1610 = arith.addf %add3A_1608, %mul3A_1609 : vector<16xf32>
        %mul3A_1611 = arith.mulf %unpack3A_1595, %gather3A_217 : vector<16xf32>
        %add3A_1612 = arith.addf %add3A_1610, %mul3A_1611 : vector<16xf32>
        %mul3A_1613 = arith.mulf %unpack3A_1596, %gather3A_233 : vector<16xf32>
        %add3A_1614 = arith.addf %add3A_1612, %mul3A_1613 : vector<16xf32>
        %mul3A_1615 = arith.mulf %unpack3A_1602, %gather3A_249 : vector<16xf32>
        %add3A_1616 = arith.addf %add3A_1614, %mul3A_1615 : vector<16xf32>
        %mul3A_1617 = arith.mulf %unpack3A_1603, %gather3A_265 : vector<16xf32>
        %add3A_1618 = arith.addf %add3A_1616, %mul3A_1617 : vector<16xf32>
        %add3A_1619 = arith.constant 52 : i32
        %add3A_1620 = vector.broadcast %add3A_1619 : i32 to vector<16xi32>
        %add3A_1621 = arith.addi %mul3A_101, %add3A_1620 : vector<16xi32>
        tpu.vector_store_idx %arg10[%add3A_1621], %add3A_1618 : memref<8320xf32, #tpu.memory_space<vmem>>[vector<16xi32>], vector<16xf32>,
        %mul3A_1622 = arith.mulf %unpack3A_1581, %gather3A_157 : vector<16xf32>
        %mul3A_1623 = arith.mulf %unpack3A_1582, %gather3A_173 : vector<16xf32>
        %add3A_1624 = arith.addf %mul3A_1622, %mul3A_1623 : vector<16xf32>
        %mul3A_1625 = arith.mulf %unpack3A_1588, %gather3A_189 : vector<16xf32>
        %add3A_1626 = arith.addf %add3A_1624, %mul3A_1625 : vector<16xf32>
        %mul3A_1627 = arith.mulf %unpack3A_1589, %gather3A_205 : vector<16xf32>
        %add3A_1628 = arith.addf %add3A_1626, %mul3A_1627 : vector<16xf32>
        %mul3A_1629 = arith.mulf %unpack3A_1595, %gather3A_221 : vector<16xf32>
        %add3A_1630 = arith.addf %add3A_1628, %mul3A_1629 : vector<16xf32>
        %mul3A_1631 = arith.mulf %unpack3A_1596, %gather3A_237 : vector<16xf32>
        %add3A_1632 = arith.addf %add3A_1630, %mul3A_1631 : vector<16xf32>
        %mul3A_1633 = arith.mulf %unpack3A_1602, %gather3A_253 : vector<16xf32>
        %add3A_1634 = arith.addf %add3A_1632, %mul3A_1633 : vector<16xf32>
        %mul3A_1635 = arith.mulf %unpack3A_1603, %gather3A_269 : vector<16xf32>
        %add3A_1636 = arith.addf %add3A_1634, %mul3A_1635 : vector<16xf32>
        %add3A_1637 = arith.constant 53 : i32
        %add3A_1638 = vector.broadcast %add3A_1637 : i32 to vector<16xi32>
        %add3A_1639 = arith.addi %mul3A_101, %add3A_1638 : vector<16xi32>
        tpu.vector_store_idx %arg10[%add3A_1639], %add3A_1636 : memref<8320xf32, #tpu.memory_space<vmem>>[vector<16xi32>], vector<16xf32>,
        %mul3A_1640 = arith.mulf %unpack3A_1581, %gather3A_161 : vector<16xf32>
        %mul3A_1641 = arith.mulf %unpack3A_1582, %gather3A_177 : vector<16xf32>
        %add3A_1642 = arith.addf %mul3A_1640, %mul3A_1641 : vector<16xf32>
        %mul3A_1643 = arith.mulf %unpack3A_1588, %gather3A_193 : vector<16xf32>
        %add3A_1644 = arith.addf %add3A_1642, %mul3A_1643 : vector<16xf32>
        %mul3A_1645 = arith.mulf %unpack3A_1589, %gather3A_209 : vector<16xf32>
        %add3A_1646 = arith.addf %add3A_1644, %mul3A_1645 : vector<16xf32>
        %mul3A_1647 = arith.mulf %unpack3A_1595, %gather3A_225 : vector<16xf32>
        %add3A_1648 = arith.addf %add3A_1646, %mul3A_1647 : vector<16xf32>
        %mul3A_1649 = arith.mulf %unpack3A_1596, %gather3A_241 : vector<16xf32>
        %add3A_1650 = arith.addf %add3A_1648, %mul3A_1649 : vector<16xf32>
        %mul3A_1651 = arith.mulf %unpack3A_1602, %gather3A_257 : vector<16xf32>
        %add3A_1652 = arith.addf %add3A_1650, %mul3A_1651 : vector<16xf32>
        %mul3A_1653 = arith.mulf %unpack3A_1603, %gather3A_273 : vector<16xf32>
        %add3A_1654 = arith.addf %add3A_1652, %mul3A_1653 : vector<16xf32>
        %add3A_1655 = arith.constant 54 : i32
        %add3A_1656 = vector.broadcast %add3A_1655 : i32 to vector<16xi32>
        %add3A_1657 = arith.addi %mul3A_101, %add3A_1656 : vector<16xi32>
        tpu.vector_store_idx %arg10[%add3A_1657], %add3A_1654 : memref<8320xf32, #tpu.memory_space<vmem>>[vector<16xi32>], vector<16xf32>,
        %mul3A_1658 = arith.mulf %unpack3A_1581, %gather3A_165 : vector<16xf32>
        %mul3A_1659 = arith.mulf %unpack3A_1582, %gather3A_181 : vector<16xf32>
        %add3A_1660 = arith.addf %mul3A_1658, %mul3A_1659 : vector<16xf32>
        %mul3A_1661 = arith.mulf %unpack3A_1588, %gather3A_197 : vector<16xf32>
        %add3A_1662 = arith.addf %add3A_1660, %mul3A_1661 : vector<16xf32>
        %mul3A_1663 = arith.mulf %unpack3A_1589, %gather3A_213 : vector<16xf32>
        %add3A_1664 = arith.addf %add3A_1662, %mul3A_1663 : vector<16xf32>
        %mul3A_1665 = arith.mulf %unpack3A_1595, %gather3A_229 : vector<16xf32>
        %add3A_1666 = arith.addf %add3A_1664, %mul3A_1665 : vector<16xf32>
        %mul3A_1667 = arith.mulf %unpack3A_1596, %gather3A_245 : vector<16xf32>
        %add3A_1668 = arith.addf %add3A_1666, %mul3A_1667 : vector<16xf32>
        %mul3A_1669 = arith.mulf %unpack3A_1602, %gather3A_261 : vector<16xf32>
        %add3A_1670 = arith.addf %add3A_1668, %mul3A_1669 : vector<16xf32>
        %mul3A_1671 = arith.mulf %unpack3A_1603, %gather3A_277 : vector<16xf32>
        %add3A_1672 = arith.addf %add3A_1670, %mul3A_1671 : vector<16xf32>
        %add3A_1673 = arith.constant 55 : i32
        %add3A_1674 = vector.broadcast %add3A_1673 : i32 to vector<16xi32>
        %add3A_1675 = arith.addi %mul3A_101, %add3A_1674 : vector<16xi32>
        tpu.vector_store_idx %arg10[%add3A_1675], %add3A_1672 : memref<8320xf32, #tpu.memory_space<vmem>>[vector<16xi32>], vector<16xf32>,
        %add3A_1676 = arith.constant 1283 : i32
        %add3A_1677 = vector.broadcast %add3A_1676 : i32 to vector<16xi32>
        %add3A_1678 = arith.addi %add3A_143, %add3A_1677 : vector<16xi32>
        %gather3A_1679 = tpu.vector_load_idx %arg6[%add3A_1678] : memref<68000xi32, #tpu.memory_space<vmem>>[vector<16xi32>], vector<16xi32>,
        %bitcast3A_1680 = vector.bitcast %gather3A_1679 : vector<16xi32> to vector<32xbf16>
        %unpack3A_1681 = tpu.unpack_subelements %bitcast3A_1680, 0 {pack_format = #tpu.pack_format<interleaved>} : vector<32xbf16> -> vector<16xf32>
        %unpack3A_1682 = tpu.unpack_subelements %bitcast3A_1680, 1 {pack_format = #tpu.pack_format<interleaved>} : vector<32xbf16> -> vector<16xf32>
        %add3A_1683 = arith.constant 1284 : i32
        %add3A_1684 = vector.broadcast %add3A_1683 : i32 to vector<16xi32>
        %add3A_1685 = arith.addi %add3A_143, %add3A_1684 : vector<16xi32>
        %gather3A_1686 = tpu.vector_load_idx %arg6[%add3A_1685] : memref<68000xi32, #tpu.memory_space<vmem>>[vector<16xi32>], vector<16xi32>,
        %bitcast3A_1687 = vector.bitcast %gather3A_1686 : vector<16xi32> to vector<32xbf16>
        %unpack3A_1688 = tpu.unpack_subelements %bitcast3A_1687, 0 {pack_format = #tpu.pack_format<interleaved>} : vector<32xbf16> -> vector<16xf32>
        %unpack3A_1689 = tpu.unpack_subelements %bitcast3A_1687, 1 {pack_format = #tpu.pack_format<interleaved>} : vector<32xbf16> -> vector<16xf32>
        %add3A_1690 = arith.constant 1285 : i32
        %add3A_1691 = vector.broadcast %add3A_1690 : i32 to vector<16xi32>
        %add3A_1692 = arith.addi %add3A_143, %add3A_1691 : vector<16xi32>
        %gather3A_1693 = tpu.vector_load_idx %arg6[%add3A_1692] : memref<68000xi32, #tpu.memory_space<vmem>>[vector<16xi32>], vector<16xi32>,
        %bitcast3A_1694 = vector.bitcast %gather3A_1693 : vector<16xi32> to vector<32xbf16>
        %unpack3A_1695 = tpu.unpack_subelements %bitcast3A_1694, 0 {pack_format = #tpu.pack_format<interleaved>} : vector<32xbf16> -> vector<16xf32>
        %unpack3A_1696 = tpu.unpack_subelements %bitcast3A_1694, 1 {pack_format = #tpu.pack_format<interleaved>} : vector<32xbf16> -> vector<16xf32>
        %add3A_1697 = arith.constant 1286 : i32
        %add3A_1698 = vector.broadcast %add3A_1697 : i32 to vector<16xi32>
        %add3A_1699 = arith.addi %add3A_143, %add3A_1698 : vector<16xi32>
        %gather3A_1700 = tpu.vector_load_idx %arg6[%add3A_1699] : memref<68000xi32, #tpu.memory_space<vmem>>[vector<16xi32>], vector<16xi32>,
        %bitcast3A_1701 = vector.bitcast %gather3A_1700 : vector<16xi32> to vector<32xbf16>
        %unpack3A_1702 = tpu.unpack_subelements %bitcast3A_1701, 0 {pack_format = #tpu.pack_format<interleaved>} : vector<32xbf16> -> vector<16xf32>
        %unpack3A_1703 = tpu.unpack_subelements %bitcast3A_1701, 1 {pack_format = #tpu.pack_format<interleaved>} : vector<32xbf16> -> vector<16xf32>
        %mul3A_1704 = arith.mulf %unpack3A_1681, %gather3A : vector<16xf32>
        %mul3A_1705 = arith.mulf %unpack3A_1682, %gather3A_169 : vector<16xf32>
        %add3A_1706 = arith.addf %mul3A_1704, %mul3A_1705 : vector<16xf32>
        %mul3A_1707 = arith.mulf %unpack3A_1688, %gather3A_185 : vector<16xf32>
        %add3A_1708 = arith.addf %add3A_1706, %mul3A_1707 : vector<16xf32>
        %mul3A_1709 = arith.mulf %unpack3A_1689, %gather3A_201 : vector<16xf32>
        %add3A_1710 = arith.addf %add3A_1708, %mul3A_1709 : vector<16xf32>
        %mul3A_1711 = arith.mulf %unpack3A_1695, %gather3A_217 : vector<16xf32>
        %add3A_1712 = arith.addf %add3A_1710, %mul3A_1711 : vector<16xf32>
        %mul3A_1713 = arith.mulf %unpack3A_1696, %gather3A_233 : vector<16xf32>
        %add3A_1714 = arith.addf %add3A_1712, %mul3A_1713 : vector<16xf32>
        %mul3A_1715 = arith.mulf %unpack3A_1702, %gather3A_249 : vector<16xf32>
        %add3A_1716 = arith.addf %add3A_1714, %mul3A_1715 : vector<16xf32>
        %mul3A_1717 = arith.mulf %unpack3A_1703, %gather3A_265 : vector<16xf32>
        %add3A_1718 = arith.addf %add3A_1716, %mul3A_1717 : vector<16xf32>
        %add3A_1719 = arith.constant 56 : i32
        %add3A_1720 = vector.broadcast %add3A_1719 : i32 to vector<16xi32>
        %add3A_1721 = arith.addi %mul3A_101, %add3A_1720 : vector<16xi32>
        tpu.vector_store_idx %arg10[%add3A_1721], %add3A_1718 : memref<8320xf32, #tpu.memory_space<vmem>>[vector<16xi32>], vector<16xf32>,
        %mul3A_1722 = arith.mulf %unpack3A_1681, %gather3A_157 : vector<16xf32>
        %mul3A_1723 = arith.mulf %unpack3A_1682, %gather3A_173 : vector<16xf32>
        %add3A_1724 = arith.addf %mul3A_1722, %mul3A_1723 : vector<16xf32>
        %mul3A_1725 = arith.mulf %unpack3A_1688, %gather3A_189 : vector<16xf32>
        %add3A_1726 = arith.addf %add3A_1724, %mul3A_1725 : vector<16xf32>
        %mul3A_1727 = arith.mulf %unpack3A_1689, %gather3A_205 : vector<16xf32>
        %add3A_1728 = arith.addf %add3A_1726, %mul3A_1727 : vector<16xf32>
        %mul3A_1729 = arith.mulf %unpack3A_1695, %gather3A_221 : vector<16xf32>
        %add3A_1730 = arith.addf %add3A_1728, %mul3A_1729 : vector<16xf32>
        %mul3A_1731 = arith.mulf %unpack3A_1696, %gather3A_237 : vector<16xf32>
        %add3A_1732 = arith.addf %add3A_1730, %mul3A_1731 : vector<16xf32>
        %mul3A_1733 = arith.mulf %unpack3A_1702, %gather3A_253 : vector<16xf32>
        %add3A_1734 = arith.addf %add3A_1732, %mul3A_1733 : vector<16xf32>
        %mul3A_1735 = arith.mulf %unpack3A_1703, %gather3A_269 : vector<16xf32>
        %add3A_1736 = arith.addf %add3A_1734, %mul3A_1735 : vector<16xf32>
        %add3A_1737 = arith.constant 57 : i32
        %add3A_1738 = vector.broadcast %add3A_1737 : i32 to vector<16xi32>
        %add3A_1739 = arith.addi %mul3A_101, %add3A_1738 : vector<16xi32>
        tpu.vector_store_idx %arg10[%add3A_1739], %add3A_1736 : memref<8320xf32, #tpu.memory_space<vmem>>[vector<16xi32>], vector<16xf32>,
        %mul3A_1740 = arith.mulf %unpack3A_1681, %gather3A_161 : vector<16xf32>
        %mul3A_1741 = arith.mulf %unpack3A_1682, %gather3A_177 : vector<16xf32>
        %add3A_1742 = arith.addf %mul3A_1740, %mul3A_1741 : vector<16xf32>
        %mul3A_1743 = arith.mulf %unpack3A_1688, %gather3A_193 : vector<16xf32>
        %add3A_1744 = arith.addf %add3A_1742, %mul3A_1743 : vector<16xf32>
        %mul3A_1745 = arith.mulf %unpack3A_1689, %gather3A_209 : vector<16xf32>
        %add3A_1746 = arith.addf %add3A_1744, %mul3A_1745 : vector<16xf32>
        %mul3A_1747 = arith.mulf %unpack3A_1695, %gather3A_225 : vector<16xf32>
        %add3A_1748 = arith.addf %add3A_1746, %mul3A_1747 : vector<16xf32>
        %mul3A_1749 = arith.mulf %unpack3A_1696, %gather3A_241 : vector<16xf32>
        %add3A_1750 = arith.addf %add3A_1748, %mul3A_1749 : vector<16xf32>
        %mul3A_1751 = arith.mulf %unpack3A_1702, %gather3A_257 : vector<16xf32>
        %add3A_1752 = arith.addf %add3A_1750, %mul3A_1751 : vector<16xf32>
        %mul3A_1753 = arith.mulf %unpack3A_1703, %gather3A_273 : vector<16xf32>
        %add3A_1754 = arith.addf %add3A_1752, %mul3A_1753 : vector<16xf32>
        %add3A_1755 = arith.constant 58 : i32
        %add3A_1756 = vector.broadcast %add3A_1755 : i32 to vector<16xi32>
        %add3A_1757 = arith.addi %mul3A_101, %add3A_1756 : vector<16xi32>
        tpu.vector_store_idx %arg10[%add3A_1757], %add3A_1754 : memref<8320xf32, #tpu.memory_space<vmem>>[vector<16xi32>], vector<16xf32>,
        %mul3A_1758 = arith.mulf %unpack3A_1681, %gather3A_165 : vector<16xf32>
        %mul3A_1759 = arith.mulf %unpack3A_1682, %gather3A_181 : vector<16xf32>
        %add3A_1760 = arith.addf %mul3A_1758, %mul3A_1759 : vector<16xf32>
        %mul3A_1761 = arith.mulf %unpack3A_1688, %gather3A_197 : vector<16xf32>
        %add3A_1762 = arith.addf %add3A_1760, %mul3A_1761 : vector<16xf32>
        %mul3A_1763 = arith.mulf %unpack3A_1689, %gather3A_213 : vector<16xf32>
        %add3A_1764 = arith.addf %add3A_1762, %mul3A_1763 : vector<16xf32>
        %mul3A_1765 = arith.mulf %unpack3A_1695, %gather3A_229 : vector<16xf32>
        %add3A_1766 = arith.addf %add3A_1764, %mul3A_1765 : vector<16xf32>
        %mul3A_1767 = arith.mulf %unpack3A_1696, %gather3A_245 : vector<16xf32>
        %add3A_1768 = arith.addf %add3A_1766, %mul3A_1767 : vector<16xf32>
        %mul3A_1769 = arith.mulf %unpack3A_1702, %gather3A_261 : vector<16xf32>
        %add3A_1770 = arith.addf %add3A_1768, %mul3A_1769 : vector<16xf32>
        %mul3A_1771 = arith.mulf %unpack3A_1703, %gather3A_277 : vector<16xf32>
        %add3A_1772 = arith.addf %add3A_1770, %mul3A_1771 : vector<16xf32>
        %add3A_1773 = arith.constant 59 : i32
        %add3A_1774 = vector.broadcast %add3A_1773 : i32 to vector<16xi32>
        %add3A_1775 = arith.addi %mul3A_101, %add3A_1774 : vector<16xi32>
        tpu.vector_store_idx %arg10[%add3A_1775], %add3A_1772 : memref<8320xf32, #tpu.memory_space<vmem>>[vector<16xi32>], vector<16xf32>,
        %add3A_1776 = arith.constant 1287 : i32
        %add3A_1777 = vector.broadcast %add3A_1776 : i32 to vector<16xi32>
        %add3A_1778 = arith.addi %add3A_143, %add3A_1777 : vector<16xi32>
        %gather3A_1779 = tpu.vector_load_idx %arg6[%add3A_1778] : memref<68000xi32, #tpu.memory_space<vmem>>[vector<16xi32>], vector<16xi32>,
        %bitcast3A_1780 = vector.bitcast %gather3A_1779 : vector<16xi32> to vector<32xbf16>
        %unpack3A_1781 = tpu.unpack_subelements %bitcast3A_1780, 0 {pack_format = #tpu.pack_format<interleaved>} : vector<32xbf16> -> vector<16xf32>
        %unpack3A_1782 = tpu.unpack_subelements %bitcast3A_1780, 1 {pack_format = #tpu.pack_format<interleaved>} : vector<32xbf16> -> vector<16xf32>
        %add3A_1783 = arith.constant 1288 : i32
        %add3A_1784 = vector.broadcast %add3A_1783 : i32 to vector<16xi32>
        %add3A_1785 = arith.addi %add3A_143, %add3A_1784 : vector<16xi32>
        %gather3A_1786 = tpu.vector_load_idx %arg6[%add3A_1785] : memref<68000xi32, #tpu.memory_space<vmem>>[vector<16xi32>], vector<16xi32>,
        %bitcast3A_1787 = vector.bitcast %gather3A_1786 : vector<16xi32> to vector<32xbf16>
        %unpack3A_1788 = tpu.unpack_subelements %bitcast3A_1787, 0 {pack_format = #tpu.pack_format<interleaved>} : vector<32xbf16> -> vector<16xf32>
        %unpack3A_1789 = tpu.unpack_subelements %bitcast3A_1787, 1 {pack_format = #tpu.pack_format<interleaved>} : vector<32xbf16> -> vector<16xf32>
        %add3A_1790 = arith.constant 1289 : i32
        %add3A_1791 = vector.broadcast %add3A_1790 : i32 to vector<16xi32>
        %add3A_1792 = arith.addi %add3A_143, %add3A_1791 : vector<16xi32>
        %gather3A_1793 = tpu.vector_load_idx %arg6[%add3A_1792] : memref<68000xi32, #tpu.memory_space<vmem>>[vector<16xi32>], vector<16xi32>,
        %bitcast3A_1794 = vector.bitcast %gather3A_1793 : vector<16xi32> to vector<32xbf16>
        %unpack3A_1795 = tpu.unpack_subelements %bitcast3A_1794, 0 {pack_format = #tpu.pack_format<interleaved>} : vector<32xbf16> -> vector<16xf32>
        %unpack3A_1796 = tpu.unpack_subelements %bitcast3A_1794, 1 {pack_format = #tpu.pack_format<interleaved>} : vector<32xbf16> -> vector<16xf32>
        %add3A_1797 = arith.constant 1290 : i32
        %add3A_1798 = vector.broadcast %add3A_1797 : i32 to vector<16xi32>
        %add3A_1799 = arith.addi %add3A_143, %add3A_1798 : vector<16xi32>
        %gather3A_1800 = tpu.vector_load_idx %arg6[%add3A_1799] : memref<68000xi32, #tpu.memory_space<vmem>>[vector<16xi32>], vector<16xi32>,
        %bitcast3A_1801 = vector.bitcast %gather3A_1800 : vector<16xi32> to vector<32xbf16>
        %unpack3A_1802 = tpu.unpack_subelements %bitcast3A_1801, 0 {pack_format = #tpu.pack_format<interleaved>} : vector<32xbf16> -> vector<16xf32>
        %unpack3A_1803 = tpu.unpack_subelements %bitcast3A_1801, 1 {pack_format = #tpu.pack_format<interleaved>} : vector<32xbf16> -> vector<16xf32>
        %mul3A_1804 = arith.mulf %unpack3A_1781, %gather3A : vector<16xf32>
        %mul3A_1805 = arith.mulf %unpack3A_1782, %gather3A_169 : vector<16xf32>
        %add3A_1806 = arith.addf %mul3A_1804, %mul3A_1805 : vector<16xf32>
        %mul3A_1807 = arith.mulf %unpack3A_1788, %gather3A_185 : vector<16xf32>
        %add3A_1808 = arith.addf %add3A_1806, %mul3A_1807 : vector<16xf32>
        %mul3A_1809 = arith.mulf %unpack3A_1789, %gather3A_201 : vector<16xf32>
        %add3A_1810 = arith.addf %add3A_1808, %mul3A_1809 : vector<16xf32>
        %mul3A_1811 = arith.mulf %unpack3A_1795, %gather3A_217 : vector<16xf32>
        %add3A_1812 = arith.addf %add3A_1810, %mul3A_1811 : vector<16xf32>
        %mul3A_1813 = arith.mulf %unpack3A_1796, %gather3A_233 : vector<16xf32>
        %add3A_1814 = arith.addf %add3A_1812, %mul3A_1813 : vector<16xf32>
        %mul3A_1815 = arith.mulf %unpack3A_1802, %gather3A_249 : vector<16xf32>
        %add3A_1816 = arith.addf %add3A_1814, %mul3A_1815 : vector<16xf32>
        %mul3A_1817 = arith.mulf %unpack3A_1803, %gather3A_265 : vector<16xf32>
        %add3A_1818 = arith.addf %add3A_1816, %mul3A_1817 : vector<16xf32>
        %add3A_1819 = arith.constant 60 : i32
        %add3A_1820 = vector.broadcast %add3A_1819 : i32 to vector<16xi32>
        %add3A_1821 = arith.addi %mul3A_101, %add3A_1820 : vector<16xi32>
        tpu.vector_store_idx %arg10[%add3A_1821], %add3A_1818 : memref<8320xf32, #tpu.memory_space<vmem>>[vector<16xi32>], vector<16xf32>,
        %mul3A_1822 = arith.mulf %unpack3A_1781, %gather3A_157 : vector<16xf32>
        %mul3A_1823 = arith.mulf %unpack3A_1782, %gather3A_173 : vector<16xf32>
        %add3A_1824 = arith.addf %mul3A_1822, %mul3A_1823 : vector<16xf32>
        %mul3A_1825 = arith.mulf %unpack3A_1788, %gather3A_189 : vector<16xf32>
        %add3A_1826 = arith.addf %add3A_1824, %mul3A_1825 : vector<16xf32>
        %mul3A_1827 = arith.mulf %unpack3A_1789, %gather3A_205 : vector<16xf32>
        %add3A_1828 = arith.addf %add3A_1826, %mul3A_1827 : vector<16xf32>
        %mul3A_1829 = arith.mulf %unpack3A_1795, %gather3A_221 : vector<16xf32>
        %add3A_1830 = arith.addf %add3A_1828, %mul3A_1829 : vector<16xf32>
        %mul3A_1831 = arith.mulf %unpack3A_1796, %gather3A_237 : vector<16xf32>
        %add3A_1832 = arith.addf %add3A_1830, %mul3A_1831 : vector<16xf32>
        %mul3A_1833 = arith.mulf %unpack3A_1802, %gather3A_253 : vector<16xf32>
        %add3A_1834 = arith.addf %add3A_1832, %mul3A_1833 : vector<16xf32>
        %mul3A_1835 = arith.mulf %unpack3A_1803, %gather3A_269 : vector<16xf32>
        %add3A_1836 = arith.addf %add3A_1834, %mul3A_1835 : vector<16xf32>
        %add3A_1837 = arith.constant 61 : i32
        %add3A_1838 = vector.broadcast %add3A_1837 : i32 to vector<16xi32>
        %add3A_1839 = arith.addi %mul3A_101, %add3A_1838 : vector<16xi32>
        tpu.vector_store_idx %arg10[%add3A_1839], %add3A_1836 : memref<8320xf32, #tpu.memory_space<vmem>>[vector<16xi32>], vector<16xf32>,
        %mul3A_1840 = arith.mulf %unpack3A_1781, %gather3A_161 : vector<16xf32>
        %mul3A_1841 = arith.mulf %unpack3A_1782, %gather3A_177 : vector<16xf32>
        %add3A_1842 = arith.addf %mul3A_1840, %mul3A_1841 : vector<16xf32>
        %mul3A_1843 = arith.mulf %unpack3A_1788, %gather3A_193 : vector<16xf32>
        %add3A_1844 = arith.addf %add3A_1842, %mul3A_1843 : vector<16xf32>
        %mul3A_1845 = arith.mulf %unpack3A_1789, %gather3A_209 : vector<16xf32>
        %add3A_1846 = arith.addf %add3A_1844, %mul3A_1845 : vector<16xf32>
        %mul3A_1847 = arith.mulf %unpack3A_1795, %gather3A_225 : vector<16xf32>
        %add3A_1848 = arith.addf %add3A_1846, %mul3A_1847 : vector<16xf32>
        %mul3A_1849 = arith.mulf %unpack3A_1796, %gather3A_241 : vector<16xf32>
        %add3A_1850 = arith.addf %add3A_1848, %mul3A_1849 : vector<16xf32>
        %mul3A_1851 = arith.mulf %unpack3A_1802, %gather3A_257 : vector<16xf32>
        %add3A_1852 = arith.addf %add3A_1850, %mul3A_1851 : vector<16xf32>
        %mul3A_1853 = arith.mulf %unpack3A_1803, %gather3A_273 : vector<16xf32>
        %add3A_1854 = arith.addf %add3A_1852, %mul3A_1853 : vector<16xf32>
        %add3A_1855 = arith.constant 62 : i32
        %add3A_1856 = vector.broadcast %add3A_1855 : i32 to vector<16xi32>
        %add3A_1857 = arith.addi %mul3A_101, %add3A_1856 : vector<16xi32>
        tpu.vector_store_idx %arg10[%add3A_1857], %add3A_1854 : memref<8320xf32, #tpu.memory_space<vmem>>[vector<16xi32>], vector<16xf32>,
        %mul3A_1858 = arith.mulf %unpack3A_1781, %gather3A_165 : vector<16xf32>
        %mul3A_1859 = arith.mulf %unpack3A_1782, %gather3A_181 : vector<16xf32>
        %add3A_1860 = arith.addf %mul3A_1858, %mul3A_1859 : vector<16xf32>
        %mul3A_1861 = arith.mulf %unpack3A_1788, %gather3A_197 : vector<16xf32>
        %add3A_1862 = arith.addf %add3A_1860, %mul3A_1861 : vector<16xf32>
        %mul3A_1863 = arith.mulf %unpack3A_1789, %gather3A_213 : vector<16xf32>
        %add3A_1864 = arith.addf %add3A_1862, %mul3A_1863 : vector<16xf32>
        %mul3A_1865 = arith.mulf %unpack3A_1795, %gather3A_229 : vector<16xf32>
        %add3A_1866 = arith.addf %add3A_1864, %mul3A_1865 : vector<16xf32>
        %mul3A_1867 = arith.mulf %unpack3A_1796, %gather3A_245 : vector<16xf32>
        %add3A_1868 = arith.addf %add3A_1866, %mul3A_1867 : vector<16xf32>
        %mul3A_1869 = arith.mulf %unpack3A_1802, %gather3A_261 : vector<16xf32>
        %add3A_1870 = arith.addf %add3A_1868, %mul3A_1869 : vector<16xf32>
        %mul3A_1871 = arith.mulf %unpack3A_1803, %gather3A_277 : vector<16xf32>
        %add3A_1872 = arith.addf %add3A_1870, %mul3A_1871 : vector<16xf32>
        %add3A_1873 = arith.constant 63 : i32
        %add3A_1874 = vector.broadcast %add3A_1873 : i32 to vector<16xi32>
        %add3A_1875 = arith.addi %mul3A_101, %add3A_1874 : vector<16xi32>
        tpu.vector_store_idx %arg10[%add3A_1875], %add3A_1872 : memref<8320xf32, #tpu.memory_space<vmem>>[vector<16xi32>], vector<16xf32>,
      }
      %scan3A_72 = arith.constant 8 : i32
      %ge3A_73 = arith.constant 2 : i32
      %ge3A_74 = arith.cmpi sge, %mul3A_20, %ge3A_73 : i32
      %convert_element_type3A_75 = arith.extui %ge3A_74 : i1 to i32
      %cond3A_76 = arith.constant 0 : i32
      %cond3A_77 = arith.cmpi ne, %convert_element_type3A_75, %cond3A_76 : i32
      scf.if %cond3A_77 {
        %dma_wait3A_91 = arith.constant 0 : i32
        %dma_wait3A_92 = tpu.memref_slice %arg5[%dma_wait3A_91] : memref<27262976xf32, #tpu.memory_space<hbm>> -> memref<8192xf32, #tpu.memory_space<hbm>>
        %dma_wait3A_93 = arith.constant 0 : i32
        %dma_wait3A_94 = tpu.memref_slice %arg5[%dma_wait3A_93] : memref<27262976xf32, #tpu.memory_space<hbm>> -> memref<8192xf32, #tpu.memory_space<hbm>>
        tpu.wait_dma2 semaphore(%arg16 : memref<!tpu.dma_semaphore, #tpu.memory_space<semaphore_mem>>) src(%arg12 : memref<8192xf32, #tpu.memory_space<vmem>>) dst(%dma_wait3A_94 : memref<8192xf32, #tpu.memory_space<hbm>>)
      } else {
      }
      %scan3A_78 = arith.constant 0 : i32
      %scan3A_79 = arith.constant 0 : i32
      %scan3A_80 = arith.constant 128 : i32
      %scan3A_81 = arith.addi %scan3A_79, %scan3A_80 : i32
      %scan3A_82 = arith.constant 1 : i32
      scf.for %scan3A_91 = %scan3A_79 to %scan3A_81 step %scan3A_82  : i32 {
        %mul3A_92 = arith.constant 65 : i32
        %mul3A_93 = arith.muli %scan3A_91, %mul3A_92 : i32
        %add3A_94 = arith.constant 0 : i32
        %add3A_95 = arith.addi %mul3A_93, %add3A_94 : i32
        %get3A = arith.index_cast %add3A_95 : i32 to index
        %get3A_96 = tpu.vector_load %arg10[%get3A] {strides = array<i32>} : memref<8320xf32, #tpu.memory_space<vmem>>, vector<16xf32>,
        %mul3A_97 = arith.constant 64 : i32
        %mul3A_98 = arith.muli %scan3A_91, %mul3A_97 : i32
        %add3A_99 = arith.constant 0 : i32
        %add3A_100 = arith.addi %mul3A_98, %add3A_99 : i32
        %swap3A = arith.index_cast %add3A_100 : i32 to index
        %swap3A_101 = tpu.vector_load %arg12[%swap3A] {strides = array<i32>} : memref<8192xf32, #tpu.memory_space<vmem>>, vector<16xf32>,
        tpu.vector_store %arg12[%swap3A], %get3A_96 {strides = array<i32>} : memref<8192xf32, #tpu.memory_space<vmem>>, vector<16xf32>,
        %mul3A_102 = arith.constant 65 : i32
        %mul3A_103 = arith.muli %scan3A_91, %mul3A_102 : i32
        %add3A_104 = arith.constant 16 : i32
        %add3A_105 = arith.addi %mul3A_103, %add3A_104 : i32
        %get3A_106 = arith.index_cast %add3A_105 : i32 to index
        %get3A_107 = tpu.vector_load %arg10[%get3A_106] {strides = array<i32>} : memref<8320xf32, #tpu.memory_space<vmem>>, vector<16xf32>,
        %mul3A_108 = arith.constant 64 : i32
        %mul3A_109 = arith.muli %scan3A_91, %mul3A_108 : i32
        %add3A_110 = arith.constant 16 : i32
        %add3A_111 = arith.addi %mul3A_109, %add3A_110 : i32
        %swap3A_112 = arith.index_cast %add3A_111 : i32 to index
        %swap3A_113 = tpu.vector_load %arg12[%swap3A_112] {strides = array<i32>} : memref<8192xf32, #tpu.memory_space<vmem>>, vector<16xf32>,
        tpu.vector_store %arg12[%swap3A_112], %get3A_107 {strides = array<i32>} : memref<8192xf32, #tpu.memory_space<vmem>>, vector<16xf32>,
        %mul3A_114 = arith.constant 65 : i32
        %mul3A_115 = arith.muli %scan3A_91, %mul3A_114 : i32
        %add3A_116 = arith.constant 32 : i32
        %add3A_117 = arith.addi %mul3A_115, %add3A_116 : i32
        %get3A_118 = arith.index_cast %add3A_117 : i32 to index
        %get3A_119 = tpu.vector_load %arg10[%get3A_118] {strides = array<i32>} : memref<8320xf32, #tpu.memory_space<vmem>>, vector<16xf32>,
        %mul3A_120 = arith.constant 64 : i32
        %mul3A_121 = arith.muli %scan3A_91, %mul3A_120 : i32
        %add3A_122 = arith.constant 32 : i32
        %add3A_123 = arith.addi %mul3A_121, %add3A_122 : i32
        %swap3A_124 = arith.index_cast %add3A_123 : i32 to index
        %swap3A_125 = tpu.vector_load %arg12[%swap3A_124] {strides = array<i32>} : memref<8192xf32, #tpu.memory_space<vmem>>, vector<16xf32>,
        tpu.vector_store %arg12[%swap3A_124], %get3A_119 {strides = array<i32>} : memref<8192xf32, #tpu.memory_space<vmem>>, vector<16xf32>,
        %mul3A_126 = arith.constant 65 : i32
        %mul3A_127 = arith.muli %scan3A_91, %mul3A_126 : i32
        %add3A_128 = arith.constant 48 : i32
        %add3A_129 = arith.addi %mul3A_127, %add3A_128 : i32
        %get3A_130 = arith.index_cast %add3A_129 : i32 to index
        %get3A_131 = tpu.vector_load %arg10[%get3A_130] {strides = array<i32>} : memref<8320xf32, #tpu.memory_space<vmem>>, vector<16xf32>,
        %mul3A_132 = arith.constant 64 : i32
        %mul3A_133 = arith.muli %scan3A_91, %mul3A_132 : i32
        %add3A_134 = arith.constant 48 : i32
        %add3A_135 = arith.addi %mul3A_133, %add3A_134 : i32
        %swap3A_136 = arith.index_cast %add3A_135 : i32 to index
        %swap3A_137 = tpu.vector_load %arg12[%swap3A_136] {strides = array<i32>} : memref<8192xf32, #tpu.memory_space<vmem>>, vector<16xf32>,
        tpu.vector_store %arg12[%swap3A_136], %get3A_131 {strides = array<i32>} : memref<8192xf32, #tpu.memory_space<vmem>>, vector<16xf32>,
      }
      %scan3A_83 = arith.constant 128 : i32
      %mul3A_84 = arith.constant 128 : i32
      %mul3A_85 = arith.muli %add3A_56, %mul3A_84 : i32
      %add3A_86 = arith.addi %mul3A_2, %mul3A_85 : i32
      %mul3A_87 = arith.constant 64 : i32
      %mul3A_88 = arith.muli %add3A_86, %mul3A_87 : i32
      %dma_start3A_89 = tpu.memref_slice %arg5[%mul3A_88] : memref<27262976xf32, #tpu.memory_space<hbm>> -> memref<8192xf32, #tpu.memory_space<hbm>>
      %dma_start3A_90 = tpu.memref_slice %arg5[%mul3A_88] : memref<27262976xf32, #tpu.memory_space<hbm>> -> memref<8192xf32, #tpu.memory_space<hbm>>
      tpu.enqueue_dma source(%arg12 : memref<8192xf32, #tpu.memory_space<vmem>>) target(%dma_start3A_90 : memref<8192xf32, #tpu.memory_space<hbm>>) target_semaphore(%arg16 : memref<!tpu.dma_semaphore, #tpu.memory_space<semaphore_mem>>)
    }
    %scan3A_10 = arith.constant 52 : i32
    %dma_wait3A = arith.constant 0 : i32
    %dma_wait3A_11 = tpu.memref_slice %arg5[%dma_wait3A] : memref<27262976xf32, #tpu.memory_space<hbm>> -> memref<8192xf32, #tpu.memory_space<hbm>>
    %dma_wait3A_12 = arith.constant 0 : i32
    %dma_wait3A_13 = tpu.memref_slice %arg5[%dma_wait3A_12] : memref<27262976xf32, #tpu.memory_space<hbm>> -> memref<8192xf32, #tpu.memory_space<hbm>>
    tpu.wait_dma2 semaphore(%arg15 : memref<!tpu.dma_semaphore, #tpu.memory_space<semaphore_mem>>) src(%arg11 : memref<8192xf32, #tpu.memory_space<vmem>>) dst(%dma_wait3A_13 : memref<8192xf32, #tpu.memory_space<hbm>>)
    %dma_wait3A_14 = arith.constant 0 : i32
    %dma_wait3A_15 = tpu.memref_slice %arg5[%dma_wait3A_14] : memref<27262976xf32, #tpu.memory_space<hbm>> -> memref<8192xf32, #tpu.memory_space<hbm>>
    %dma_wait3A_16 = arith.constant 0 : i32
    %dma_wait3A_17 = tpu.memref_slice %arg5[%dma_wait3A_16] : memref<27262976xf32, #tpu.memory_space<hbm>> -> memref<8192xf32, #tpu.memory_space<hbm>>
    tpu.wait_dma2 semaphore(%arg16 : memref<!tpu.dma_semaphore, #tpu.memory_space<semaphore_mem>>) src(%arg12 : memref<8192xf32, #tpu.memory_space<vmem>>) dst(%dma_wait3A_17 : memref<8192xf32, #tpu.memory_space<hbm>>)
    return
  }
}

module attributes {stable_mosaic.version = 14 : i64} {
  func.func @_prep_body(%arg0: memref<160x8xf32, #tpu.memory_space<vmem>>, %arg1: memref<8x800xf32, #tpu.memory_space<vmem>>, %arg2: memref<640x8xf32, #tpu.memory_space<vmem>>, %arg3: memref<8x50xf32, #tpu.memory_space<vmem>>, %arg4: memref<160x800xf32, #tpu.memory_space<vmem>>, %arg5: memref<640x50xf32, #tpu.memory_space<vmem>>) attributes {dimension_semantics = [], scalar_prefetch = 0 : i64, scratch_operands = 0 : i64, tpu.core_type = #tpu.core_type<tc>} {
    %get3A = arith.constant 0 : index
    %get3A_0 = arith.constant 0 : index
    %get3A_1 = vector.load %arg0[%get3A, %get3A_0] : memref<160x8xf32, #tpu.memory_space<vmem>>, vector<160x8xf32>
    %get3A_2 = arith.constant 0 : index
    %get3A_3 = arith.constant 0 : index
    %get3A_4 = vector.load %arg1[%get3A_2, %get3A_3] : memref<8x800xf32, #tpu.memory_space<vmem>>, vector<8x800xf32>
    %dot_general3A = arith.constant dense<0.000000e+00> : vector<160x800xf32>
    %dot_general3A_5 = tpu.matmul %get3A_1, %get3A_4, %dot_general3A {dimension_numbers = #tpu.dot_dimension_numbers<[1], [0], [0], [1], [0, 0, 1, 1], [], []>, transpose_lhs_hint = false} : vector<160x8xf32>, vector<8x800xf32>, vector<160x800xf32> -> vector<160x800xf32>
    %swap3A = arith.constant 0 : index
    %swap3A_6 = arith.constant 0 : index
    %swap3A_7 = vector.load %arg4[%swap3A, %swap3A_6] : memref<160x800xf32, #tpu.memory_space<vmem>>, vector<160x800xf32>
    tpu.vector_store %arg4[%swap3A, %swap3A_6], %dot_general3A_5 {strides = array<i32>} : memref<160x800xf32, #tpu.memory_space<vmem>>, vector<160x800xf32>,
    %get3A_8 = arith.constant 0 : index
    %get3A_9 = arith.constant 0 : index
    %get3A_10 = vector.load %arg2[%get3A_8, %get3A_9] : memref<640x8xf32, #tpu.memory_space<vmem>>, vector<640x8xf32>
    %get3A_11 = arith.constant 0 : index
    %get3A_12 = arith.constant 0 : index
    %get3A_13 = vector.load %arg3[%get3A_11, %get3A_12] : memref<8x50xf32, #tpu.memory_space<vmem>>, vector<8x50xf32>
    %dot_general3A_14 = arith.constant dense<0.000000e+00> : vector<640x50xf32>
    %dot_general3A_15 = tpu.matmul %get3A_10, %get3A_13, %dot_general3A_14 {dimension_numbers = #tpu.dot_dimension_numbers<[1], [0], [0], [1], [0, 0, 1, 1], [], []>, transpose_lhs_hint = false} : vector<640x8xf32>, vector<8x50xf32>, vector<640x50xf32> -> vector<640x50xf32>
    %swap3A_16 = arith.constant 0 : index
    %swap3A_17 = arith.constant 0 : index
    %swap3A_18 = vector.load %arg5[%swap3A_16, %swap3A_17] : memref<640x50xf32, #tpu.memory_space<vmem>>, vector<640x50xf32>
    tpu.vector_store %arg5[%swap3A_16, %swap3A_17], %dot_general3A_15 {strides = array<i32>} : memref<640x50xf32, #tpu.memory_space<vmem>>, vector<640x50xf32>,
    return
  }
}

</mosaic_0001>

<sc_bundles>
// kernel: kernel.4.cloned.1.call-start
scs
__scs_entry_jumppad:
0x0: {  	(pc) =	sbr.rel $0x88, $3  }
0x1: {  	(tag) =	ssettag $0x0;
	lr =	simm.s32 $0x1  }
0x2: {  	[smem:$0x3F9C] =	sst lr;
	_ =	strace $0xD0000000  }
0x3: {  	_ = 	snop  }
0x4: {  	_ = 	snop  }
0x5: {  	_ = 	snop  }
0x6: {  	_ = 	snop  }
0x7: {  	_ = 	snop  }
__scs_overlays_trampoline_lowered:
0x8: {  	[smem:$0x3FAB] =	sst s0  }
0x9: {  	[smem:$0x3FAC] =	sst s1  }
0xa: {  	[smem:$0x3FAD] =	sst s2  }
0xb: {  	[smem:$0x3FAE] =	sst s3  }
0xc: {  	[smem:$0x3FAF] =	sst s4  }
0xd: {  	[smem:$0x3FB0] =	sst s5  }
0xe: {  	[smem:$0x3FB1] =	sst s6  }
0xf: {  	[smem:$0x3FB2] =	sst s7  }
0x10: {  	[smem:$0x3FB3] =	sst s8  }
0x11: {  	[smem:$0x3FB4] =	sst s9;
	s0 =	simm.s32 @!p0 $0x0  }
0x12: {  	s1 =	sld [smem:$0x3F9A];
	s0 =	simm.s32 @p0 $0x1  }
0x13: {  	[smem:$0x3FB5] =	sst s0;
	s0 =	simm.s32 @!p1 $0x0  }
0x14: {  	s2 =	sld [smem:$0x3F99];
	s0 =	simm.s32 @p1 $0x1  }
0x15: {  	[smem:$0x3FB6] =	sst s0;
	s0 =	simm.s32 @!p2 $0x0  }
0x16: {  	s3 =	sld [smem:$0x3FDB];
	s0 =	simm.s32 @p2 $0x1  }
0x17: {  	s4 =	simm.s32 $0x1BF5;
	[smem:$0x3FB8] =	sst s0  }
0x18: {  	s0 =	sld [smem:$0x3F9B];
	_ =	swait.ge [sflag:s4], $0x0  }
0x19: {  	s7 =	sld [smem:$0x3F9C]  }
0x1a: {  	s8 =	sadd.s32 $0xFFFFE003, lr  }
0x1b: {  	s9 =	sadd.s32 $0xFFFFFEF7, lr;
	s5 =	simm.s32 $0xFFFFFFFF;
	p2 =	slt.u32 s8, $0xFFFFF086  }
0x1c: {  	p1 =	slt.u32 s9, $0xF7A;
	s5 =	simm.s32 @!p2 $0x0  }
0x1d: {  	s5 =	simm.s32 @p1 $0x1;
	p0 =	seq.s32 s7, s2  }
0x1e: {  	s7 =	smul.u32 @!p0 $0xF7A, s2;
	p2 =	seq.s32 @!p0 s5, $0x0  }
0x1f: {  	s9 =	smul.u32 $0xF7A, s1;
	s8 =	simm.s32 @!p0 $0x1BF5;
	p2 =	por !p2, p0  }
0x20: {  	[sflag:s8] =	ssyncset.s32 @!p0 $0xFFFFF086;
	s6 =	sadd.s32 @!p0 s3, s7;
	s7 =	simm.s32 @!p0 $0x108  }
0x21: {  	s3 =	sadd.s32 s3, s9;
	s6 =	sadd.s32 @!p0 $0x88, s6;
	s7 =	simm.s32 @p2 $0x1082  }
0x22: {  	[simem:s7], [sflag:s8] =	dma.local @!p0 [hbm:s6], $0xF7A  }
0x23: {  	s9 =	sor.u32 $0xD0000000, s2;
	s6 =	simm.s32 $0x108;
	_ =	swait.ge @!p0 [sflag:s8], $0x0  }
0x24: {  	s3 =	sadd.s32 $0x88, s3;
	s6 =	simm.s32 @!p1 $0x1082;
	[sflag:s4] =	ssyncset.s32 $0xFFFFF086  }
0x25: {  	[simem:s6], [sflag:s4] =	dma.local [hbm:s3], $0xF7A  }
0x26: {  	[smem:$0x3F9C] =	sst s1;
	(tag) =	ssettag s2;
	_ =	strace s9  }
0x27: {  	s1 =	sld [smem:$0x3FAC]  }
0x28: {  	s2 =	sld [smem:$0x3FAD]  }
0x29: {  	s4 =	sld [smem:$0x3FAF]  }
0x2a: {  	p0 =	seq.s32 s5, $0x0;
	s5 =	sld [smem:$0x3FB0]  }
0x2b: {  	s6 =	sld [smem:$0x3FB1]  }
0x2c: {  	s7 =	sld [smem:$0x3FB2]  }
0x2d: {  	s3 =	simm.s32 $0x108;
	s8 =	sld [smem:$0x3FB3]  }
0x2e: {  	s3 =	simm.s32 @!p0 $0x1082;
	s9 =	sld [smem:$0x3FB4]  }
0x2f: {  	lr =	sadd.s32 s0, s3;
	s0 =	sld [smem:$0x3FAB]  }
0x30: {  	s3 =	sld [smem:$0x3FAE]  }
0x31: {  	[smem:$0x3FB7] =	sst s10  }
0x32: {  	s10 =	sld [smem:$0x3FB5];
	_ =	sdelay $0x3  }
0x33: {  	p0 =	seq.s32 s10, $0x1;
	s10 =	sld [smem:$0x3FB7];
	_ =	sdelay $0x3  }
0x34: {  	[smem:$0x3FB7] =	sst s10  }
0x35: {  	s10 =	sld [smem:$0x3FB6];
	_ =	sdelay $0x3  }
0x36: {  	p1 =	seq.s32 s10, $0x1;
	s10 =	sld [smem:$0x3FB7];
	_ =	sdelay $0x3  }
0x37: {  	[smem:$0x3FB7] =	sst s10  }
0x38: {  	s10 =	sld [smem:$0x3FB8]  }
0x39: {  	_ = 	snop;
	(pc) =	sbr.ind lr, $3  }
0x3a: {  	_ = 	snop  }
0x3b: {  	_ = 	snop  }
0x3c: {  	p2 =	seq.s32 s10, $0x1;
	s10 =	sld [smem:$0x3FB7]  }
0x3d: {  	_ =	shalt  }
0x3e: {  	_ =	shalt  }
0x3f: {  	_ =	shalt  }
0x40: {  	_ =	shalt  }
0x41: {  	_ =	shalt  }
0x42: {  	_ =	shalt  }
0x43: {  	_ =	shalt  }
0x44: {  	_ =	shalt  }
0x45: {  	_ =	shalt  }
0x46: {  	_ =	shalt  }
0x47: {  	_ =	shalt  }
0x48: {  	_ =	shalt  }
0x49: {  	_ =	shalt  }
0x4a: {  	_ =	shalt  }
0x4b: {  	_ =	shalt  }
0x4c: {  	_ =	shalt  }
0x4d: {  	_ =	shalt  }
0x4e: {  	_ =	shalt  }
0x4f: {  	_ =	shalt  }
0x50: {  	_ =	shalt  }
0x51: {  	_ =	shalt  }
0x52: {  	_ =	shalt  }
0x53: {  	_ =	shalt  }
0x54: {  	_ =	shalt  }
0x55: {  	_ =	shalt  }
0x56: {  	_ =	shalt  }
0x57: {  	_ =	shalt  }
0x58: {  	_ =	shalt  }
0x59: {  	_ =	shalt  }
0x5a: {  	_ =	shalt  }
0x5b: {  	_ =	shalt  }
0x5c: {  	_ =	shalt  }
0x5d: {  	_ =	shalt  }
0x5e: {  	_ =	shalt  }
0x5f: {  	_ =	shalt  }
0x60: {  	_ =	shalt  }
0x61: {  	_ =	shalt  }
0x62: {  	_ =	shalt  }
0x63: {  	_ =	shalt  }
0x64: {  	_ =	shalt  }
0x65: {  	_ =	shalt  }
0x66: {  	_ =	shalt  }
0x67: {  	_ =	shalt  }
0x68: {  	_ =	shalt  }
0x69: {  	_ =	shalt  }
0x6a: {  	_ =	shalt  }
0x6b: {  	_ =	shalt  }
0x6c: {  	_ =	shalt  }
0x6d: {  	_ =	shalt  }
0x6e: {  	_ =	shalt  }
0x6f: {  	_ =	shalt  }
0x70: {  	_ =	shalt  }
0x71: {  	_ =	shalt  }
0x72: {  	_ =	shalt  }
0x73: {  	_ =	shalt  }
0x74: {  	_ =	shalt  }
0x75: {  	_ =	shalt  }
0x76: {  	_ =	shalt  }
0x77: {  	_ =	shalt  }
0x78: {  	_ =	shalt  }
0x79: {  	_ =	shalt  }
0x7a: {  	_ =	shalt  }
0x7b: {  	_ =	shalt  }
0x7c: {  	_ =	shalt  }
0x7d: {  	_ =	shalt  }
0x7e: {  	_ =	shalt  }
0x7f: {  	_ =	shalt  }
0x80: {  	_ =	shalt  }
0x81: {  	_ =	shalt  }
0x82: {  	_ =	shalt  }
0x83: {  	_ =	shalt  }
0x84: {  	_ =	shalt  }
0x85: {  	_ =	shalt  }
0x86: {  	_ =	shalt  }
0x87: {  	_ =	shalt  }
.Lfunc_end0:
.L_simem_size_0:
called_computation.1_lowered:
.L_overlay_start_0:
0x88: {  	s2 =	sld [smem:$0x3FD9]  }
0x89: {  	s3 =	sld [smem:$0x3FFE];
	_ =	sdelay $0x1  }
0x8a: {  	s1 =	srdreg.scid  }
0x8b: {  	s0 =	sand.u32 $0x1, s1  }
0x8c: {  	s17 =	sshll.u32 s0, $0xA;
	s2 =	sadd.s32 s3, s2  }
0x8d: {  	s2 =	sadd.s32 s2, s17  }
0x8e: {  	[smem:$0x3FC3] =	sst s2  }
0x8f: {  	_ = 	snop  }
0x90: {  	s2 =	sld [smem:$0x3FD0];
	(tm) =	ssettm $0x1  }
0x91: {  	s18 =	sld [smem:$0x3FFB];
	_ =	sdelay $0x3  }
0x92: {  	_ =	strace s18  }
0x93: {  	s3 =	sld [smem:$0x3FFC];
	_ =	sdelay $0x3  }
0x94: {  	_ =	strace s3  }
0x95: {  	s3 =	sld [smem:$0x3FFD];
	_ =	sdelay $0x3  }
0x96: {  	_ =	strace s3  }
0x97: {  	_ =	strace $0x8FFFFFFF  }
0x98: {  	s19 =	sld [smem:$0x3FDB];
	_ =	sdelay $0x1  }
0x99: {  	s4 =	simm.s32 $_scs_section_size  }
0x9a: {  	s5 =	simm.s32 $_size__tile_overlayer_lowered;
	s6 =	simm.s32 $_tile_overlayer_lowered  }
0x9b: {  	s22 =	simm.s32 $0x1BFF;
	s21 =	sshll.u32 s6, $0x1;
	s3 =	sadd.s32 s4, s19  }
0x9c: {  	s7 =	simm.s32 $0x0;
	s20 =	sshll.u32 s5, $0x1;
	s5 =	sadd.s32 s21, s3  }
0x9d: {  	[timem:s7], [sflag:s22] =	dma.local [hbm:s5], s20  }
0x9e: {  	_ =	swait.ge [sflag:s22], s20  }
0x9f: {  	s4 =	ssub.s32 $0x0, s20;
	[sflag:s22] =	ssyncset.done $0x0  }
0xa0: {  	[sflag:s22] =	ssyncadd.s32 s4;
	_ =	sdelay $0x1  }
0xa1: {  	s23 =	simm.s32 $0x1B8B  }
0xa2: {  	_ =	swait.ge [sflag:s23], $0x1  }
0xa3: {  	[sflag:s23] =	ssyncset.done $0x0  }
0xa4: {  	s25 =	simm.s32 $0x1B8E;
	s24 =	sld [smem:$0x3FFE];
	[sflag:s23] =	ssyncadd.s32 $0xFFFFFFFF  }
0xa5: {  	s26 =	simm.s32 $execute0_lowered;
	[smem:$0x3FD2] =	sst s25  }
0xa6: {  	s5 =	sshll.u32 s26, $0x1;
	_ =	strace $0x80000046;
	[dreg:$0x1] =	wrdreg $0xFFFFFFFF  }
0xa7: {  	s28 =	simm.s32 $_size_execute0_lowered;
	s3 =	sadd.s32 s3, s5;
	[dreg:$0x0] =	wrdreg $0x0  }
0xa8: {  	s5 =	sshll.u32 s28, $0x1;
	[dreg:$0x2] =	wrdreg s3  }
0xa9: {  	[dreg:$0x3] =	wrdreg s5  }
0xaa: {  	[dreg:$0x4] =	wrdreg $0xC0  }
0xab: {  	_ =	task [dreg:s7], $0x5FFFF  }
0xac: {  	[dreg:$0x1] =	wrdreg $0xFFFFFFFF  }
0xad: {  	[dreg:$0x0] =	wrdreg $0x60  }
0xae: {  	[dreg:$0x2] =	wrdreg s24  }
0xaf: {  	[dreg:$0x3] =	wrdreg s2  }
0xb0: {  	[dreg:$0x4] =	wrdreg $0x9  }
0xb1: {  	_ =	task.clear_ibuf [dreg:s7], $0x5FFFF;
	_ =	strace $0x90000046  }
0xb2: {  	s29 =	simm.s32 $0x9;
	_ =	strace $0x80000048  }
0xb3: {  	_ =	swait.ge [sflag:s29], $0x1  }
0xb4: {  	[sflag:s29] =	ssyncadd.s32 $0xFFFFFFFF  }
0xb5: {  	_ =	strace $0x90000048  }
0xb6: {  	_ =	sfence  }
0xb7: {  	s30 =	sld [smem:$0x0];
	_ =	sdelay $0x2  }
0xb8: {  	s31 =	sshll.u32 s1, $0xD;
	s1 =	sshrl.u32 s1, $0x2  }
0xb9: {  	s3 =	sand.u32 $0x4000, s31;
	s1 =	sadd.s32 s1, s30  }
0xba: {  	s0 =	sor.u32 s3, s0;
	s1 =	sshll.u32 s1, $0x11  }
0xbb: {  	s0 =	sor.u32 s1, s0  }
0xbc: {  	s0 =	sadd.s32 $0x8F2B, s0  }
0xbd: {  	[sflag:s0] =	ssyncadd.remote.s32 $0x1  }
0xbe: {  	_ =	sfence.sel $0xFFFF  }
0xbf: {  	[dreg:$0x0] =	wrdreg $0xFFFFFFFF;
	(pc) =	sbr.abs _section_cstart, $3  }
0xc0: {  	[dreg:$0x1] =	wrdreg $0xFFFFFFFF  }
0xc1: {  	_ =	task.clear_ibuf [dreg:s7], $0x2FFFF;
	_ =	strace $0x9FFFFFFF  }
0xc2: {  	(tm) =	ssettm $0x7FFFFFFF  }
0xc3: {  	_ =	shalt  }
tec
execute0_lowered:
.L_overlay_start_1:
0x0: {  	(tag) =	ssettag $0x1  }
0x1: {  	v0 =	vlaneseq.u32  }
0x2: {  	v19 =	vmul.u32 $0x41, v0;
	_ =	sdelay $0x1  }
0x3: {  	v0 =	vadd.s32 $0x3, v19  }
0x4: {  	v59 =	vadd.s32 $0x4, v19;
	[tilespmem:$0x1FC90] =	vst v0  }
0x5: {  	v60 =	vadd.s32 $0x5, v19;
	[tilespmem:$0x1FCA0] =	vst v59  }
0x6: {  	v61 =	vadd.s32 $0x6, v19;
	[tilespmem:$0x1FCB0] =	vst v60  }
0x7: {  	v62 =	vadd.s32 $0x7, v19;
	[tilespmem:$0x1FCC0] =	vst v61  }
0x8: {  	v63 =	vadd.s32 $0x8, v19;
	[tilespmem:$0x1FCD0] =	vst v62  }
0x9: {  	v4 =	vadd.s32 $0x9, v19;
	[tilespmem:$0x1FCE0] =	vst v63  }
0xa: {  	v5 =	vadd.s32 $0xA, v19;
	[tilespmem:$0x1FCF0] =	vst v4  }
0xb: {  	v6 =	vadd.s32 $0xB, v19;
	[tilespmem:$0x1FD00] =	vst v5  }
0xc: {  	v7 =	vadd.s32 $0xC, v19;
	[tilespmem:$0x1FD10] =	vst v6  }
0xd: {  	v8 =	vadd.s32 $0xD, v19;
	[tilespmem:$0x1FD20] =	vst v7  }
0xe: {  	v9 =	vadd.s32 $0xE, v19;
	[tilespmem:$0x1FD30] =	vst v8  }
0xf: {  	v10 =	vadd.s32 $0xF, v19;
	[tilespmem:$0x1FD40] =	vst v9  }
0x10: {  	v11 =	vadd.s32 $0x10, v19;
	[tilespmem:$0x1FD50] =	vst v10  }
0x11: {  	v21 =	vadd.s32 $0x11, v19;
	[tilespmem:$0x1FD60] =	vst v11  }
0x12: {  	v22 =	vadd.s32 $0x12, v19;
	[tilespmem:$0x1FD70] =	vst v21  }
0x13: {  	v23 =	vadd.s32 $0x13, v19;
	[tilespmem:$0x1FD80] =	vst v22  }
0x14: {  	v24 =	vadd.s32 $0x14, v19;
	[tilespmem:$0x1FD90] =	vst v23  }
0x15: {  	v25 =	vadd.s32 $0x15, v19;
	[tilespmem:$0x1FDA0] =	vst v24  }
0x16: {  	v26 =	vadd.s32 $0x16, v19;
	[tilespmem:$0x1FDB0] =	vst v25  }
0x17: {  	v27 =	vadd.s32 $0x17, v19;
	[tilespmem:$0x1FDC0] =	vst v26  }
0x18: {  	v28 =	vadd.s32 $0x18, v19;
	[tilespmem:$0x1FDD0] =	vst v27  }
0x19: {  	v29 =	vadd.s32 $0x19, v19;
	[tilespmem:$0x1FDE0] =	vst v28  }
0x1a: {  	v30 =	vadd.s32 $0x1A, v19;
	[tilespmem:$0x1FDF0] =	vst v29  }
0x1b: {  	v31 =	vadd.s32 $0x1B, v19;
	[tilespmem:$0x1FE00] =	vst v30  }
0x1c: {  	v32 =	vadd.s32 $0x1C, v19;
	[tilespmem:$0x1FE10] =	vst v31  }
0x1d: {  	v33 =	vadd.s32 $0x1D, v19;
	[tilespmem:$0x1FE20] =	vst v32  }
0x1e: {  	v34 =	vadd.s32 $0x1E, v19;
	[tilespmem:$0x1FE30] =	vst v33  }
0x1f: {  	v35 =	vadd.s32 $0x1F, v19;
	[tilespmem:$0x1FE40] =	vst v34  }
0x20: {  	v36 =	vadd.s32 $0x20, v19;
	[tilespmem:$0x1FE50] =	vst v35  }
0x21: {  	v37 =	vadd.s32 $0x21, v19;
	[tilespmem:$0x1FE60] =	vst v36  }
0x22: {  	v38 =	vadd.s32 $0x22, v19;
	[tilespmem:$0x1FE70] =	vst v37  }
0x23: {  	v39 =	vadd.s32 $0x23, v19;
	[tilespmem:$0x1FE80] =	vst v38  }
0x24: {  	v40 =	vadd.s32 $0x24, v19;
	[tilespmem:$0x1FE90] =	vst v39  }
0x25: {  	v41 =	vadd.s32 $0x25, v19;
	[tilespmem:$0x1FEA0] =	vst v40  }
0x26: {  	s7 =	rddreg [dreg:$0x0];
	v42 =	vadd.s32 $0x26, v19;
	[tilespmem:$0x1FEB0] =	vst v41  }
0x27: {  	s2 =	rddreg [dreg:$0x1];
	s3 =	simm.s32 $0x0;
	v43 =	vadd.s32 $0x27, v19;
	[tilespmem:$0x1FEC0] =	vst v42  }
0x28: {  	s1 =	srdreg.scid;
	[smem:$0x7FF] =	sst s3;
	v44 =	vadd.s32 $0x28, v19;
	[tilespmem:$0x1FED0] =	vst v43  }
0x29: {  	s6 =	sand.u32 $0x1, s1;
	s1 =	rddreg [dreg:$0x2];
	v45 =	vadd.s32 $0x29, v19;
	_ =	strace $0x80000047;
	[tilespmem:$0x1FEE0] =	vst v44  }
0x2a: {  	v46 =	vadd.s32 $0x2A, v19;
	[tilespmem:$0x1FEF0] =	vst v45  }
0x2b: {  	v49 =	vadd.s32 $0x2B, v19;
	[tilespmem:$0x1FF00] =	vst v46  }
0x2c: {  	v50 =	vadd.s32 $0x2C, v19;
	[tilespmem:$0x1FF10] =	vst v49  }
0x2d: {  	v51 =	vadd.s32 $0x2D, v19;
	[tilespmem:$0x1FF20] =	vst v50  }
0x2e: {  	v52 =	vadd.s32 $0x2E, v19;
	[tilespmem:$0x1FF30] =	vst v51  }
0x2f: {  	v53 =	vadd.s32 $0x2F, v19;
	[tilespmem:$0x1FF40] =	vst v52  }
0x30: {  	v54 =	vadd.s32 $0x30, v19;
	[tilespmem:$0x1FF50] =	vst v53  }
0x31: {  	v55 =	vadd.s32 $0x31, v19;
	[tilespmem:$0x1FF60] =	vst v54  }
0x32: {  	s0 =	stileid.u32;
	s13 =	simm.s32 $0x10A00;
	s14 =	simm.s32 $0x18880;
	v56 =	vadd.s32 $0x32, v19;
	[tilespmem:$0x1FF70] =	vst v55  }
0x33: {  	s15 =	simm.s32 $0x18900;
	s16 =	simm.s32 $0x1;
	s17 =	simm.s32 $0x18980;
	v57 =	vadd.s32 $0x33, v19;
	[tilespmem:$0x1FF80] =	vst v56  }
0x34: {  	s18 =	simm.s32 $0x1AA00;
	s19 =	simm.s32 $0x2;
	s20 =	simm.s32 $0x1CA00;
	v58 =	vadd.s32 $0x34, v19;
	[tilespmem:$0x1FF90] =	vst v57  }
0x35: {  	s21 =	simm.s32 $0x3;
	s22 =	simm.s32 $0x4;
	s4 =	sshll.u32 s0, $0x1;
	v59 =	vadd.s32 $0x35, v19;
	[tilespmem:$0x1FFA0] =	vst v58  }
0x36: {  	s23 =	simm.s32 $0x0;
	s5 =	sadd.s32 $0x1600, s7;
	s9 =	sor.u32 s6, s4;
	v60 =	vadd.s32 $0x36, v19;
	[tilespmem:$0x1FFB0] =	vst v59  }
0x37: {  	s8 =	ssub.s32 $0x2, s6;
	s6 =	sadd.s32 $0xE600, s7;
	v47 =	vadd.s32 $0x1, v19;
	s4 =	smul.u32 $0x3400, s9;
	v61 =	vadd.s32 $0x37, v19;
	[tilespmem:$0x1FFC0] =	vst v60  }
0x38: {  	s7 =	sadd.s32 $0x600, s7;
	v48 =	vadd.s32 $0x2, v19;
	s10 =	sshrl.u32 s8, $0x1;
	s9 =	smul.u32 $0xD0000, s9;
	v12 =	vadd.s32 $0x3C, v19;
	v62 =	vadd.s32 $0x39, v19;
	[tilespmem:$0x1FFD0] =	vst v61  }
0x39: {  	v13 =	vadd.s32 $0x3D, v19;
	v14 =	vadd.s32 $0x3E, v19;
	s12 =	ssub.s32 s8, s10;
	v63 =	vadd.s32 $0x3A, v19;
	s11 =	sshrl.u32 s4, $0x3;
	s10 =	sor.u32 $0x100, s4;
	[tilespmem:$0x1FFE0] =	vst v62  }
0x3a: {  	v15 =	vadd.s32 $0x3F, v19;
	v46 =	vadd.s32 $0x38, v19;
	[tilespmem:$0x1FFF0] =	vst v63;
	v45 =	vadd.s32 $0x3B, v19;
	s8 =	sadd.s32 s5, s11;
	s11 =	smax.u32 s12, $0x1;
	s12 =	simm.s32 $0x5  }
.LBB2_1:
0x3b: {  	[tilespmem:s3], [sflag:$0x5] =	stream.linear.gather [hbm4b:s6+s3], $0x10A00, $0x38;
	[tilespmem:$0x1EA00] =	vst v63  }
0x3c: {  	_ =	swait.ge [sflag:s12], $0x10A00  }
0x3d: {  	[sflag:s12] =	ssyncset.done $0x0  }
0x3e: {  	[sflag:s12] =	ssyncadd.s32 $0xFFFEF600  }
0x3f: {  	[tilespmem:s13], [sflag:$0x5] =	stream.linear.gather [hbm4b:s7+s3], $0x7E80, $0x38;
	[tilespmem:$0x1EA00] =	vst v63  }
0x40: {  	_ =	swait.ge [sflag:s12], $0x7E80  }
0x41: {  	[sflag:s12] =	ssyncset.done $0x0  }
0x42: {  	s24 =	simm.s32 $0x0;
	[sflag:s12] =	ssyncadd.s32 $0xFFFF8180  }
0x43: {  	[tilespmem:s14], [sflag:$0x1] =	stream.linear.gather [hbm4b:s8+s3], $0x80, $0x38;
	[tilespmem:$0x1EA00] =	vst v63  }
.LBB2_2:
0x44: {  	s26 =	sshll.u32 s24, $0x8  }
0x45: {  	s25 =	sadd.s32 s26, s4  }
0x46: {  	s25 =	sadd.s32 $0x80, s25  }
0x47: {  	s28 =	sshrl.u32 s25, $0x3  }
0x48: {  	s29 =	sadd.s32 s5, s28;
	s28 =	simm.s32 $0x0  }
0x49: {  	[tilespmem:s15], [sflag:$0x2] =	stream.linear.gather [hbm4b:s29+s28], $0x80, $0x38;
	[tilespmem:$0x1EA00] =	vst v63  }
0x4a: {  	_ =	swait.ge [sflag:s16], $0x80  }
0x4b: {  	v53 =	vld [tilespmem:$0x1FFA0]  }
0x4c: {  	v54 =	vld [tilespmem:$0x1FFB0]  }
0x4d: {  	v55 =	vld [tilespmem:$0x1FFC0]  }
0x4e: {  	v56 =	vld [tilespmem:$0x1FFD0]  }
0x4f: {  	[sflag:s16] =	ssyncset.done $0x0;
	v58 =	vld [tilespmem:$0x1FFE0]  }
0x50: {  	s29 =	simm.s32 $0x18880;
	v59 =	vld [tilespmem:$0x1FFF0];
	[sflag:s16] =	ssyncadd.s32 $0xFFFFFF80  }
.LBB2_3:
0x51: {  	v0 =	vld [tilespmem:s29+$0x0];
	_ =	sdelay $0x4  }
0x52: {  	v1 =	vcvt.s32.f32 v0;
	_ =	sdelay $0x1  }
0x53: {  	v1 =	vadd.f32 $5.000000000e-01, v1;
	_ =	sdelay $0x1  }
0x54: {  	v1 =	vmul.f32 $1.000000050e-03, v1;
	_ =	sdelay $0x1  }
0x55: {  	v1 =	vtrunc.f32 v1  }
0x56: {  	v2 =	vcvt.f32.s32 v1;
	_ =	sdelay $0x1  }
0x57: {  	v3 =	vmul.u32 $0xFFFFFC18, v2;
	_ =	sdelay $0x1  }
0x58: {  	v0 =	vadd.s32 v0, v3  }
0x59: {  	v3 =	vcvt.s32.f32 v0;
	_ =	sdelay $0x1  }
0x5a: {  	v3 =	vadd.f32 $5.000000000e-01, v3;
	_ =	sdelay $0x1  }
0x5b: {  	v3 =	vmul.f32 $3.999999910e-02, v3;
	_ =	sdelay $0x1  }
0x5c: {  	v3 =	vtrunc.f32 v3  }
0x5d: {  	v3 =	vcvt.f32.s32 v3;
	_ =	sdelay $0x1  }
0x5e: {  	v4 =	vmul.u32 $0x7FFFFFE7, v3  }
0x5f: {  	v1 =	vadd.f32 $5.000000000e-01, v1  }
0x60: {  	v3 =	vmul.u32 $0x65, v3;
	v0 =	vadd.s32 v0, v4  }
0x61: {  	v1 =	vmul.f32 $3.999999910e-02, v1;
	v0 =	vshll.u32 v0, $0x1  }
0x62: {  	v28 =	vadd.s32 v3, v0  }
0x63: {  	v1 =	vtrunc.f32 v1;
	v42 =	vadd.s32 $0x1, v28  }
0x64: {  	v41 =	vcvt.f32.s32 v1;
	v3 =	vadd.s32 $0x32, v28  }
0x65: {  	v8 =	vadd.s32 $0x33, v28  }
0x66: {  	v43 =	vmul.u32 $0xFFFFFFE7, v41;
	v9 =	vadd.s32 $0xFC8, v28  }
0x67: {  	v44 =	vadd.s32 $0xFC9, v28;
	v6 =	vld.idx.msk [tilespmem:v28+s13+$0x0], $0xffff  }
0x68: {  	v2 =	vadd.s32 v2, v43;
	v49 =	vadd.s32 $0xFFA, v28;
	v5 =	vld.idx.msk [tilespmem:v42+s13+$0x0], $0xffff  }
0x69: {  	v7 =	vmul.u32 $0x11, v2;
	v10 =	vadd.s32 $0xFFB, v28;
	v2 =	vld.idx.msk [tilespmem:v3+s13+$0x0], $0xffff  }
0x6a: {  	v0 =	vmul.u32 $0x6A4, v41;
	v11 =	vadd.s32 $0x1F90, v28;
	v3 =	vld.idx.msk [tilespmem:v8+s13+$0x0], $0xffff  }
0x6b: {  	v63 =	vmov v14;
	v14 =	vadd.s32 $0x1F91, v28;
	v9 =	vld.idx.msk [tilespmem:v9+s13+$0x0], $0xffff  }
0x6c: {  	v50 =	vmov s28;
	v7 =	vadd.s32 v0, v7;
	v8 =	vld.idx.msk [tilespmem:v44+s13+$0x0], $0xffff  }
0x6d: {  	v61 =	vmov v12;
	v12 =	vmul.u32 $0x41, v50;
	v16 =	vadd.s32 $0x2F59, v28;
	v0 =	vld.idx.msk [tilespmem:v49+s13+$0x0], $0xffff  }
0x6e: {  	v62 =	vmov v13;
	v13 =	vadd.s32 $0x1, v7;
	v4 =	vld.idx.msk [tilespmem:v10+s13+$0x0], $0xffff  }
0x6f: {  	v52 =	vmov v15;
	v1 =	vbroadcast v12, $0x0;
	v15 =	vadd.s32 $0x2F58, v28;
	v12 =	vld.idx.msk [tilespmem:v11+s13+$0x0], $0xffff  }
0x70: {  	v18 =	vadd.s32 $0x2, v7;
	v10 =	vld.idx.msk [tilespmem:v14+s13+$0x0], $0xffff  }
0x71: {  	v34 =	vadd.s32 v19, v1;
	v49 =	vmov v19;
	v19 =	vadd.s32 $0x3F20, v28;
	v17 =	vld.idx.msk [tilespmem:v7+s3+$0x0], $0xffff  }
0x72: {  	v14 =	vadd.s32 $0x3F21, v28;
	v11 =	vld.idx.msk [tilespmem:v16+s13+$0x0], $0xffff  }
0x73: {  	v16 =	vadd.s32 $0x3, v7;
	v20 =	vld.idx.msk [tilespmem:v13+s3+$0x0], $0xffff  }
0x74: {  	v13 =	vld.idx.msk [tilespmem:v15+s13+$0x0], $0xffff;
	v15 =	vadd.s32 $0x4EE8, v28  }
0x75: {  	v21 =	vadd.s32 $0x1FC2, v28;
	v23 =	vadd.s32 $0x2F8A, v28;
	v26 =	vadd.s32 $0x5EB0, v28;
	v27 =	vld.idx.msk [tilespmem:v18+s3+$0x0], $0xffff  }
0x76: {  	v25 =	vunpack.i.u.bf16.f32 v17;
	v29 =	vunpack.i.l.bf16.f32 v17;
	v17 =	vld.idx.msk [tilespmem:v19+s13+$0x0], $0xffff;
	v19 =	vadd.s32 $0x4EE9, v28  }
0x77: {  	v40 =	vadd.s32 $0x5EB1, v28;
	v14 =	vld.idx.msk [tilespmem:v14+s13+$0x0], $0xffff;
	v18 =	vmul.f32 v29, v6;
	v30 =	vmul.f32 v25, v9  }
0x78: {  	v38 =	vld.idx.msk [tilespmem:v16+s3+$0x0], $0xffff;
	v32 =	vunpack.i.l.bf16.f32 v20;
	v36 =	vunpack.i.u.bf16.f32 v20;
	v20 =	vmul.f32 v25, v8  }
0x79: {  	v35 =	vmul.f32 v32, v12;
	v30 =	vadd.f32 v18, v30;
	v18 =	vld.idx.msk [tilespmem:v15+s13+$0x0], $0xffff;
	v15 =	vmul.f32 v29, v5  }
0x7a: {  	v22 =	vadd.s32 $0x1FC3, v28;
	v24 =	vadd.s32 $0x2F8B, v28;
	v31 =	vadd.s32 $0x3F52, v28;
	v16 =	vld.idx.msk [tilespmem:v26+s13+$0x0], $0xffff  }
0x7b: {  	v51 =	vmul.f32 v36, v13;
	v30 =	vadd.f32 v35, v30;
	v20 =	vadd.f32 v15, v20;
	v15 =	vld.idx.msk [tilespmem:v19+s13+$0x0], $0xffff  }
0x7c: {  	v42 =	vadd.s32 $0x6E78, v28;
	v39 =	vunpack.i.l.bf16.f32 v27;
	v57 =	vmul.f32 v32, v10;
	v19 =	vld.idx.msk [tilespmem:v21+s13+$0x0], $0xffff  }
0x7d: {  	v44 =	vadd.s32 $0x6E79, v28;
	v60 =	vmul.f32 v39, v17;
	v21 =	vld.idx.msk [tilespmem:v23+s13+$0x0], $0xffff;
	v30 =	vadd.f32 v30, v51  }
0x7e: {  	v41 =	vunpack.i.u.bf16.f32 v27;
	v50 =	vmul.f32 v36, v11;
	v23 =	vld.idx.msk [tilespmem:v40+s13+$0x0], $0xffff;
	v26 =	vadd.f32 v57, v20  }
0x7f: {  	v20 =	vld.idx.msk [tilespmem:v22+s13+$0x0], $0xffff;
	v51 =	vmul.f32 v41, v18;
	v30 =	vadd.f32 v60, v30;
	v60 =	vmul.f32 v39, v14  }
0x80: {  	v33 =	vadd.s32 $0x3F53, v28;
	v37 =	vadd.s32 $0x4F1A, v28;
	v22 =	vld.idx.msk [tilespmem:v24+s13+$0x0], $0xffff;
	v57 =	vadd.f32 v26, v50  }
0x81: {  	v43 =	vunpack.i.l.bf16.f32 v38;
	v40 =	vadd.s32 $0x5EE2, v28;
	v26 =	vld.idx.msk [tilespmem:v42+s13+$0x0], $0xffff;
	v42 =	vmul.f32 v25, v0  }
0x82: {  	v24 =	vld.idx.msk [tilespmem:v31+s13+$0x0], $0xffff;
	v27 =	vadd.f32 v30, v51;
	v30 =	vmul.f32 v43, v16;
	v35 =	vadd.f32 v60, v57  }
0x83: {  	v31 =	vadd.s32 $0x4F1B, v28;
	v51 =	vmovc v48;
	v48 =	vmul.f32 v25, v4;
	v60 =	vmovc v45;
	v45 =	vmul.f32 v41, v15  }
0x84: {  	v50 =	vmovc v47;
	v25 =	vld.idx.msk [tilespmem:v44+s13+$0x0], $0xffff;
	v44 =	vadd.s32 $0x6EAB, v28;
	v47 =	vadd.f32 v30, v27;
	v30 =	vmul.f32 v29, v2  }
0x85: {  	v57 =	vmovc v46;
	v46 =	vadd.s32 $0x5EE3, v28;
	v35 =	vadd.f32 v35, v45;
	v45 =	vmul.f32 v29, v3  }
0x86: {  	v27 =	vld.idx.msk [tilespmem:v33+s13+$0x0], $0xffff;
	v33 =	vadd.s32 $0x6EAA, v28;
	v28 =	vadd.f32 v30, v42;
	v42 =	vmul.f32 v32, v19  }
0x87: {  	v29 =	vld.idx.msk [tilespmem:v37+s13+$0x0], $0xffff;
	v37 =	vunpack.i.u.bf16.f32 v38;
	v32 =	vmul.f32 v32, v20;
	v38 =	vadd.f32 v45, v48  }
0x88: {  	v45 =	vmul.f32 v43, v23;
	v42 =	vadd.f32 v42, v28;
	v48 =	vmul.f32 v36, v21  }
0x89: {  	v28 =	vld.idx.msk [tilespmem:v40+s13+$0x0], $0xffff;
	v40 =	vmul.f32 v37, v26;
	v36 =	vmul.f32 v36, v22;
	v38 =	vadd.f32 v32, v38  }
0x8a: {  	v35 =	vadd.f32 v45, v35;
	v42 =	vadd.f32 v42, v48;
	v45 =	vmul.f32 v39, v24  }
0x8b: {  	v30 =	vld.idx.msk [tilespmem:v31+s13+$0x0], $0xffff;
	v36 =	vadd.f32 v38, v36;
	v38 =	vmul.f32 v39, v27  }
0x8c: {  	v31 =	vld.idx.msk [tilespmem:v46+s13+$0x0], $0xffff;
	v39 =	vadd.f32 v47, v40;
	v40 =	vadd.f32 v45, v42;
	v45 =	vmul.f32 v41, v29  }
0x8d: {  	v32 =	vld.idx.msk [tilespmem:v33+s13+$0x0], $0xffff  }
0x8e: {  	v40 =	vadd.f32 v40, v45;
	v45 =	vld [tilespmem:$0x1FC90]  }
0x8f: {  	v33 =	vld.idx.msk [tilespmem:v44+s13+$0x0], $0xffff  }
0x90: {  	v46 =	vmul.f32 v37, v25;
	v36 =	vadd.f32 v38, v36;
	v38 =	vmul.f32 v41, v30  }
0x91: {  	v44 =	vadd.s32 v51, v1;
	v42 =	vmul.f32 v43, v28;
	v41 =	vadd.s32 v50, v1  }
0x92: {  	v35 =	vadd.f32 v35, v46;
	v46 =	vmul.f32 v43, v31;
	v36 =	vadd.f32 v36, v38  }
0x93: {  	v40 =	vadd.f32 v42, v40;
	v42 =	vmul.f32 v37, v32;
	v43 =	vadd.s32 v45, v1  }
0x94: {  	v37 =	vmul.f32 v37, v33;
	v36 =	vadd.f32 v46, v36;
	v46 =	vadd.s32 $0x4, v7  }
0x95: {  	[tilespmem:v34+s17+$0x0] =	vst.idx.msk $0xffff, v39;
	v40 =	vadd.f32 v40, v42  }
0x96: {  	v42 =	vadd.s32 $0x5, v7;
	[tilespmem:v41+s17+$0x0] =	vst.idx.msk $0xffff, v35;
	v41 =	vadd.f32 v36, v37  }
0x97: {  	[tilespmem:v44+s17+$0x0] =	vst.idx.msk $0xffff, v40  }
0x98: {  	[tilespmem:v43+s17+$0x0] =	vst.idx.msk $0xffff, v41  }
0x99: {  	v34 =	vld.idx.msk [tilespmem:v46+s3+$0x0], $0xffff  }
0x9a: {  	v45 =	vadd.s32 $0x6, v7  }
0x9b: {  	v36 =	vld.idx.msk [tilespmem:v42+s3+$0x0], $0xffff;
	_ =	sdelay $0x2  }
0x9c: {  	v38 =	vadd.s32 $0x7, v7;
	v37 =	vunpack.i.u.bf16.f32 v34;
	v34 =	vunpack.i.l.bf16.f32 v34  }
0x9d: {  	v35 =	vld.idx.msk [tilespmem:v45+s3+$0x0], $0xffff;
	v46 =	vmul.f32 v34, v6;
	v44 =	vmul.f32 v37, v9  }
0x9e: {  	v41 =	vunpack.i.l.bf16.f32 v36  }
0x9f: {  	v45 =	vmul.f32 v41, v12;
	v39 =	vadd.f32 v46, v44  }
0xa0: {  	v36 =	vunpack.i.u.bf16.f32 v36;
	v43 =	vmul.f32 v34, v5;
	v44 =	vmul.f32 v37, v8  }
0xa1: {  	v38 =	vld.idx.msk [tilespmem:v38+s3+$0x0], $0xffff;
	v40 =	vmul.f32 v36, v13;
	v39 =	vadd.f32 v45, v39  }
0xa2: {  	v42 =	vunpack.i.l.bf16.f32 v35;
	v43 =	vadd.f32 v43, v44;
	v44 =	vmul.f32 v41, v10  }
0xa3: {  	v39 =	vadd.f32 v39, v40;
	v40 =	vmul.f32 v42, v17  }
0xa4: {  	v35 =	vunpack.i.u.bf16.f32 v35;
	v43 =	vadd.f32 v44, v43;
	v44 =	vmul.f32 v36, v11  }
0xa5: {  	v39 =	vadd.f32 v40, v39;
	v40 =	vmul.f32 v35, v18  }
0xa6: {  	v45 =	vunpack.i.l.bf16.f32 v38;
	v43 =	vadd.f32 v43, v44;
	v44 =	vmul.f32 v42, v14  }
0xa7: {  	v39 =	vadd.f32 v39, v40;
	v40 =	vmul.f32 v45, v16  }
0xa8: {  	v46 =	vmul.f32 v37, v0;
	v43 =	vadd.f32 v44, v43  }
0xa9: {  	v44 =	vmul.f32 v34, v2;
	v39 =	vadd.f32 v40, v39;
	v40 =	vmul.f32 v35, v15  }
0xaa: {  	v37 =	vmul.f32 v37, v4;
	v38 =	vunpack.i.u.bf16.f32 v38;
	v34 =	vmul.f32 v34, v3  }
0xab: {  	v40 =	vadd.f32 v43, v40;
	v43 =	vadd.f32 v44, v46;
	v46 =	vmul.f32 v38, v26  }
0xac: {  	v44 =	vmul.f32 v41, v19  }
0xad: {  	v34 =	vadd.f32 v34, v37;
	v37 =	vmul.f32 v41, v20;
	v39 =	vadd.f32 v39, v46;
	v46 =	vld [tilespmem:$0x1FCA0]  }
0xae: {  	v41 =	vmul.f32 v45, v23;
	v43 =	vadd.f32 v44, v43;
	v44 =	vmul.f32 v36, v21  }
0xaf: {  	v34 =	vadd.f32 v37, v34;
	v36 =	vmul.f32 v36, v22  }
0xb0: {  	v37 =	vadd.f32 v41, v40;
	v41 =	vmul.f32 v42, v24;
	v40 =	vadd.f32 v43, v44;
	v44 =	vld [tilespmem:$0x1FCB0]  }
0xb1: {  	v34 =	vadd.f32 v34, v36;
	v36 =	vmul.f32 v42, v27  }
0xb2: {  	v40 =	vadd.f32 v41, v40;
	v42 =	vadd.s32 v46, v1;
	v46 =	vmul.f32 v35, v29;
	_ =	sdelay $0x1  }
0xb3: {  	v40 =	vadd.f32 v40, v46;
	v46 =	vld [tilespmem:$0x1FCC0]  }
0xb4: {  	v34 =	vadd.f32 v36, v34;
	v36 =	vadd.s32 v44, v1;
	v44 =	vld [tilespmem:$0x1FCD0]  }
0xb5: {  	v43 =	vmul.f32 v38, v25  }
0xb6: {  	v35 =	vmul.f32 v35, v30  }
0xb7: {  	v37 =	vadd.f32 v37, v43;
	v41 =	vmul.f32 v45, v28  }
0xb8: {  	v34 =	vadd.f32 v34, v35;
	v35 =	vmul.f32 v45, v31;
	v43 =	vadd.s32 v46, v1  }
0xb9: {  	v40 =	vadd.f32 v41, v40;
	v41 =	vmul.f32 v38, v32;
	v44 =	vadd.s32 v44, v1  }
0xba: {  	v45 =	vadd.s32 $0x8, v7;
	v34 =	vadd.f32 v35, v34;
	v35 =	vmul.f32 v38, v33  }
0xbb: {  	[tilespmem:v42+s17+$0x0] =	vst.idx.msk $0xffff, v39;
	v46 =	vadd.f32 v40, v41  }
0xbc: {  	v42 =	vadd.s32 $0x9, v7;
	v34 =	vadd.f32 v34, v35;
	[tilespmem:v36+s17+$0x0] =	vst.idx.msk $0xffff, v37  }
0xbd: {  	[tilespmem:v43+s17+$0x0] =	vst.idx.msk $0xffff, v46  }
0xbe: {  	[tilespmem:v44+s17+$0x0] =	vst.idx.msk $0xffff, v34  }
0xbf: {  	v34 =	vld.idx.msk [tilespmem:v45+s3+$0x0], $0xffff  }
0xc0: {  	v45 =	vadd.s32 $0xA, v7  }
0xc1: {  	v35 =	vld.idx.msk [tilespmem:v42+s3+$0x0], $0xffff;
	_ =	sdelay $0x2  }
0xc2: {  	v38 =	vadd.s32 $0xB, v7;
	v37 =	vunpack.i.u.bf16.f32 v34;
	v34 =	vunpack.i.l.bf16.f32 v34  }
0xc3: {  	v36 =	vld.idx.msk [tilespmem:v45+s3+$0x0], $0xffff;
	v46 =	vmul.f32 v34, v6;
	v44 =	vmul.f32 v37, v9  }
0xc4: {  	v41 =	vunpack.i.l.bf16.f32 v35  }
0xc5: {  	v45 =	vmul.f32 v41, v12;
	v39 =	vadd.f32 v46, v44  }
0xc6: {  	v35 =	vunpack.i.u.bf16.f32 v35;
	v43 =	vmul.f32 v34, v5;
	v44 =	vmul.f32 v37, v8  }
0xc7: {  	v38 =	vld.idx.msk [tilespmem:v38+s3+$0x0], $0xffff;
	v40 =	vmul.f32 v35, v13;
	v39 =	vadd.f32 v45, v39  }
0xc8: {  	v42 =	vunpack.i.l.bf16.f32 v36;
	v43 =	vadd.f32 v43, v44;
	v44 =	vmul.f32 v41, v10  }
0xc9: {  	v39 =	vadd.f32 v39, v40;
	v40 =	vmul.f32 v42, v17  }
0xca: {  	v36 =	vunpack.i.u.bf16.f32 v36;
	v43 =	vadd.f32 v44, v43;
	v44 =	vmul.f32 v35, v11  }
0xcb: {  	v39 =	vadd.f32 v40, v39;
	v40 =	vmul.f32 v36, v18  }
0xcc: {  	v45 =	vunpack.i.l.bf16.f32 v38;
	v43 =	vadd.f32 v43, v44;
	v44 =	vmul.f32 v42, v14  }
0xcd: {  	v39 =	vadd.f32 v39, v40;
	v40 =	vmul.f32 v45, v16  }
0xce: {  	v46 =	vmul.f32 v37, v0;
	v43 =	vadd.f32 v44, v43  }
0xcf: {  	v44 =	vmul.f32 v34, v2;
	v39 =	vadd.f32 v40, v39;
	v40 =	vmul.f32 v36, v15  }
0xd0: {  	v37 =	vmul.f32 v37, v4;
	v38 =	vunpack.i.u.bf16.f32 v38;
	v34 =	vmul.f32 v34, v3  }
0xd1: {  	v40 =	vadd.f32 v43, v40;
	v43 =	vadd.f32 v44, v46;
	v46 =	vmul.f32 v38, v26  }
0xd2: {  	v44 =	vmul.f32 v41, v19  }
0xd3: {  	v34 =	vadd.f32 v34, v37;
	v37 =	vmul.f32 v41, v20;
	v39 =	vadd.f32 v39, v46;
	v46 =	vld [tilespmem:$0x1FCE0]  }
0xd4: {  	v41 =	vmul.f32 v45, v23;
	v43 =	vadd.f32 v44, v43;
	v44 =	vmul.f32 v35, v21  }
0xd5: {  	v34 =	vadd.f32 v37, v34;
	v35 =	vmul.f32 v35, v22  }
0xd6: {  	v37 =	vadd.f32 v41, v40;
	v41 =	vmul.f32 v42, v24;
	v40 =	vadd.f32 v43, v44;
	v44 =	vld [tilespmem:$0x1FCF0]  }
0xd7: {  	v34 =	vadd.f32 v34, v35;
	v35 =	vmul.f32 v42, v27  }
0xd8: {  	v40 =	vadd.f32 v41, v40;
	v42 =	vadd.s32 v46, v1;
	v46 =	vmul.f32 v36, v29;
	_ =	sdelay $0x1  }
0xd9: {  	v40 =	vadd.f32 v40, v46;
	v46 =	vld [tilespmem:$0x1FD00]  }
0xda: {  	v34 =	vadd.f32 v35, v34;
	v35 =	vmul.f32 v36, v30;
	v36 =	vadd.s32 v44, v1;
	v44 =	vld [tilespmem:$0x1FD10]  }
0xdb: {  	v43 =	vmul.f32 v38, v25;
	_ =	sdelay $0x1  }
0xdc: {  	v37 =	vadd.f32 v37, v43;
	v41 =	vmul.f32 v45, v28  }
0xdd: {  	v34 =	vadd.f32 v34, v35;
	v35 =	vmul.f32 v45, v31;
	v43 =	vadd.s32 v46, v1  }
0xde: {  	v40 =	vadd.f32 v41, v40;
	v41 =	vmul.f32 v38, v32;
	v44 =	vadd.s32 v44, v1  }
0xdf: {  	v45 =	vadd.s32 $0xC, v7;
	v34 =	vadd.f32 v35, v34;
	v35 =	vmul.f32 v38, v33  }
0xe0: {  	[tilespmem:v42+s17+$0x0] =	vst.idx.msk $0xffff, v39;
	v46 =	vadd.f32 v40, v41  }
0xe1: {  	v34 =	vadd.f32 v34, v35;
	v42 =	vadd.s32 $0xD, v7;
	[tilespmem:v36+s17+$0x0] =	vst.idx.msk $0xffff, v37  }
0xe2: {  	[tilespmem:v43+s17+$0x0] =	vst.idx.msk $0xffff, v46  }
0xe3: {  	[tilespmem:v44+s17+$0x0] =	vst.idx.msk $0xffff, v34  }
0xe4: {  	v34 =	vld.idx.msk [tilespmem:v45+s3+$0x0], $0xffff  }
0xe5: {  	v45 =	vadd.s32 $0xE, v7  }
0xe6: {  	v35 =	vld.idx.msk [tilespmem:v42+s3+$0x0], $0xffff;
	_ =	sdelay $0x2  }
0xe7: {  	v38 =	vadd.s32 $0xF, v7;
	v37 =	vunpack.i.u.bf16.f32 v34;
	v34 =	vunpack.i.l.bf16.f32 v34  }
0xe8: {  	v36 =	vld.idx.msk [tilespmem:v45+s3+$0x0], $0xffff;
	v46 =	vmul.f32 v34, v6;
	v44 =	vmul.f32 v37, v9  }
0xe9: {  	v41 =	vunpack.i.l.bf16.f32 v35  }
0xea: {  	v45 =	vmul.f32 v41, v12;
	v39 =	vadd.f32 v46, v44  }
0xeb: {  	v35 =	vunpack.i.u.bf16.f32 v35;
	v43 =	vmul.f32 v34, v5;
	v44 =	vmul.f32 v37, v8  }
0xec: {  	v38 =	vld.idx.msk [tilespmem:v38+s3+$0x0], $0xffff;
	v40 =	vmul.f32 v35, v13;
	v39 =	vadd.f32 v45, v39  }
0xed: {  	v42 =	vunpack.i.l.bf16.f32 v36;
	v43 =	vadd.f32 v43, v44;
	v44 =	vmul.f32 v41, v10  }
0xee: {  	v39 =	vadd.f32 v39, v40;
	v40 =	vmul.f32 v42, v17  }
0xef: {  	v36 =	vunpack.i.u.bf16.f32 v36;
	v43 =	vadd.f32 v44, v43;
	v44 =	vmul.f32 v35, v11  }
0xf0: {  	v39 =	vadd.f32 v40, v39;
	v40 =	vmul.f32 v36, v18  }
0xf1: {  	v45 =	vunpack.i.l.bf16.f32 v38;
	v43 =	vadd.f32 v43, v44;
	v44 =	vmul.f32 v42, v14  }
0xf2: {  	v39 =	vadd.f32 v39, v40;
	v40 =	vmul.f32 v45, v16  }
0xf3: {  	v46 =	vmul.f32 v37, v0;
	v43 =	vadd.f32 v44, v43  }
0xf4: {  	v44 =	vmul.f32 v34, v2;
	v39 =	vadd.f32 v40, v39;
	v40 =	vmul.f32 v36, v15  }
0xf5: {  	v37 =	vmul.f32 v37, v4;
	v38 =	vunpack.i.u.bf16.f32 v38;
	v34 =	vmul.f32 v34, v3  }
0xf6: {  	v40 =	vadd.f32 v43, v40;
	v43 =	vadd.f32 v44, v46;
	v46 =	vmul.f32 v38, v26  }
0xf7: {  	v44 =	vmul.f32 v41, v19  }
0xf8: {  	v34 =	vadd.f32 v34, v37;
	v37 =	vmul.f32 v41, v20;
	v39 =	vadd.f32 v39, v46;
	v46 =	vld [tilespmem:$0x1FD20]  }
0xf9: {  	v41 =	vmul.f32 v45, v23;
	v43 =	vadd.f32 v44, v43;
	v44 =	vmul.f32 v35, v21  }
0xfa: {  	v34 =	vadd.f32 v37, v34;
	v35 =	vmul.f32 v35, v22  }
0xfb: {  	v37 =	vadd.f32 v41, v40;
	v41 =	vmul.f32 v42, v24;
	v40 =	vadd.f32 v43, v44;
	v44 =	vld [tilespmem:$0x1FD30]  }
0xfc: {  	v34 =	vadd.f32 v34, v35;
	v35 =	vmul.f32 v42, v27  }
0xfd: {  	v40 =	vadd.f32 v41, v40;
	v42 =	vadd.s32 v46, v1;
	v46 =	vmul.f32 v36, v29;
	_ =	sdelay $0x1  }
0xfe: {  	v40 =	vadd.f32 v40, v46;
	v46 =	vld [tilespmem:$0x1FD40]  }
0xff: {  	v34 =	vadd.f32 v35, v34;
	v35 =	vmul.f32 v36, v30;
	v36 =	vadd.s32 v44, v1;
	v44 =	vld [tilespmem:$0x1FD50]  }
0x100: {  	v43 =	vmul.f32 v38, v25;
	_ =	sdelay $0x1  }
0x101: {  	v37 =	vadd.f32 v37, v43;
	v41 =	vmul.f32 v45, v28  }
0x102: {  	v34 =	vadd.f32 v34, v35;
	v35 =	vmul.f32 v45, v31;
	v43 =	vadd.s32 v46, v1  }
0x103: {  	v40 =	vadd.f32 v41, v40;
	v41 =	vmul.f32 v38, v32;
	v44 =	vadd.s32 v44, v1  }
0x104: {  	v45 =	vadd.s32 $0x1A9, v7;
	v34 =	vadd.f32 v35, v34;
	v35 =	vmul.f32 v38, v33  }
0x105: {  	[tilespmem:v42+s17+$0x0] =	vst.idx.msk $0xffff, v39;
	v46 =	vadd.f32 v40, v41  }
0x106: {  	v34 =	vadd.f32 v34, v35;
	v42 =	vadd.s32 $0x1AA, v7;
	[tilespmem:v36+s17+$0x0] =	vst.idx.msk $0xffff, v37  }
0x107: {  	[tilespmem:v43+s17+$0x0] =	vst.idx.msk $0xffff, v46  }
0x108: {  	[tilespmem:v44+s17+$0x0] =	vst.idx.msk $0xffff, v34  }
0x109: {  	v34 =	vld.idx.msk [tilespmem:v45+s3+$0x0], $0xffff  }
0x10a: {  	v45 =	vadd.s32 $0x1AB, v7  }
0x10b: {  	v35 =	vld.idx.msk [tilespmem:v42+s3+$0x0], $0xffff;
	_ =	sdelay $0x2  }
0x10c: {  	v38 =	vadd.s32 $0x1AC, v7;
	v37 =	vunpack.i.u.bf16.f32 v34;
	v34 =	vunpack.i.l.bf16.f32 v34  }
0x10d: {  	v36 =	vld.idx.msk [tilespmem:v45+s3+$0x0], $0xffff;
	v46 =	vmul.f32 v34, v6;
	v44 =	vmul.f32 v37, v9  }
0x10e: {  	v41 =	vunpack.i.l.bf16.f32 v35  }
0x10f: {  	v45 =	vmul.f32 v41, v12;
	v39 =	vadd.f32 v46, v44  }
0x110: {  	v35 =	vunpack.i.u.bf16.f32 v35;
	v43 =	vmul.f32 v34, v5;
	v44 =	vmul.f32 v37, v8  }
0x111: {  	v38 =	vld.idx.msk [tilespmem:v38+s3+$0x0], $0xffff;
	v40 =	vmul.f32 v35, v13;
	v39 =	vadd.f32 v45, v39  }
0x112: {  	v42 =	vunpack.i.l.bf16.f32 v36;
	v43 =	vadd.f32 v43, v44;
	v44 =	vmul.f32 v41, v10  }
0x113: {  	v39 =	vadd.f32 v39, v40;
	v40 =	vmul.f32 v42, v17  }
0x114: {  	v36 =	vunpack.i.u.bf16.f32 v36;
	v43 =	vadd.f32 v44, v43;
	v44 =	vmul.f32 v35, v11  }
0x115: {  	v39 =	vadd.f32 v40, v39;
	v40 =	vmul.f32 v36, v18  }
0x116: {  	v45 =	vunpack.i.l.bf16.f32 v38;
	v43 =	vadd.f32 v43, v44;
	v44 =	vmul.f32 v42, v14  }
0x117: {  	v39 =	vadd.f32 v39, v40;
	v40 =	vmul.f32 v45, v16  }
0x118: {  	v46 =	vmul.f32 v37, v0;
	v43 =	vadd.f32 v44, v43  }
0x119: {  	v44 =	vmul.f32 v34, v2;
	v39 =	vadd.f32 v40, v39;
	v40 =	vmul.f32 v36, v15  }
0x11a: {  	v37 =	vmul.f32 v37, v4;
	v38 =	vunpack.i.u.bf16.f32 v38;
	v34 =	vmul.f32 v34, v3  }
0x11b: {  	v40 =	vadd.f32 v43, v40;
	v43 =	vadd.f32 v44, v46;
	v46 =	vmul.f32 v38, v26  }
0x11c: {  	v44 =	vmul.f32 v41, v19  }
0x11d: {  	v34 =	vadd.f32 v34, v37;
	v37 =	vmul.f32 v41, v20;
	v39 =	vadd.f32 v39, v46;
	v46 =	vld [tilespmem:$0x1FD60]  }
0x11e: {  	v41 =	vmul.f32 v45, v23;
	v43 =	vadd.f32 v44, v43;
	v44 =	vmul.f32 v35, v21  }
0x11f: {  	v34 =	vadd.f32 v37, v34;
	v35 =	vmul.f32 v35, v22  }
0x120: {  	v37 =	vadd.f32 v41, v40;
	v41 =	vmul.f32 v42, v24;
	v40 =	vadd.f32 v43, v44;
	v44 =	vld [tilespmem:$0x1FD70]  }
0x121: {  	v34 =	vadd.f32 v34, v35;
	v35 =	vmul.f32 v42, v27  }
0x122: {  	v40 =	vadd.f32 v41, v40;
	v42 =	vadd.s32 v46, v1;
	v46 =	vmul.f32 v36, v29;
	_ =	sdelay $0x1  }
0x123: {  	v40 =	vadd.f32 v40, v46;
	v46 =	vld [tilespmem:$0x1FD80]  }
0x124: {  	v34 =	vadd.f32 v35, v34;
	v35 =	vmul.f32 v36, v30;
	v36 =	vadd.s32 v44, v1;
	v44 =	vld [tilespmem:$0x1FD90]  }
0x125: {  	v43 =	vmul.f32 v38, v25;
	_ =	sdelay $0x1  }
0x126: {  	v37 =	vadd.f32 v37, v43;
	v41 =	vmul.f32 v45, v28  }
0x127: {  	v34 =	vadd.f32 v34, v35;
	v35 =	vmul.f32 v45, v31;
	v43 =	vadd.s32 v46, v1  }
0x128: {  	v40 =	vadd.f32 v41, v40;
	v41 =	vmul.f32 v38, v32;
	v44 =	vadd.s32 v44, v1  }
0x129: {  	v45 =	vadd.s32 $0x1AD, v7;
	v34 =	vadd.f32 v35, v34;
	v35 =	vmul.f32 v38, v33  }
0x12a: {  	[tilespmem:v42+s17+$0x0] =	vst.idx.msk $0xffff, v39;
	v46 =	vadd.f32 v40, v41  }
0x12b: {  	v34 =	vadd.f32 v34, v35;
	v42 =	vadd.s32 $0x1AE, v7;
	[tilespmem:v36+s17+$0x0] =	vst.idx.msk $0xffff, v37  }
0x12c: {  	[tilespmem:v43+s17+$0x0] =	vst.idx.msk $0xffff, v46  }
0x12d: {  	[tilespmem:v44+s17+$0x0] =	vst.idx.msk $0xffff, v34  }
0x12e: {  	v34 =	vld.idx.msk [tilespmem:v45+s3+$0x0], $0xffff  }
0x12f: {  	v45 =	vadd.s32 $0x1AF, v7  }
0x130: {  	v35 =	vld.idx.msk [tilespmem:v42+s3+$0x0], $0xffff;
	_ =	sdelay $0x2  }
0x131: {  	v38 =	vadd.s32 $0x1B0, v7;
	v37 =	vunpack.i.u.bf16.f32 v34;
	v34 =	vunpack.i.l.bf16.f32 v34  }
0x132: {  	v36 =	vld.idx.msk [tilespmem:v45+s3+$0x0], $0xffff;
	v46 =	vmul.f32 v34, v6;
	v44 =	vmul.f32 v37, v9  }
0x133: {  	v41 =	vunpack.i.l.bf16.f32 v35  }
0x134: {  	v45 =	vmul.f32 v41, v12;
	v39 =	vadd.f32 v46, v44  }
0x135: {  	v35 =	vunpack.i.u.bf16.f32 v35;
	v43 =	vmul.f32 v34, v5;
	v44 =	vmul.f32 v37, v8  }
0x136: {  	v38 =	vld.idx.msk [tilespmem:v38+s3+$0x0], $0xffff;
	v40 =	vmul.f32 v35, v13;
	v39 =	vadd.f32 v45, v39  }
0x137: {  	v42 =	vunpack.i.l.bf16.f32 v36;
	v43 =	vadd.f32 v43, v44;
	v44 =	vmul.f32 v41, v10  }
0x138: {  	v39 =	vadd.f32 v39, v40;
	v40 =	vmul.f32 v42, v17  }
0x139: {  	v36 =	vunpack.i.u.bf16.f32 v36;
	v43 =	vadd.f32 v44, v43;
	v44 =	vmul.f32 v35, v11  }
0x13a: {  	v39 =	vadd.f32 v40, v39;
	v40 =	vmul.f32 v36, v18  }
0x13b: {  	v45 =	vunpack.i.l.bf16.f32 v38;
	v43 =	vadd.f32 v43, v44;
	v44 =	vmul.f32 v42, v14  }
0x13c: {  	v39 =	vadd.f32 v39, v40;
	v40 =	vmul.f32 v45, v16  }
0x13d: {  	v46 =	vmul.f32 v37, v0;
	v43 =	vadd.f32 v44, v43  }
0x13e: {  	v44 =	vmul.f32 v34, v2;
	v39 =	vadd.f32 v40, v39;
	v40 =	vmul.f32 v36, v15  }
0x13f: {  	v37 =	vmul.f32 v37, v4;
	v38 =	vunpack.i.u.bf16.f32 v38;
	v34 =	vmul.f32 v34, v3  }
0x140: {  	v40 =	vadd.f32 v43, v40;
	v43 =	vadd.f32 v44, v46;
	v46 =	vmul.f32 v38, v26  }
0x141: {  	v44 =	vmul.f32 v41, v19  }
0x142: {  	v34 =	vadd.f32 v34, v37;
	v37 =	vmul.f32 v41, v20;
	v39 =	vadd.f32 v39, v46;
	v46 =	vld [tilespmem:$0x1FDA0]  }
0x143: {  	v41 =	vmul.f32 v45, v23;
	v43 =	vadd.f32 v44, v43;
	v44 =	vmul.f32 v35, v21  }
0x144: {  	v34 =	vadd.f32 v37, v34;
	v35 =	vmul.f32 v35, v22  }
0x145: {  	v37 =	vadd.f32 v41, v40;
	v41 =	vmul.f32 v42, v24;
	v40 =	vadd.f32 v43, v44;
	v44 =	vld [tilespmem:$0x1FDB0]  }
0x146: {  	v34 =	vadd.f32 v34, v35;
	v35 =	vmul.f32 v42, v27  }
0x147: {  	v40 =	vadd.f32 v41, v40;
	v42 =	vadd.s32 v46, v1;
	v46 =	vmul.f32 v36, v29;
	_ =	sdelay $0x1  }
0x148: {  	v40 =	vadd.f32 v40, v46;
	v46 =	vld [tilespmem:$0x1FDC0]  }
0x149: {  	v34 =	vadd.f32 v35, v34;
	v35 =	vmul.f32 v36, v30;
	v36 =	vadd.s32 v44, v1;
	v44 =	vld [tilespmem:$0x1FDD0]  }
0x14a: {  	v43 =	vmul.f32 v38, v25;
	_ =	sdelay $0x1  }
0x14b: {  	v37 =	vadd.f32 v37, v43;
	v41 =	vmul.f32 v45, v28  }
0x14c: {  	v34 =	vadd.f32 v34, v35;
	v35 =	vmul.f32 v45, v31;
	v43 =	vadd.s32 v46, v1  }
0x14d: {  	v40 =	vadd.f32 v41, v40;
	v41 =	vmul.f32 v38, v32;
	v44 =	vadd.s32 v44, v1  }
0x14e: {  	v45 =	vadd.s32 $0x1B1, v7;
	v34 =	vadd.f32 v35, v34;
	v35 =	vmul.f32 v38, v33  }
0x14f: {  	[tilespmem:v42+s17+$0x0] =	vst.idx.msk $0xffff, v39;
	v46 =	vadd.f32 v40, v41  }
0x150: {  	v34 =	vadd.f32 v34, v35;
	v42 =	vadd.s32 $0x1B2, v7;
	[tilespmem:v36+s17+$0x0] =	vst.idx.msk $0xffff, v37  }
0x151: {  	[tilespmem:v43+s17+$0x0] =	vst.idx.msk $0xffff, v46  }
0x152: {  	[tilespmem:v44+s17+$0x0] =	vst.idx.msk $0xffff, v34  }
0x153: {  	v34 =	vld.idx.msk [tilespmem:v45+s3+$0x0], $0xffff  }
0x154: {  	v45 =	vadd.s32 $0x1B3, v7  }
0x155: {  	v35 =	vld.idx.msk [tilespmem:v42+s3+$0x0], $0xffff;
	_ =	sdelay $0x2  }
0x156: {  	v38 =	vadd.s32 $0x1B4, v7;
	v37 =	vunpack.i.u.bf16.f32 v34;
	v34 =	vunpack.i.l.bf16.f32 v34  }
0x157: {  	v36 =	vld.idx.msk [tilespmem:v45+s3+$0x0], $0xffff;
	v46 =	vmul.f32 v34, v6;
	v44 =	vmul.f32 v37, v9  }
0x158: {  	v41 =	vunpack.i.l.bf16.f32 v35  }
0x159: {  	v45 =	vmul.f32 v41, v12;
	v39 =	vadd.f32 v46, v44  }
0x15a: {  	v35 =	vunpack.i.u.bf16.f32 v35;
	v43 =	vmul.f32 v34, v5;
	v44 =	vmul.f32 v37, v8  }
0x15b: {  	v38 =	vld.idx.msk [tilespmem:v38+s3+$0x0], $0xffff;
	v40 =	vmul.f32 v35, v13;
	v39 =	vadd.f32 v45, v39  }
0x15c: {  	v42 =	vunpack.i.l.bf16.f32 v36;
	v43 =	vadd.f32 v43, v44;
	v44 =	vmul.f32 v41, v10  }
0x15d: {  	v39 =	vadd.f32 v39, v40;
	v40 =	vmul.f32 v42, v17  }
0x15e: {  	v36 =	vunpack.i.u.bf16.f32 v36;
	v43 =	vadd.f32 v44, v43;
	v44 =	vmul.f32 v35, v11  }
0x15f: {  	v39 =	vadd.f32 v40, v39;
	v40 =	vmul.f32 v36, v18  }
0x160: {  	v45 =	vunpack.i.l.bf16.f32 v38;
	v43 =	vadd.f32 v43, v44;
	v44 =	vmul.f32 v42, v14  }
0x161: {  	v39 =	vadd.f32 v39, v40;
	v40 =	vmul.f32 v45, v16  }
0x162: {  	v46 =	vmul.f32 v37, v0;
	v43 =	vadd.f32 v44, v43  }
0x163: {  	v44 =	vmul.f32 v34, v2;
	v39 =	vadd.f32 v40, v39;
	v40 =	vmul.f32 v36, v15  }
0x164: {  	v37 =	vmul.f32 v37, v4;
	v38 =	vunpack.i.u.bf16.f32 v38;
	v34 =	vmul.f32 v34, v3  }
0x165: {  	v40 =	vadd.f32 v43, v40;
	v43 =	vadd.f32 v44, v46;
	v46 =	vmul.f32 v38, v26  }
0x166: {  	v44 =	vmul.f32 v41, v19  }
0x167: {  	v34 =	vadd.f32 v34, v37;
	v37 =	vmul.f32 v41, v20;
	v39 =	vadd.f32 v39, v46;
	v46 =	vld [tilespmem:$0x1FDE0]  }
0x168: {  	v41 =	vmul.f32 v45, v23;
	v43 =	vadd.f32 v44, v43;
	v44 =	vmul.f32 v35, v21  }
0x169: {  	v34 =	vadd.f32 v37, v34;
	v35 =	vmul.f32 v35, v22  }
0x16a: {  	v37 =	vadd.f32 v41, v40;
	v41 =	vmul.f32 v42, v24;
	v40 =	vadd.f32 v43, v44;
	v44 =	vld [tilespmem:$0x1FDF0]  }
0x16b: {  	v34 =	vadd.f32 v34, v35;
	v35 =	vmul.f32 v42, v27  }
0x16c: {  	v40 =	vadd.f32 v41, v40;
	v42 =	vadd.s32 v46, v1;
	v46 =	vmul.f32 v36, v29;
	_ =	sdelay $0x1  }
0x16d: {  	v40 =	vadd.f32 v40, v46;
	v46 =	vld [tilespmem:$0x1FE00]  }
0x16e: {  	v34 =	vadd.f32 v35, v34;
	v35 =	vmul.f32 v36, v30;
	v36 =	vadd.s32 v44, v1;
	v44 =	vld [tilespmem:$0x1FE10]  }
0x16f: {  	v43 =	vmul.f32 v38, v25;
	_ =	sdelay $0x1  }
0x170: {  	v37 =	vadd.f32 v37, v43;
	v41 =	vmul.f32 v45, v28  }
0x171: {  	v34 =	vadd.f32 v34, v35;
	v35 =	vmul.f32 v45, v31;
	v43 =	vadd.s32 v46, v1  }
0x172: {  	v40 =	vadd.f32 v41, v40;
	v41 =	vmul.f32 v38, v32;
	v44 =	vadd.s32 v44, v1  }
0x173: {  	v45 =	vadd.s32 $0x1B5, v7;
	v34 =	vadd.f32 v35, v34;
	v35 =	vmul.f32 v38, v33  }
0x174: {  	[tilespmem:v42+s17+$0x0] =	vst.idx.msk $0xffff, v39;
	v46 =	vadd.f32 v40, v41  }
0x175: {  	v34 =	vadd.f32 v34, v35;
	v42 =	vadd.s32 $0x1B6, v7;
	[tilespmem:v36+s17+$0x0] =	vst.idx.msk $0xffff, v37  }
0x176: {  	[tilespmem:v43+s17+$0x0] =	vst.idx.msk $0xffff, v46  }
0x177: {  	[tilespmem:v44+s17+$0x0] =	vst.idx.msk $0xffff, v34  }
0x178: {  	v34 =	vld.idx.msk [tilespmem:v45+s3+$0x0], $0xffff  }
0x179: {  	v45 =	vadd.s32 $0x1B7, v7  }
0x17a: {  	v35 =	vld.idx.msk [tilespmem:v42+s3+$0x0], $0xffff;
	_ =	sdelay $0x2  }
0x17b: {  	v38 =	vadd.s32 $0x1B8, v7;
	v37 =	vunpack.i.u.bf16.f32 v34;
	v34 =	vunpack.i.l.bf16.f32 v34  }
0x17c: {  	v36 =	vld.idx.msk [tilespmem:v45+s3+$0x0], $0xffff;
	v46 =	vmul.f32 v34, v6;
	v44 =	vmul.f32 v37, v9  }
0x17d: {  	v41 =	vunpack.i.l.bf16.f32 v35  }
0x17e: {  	v45 =	vmul.f32 v41, v12;
	v39 =	vadd.f32 v46, v44  }
0x17f: {  	v35 =	vunpack.i.u.bf16.f32 v35;
	v43 =	vmul.f32 v34, v5;
	v44 =	vmul.f32 v37, v8  }
0x180: {  	v38 =	vld.idx.msk [tilespmem:v38+s3+$0x0], $0xffff;
	v40 =	vmul.f32 v35, v13;
	v39 =	vadd.f32 v45, v39  }
0x181: {  	v42 =	vunpack.i.l.bf16.f32 v36;
	v43 =	vadd.f32 v43, v44;
	v44 =	vmul.f32 v41, v10  }
0x182: {  	v39 =	vadd.f32 v39, v40;
	v40 =	vmul.f32 v42, v17  }
0x183: {  	v36 =	vunpack.i.u.bf16.f32 v36;
	v43 =	vadd.f32 v44, v43;
	v44 =	vmul.f32 v35, v11  }
0x184: {  	v39 =	vadd.f32 v40, v39;
	v40 =	vmul.f32 v36, v18  }
0x185: {  	v45 =	vunpack.i.l.bf16.f32 v38;
	v43 =	vadd.f32 v43, v44;
	v44 =	vmul.f32 v42, v14  }
0x186: {  	v39 =	vadd.f32 v39, v40;
	v40 =	vmul.f32 v45, v16  }
0x187: {  	v46 =	vmul.f32 v37, v0;
	v43 =	vadd.f32 v44, v43  }
0x188: {  	v44 =	vmul.f32 v34, v2;
	v39 =	vadd.f32 v40, v39;
	v40 =	vmul.f32 v36, v15  }
0x189: {  	v37 =	vmul.f32 v37, v4;
	v38 =	vunpack.i.u.bf16.f32 v38;
	v34 =	vmul.f32 v34, v3  }
0x18a: {  	v40 =	vadd.f32 v43, v40;
	v43 =	vadd.f32 v44, v46;
	v46 =	vmul.f32 v38, v26  }
0x18b: {  	v44 =	vmul.f32 v41, v19  }
0x18c: {  	v34 =	vadd.f32 v34, v37;
	v37 =	vmul.f32 v41, v20;
	v39 =	vadd.f32 v39, v46;
	v46 =	vld [tilespmem:$0x1FE20]  }
0x18d: {  	v41 =	vmul.f32 v45, v23;
	v43 =	vadd.f32 v44, v43;
	v44 =	vmul.f32 v35, v21  }
0x18e: {  	v34 =	vadd.f32 v37, v34;
	v35 =	vmul.f32 v35, v22  }
0x18f: {  	v37 =	vadd.f32 v41, v40;
	v41 =	vmul.f32 v42, v24;
	v40 =	vadd.f32 v43, v44;
	v44 =	vld [tilespmem:$0x1FE30]  }
0x190: {  	v34 =	vadd.f32 v34, v35;
	v35 =	vmul.f32 v42, v27  }
0x191: {  	v40 =	vadd.f32 v41, v40;
	v42 =	vadd.s32 v46, v1;
	v46 =	vmul.f32 v36, v29;
	_ =	sdelay $0x1  }
0x192: {  	v40 =	vadd.f32 v40, v46;
	v46 =	vld [tilespmem:$0x1FE40]  }
0x193: {  	v34 =	vadd.f32 v35, v34;
	v35 =	vmul.f32 v36, v30;
	v36 =	vadd.s32 v44, v1;
	v44 =	vld [tilespmem:$0x1FE50]  }
0x194: {  	v43 =	vmul.f32 v38, v25;
	_ =	sdelay $0x1  }
0x195: {  	v37 =	vadd.f32 v37, v43;
	v41 =	vmul.f32 v45, v28  }
0x196: {  	v34 =	vadd.f32 v34, v35;
	v35 =	vmul.f32 v45, v31;
	v43 =	vadd.s32 v46, v1  }
0x197: {  	v40 =	vadd.f32 v41, v40;
	v41 =	vmul.f32 v38, v32;
	v44 =	vadd.s32 v44, v1  }
0x198: {  	v45 =	vadd.s32 $0x352, v7;
	v34 =	vadd.f32 v35, v34;
	v35 =	vmul.f32 v38, v33  }
0x199: {  	[tilespmem:v42+s17+$0x0] =	vst.idx.msk $0xffff, v39;
	v46 =	vadd.f32 v40, v41  }
0x19a: {  	v34 =	vadd.f32 v34, v35;
	v42 =	vadd.s32 $0x353, v7;
	[tilespmem:v36+s17+$0x0] =	vst.idx.msk $0xffff, v37  }
0x19b: {  	[tilespmem:v43+s17+$0x0] =	vst.idx.msk $0xffff, v46  }
0x19c: {  	[tilespmem:v44+s17+$0x0] =	vst.idx.msk $0xffff, v34  }
0x19d: {  	v34 =	vld.idx.msk [tilespmem:v45+s3+$0x0], $0xffff  }
0x19e: {  	v45 =	vadd.s32 $0x354, v7  }
0x19f: {  	v35 =	vld.idx.msk [tilespmem:v42+s3+$0x0], $0xffff;
	_ =	sdelay $0x2  }
0x1a0: {  	v38 =	vadd.s32 $0x355, v7;
	v37 =	vunpack.i.u.bf16.f32 v34;
	v34 =	vunpack.i.l.bf16.f32 v34  }
0x1a1: {  	v36 =	vld.idx.msk [tilespmem:v45+s3+$0x0], $0xffff;
	v46 =	vmul.f32 v34, v6;
	v44 =	vmul.f32 v37, v9  }
0x1a2: {  	v41 =	vunpack.i.l.bf16.f32 v35  }
0x1a3: {  	v45 =	vmul.f32 v41, v12;
	v39 =	vadd.f32 v46, v44  }
0x1a4: {  	v35 =	vunpack.i.u.bf16.f32 v35;
	v43 =	vmul.f32 v34, v5;
	v44 =	vmul.f32 v37, v8  }
0x1a5: {  	v38 =	vld.idx.msk [tilespmem:v38+s3+$0x0], $0xffff;
	v40 =	vmul.f32 v35, v13;
	v39 =	vadd.f32 v45, v39  }
0x1a6: {  	v42 =	vunpack.i.l.bf16.f32 v36;
	v43 =	vadd.f32 v43, v44;
	v44 =	vmul.f32 v41, v10  }
0x1a7: {  	v39 =	vadd.f32 v39, v40;
	v40 =	vmul.f32 v42, v17  }
0x1a8: {  	v36 =	vunpack.i.u.bf16.f32 v36;
	v43 =	vadd.f32 v44, v43;
	v44 =	vmul.f32 v35, v11  }
0x1a9: {  	v39 =	vadd.f32 v40, v39;
	v40 =	vmul.f32 v36, v18  }
0x1aa: {  	v45 =	vunpack.i.l.bf16.f32 v38;
	v43 =	vadd.f32 v43, v44;
	v44 =	vmul.f32 v42, v14  }
0x1ab: {  	v39 =	vadd.f32 v39, v40;
	v40 =	vmul.f32 v45, v16  }
0x1ac: {  	v46 =	vmul.f32 v37, v0;
	v43 =	vadd.f32 v44, v43  }
0x1ad: {  	v44 =	vmul.f32 v34, v2;
	v39 =	vadd.f32 v40, v39;
	v40 =	vmul.f32 v36, v15  }
0x1ae: {  	v37 =	vmul.f32 v37, v4;
	v38 =	vunpack.i.u.bf16.f32 v38;
	v34 =	vmul.f32 v34, v3  }
0x1af: {  	v40 =	vadd.f32 v43, v40;
	v43 =	vadd.f32 v44, v46;
	v46 =	vmul.f32 v38, v26  }
0x1b0: {  	v44 =	vmul.f32 v41, v19  }
0x1b1: {  	v34 =	vadd.f32 v34, v37;
	v37 =	vmul.f32 v41, v20;
	v39 =	vadd.f32 v39, v46;
	v46 =	vld [tilespmem:$0x1FE60]  }
0x1b2: {  	v41 =	vmul.f32 v45, v23;
	v43 =	vadd.f32 v44, v43;
	v44 =	vmul.f32 v35, v21  }
0x1b3: {  	v34 =	vadd.f32 v37, v34;
	v35 =	vmul.f32 v35, v22  }
0x1b4: {  	v37 =	vadd.f32 v41, v40;
	v41 =	vmul.f32 v42, v24;
	v40 =	vadd.f32 v43, v44;
	v44 =	vld [tilespmem:$0x1FE70]  }
0x1b5: {  	v34 =	vadd.f32 v34, v35;
	v35 =	vmul.f32 v42, v27  }
0x1b6: {  	v40 =	vadd.f32 v41, v40;
	v42 =	vadd.s32 v46, v1;
	v46 =	vmul.f32 v36, v29;
	_ =	sdelay $0x1  }
0x1b7: {  	v40 =	vadd.f32 v40, v46;
	v46 =	vld [tilespmem:$0x1FE80]  }
0x1b8: {  	v34 =	vadd.f32 v35, v34;
	v35 =	vmul.f32 v36, v30;
	v36 =	vadd.s32 v44, v1;
	v44 =	vld [tilespmem:$0x1FE90]  }
0x1b9: {  	v43 =	vmul.f32 v38, v25;
	_ =	sdelay $0x1  }
0x1ba: {  	v37 =	vadd.f32 v37, v43;
	v41 =	vmul.f32 v45, v28  }
0x1bb: {  	v34 =	vadd.f32 v34, v35;
	v35 =	vmul.f32 v45, v31;
	v43 =	vadd.s32 v46, v1  }
0x1bc: {  	v40 =	vadd.f32 v41, v40;
	v41 =	vmul.f32 v38, v32;
	v44 =	vadd.s32 v44, v1  }
0x1bd: {  	v45 =	vadd.s32 $0x356, v7;
	v34 =	vadd.f32 v35, v34;
	v35 =	vmul.f32 v38, v33  }
0x1be: {  	[tilespmem:v42+s17+$0x0] =	vst.idx.msk $0xffff, v39;
	v46 =	vadd.f32 v40, v41  }
0x1bf: {  	v34 =	vadd.f32 v34, v35;
	v42 =	vadd.s32 $0x357, v7;
	[tilespmem:v36+s17+$0x0] =	vst.idx.msk $0xffff, v37  }
0x1c0: {  	[tilespmem:v43+s17+$0x0] =	vst.idx.msk $0xffff, v46  }
0x1c1: {  	[tilespmem:v44+s17+$0x0] =	vst.idx.msk $0xffff, v34  }
0x1c2: {  	v34 =	vld.idx.msk [tilespmem:v45+s3+$0x0], $0xffff  }
0x1c3: {  	v45 =	vadd.s32 $0x358, v7  }
0x1c4: {  	v35 =	vld.idx.msk [tilespmem:v42+s3+$0x0], $0xffff;
	_ =	sdelay $0x2  }
0x1c5: {  	v38 =	vadd.s32 $0x359, v7;
	v37 =	vunpack.i.u.bf16.f32 v34;
	v34 =	vunpack.i.l.bf16.f32 v34  }
0x1c6: {  	v36 =	vld.idx.msk [tilespmem:v45+s3+$0x0], $0xffff;
	v46 =	vmul.f32 v34, v6;
	v44 =	vmul.f32 v37, v9  }
0x1c7: {  	v41 =	vunpack.i.l.bf16.f32 v35  }
0x1c8: {  	v45 =	vmul.f32 v41, v12;
	v39 =	vadd.f32 v46, v44  }
0x1c9: {  	v35 =	vunpack.i.u.bf16.f32 v35;
	v43 =	vmul.f32 v34, v5;
	v44 =	vmul.f32 v37, v8  }
0x1ca: {  	v38 =	vld.idx.msk [tilespmem:v38+s3+$0x0], $0xffff;
	v40 =	vmul.f32 v35, v13;
	v39 =	vadd.f32 v45, v39  }
0x1cb: {  	v42 =	vunpack.i.l.bf16.f32 v36;
	v43 =	vadd.f32 v43, v44;
	v44 =	vmul.f32 v41, v10  }
0x1cc: {  	v39 =	vadd.f32 v39, v40;
	v40 =	vmul.f32 v42, v17  }
0x1cd: {  	v36 =	vunpack.i.u.bf16.f32 v36;
	v43 =	vadd.f32 v44, v43;
	v44 =	vmul.f32 v35, v11  }
0x1ce: {  	v39 =	vadd.f32 v40, v39;
	v40 =	vmul.f32 v36, v18  }
0x1cf: {  	v45 =	vunpack.i.l.bf16.f32 v38;
	v43 =	vadd.f32 v43, v44;
	v44 =	vmul.f32 v42, v14  }
0x1d0: {  	v39 =	vadd.f32 v39, v40;
	v40 =	vmul.f32 v45, v16  }
0x1d1: {  	v46 =	vmul.f32 v37, v0;
	v43 =	vadd.f32 v44, v43  }
0x1d2: {  	v44 =	vmul.f32 v34, v2;
	v39 =	vadd.f32 v40, v39;
	v40 =	vmul.f32 v36, v15  }
0x1d3: {  	v37 =	vmul.f32 v37, v4;
	v38 =	vunpack.i.u.bf16.f32 v38;
	v34 =	vmul.f32 v34, v3  }
0x1d4: {  	v40 =	vadd.f32 v43, v40;
	v43 =	vadd.f32 v44, v46;
	v46 =	vmul.f32 v38, v26  }
0x1d5: {  	v44 =	vmul.f32 v41, v19  }
0x1d6: {  	v34 =	vadd.f32 v34, v37;
	v37 =	vmul.f32 v41, v20;
	v39 =	vadd.f32 v39, v46;
	v46 =	vld [tilespmem:$0x1FEA0]  }
0x1d7: {  	v41 =	vmul.f32 v45, v23;
	v43 =	vadd.f32 v44, v43;
	v44 =	vmul.f32 v35, v21  }
0x1d8: {  	v34 =	vadd.f32 v37, v34;
	v35 =	vmul.f32 v35, v22  }
0x1d9: {  	v37 =	vadd.f32 v41, v40;
	v41 =	vmul.f32 v42, v24;
	v40 =	vadd.f32 v43, v44;
	v44 =	vld [tilespmem:$0x1FEB0]  }
0x1da: {  	v34 =	vadd.f32 v34, v35;
	v35 =	vmul.f32 v42, v27  }
0x1db: {  	v40 =	vadd.f32 v41, v40;
	v42 =	vadd.s32 v46, v1;
	v46 =	vmul.f32 v36, v29;
	_ =	sdelay $0x1  }
0x1dc: {  	v40 =	vadd.f32 v40, v46;
	v46 =	vld [tilespmem:$0x1FEC0]  }
0x1dd: {  	v34 =	vadd.f32 v35, v34;
	v35 =	vmul.f32 v36, v30;
	v36 =	vadd.s32 v44, v1;
	v44 =	vld [tilespmem:$0x1FED0]  }
0x1de: {  	v43 =	vmul.f32 v38, v25;
	_ =	sdelay $0x1  }
0x1df: {  	v37 =	vadd.f32 v37, v43;
	v41 =	vmul.f32 v45, v28  }
0x1e0: {  	v34 =	vadd.f32 v34, v35;
	v35 =	vmul.f32 v45, v31;
	v43 =	vadd.s32 v46, v1  }
0x1e1: {  	v40 =	vadd.f32 v41, v40;
	v41 =	vmul.f32 v38, v32;
	v44 =	vadd.s32 v44, v1  }
0x1e2: {  	v45 =	vadd.s32 $0x35A, v7;
	v34 =	vadd.f32 v35, v34;
	v35 =	vmul.f32 v38, v33  }
0x1e3: {  	[tilespmem:v42+s17+$0x0] =	vst.idx.msk $0xffff, v39;
	v46 =	vadd.f32 v40, v41  }
0x1e4: {  	v34 =	vadd.f32 v34, v35;
	v42 =	vadd.s32 $0x35B, v7;
	[tilespmem:v36+s17+$0x0] =	vst.idx.msk $0xffff, v37  }
0x1e5: {  	[tilespmem:v43+s17+$0x0] =	vst.idx.msk $0xffff, v46  }
0x1e6: {  	[tilespmem:v44+s17+$0x0] =	vst.idx.msk $0xffff, v34  }
0x1e7: {  	v34 =	vld.idx.msk [tilespmem:v45+s3+$0x0], $0xffff  }
0x1e8: {  	v45 =	vadd.s32 $0x35C, v7  }
0x1e9: {  	v35 =	vld.idx.msk [tilespmem:v42+s3+$0x0], $0xffff;
	_ =	sdelay $0x2  }
0x1ea: {  	v38 =	vadd.s32 $0x35D, v7;
	v37 =	vunpack.i.u.bf16.f32 v34;
	v34 =	vunpack.i.l.bf16.f32 v34  }
0x1eb: {  	v36 =	vld.idx.msk [tilespmem:v45+s3+$0x0], $0xffff;
	v46 =	vmul.f32 v34, v6;
	v44 =	vmul.f32 v37, v9  }
0x1ec: {  	v41 =	vunpack.i.l.bf16.f32 v35  }
0x1ed: {  	v45 =	vmul.f32 v41, v12;
	v39 =	vadd.f32 v46, v44  }
0x1ee: {  	v35 =	vunpack.i.u.bf16.f32 v35;
	v43 =	vmul.f32 v34, v5;
	v44 =	vmul.f32 v37, v8  }
0x1ef: {  	v38 =	vld.idx.msk [tilespmem:v38+s3+$0x0], $0xffff;
	v40 =	vmul.f32 v35, v13;
	v39 =	vadd.f32 v45, v39  }
0x1f0: {  	v42 =	vunpack.i.l.bf16.f32 v36;
	v43 =	vadd.f32 v43, v44;
	v44 =	vmul.f32 v41, v10  }
0x1f1: {  	v39 =	vadd.f32 v39, v40;
	v40 =	vmul.f32 v42, v17  }
0x1f2: {  	v36 =	vunpack.i.u.bf16.f32 v36;
	v43 =	vadd.f32 v44, v43;
	v44 =	vmul.f32 v35, v11  }
0x1f3: {  	v39 =	vadd.f32 v40, v39;
	v40 =	vmul.f32 v36, v18  }
0x1f4: {  	v45 =	vunpack.i.l.bf16.f32 v38;
	v43 =	vadd.f32 v43, v44;
	v44 =	vmul.f32 v42, v14  }
0x1f5: {  	v39 =	vadd.f32 v39, v40;
	v40 =	vmul.f32 v45, v16  }
0x1f6: {  	v46 =	vmul.f32 v37, v0;
	v43 =	vadd.f32 v44, v43  }
0x1f7: {  	v44 =	vmul.f32 v34, v2;
	v39 =	vadd.f32 v40, v39;
	v40 =	vmul.f32 v36, v15  }
0x1f8: {  	v37 =	vmul.f32 v37, v4;
	v38 =	vunpack.i.u.bf16.f32 v38;
	v34 =	vmul.f32 v34, v3  }
0x1f9: {  	v40 =	vadd.f32 v43, v40;
	v43 =	vadd.f32 v44, v46;
	v46 =	vmul.f32 v38, v26  }
0x1fa: {  	v44 =	vmul.f32 v41, v19  }
0x1fb: {  	v34 =	vadd.f32 v34, v37;
	v37 =	vmul.f32 v41, v20;
	v39 =	vadd.f32 v39, v46;
	v46 =	vld [tilespmem:$0x1FEE0]  }
0x1fc: {  	v41 =	vmul.f32 v45, v23;
	v43 =	vadd.f32 v44, v43;
	v44 =	vmul.f32 v35, v21  }
0x1fd: {  	v34 =	vadd.f32 v37, v34;
	v35 =	vmul.f32 v35, v22  }
0x1fe: {  	v37 =	vadd.f32 v41, v40;
	v41 =	vmul.f32 v42, v24;
	v40 =	vadd.f32 v43, v44;
	v44 =	vld [tilespmem:$0x1FEF0]  }
0x1ff: {  	v34 =	vadd.f32 v34, v35;
	v35 =	vmul.f32 v42, v27  }
0x200: {  	v40 =	vadd.f32 v41, v40;
	v42 =	vadd.s32 v46, v1;
	v46 =	vmul.f32 v36, v29;
	_ =	sdelay $0x1  }
0x201: {  	v40 =	vadd.f32 v40, v46;
	v46 =	vld [tilespmem:$0x1FF00]  }
0x202: {  	v34 =	vadd.f32 v35, v34;
	v35 =	vmul.f32 v36, v30;
	v36 =	vadd.s32 v44, v1;
	v44 =	vld [tilespmem:$0x1FF10]  }
0x203: {  	v43 =	vmul.f32 v38, v25;
	_ =	sdelay $0x1  }
0x204: {  	v37 =	vadd.f32 v37, v43;
	v41 =	vmul.f32 v45, v28  }
0x205: {  	v34 =	vadd.f32 v34, v35;
	v35 =	vmul.f32 v45, v31;
	v43 =	vadd.s32 v46, v1  }
0x206: {  	v40 =	vadd.f32 v41, v40;
	v41 =	vmul.f32 v38, v32;
	v44 =	vadd.s32 v44, v1  }
0x207: {  	v45 =	vadd.s32 $0x35E, v7;
	v34 =	vadd.f32 v35, v34;
	v35 =	vmul.f32 v38, v33  }
0x208: {  	[tilespmem:v42+s17+$0x0] =	vst.idx.msk $0xffff, v39;
	v46 =	vadd.f32 v40, v41  }
0x209: {  	v34 =	vadd.f32 v34, v35;
	v42 =	vadd.s32 $0x35F, v7;
	[tilespmem:v36+s17+$0x0] =	vst.idx.msk $0xffff, v37  }
0x20a: {  	[tilespmem:v43+s17+$0x0] =	vst.idx.msk $0xffff, v46  }
0x20b: {  	[tilespmem:v44+s17+$0x0] =	vst.idx.msk $0xffff, v34  }
0x20c: {  	v34 =	vld.idx.msk [tilespmem:v45+s3+$0x0], $0xffff  }
0x20d: {  	v45 =	vadd.s32 $0x360, v7  }
0x20e: {  	v35 =	vld.idx.msk [tilespmem:v42+s3+$0x0], $0xffff;
	_ =	sdelay $0x2  }
0x20f: {  	v38 =	vadd.s32 $0x361, v7;
	v37 =	vunpack.i.u.bf16.f32 v34;
	v34 =	vunpack.i.l.bf16.f32 v34  }
0x210: {  	v36 =	vld.idx.msk [tilespmem:v45+s3+$0x0], $0xffff;
	v46 =	vmul.f32 v34, v6;
	v44 =	vmul.f32 v37, v9  }
0x211: {  	v41 =	vunpack.i.l.bf16.f32 v35  }
0x212: {  	v45 =	vmul.f32 v41, v12;
	v39 =	vadd.f32 v46, v44  }
0x213: {  	v35 =	vunpack.i.u.bf16.f32 v35;
	v43 =	vmul.f32 v34, v5;
	v44 =	vmul.f32 v37, v8  }
0x214: {  	v38 =	vld.idx.msk [tilespmem:v38+s3+$0x0], $0xffff;
	v40 =	vmul.f32 v35, v13;
	v39 =	vadd.f32 v45, v39  }
0x215: {  	v42 =	vunpack.i.l.bf16.f32 v36;
	v43 =	vadd.f32 v43, v44;
	v44 =	vmul.f32 v41, v10  }
0x216: {  	v39 =	vadd.f32 v39, v40;
	v40 =	vmul.f32 v42, v17  }
0x217: {  	v36 =	vunpack.i.u.bf16.f32 v36;
	v43 =	vadd.f32 v44, v43;
	v44 =	vmul.f32 v35, v11  }
0x218: {  	v39 =	vadd.f32 v40, v39;
	v40 =	vmul.f32 v36, v18  }
0x219: {  	v45 =	vunpack.i.l.bf16.f32 v38;
	v43 =	vadd.f32 v43, v44;
	v44 =	vmul.f32 v42, v14  }
0x21a: {  	v39 =	vadd.f32 v39, v40;
	v40 =	vmul.f32 v45, v16  }
0x21b: {  	v46 =	vmul.f32 v37, v0;
	v43 =	vadd.f32 v44, v43  }
0x21c: {  	v44 =	vmul.f32 v34, v2;
	v39 =	vadd.f32 v40, v39;
	v40 =	vmul.f32 v36, v15  }
0x21d: {  	v37 =	vmul.f32 v37, v4;
	v38 =	vunpack.i.u.bf16.f32 v38;
	v34 =	vmul.f32 v34, v3  }
0x21e: {  	v40 =	vadd.f32 v43, v40;
	v43 =	vadd.f32 v44, v46;
	v46 =	vmul.f32 v38, v26  }
0x21f: {  	v44 =	vmul.f32 v41, v19  }
0x220: {  	v34 =	vadd.f32 v34, v37;
	v37 =	vmul.f32 v41, v20;
	v39 =	vadd.f32 v39, v46;
	v46 =	vld [tilespmem:$0x1FF20]  }
0x221: {  	v41 =	vmul.f32 v45, v23;
	v43 =	vadd.f32 v44, v43;
	v44 =	vmul.f32 v35, v21  }
0x222: {  	v34 =	vadd.f32 v37, v34;
	v35 =	vmul.f32 v35, v22  }
0x223: {  	v37 =	vadd.f32 v41, v40;
	v41 =	vmul.f32 v42, v24;
	v40 =	vadd.f32 v43, v44;
	v44 =	vld [tilespmem:$0x1FF30]  }
0x224: {  	v34 =	vadd.f32 v34, v35;
	v35 =	vmul.f32 v42, v27  }
0x225: {  	v40 =	vadd.f32 v41, v40;
	v42 =	vadd.s32 v46, v1;
	v46 =	vmul.f32 v36, v29;
	_ =	sdelay $0x1  }
0x226: {  	v40 =	vadd.f32 v40, v46;
	v46 =	vld [tilespmem:$0x1FF40]  }
0x227: {  	v34 =	vadd.f32 v35, v34;
	v35 =	vmul.f32 v36, v30;
	v36 =	vadd.s32 v44, v1;
	v44 =	vld [tilespmem:$0x1FF50]  }
0x228: {  	v43 =	vmul.f32 v38, v25;
	_ =	sdelay $0x1  }
0x229: {  	v37 =	vadd.f32 v37, v43;
	v41 =	vmul.f32 v45, v28  }
0x22a: {  	v34 =	vadd.f32 v34, v35;
	v35 =	vmul.f32 v45, v31;
	v43 =	vadd.s32 v46, v1  }
0x22b: {  	v40 =	vadd.f32 v41, v40;
	v41 =	vmul.f32 v38, v32;
	v44 =	vadd.s32 v44, v1  }
0x22c: {  	v45 =	vadd.s32 $0x4FB, v7;
	v34 =	vadd.f32 v35, v34;
	v35 =	vmul.f32 v38, v33  }
0x22d: {  	[tilespmem:v42+s17+$0x0] =	vst.idx.msk $0xffff, v39;
	v46 =	vadd.f32 v40, v41  }
0x22e: {  	v34 =	vadd.f32 v34, v35;
	v42 =	vadd.s32 $0x4FC, v7;
	[tilespmem:v36+s17+$0x0] =	vst.idx.msk $0xffff, v37  }
0x22f: {  	[tilespmem:v43+s17+$0x0] =	vst.idx.msk $0xffff, v46  }
0x230: {  	[tilespmem:v44+s17+$0x0] =	vst.idx.msk $0xffff, v34  }
0x231: {  	v34 =	vld.idx.msk [tilespmem:v45+s3+$0x0], $0xffff  }
0x232: {  	v45 =	vadd.s32 $0x4FD, v7  }
0x233: {  	v35 =	vld.idx.msk [tilespmem:v42+s3+$0x0], $0xffff;
	_ =	sdelay $0x2  }
0x234: {  	v38 =	vadd.s32 $0x4FE, v7;
	v37 =	vunpack.i.u.bf16.f32 v34;
	v34 =	vunpack.i.l.bf16.f32 v34  }
0x235: {  	v36 =	vld.idx.msk [tilespmem:v45+s3+$0x0], $0xffff;
	v46 =	vmul.f32 v34, v6;
	v44 =	vmul.f32 v37, v9  }
0x236: {  	v41 =	vunpack.i.l.bf16.f32 v35  }
0x237: {  	v45 =	vmul.f32 v41, v12;
	v39 =	vadd.f32 v46, v44  }
0x238: {  	v35 =	vunpack.i.u.bf16.f32 v35;
	v43 =	vmul.f32 v34, v5;
	v44 =	vmul.f32 v37, v8  }
0x239: {  	v38 =	vld.idx.msk [tilespmem:v38+s3+$0x0], $0xffff;
	v40 =	vmul.f32 v35, v13;
	v39 =	vadd.f32 v45, v39  }
0x23a: {  	v42 =	vunpack.i.l.bf16.f32 v36;
	v43 =	vadd.f32 v43, v44;
	v44 =	vmul.f32 v41, v10  }
0x23b: {  	v39 =	vadd.f32 v39, v40;
	v40 =	vmul.f32 v42, v17  }
0x23c: {  	v36 =	vunpack.i.u.bf16.f32 v36;
	v43 =	vadd.f32 v44, v43;
	v44 =	vmul.f32 v35, v11  }
0x23d: {  	v39 =	vadd.f32 v40, v39;
	v40 =	vmul.f32 v36, v18  }
0x23e: {  	v45 =	vunpack.i.l.bf16.f32 v38;
	v43 =	vadd.f32 v43, v44;
	v44 =	vmul.f32 v42, v14  }
0x23f: {  	v39 =	vadd.f32 v39, v40;
	v40 =	vmul.f32 v45, v16  }
0x240: {  	v46 =	vmul.f32 v37, v0;
	v43 =	vadd.f32 v44, v43  }
0x241: {  	v44 =	vmul.f32 v34, v2;
	v39 =	vadd.f32 v40, v39;
	v40 =	vmul.f32 v36, v15  }
0x242: {  	v37 =	vmul.f32 v37, v4;
	v38 =	vunpack.i.u.bf16.f32 v38;
	v34 =	vmul.f32 v34, v3  }
0x243: {  	v40 =	vadd.f32 v43, v40;
	v43 =	vadd.f32 v44, v46;
	v46 =	vmul.f32 v38, v26  }
0x244: {  	v44 =	vmul.f32 v41, v19  }
0x245: {  	v34 =	vadd.f32 v34, v37;
	v37 =	vmul.f32 v41, v20;
	v39 =	vadd.f32 v39, v46;
	v46 =	vld [tilespmem:$0x1FF60]  }
0x246: {  	v41 =	vmul.f32 v45, v23;
	v43 =	vadd.f32 v44, v43;
	v44 =	vmul.f32 v35, v21  }
0x247: {  	v34 =	vadd.f32 v37, v34;
	v35 =	vmul.f32 v35, v22  }
0x248: {  	v37 =	vadd.f32 v41, v40;
	v41 =	vmul.f32 v42, v24;
	v40 =	vadd.f32 v43, v44;
	v44 =	vld [tilespmem:$0x1FF70]  }
0x249: {  	v34 =	vadd.f32 v34, v35;
	v35 =	vmul.f32 v42, v27  }
0x24a: {  	v40 =	vadd.f32 v41, v40;
	v42 =	vadd.s32 v46, v1;
	v46 =	vmul.f32 v36, v29;
	_ =	sdelay $0x1  }
0x24b: {  	v40 =	vadd.f32 v40, v46;
	v46 =	vld [tilespmem:$0x1FF80]  }
0x24c: {  	v34 =	vadd.f32 v35, v34;
	v35 =	vmul.f32 v36, v30;
	v36 =	vadd.s32 v44, v1;
	v44 =	vld [tilespmem:$0x1FF90]  }
0x24d: {  	v43 =	vmul.f32 v38, v25;
	_ =	sdelay $0x1  }
0x24e: {  	v37 =	vadd.f32 v37, v43;
	v41 =	vmul.f32 v45, v28  }
0x24f: {  	v34 =	vadd.f32 v34, v35;
	v35 =	vmul.f32 v45, v31;
	v43 =	vadd.s32 v46, v1  }
0x250: {  	v40 =	vadd.f32 v41, v40;
	v41 =	vmul.f32 v38, v32;
	v44 =	vadd.s32 v44, v1  }
0x251: {  	v45 =	vadd.s32 $0x4FF, v7;
	v34 =	vadd.f32 v35, v34;
	v35 =	vmul.f32 v38, v33  }
0x252: {  	[tilespmem:v42+s17+$0x0] =	vst.idx.msk $0xffff, v39;
	v46 =	vadd.f32 v40, v41  }
0x253: {  	v34 =	vadd.f32 v34, v35;
	v42 =	vadd.s32 $0x500, v7;
	[tilespmem:v36+s17+$0x0] =	vst.idx.msk $0xffff, v37  }
0x254: {  	[tilespmem:v43+s17+$0x0] =	vst.idx.msk $0xffff, v46  }
0x255: {  	[tilespmem:v44+s17+$0x0] =	vst.idx.msk $0xffff, v34  }
0x256: {  	v34 =	vld.idx.msk [tilespmem:v45+s3+$0x0], $0xffff  }
0x257: {  	v45 =	vadd.s32 $0x501, v7  }
0x258: {  	v35 =	vld.idx.msk [tilespmem:v42+s3+$0x0], $0xffff;
	_ =	sdelay $0x2  }
0x259: {  	v38 =	vadd.s32 $0x502, v7;
	v37 =	vunpack.i.u.bf16.f32 v34;
	v34 =	vunpack.i.l.bf16.f32 v34  }
0x25a: {  	v36 =	vld.idx.msk [tilespmem:v45+s3+$0x0], $0xffff;
	v46 =	vmul.f32 v34, v6;
	v44 =	vmul.f32 v37, v9  }
0x25b: {  	v41 =	vunpack.i.l.bf16.f32 v35  }
0x25c: {  	v45 =	vmul.f32 v41, v12;
	v39 =	vadd.f32 v46, v44  }
0x25d: {  	v35 =	vunpack.i.u.bf16.f32 v35;
	v43 =	vmul.f32 v34, v5;
	v44 =	vmul.f32 v37, v8  }
0x25e: {  	v38 =	vld.idx.msk [tilespmem:v38+s3+$0x0], $0xffff;
	v40 =	vmul.f32 v35, v13;
	v39 =	vadd.f32 v45, v39  }
0x25f: {  	v42 =	vunpack.i.l.bf16.f32 v36;
	v43 =	vadd.f32 v43, v44;
	v44 =	vmul.f32 v41, v10  }
0x260: {  	v39 =	vadd.f32 v39, v40;
	v40 =	vmul.f32 v42, v17  }
0x261: {  	v36 =	vunpack.i.u.bf16.f32 v36;
	v43 =	vadd.f32 v44, v43;
	v44 =	vmul.f32 v35, v11  }
0x262: {  	v39 =	vadd.f32 v40, v39;
	v40 =	vmul.f32 v36, v18  }
0x263: {  	v45 =	vunpack.i.l.bf16.f32 v38;
	v43 =	vadd.f32 v43, v44;
	v44 =	vmul.f32 v42, v14  }
0x264: {  	v39 =	vadd.f32 v39, v40;
	v40 =	vmul.f32 v45, v16  }
0x265: {  	v46 =	vmul.f32 v37, v0;
	v43 =	vadd.f32 v44, v43  }
0x266: {  	v44 =	vmul.f32 v34, v2;
	v39 =	vadd.f32 v40, v39;
	v40 =	vmul.f32 v36, v15  }
0x267: {  	v37 =	vmul.f32 v37, v4;
	v38 =	vunpack.i.u.bf16.f32 v38;
	v34 =	vmul.f32 v34, v3  }
0x268: {  	v40 =	vadd.f32 v43, v40;
	v43 =	vadd.f32 v44, v46;
	v44 =	vmul.f32 v41, v19  }
0x269: {  	v34 =	vadd.f32 v34, v37;
	v37 =	vmul.f32 v41, v20;
	v46 =	vmul.f32 v38, v26  }
0x26a: {  	v41 =	vmul.f32 v45, v23;
	v43 =	vadd.f32 v44, v43;
	v44 =	vmul.f32 v35, v21  }
0x26b: {  	v34 =	vadd.f32 v37, v34;
	v39 =	vadd.f32 v39, v46;
	v35 =	vmul.f32 v35, v22  }
0x26c: {  	v37 =	vadd.f32 v41, v40;
	v41 =	vmul.f32 v42, v24;
	v40 =	vadd.f32 v43, v44  }
0x26d: {  	v46 =	vmul.f32 v42, v27;
	v42 =	vadd.s32 v53, v1;
	v34 =	vadd.f32 v34, v35  }
0x26e: {  	v43 =	vmul.f32 v38, v25;
	v44 =	vmul.f32 v36, v29;
	v40 =	vadd.f32 v41, v40  }
0x26f: {  	v35 =	vmul.f32 v36, v30;
	v36 =	vadd.s32 v54, v1;
	v34 =	vadd.f32 v46, v34  }
0x270: {  	v37 =	vadd.f32 v37, v43;
	v46 =	vmul.f32 v45, v28;
	v40 =	vadd.f32 v40, v44  }
0x271: {  	v43 =	vadd.s32 v55, v1;
	v34 =	vadd.f32 v34, v35;
	v35 =	vmul.f32 v45, v31  }
0x272: {  	v41 =	vmul.f32 v38, v32;
	v44 =	vadd.s32 v56, v1;
	v40 =	vadd.f32 v46, v40  }
0x273: {  	v45 =	vadd.s32 $0x503, v7;
	v34 =	vadd.f32 v35, v34;
	v35 =	vmul.f32 v38, v33  }
0x274: {  	[tilespmem:v42+s17+$0x0] =	vst.idx.msk $0xffff, v39;
	v46 =	vadd.f32 v40, v41  }
0x275: {  	v42 =	vadd.s32 $0x504, v7;
	[tilespmem:v36+s17+$0x0] =	vst.idx.msk $0xffff, v37;
	v34 =	vadd.f32 v34, v35  }
0x276: {  	[tilespmem:v43+s17+$0x0] =	vst.idx.msk $0xffff, v46  }
0x277: {  	[tilespmem:v44+s17+$0x0] =	vst.idx.msk $0xffff, v34  }
0x278: {  	v34 =	vld.idx.msk [tilespmem:v45+s3+$0x0], $0xffff  }
0x279: {  	v43 =	vadd.s32 $0x505, v7  }
0x27a: {  	v35 =	vld.idx.msk [tilespmem:v42+s3+$0x0], $0xffff;
	_ =	sdelay $0x2  }
0x27b: {  	v38 =	vadd.s32 $0x506, v7;
	v37 =	vunpack.i.u.bf16.f32 v34;
	v34 =	vunpack.i.l.bf16.f32 v34  }
0x27c: {  	v36 =	vld.idx.msk [tilespmem:v43+s3+$0x0], $0xffff;
	v44 =	vmul.f32 v34, v6;
	v45 =	vmul.f32 v37, v9  }
0x27d: {  	v41 =	vunpack.i.l.bf16.f32 v35  }
0x27e: {  	v46 =	vmul.f32 v41, v12;
	v39 =	vadd.f32 v44, v45  }
0x27f: {  	v35 =	vunpack.i.u.bf16.f32 v35;
	v43 =	vmul.f32 v34, v5;
	v44 =	vmul.f32 v37, v8  }
0x280: {  	v38 =	vld.idx.msk [tilespmem:v38+s3+$0x0], $0xffff;
	v40 =	vmul.f32 v35, v13;
	v39 =	vadd.f32 v46, v39  }
0x281: {  	v42 =	vunpack.i.l.bf16.f32 v36;
	v43 =	vadd.f32 v43, v44;
	v44 =	vmul.f32 v41, v10  }
0x282: {  	v39 =	vadd.f32 v39, v40;
	v40 =	vmul.f32 v42, v17  }
0x283: {  	v36 =	vunpack.i.u.bf16.f32 v36;
	v43 =	vadd.f32 v44, v43;
	v44 =	vmul.f32 v35, v11  }
0x284: {  	v39 =	vadd.f32 v40, v39;
	v40 =	vmul.f32 v36, v18  }
0x285: {  	v45 =	vunpack.i.l.bf16.f32 v38;
	v43 =	vadd.f32 v43, v44;
	v44 =	vmul.f32 v42, v14  }
0x286: {  	v39 =	vadd.f32 v39, v40;
	v40 =	vmul.f32 v45, v16  }
0x287: {  	v46 =	vmul.f32 v37, v0;
	v43 =	vadd.f32 v44, v43  }
0x288: {  	v44 =	vmul.f32 v34, v2;
	v39 =	vadd.f32 v40, v39;
	v40 =	vmul.f32 v36, v15  }
0x289: {  	v38 =	vunpack.i.u.bf16.f32 v38;
	v37 =	vmul.f32 v37, v4;
	v34 =	vmul.f32 v34, v3  }
0x28a: {  	v40 =	vadd.f32 v43, v40;
	v43 =	vadd.f32 v44, v46;
	v44 =	vmul.f32 v41, v19  }
0x28b: {  	v34 =	vadd.f32 v34, v37;
	v37 =	vmul.f32 v41, v20;
	v46 =	vmul.f32 v38, v26  }
0x28c: {  	v41 =	vmul.f32 v45, v23;
	v43 =	vadd.f32 v44, v43;
	v44 =	vmul.f32 v35, v21  }
0x28d: {  	v34 =	vadd.f32 v37, v34;
	v39 =	vadd.f32 v39, v46;
	v35 =	vmul.f32 v35, v22  }
0x28e: {  	v37 =	vadd.f32 v41, v40;
	v41 =	vmul.f32 v42, v24;
	v40 =	vadd.f32 v43, v44  }
0x28f: {  	v43 =	vmul.f32 v38, v25;
	v34 =	vadd.f32 v34, v35;
	v35 =	vmul.f32 v42, v27  }
0x290: {  	v42 =	vadd.s32 v57, v1;
	v44 =	vmul.f32 v36, v29;
	v40 =	vadd.f32 v41, v40  }
0x291: {  	v37 =	vadd.f32 v37, v43;
	v34 =	vadd.f32 v35, v34;
	v35 =	vmul.f32 v36, v30  }
0x292: {  	v36 =	vadd.s32 v58, v1;
	v41 =	vmul.f32 v45, v28;
	v40 =	vadd.f32 v40, v44  }
0x293: {  	v43 =	vadd.s32 v59, v1;
	v34 =	vadd.f32 v34, v35;
	v35 =	vmul.f32 v45, v31  }
0x294: {  	v44 =	vadd.s32 v60, v1;
	v40 =	vadd.f32 v41, v40;
	v41 =	vmul.f32 v38, v32  }
0x295: {  	v34 =	vadd.f32 v35, v34;
	v35 =	vmul.f32 v38, v33;
	v38 =	vadd.s32 $0x507, v7  }
0x296: {  	[tilespmem:v42+s17+$0x0] =	vst.idx.msk $0xffff, v39;
	v42 =	vadd.f32 v40, v41  }
0x297: {  	[tilespmem:v36+s17+$0x0] =	vst.idx.msk $0xffff, v37;
	v34 =	vadd.f32 v34, v35  }
0x298: {  	[tilespmem:v43+s17+$0x0] =	vst.idx.msk $0xffff, v42  }
0x299: {  	v40 =	vadd.s32 $0x508, v7;
	[tilespmem:v44+s17+$0x0] =	vst.idx.msk $0xffff, v34  }
0x29a: {  	v41 =	vadd.s32 $0x509, v7;
	v34 =	vld.idx.msk [tilespmem:v38+s3+$0x0], $0xffff;
	_ =	sdelay $0x3  }
0x29b: {  	v7 =	vadd.s32 $0x50A, v7;
	v35 =	vld.idx.msk [tilespmem:v40+s3+$0x0], $0xffff  }
0x29c: {  	v36 =	vld.idx.msk [tilespmem:v41+s3+$0x0], $0xffff;
	v42 =	vunpack.i.u.bf16.f32 v34;
	v34 =	vunpack.i.l.bf16.f32 v34  }
0x29d: {  	v6 =	vmul.f32 v34, v6  }
0x29e: {  	v9 =	vmul.f32 v42, v9;
	v5 =	vmul.f32 v34, v5  }
0x29f: {  	v8 =	vmul.f32 v42, v8;
	v2 =	vmul.f32 v34, v2  }
0x2a0: {  	v7 =	vld.idx.msk [tilespmem:v7+s3+$0x0], $0xffff;
	v38 =	vunpack.i.l.bf16.f32 v35;
	v0 =	vmul.f32 v42, v0;
	v3 =	vmul.f32 v34, v3  }
0x2a1: {  	v39 =	vunpack.i.u.bf16.f32 v36;
	v4 =	vmul.f32 v42, v4;
	v43 =	vmul.f32 v38, v12  }
0x2a2: {  	v12 =	vunpack.i.u.bf16.f32 v35;
	v10 =	vmul.f32 v38, v10;
	v40 =	vmul.f32 v39, v18  }
0x2a3: {  	v37 =	vmul.f32 v39, v30;
	v6 =	vadd.f32 v6, v9;
	v44 =	vmul.f32 v12, v13  }
0x2a4: {  	v5 =	vadd.f32 v5, v8;
	v8 =	vunpack.i.l.bf16.f32 v36;
	v11 =	vmul.f32 v12, v11  }
0x2a5: {  	v9 =	vunpack.i.l.bf16.f32 v7;
	v0 =	vadd.f32 v2, v0;
	v3 =	vadd.f32 v3, v4  }
0x2a6: {  	v13 =	vmul.f32 v39, v15;
	v36 =	vmul.f32 v39, v29;
	v39 =	vadd.s32 v62, v1  }
0x2a7: {  	v35 =	vmul.f32 v8, v17;
	v41 =	vmul.f32 v8, v14;
	v6 =	vadd.f32 v43, v6  }
0x2a8: {  	v42 =	vmul.f32 v9, v16;
	v5 =	vadd.f32 v10, v5;
	v43 =	vmul.f32 v38, v19  }
0x2a9: {  	v24 =	vmul.f32 v8, v24;
	v27 =	vmul.f32 v8, v27;
	v6 =	vadd.f32 v6, v44  }
0x2aa: {  	v5 =	vadd.f32 v5, v11;
	v44 =	vmul.f32 v38, v20;
	v0 =	vadd.f32 v43, v0  }
0x2ab: {  	v11 =	vmul.f32 v12, v21;
	v21 =	vmul.f32 v12, v22;
	v22 =	vunpack.i.u.bf16.f32 v7  }
0x2ac: {  	v38 =	vadd.s32 v61, v1;
	v34 =	vmul.f32 v22, v26;
	v3 =	vadd.f32 v44, v3  }
0x2ad: {  	v43 =	vmul.f32 v22, v32;
	v6 =	vadd.f32 v35, v6;
	v0 =	vadd.f32 v0, v11  }
0x2ae: {  	v5 =	vadd.f32 v41, v5;
	v35 =	vmul.f32 v9, v23;
	v3 =	vadd.f32 v3, v21  }
0x2af: {  	v41 =	vmul.f32 v22, v25;
	v6 =	vadd.f32 v6, v40;
	v0 =	vadd.f32 v24, v0  }
0x2b0: {  	v5 =	vadd.f32 v5, v13;
	v40 =	vmul.f32 v9, v28;
	v3 =	vadd.f32 v27, v3  }
0x2b1: {  	v9 =	vmul.f32 v9, v31;
	v2 =	vadd.f32 v42, v6;
	v0 =	vadd.f32 v0, v36  }
0x2b2: {  	v5 =	vadd.f32 v35, v5;
	v42 =	vadd.s32 v63, v1;
	v3 =	vadd.f32 v3, v37  }
0x2b3: {  	p0 =	sne.s32 s28, $0x70;
	v1 =	vadd.s32 v52, v1;
	v2 =	vadd.f32 v2, v34;
	v0 =	vadd.f32 v40, v0  }
.Ltmp0:
0x2b4: {  	v6 =	vmul.f32 v22, v33;
	v5 =	vadd.f32 v5, v41;
	v3 =	vadd.f32 v9, v3;
	(pc) =	sbr.rel @p0 .LBB2_3-.Ltmp0, $4  }
0x2b5: {  	[tilespmem:v38+s17+$0x0] =	vst.idx.msk $0xffff, v2;
	v0 =	vadd.f32 v0, v43  }
0x2b6: {  	[tilespmem:v39+s17+$0x0] =	vst.idx.msk $0xffff, v5;
	v44 =	vadd.f32 v3, v6  }
0x2b7: {  	v48 =	vmovc v51;
	v47 =	vmov v50;
	v46 =	vmov v57;
	v45 =	vmov v60;
	[tilespmem:v42+s17+$0x0] =	vst.idx.msk $0xffff, v0  }
0x2b8: {  	s29 =	sadd.s32 $0x10, s29;
	s28 =	sadd.s32 $0x10, s28;
	v15 =	vmovc v52;
	v14 =	vmovc v63;
	v19 =	vmov v49;
	v12 =	vmov v61;
	v13 =	vmov v62;
	[tilespmem:v1+s17+$0x0] =	vst.idx.msk $0xffff, v44  }
0x2b9: {  	p0 =	seq.s32 s24, $0x0  }
0x2ba: {  	s28 =	simm.s32 @!p0 $0x3  }
0x2bb: {  	_ =	swait.ge @!p0 [sflag:s28], $0x2000  }
0x2bc: {  	[sflag:s28] =	ssyncset.done @!p0 $0x0  }
0x2bd: {  	s29 =	simm.s32 $0x0;
	[sflag:s28] =	ssyncadd.s32 @!p0 $0xFFFFE000  }
0x2be: {  	v0 =	vld [tilespmem:s29+$0x18980];
	_ =	sdelay $0x3  }
0x2bf: {  	s28 =	simm.s32 $0x1AA20  }
0x2c0: {  	[tilespmem:s28+$0xFFFFFFE0] =	vst v0  }
0x2c1: {  	v0 =	vld [tilespmem:s29+$0x18990];
	_ =	sdelay $0x4  }
0x2c2: {  	[tilespmem:s28+$0xFFFFFFF0] =	vst v0  }
0x2c3: {  	v0 =	vld [tilespmem:s29+$0x189A0];
	_ =	sdelay $0x4  }
0x2c4: {  	[tilespmem:s28+$0x0] =	vst v0  }
0x2c5: {  	v0 =	vld [tilespmem:s29+$0x189B0];
	_ =	sdelay $0x4  }
0x2c6: {  	s30 =	simm.s32 $0x208;
	s29 =	simm.s32 $0x41;
	[tilespmem:s28+$0x10] =	vst v0  }
.LBB2_5:
0x2c7: {  	p1 =	sne.s32 s30, $0x80FC;
	v0 =	vld [tilespmem:s29+$0x18980];
	_ =	sdelay $0x3  }
0x2c8: {  	s28 =	sadd.s32 $0x40, s28  }
0x2c9: {  	[tilespmem:s28+$0xFFFFFFE0] =	vst v0  }
0x2ca: {  	v0 =	vld [tilespmem:s29+$0x18990];
	_ =	sdelay $0x4  }
0x2cb: {  	[tilespmem:s28+$0xFFFFFFF0] =	vst v0  }
0x2cc: {  	v0 =	vld [tilespmem:s29+$0x189A0];
	_ =	sdelay $0x4  }
0x2cd: {  	[tilespmem:s28+$0x0] =	vst v0  }
0x2ce: {  	v0 =	vld [tilespmem:s29+$0x189B0]  }
.Ltmp1:
0x2cf: {  	(pc) =	sbr.rel @p1 .LBB2_5-.Ltmp1, $2  }
0x2d0: {  	_ =	sdelay $0x2  }
0x2d1: {  	s29 =	sshra.s32 s30, $0x2;
	s30 =	sadd.s32 $0x104, s30;
	[tilespmem:s28+$0x10] =	vst v0  }
0x2d2: {  	v0 =	vld [tilespmem:s29+$0x18980];
	_ =	sdelay $0x3  }
0x2d3: {  	s28 =	sadd.s32 $0x40, s28  }
0x2d4: {  	[tilespmem:s28+$0xFFFFFFE0] =	vst v0  }
0x2d5: {  	v0 =	vld [tilespmem:s29+$0x18990];
	_ =	sdelay $0x4  }
0x2d6: {  	[tilespmem:s28+$0xFFFFFFF0] =	vst v0  }
0x2d7: {  	v0 =	vld [tilespmem:s29+$0x189A0];
	_ =	sdelay $0x4  }
0x2d8: {  	[tilespmem:s28+$0x0] =	vst v0  }
0x2d9: {  	v0 =	vld [tilespmem:s29+$0x189B0];
	_ =	sdelay $0x1  }
0x2da: {  	s31 =	sshll.u32 s24, $0xE  }
0x2db: {  	p1 =	seq.s32 s24, $0x33;
	s29 =	sadd.s32 s9, s31  }
0x2dc: {  	s26 =	sadd.s32 @!p1 s26, s10;
	s29 =	sshrl.u32 s29, $0x3  }
0x2dd: {  	s26 =	sshrl.u32 @!p1 s26, $0x3;
	[tilespmem:s28+$0x10] =	vst v0;
	s28 =	sadd.s32 s2, s29  }
0x2de: {  	[hbm4b:s28+s3] =	stream.linear.scatter [tilespmem:s18], [sflag:$0x3], $0x2000, $0x38;
	[tilespmem:$0x1EA00] =	vst v63  }
0x2df: {  	s26 =	sadd.s32 @!p1 s5, s26;
	s29 =	simm.s32 @!p1 $0x18880;
	s28 =	simm.s32 @!p1 $0x0  }
0x2e0: {  	[tilespmem:s29], [sflag:$0x1] =	stream.linear.gather @!p1 [hbm4b:s26+s28], $0x80, $0x38;
	[tilespmem:$0x1EA00] =	vst v63  }
0x2e1: {  	_ =	swait.ge [sflag:s19], $0x80  }
0x2e2: {  	v53 =	vld [tilespmem:$0x1FFA0]  }
0x2e3: {  	v54 =	vld [tilespmem:$0x1FFB0]  }
0x2e4: {  	v55 =	vld [tilespmem:$0x1FFC0]  }
0x2e5: {  	v56 =	vld [tilespmem:$0x1FFD0]  }
0x2e6: {  	[sflag:s19] =	ssyncset.done $0x0;
	v58 =	vld [tilespmem:$0x1FFE0]  }
0x2e7: {  	s26 =	simm.s32 $0x0;
	s28 =	simm.s32 $0x18900;
	v59 =	vld [tilespmem:$0x1FFF0];
	[sflag:s19] =	ssyncadd.s32 $0xFFFFFF80  }
.LBB2_7:
0x2e8: {  	v0 =	vld [tilespmem:s28+$0x0];
	_ =	sdelay $0x4  }
0x2e9: {  	v1 =	vcvt.s32.f32 v0;
	_ =	sdelay $0x1  }
0x2ea: {  	v1 =	vadd.f32 $5.000000000e-01, v1;
	_ =	sdelay $0x1  }
0x2eb: {  	v1 =	vmul.f32 $1.000000050e-03, v1;
	_ =	sdelay $0x1  }
0x2ec: {  	v1 =	vtrunc.f32 v1  }
0x2ed: {  	v2 =	vcvt.f32.s32 v1;
	_ =	sdelay $0x1  }
0x2ee: {  	v3 =	vmul.u32 $0xFFFFFC18, v2;
	_ =	sdelay $0x1  }
0x2ef: {  	v0 =	vadd.s32 v0, v3  }
0x2f0: {  	v3 =	vcvt.s32.f32 v0;
	_ =	sdelay $0x1  }
0x2f1: {  	v3 =	vadd.f32 $5.000000000e-01, v3;
	_ =	sdelay $0x1  }
0x2f2: {  	v3 =	vmul.f32 $3.999999910e-02, v3;
	_ =	sdelay $0x1  }
0x2f3: {  	v3 =	vtrunc.f32 v3  }
0x2f4: {  	v3 =	vcvt.f32.s32 v3;
	_ =	sdelay $0x1  }
0x2f5: {  	v4 =	vmul.u32 $0x7FFFFFE7, v3  }
0x2f6: {  	v1 =	vadd.f32 $5.000000000e-01, v1  }
0x2f7: {  	v3 =	vmul.u32 $0x65, v3;
	v0 =	vadd.s32 v0, v4  }
0x2f8: {  	v1 =	vmul.f32 $3.999999910e-02, v1;
	v0 =	vshll.u32 v0, $0x1  }
0x2f9: {  	v28 =	vadd.s32 v3, v0  }
0x2fa: {  	v1 =	vtrunc.f32 v1;
	v36 =	vadd.s32 $0x1, v28  }
0x2fb: {  	v35 =	vcvt.f32.s32 v1;
	v3 =	vadd.s32 $0x32, v28  }
0x2fc: {  	v8 =	vadd.s32 $0x33, v28  }
0x2fd: {  	v37 =	vmul.u32 $0xFFFFFFE7, v35;
	v9 =	vadd.s32 $0xFC8, v28  }
0x2fe: {  	v38 =	vadd.s32 $0xFC9, v28;
	v6 =	vld.idx.msk [tilespmem:v28+s13+$0x0], $0xffff  }
0x2ff: {  	v2 =	vadd.s32 v2, v37;
	v39 =	vadd.s32 $0xFFA, v28;
	v5 =	vld.idx.msk [tilespmem:v36+s13+$0x0], $0xffff  }
0x300: {  	v7 =	vmul.u32 $0x11, v2;
	v10 =	vadd.s32 $0xFFB, v28;
	v2 =	vld.idx.msk [tilespmem:v3+s13+$0x0], $0xffff  }
0x301: {  	v0 =	vmul.u32 $0x6A4, v35;
	v11 =	vadd.s32 $0x1F90, v28;
	v3 =	vld.idx.msk [tilespmem:v8+s13+$0x0], $0xffff  }
0x302: {  	v14 =	vadd.s32 $0x1F91, v28;
	v9 =	vld.idx.msk [tilespmem:v9+s13+$0x0], $0xffff  }
0x303: {  	v40 =	vmov s26;
	v7 =	vadd.s32 v0, v7;
	v8 =	vld.idx.msk [tilespmem:v38+s13+$0x0], $0xffff  }
0x304: {  	v12 =	vmul.u32 $0x41, v40;
	v13 =	vadd.s32 $0x1, v7;
	v0 =	vld.idx.msk [tilespmem:v39+s13+$0x0], $0xffff  }
0x305: {  	v16 =	vadd.s32 $0x2F59, v28;
	v4 =	vld.idx.msk [tilespmem:v10+s13+$0x0], $0xffff  }
0x306: {  	v1 =	vbroadcast v12, $0x0;
	v41 =	vadd.s32 $0x3F21, v28;
	v12 =	vld.idx.msk [tilespmem:v11+s13+$0x0], $0xffff  }
0x307: {  	v15 =	vadd.s32 $0x2F58, v28;
	v10 =	vld.idx.msk [tilespmem:v14+s13+$0x0], $0xffff  }
0x308: {  	v34 =	vadd.s32 v19, v1;
	v19 =	vadd.s32 $0x3F20, v28;
	v17 =	vld.idx.msk [tilespmem:v7+s3+$0x0], $0xffff  }
0x309: {  	v18 =	vadd.s32 $0x2, v7;
	v20 =	vld.idx.msk [tilespmem:v13+s3+$0x0], $0xffff  }
0x30a: {  	v21 =	vadd.s32 $0x1FC2, v28;
	v11 =	vld.idx.msk [tilespmem:v16+s13+$0x0], $0xffff;
	v16 =	vadd.s32 $0x3, v7  }
0x30b: {  	v22 =	vadd.s32 $0x1FC3, v28;
	v23 =	vadd.s32 $0x2F8A, v28;
	v26 =	vadd.s32 $0x5EB0, v28;
	v14 =	vld.idx.msk [tilespmem:v41+s13+$0x0], $0xffff  }
0x30c: {  	v24 =	vadd.s32 $0x2F8B, v28;
	v42 =	vadd.s32 $0x4EE8, v28;
	v31 =	vadd.s32 $0x3F52, v28;
	v13 =	vld.idx.msk [tilespmem:v15+s13+$0x0], $0xffff  }
0x30d: {  	v25 =	vunpack.i.u.bf16.f32 v17;
	v29 =	vunpack.i.l.bf16.f32 v17;
	v17 =	vld.idx.msk [tilespmem:v19+s13+$0x0], $0xffff;
	v19 =	vadd.s32 $0x4EE9, v28  }
0x30e: {  	v27 =	vld.idx.msk [tilespmem:v18+s3+$0x0], $0xffff;
	v18 =	vmul.f32 v29, v6;
	v30 =	vmul.f32 v25, v9;
	v32 =	vunpack.i.l.bf16.f32 v20  }
0x30f: {  	v38 =	vld.idx.msk [tilespmem:v16+s3+$0x0], $0xffff;
	v36 =	vunpack.i.u.bf16.f32 v20;
	v43 =	vmul.f32 v29, v5;
	v20 =	vmul.f32 v25, v8  }
0x310: {  	v33 =	vadd.s32 $0x3F53, v28;
	v16 =	vld.idx.msk [tilespmem:v26+s13+$0x0], $0xffff;
	v35 =	vmul.f32 v32, v12;
	v30 =	vadd.f32 v18, v30  }
0x311: {  	v37 =	vadd.s32 $0x4F1A, v28;
	v45 =	vmul.f32 v32, v10;
	v18 =	vld.idx.msk [tilespmem:v42+s13+$0x0], $0xffff;
	v20 =	vadd.f32 v43, v20  }
0x312: {  	v40 =	vadd.s32 $0x5EB1, v28;
	v44 =	vmul.f32 v36, v13;
	v30 =	vadd.f32 v35, v30;
	v15 =	vld.idx.msk [tilespmem:v19+s13+$0x0], $0xffff  }
0x313: {  	v39 =	vunpack.i.l.bf16.f32 v27;
	v47 =	vmul.f32 v36, v11;
	v19 =	vld.idx.msk [tilespmem:v21+s13+$0x0], $0xffff;
	v26 =	vadd.f32 v45, v20  }
0x314: {  	v42 =	vadd.s32 $0x6E78, v28;
	v46 =	vmul.f32 v39, v17;
	v20 =	vld.idx.msk [tilespmem:v22+s13+$0x0], $0xffff;
	v30 =	vadd.f32 v30, v44  }
0x315: {  	v41 =	vunpack.i.u.bf16.f32 v27;
	v48 =	vmul.f32 v39, v14;
	v21 =	vld.idx.msk [tilespmem:v23+s13+$0x0], $0xffff;
	v23 =	vadd.f32 v26, v47  }
0x316: {  	v22 =	vld.idx.msk [tilespmem:v24+s13+$0x0], $0xffff;
	v44 =	vadd.s32 $0x6E79, v28;
	v35 =	vmul.f32 v41, v18;
	v30 =	vadd.f32 v46, v30  }
0x317: {  	v43 =	vunpack.i.l.bf16.f32 v38;
	v24 =	vld.idx.msk [tilespmem:v31+s13+$0x0], $0xffff;
	v31 =	vadd.s32 $0x4F1B, v28;
	v48 =	vadd.f32 v48, v23  }
0x318: {  	v23 =	vld.idx.msk [tilespmem:v40+s13+$0x0], $0xffff;
	v45 =	vmul.f32 v41, v15;
	v27 =	vadd.f32 v30, v35;
	v30 =	vmul.f32 v43, v16  }
0x319: {  	v26 =	vld.idx.msk [tilespmem:v42+s13+$0x0], $0xffff;
	v42 =	vmul.f32 v25, v0;
	v40 =	vadd.s32 $0x5EE2, v28;
	v46 =	vadd.s32 $0x5EE3, v28  }
0x31a: {  	v35 =	vadd.f32 v48, v45;
	v47 =	vadd.f32 v30, v27;
	v30 =	vmul.f32 v29, v2  }
0x31b: {  	v45 =	vmul.f32 v29, v3;
	v48 =	vmul.f32 v25, v4;
	v25 =	vld.idx.msk [tilespmem:v44+s13+$0x0], $0xffff;
	v44 =	vadd.s32 $0x6EAB, v28  }
0x31c: {  	v27 =	vld.idx.msk [tilespmem:v33+s13+$0x0], $0xffff;
	v33 =	vadd.s32 $0x6EAA, v28;
	v28 =	vadd.f32 v30, v42;
	v42 =	vmul.f32 v32, v19  }
0x31d: {  	v29 =	vld.idx.msk [tilespmem:v37+s13+$0x0], $0xffff;
	v37 =	vunpack.i.u.bf16.f32 v38;
	v38 =	vadd.f32 v45, v48;
	v45 =	vmul.f32 v43, v23  }
0x31e: {  	v48 =	vmul.f32 v36, v21;
	v42 =	vadd.f32 v42, v28  }
0x31f: {  	v32 =	vmul.f32 v32, v20;
	v35 =	vadd.f32 v45, v35  }
0x320: {  	v45 =	vmul.f32 v39, v24;
	v28 =	vld.idx.msk [tilespmem:v40+s13+$0x0], $0xffff;
	v40 =	vmul.f32 v37, v26;
	v42 =	vadd.f32 v42, v48  }
0x321: {  	v36 =	vmul.f32 v36, v22;
	v30 =	vld.idx.msk [tilespmem:v31+s13+$0x0], $0xffff;
	v38 =	vadd.f32 v32, v38;
	v48 =	vmul.f32 v39, v27  }
0x322: {  	v31 =	vld.idx.msk [tilespmem:v46+s13+$0x0], $0xffff;
	v39 =	vadd.f32 v47, v40;
	v47 =	vmul.f32 v41, v29;
	v45 =	vadd.f32 v45, v42  }
0x323: {  	v32 =	vld.idx.msk [tilespmem:v33+s13+$0x0], $0xffff  }
0x324: {  	v36 =	vadd.f32 v38, v36;
	v40 =	vadd.f32 v45, v47;
	v47 =	vld [tilespmem:$0x1FC90]  }
0x325: {  	v33 =	vld.idx.msk [tilespmem:v44+s13+$0x0], $0xffff  }
0x326: {  	v46 =	vmul.f32 v37, v25;
	v38 =	vmul.f32 v41, v30;
	v36 =	vadd.f32 v48, v36  }
0x327: {  	v44 =	vadd.s32 v51, v1;
	v41 =	vadd.s32 v50, v1;
	v48 =	vmul.f32 v43, v28  }
0x328: {  	v35 =	vadd.f32 v35, v46;
	v36 =	vadd.f32 v36, v38;
	v45 =	vmul.f32 v43, v31  }
0x329: {  	v46 =	vmul.f32 v37, v32;
	v40 =	vadd.f32 v48, v40;
	v43 =	vadd.s32 v47, v1  }
0x32a: {  	v37 =	vmul.f32 v37, v33;
	v36 =	vadd.f32 v45, v36;
	v48 =	vadd.s32 $0x4, v7  }
0x32b: {  	[tilespmem:v34+s17+$0x0] =	vst.idx.msk $0xffff, v39;
	v40 =	vadd.f32 v40, v46  }
0x32c: {  	v42 =	vadd.s32 $0x5, v7;
	[tilespmem:v41+s17+$0x0] =	vst.idx.msk $0xffff, v35;
	v41 =	vadd.f32 v36, v37  }
0x32d: {  	[tilespmem:v44+s17+$0x0] =	vst.idx.msk $0xffff, v40  }
0x32e: {  	[tilespmem:v43+s17+$0x0] =	vst.idx.msk $0xffff, v41  }
0x32f: {  	v34 =	vld.idx.msk [tilespmem:v48+s3+$0x0], $0xffff  }
0x330: {  	v43 =	vadd.s32 $0x6, v7  }
0x331: {  	v36 =	vld.idx.msk [tilespmem:v42+s3+$0x0], $0xffff;
	_ =	sdelay $0x2  }
0x332: {  	v44 =	vadd.s32 $0x7, v7;
	v37 =	vunpack.i.u.bf16.f32 v34;
	v34 =	vunpack.i.l.bf16.f32 v34  }
0x333: {  	v35 =	vld.idx.msk [tilespmem:v43+s3+$0x0], $0xffff;
	v45 =	vmul.f32 v34, v6;
	v46 =	vmul.f32 v37, v9  }
0x334: {  	v41 =	vunpack.i.l.bf16.f32 v36  }
0x335: {  	v47 =	vmul.f32 v41, v12;
	v39 =	vadd.f32 v45, v46  }
0x336: {  	v36 =	vunpack.i.u.bf16.f32 v36;
	v43 =	vmul.f32 v34, v5;
	v48 =	vmul.f32 v37, v8  }
0x337: {  	v38 =	vld.idx.msk [tilespmem:v44+s3+$0x0], $0xffff;
	v40 =	vmul.f32 v36, v13;
	v39 =	vadd.f32 v47, v39  }
0x338: {  	v43 =	vadd.f32 v43, v48;
	v48 =	vmul.f32 v41, v10;
	v42 =	vunpack.i.l.bf16.f32 v35  }
0x339: {  	v39 =	vadd.f32 v39, v40;
	v40 =	vmul.f32 v42, v17  }
0x33a: {  	v35 =	vunpack.i.u.bf16.f32 v35;
	v43 =	vadd.f32 v48, v43;
	v48 =	vmul.f32 v36, v11  }
0x33b: {  	v39 =	vadd.f32 v40, v39;
	v40 =	vmul.f32 v35, v18  }
0x33c: {  	v45 =	vunpack.i.l.bf16.f32 v38;
	v43 =	vadd.f32 v43, v48;
	v48 =	vmul.f32 v42, v14  }
0x33d: {  	v39 =	vadd.f32 v39, v40;
	v40 =	vmul.f32 v45, v16  }
0x33e: {  	v44 =	vmul.f32 v34, v2;
	v43 =	vadd.f32 v48, v43  }
0x33f: {  	v48 =	vmul.f32 v37, v0;
	v39 =	vadd.f32 v40, v39;
	v40 =	vmul.f32 v35, v15  }
0x340: {  	v34 =	vmul.f32 v34, v3;
	v37 =	vmul.f32 v37, v4  }
0x341: {  	v40 =	vadd.f32 v43, v40;
	v43 =	vadd.f32 v44, v48;
	v48 =	vmul.f32 v41, v19  }
0x342: {  	v34 =	vadd.f32 v34, v37;
	v37 =	vmul.f32 v41, v20  }
0x343: {  	v47 =	vld [tilespmem:$0x1FCA0];
	v41 =	vmul.f32 v45, v23;
	v43 =	vadd.f32 v48, v43;
	v48 =	vmul.f32 v36, v21  }
0x344: {  	v38 =	vunpack.i.u.bf16.f32 v38;
	v34 =	vadd.f32 v37, v34  }
0x345: {  	v37 =	vadd.f32 v41, v40;
	v40 =	vadd.f32 v43, v48;
	v48 =	vmul.f32 v42, v24  }
0x346: {  	v46 =	vmul.f32 v38, v26  }
0x347: {  	v44 =	vld [tilespmem:$0x1FCB0];
	v36 =	vmul.f32 v36, v22;
	v40 =	vadd.f32 v48, v40;
	v48 =	vmul.f32 v35, v29  }
0x348: {  	v39 =	vadd.f32 v39, v46;
	v46 =	vmul.f32 v42, v27;
	v42 =	vadd.s32 v47, v1;
	v47 =	vld [tilespmem:$0x1FCC0]  }
0x349: {  	v34 =	vadd.f32 v34, v36;
	v40 =	vadd.f32 v40, v48;
	v48 =	vld [tilespmem:$0x1FCD0]  }
0x34a: {  	v43 =	vmul.f32 v38, v25  }
0x34b: {  	v34 =	vadd.f32 v46, v34;
	v35 =	vmul.f32 v35, v30  }
0x34c: {  	v36 =	vadd.s32 v44, v1;
	v37 =	vadd.f32 v37, v43;
	v46 =	vmul.f32 v45, v28  }
0x34d: {  	v34 =	vadd.f32 v34, v35;
	v35 =	vmul.f32 v45, v31;
	v43 =	vadd.s32 v47, v1  }
0x34e: {  	v41 =	vmul.f32 v38, v32;
	v40 =	vadd.f32 v46, v40;
	v44 =	vadd.s32 v48, v1  }
0x34f: {  	v47 =	vadd.s32 $0x8, v7;
	v34 =	vadd.f32 v35, v34;
	v46 =	vmul.f32 v38, v33  }
0x350: {  	[tilespmem:v42+s17+$0x0] =	vst.idx.msk $0xffff, v39;
	v48 =	vadd.f32 v40, v41  }
0x351: {  	v42 =	vadd.s32 $0x9, v7;
	[tilespmem:v36+s17+$0x0] =	vst.idx.msk $0xffff, v37;
	v34 =	vadd.f32 v34, v46  }
0x352: {  	[tilespmem:v43+s17+$0x0] =	vst.idx.msk $0xffff, v48  }
0x353: {  	[tilespmem:v44+s17+$0x0] =	vst.idx.msk $0xffff, v34  }
0x354: {  	v34 =	vld.idx.msk [tilespmem:v47+s3+$0x0], $0xffff  }
0x355: {  	v43 =	vadd.s32 $0xA, v7  }
0x356: {  	v35 =	vld.idx.msk [tilespmem:v42+s3+$0x0], $0xffff;
	_ =	sdelay $0x2  }
0x357: {  	v44 =	vadd.s32 $0xB, v7;
	v37 =	vunpack.i.u.bf16.f32 v34;
	v34 =	vunpack.i.l.bf16.f32 v34  }
0x358: {  	v36 =	vld.idx.msk [tilespmem:v43+s3+$0x0], $0xffff;
	v45 =	vmul.f32 v34, v6;
	v46 =	vmul.f32 v37, v9  }
0x359: {  	v41 =	vunpack.i.l.bf16.f32 v35  }
0x35a: {  	v47 =	vmul.f32 v41, v12;
	v39 =	vadd.f32 v45, v46  }
0x35b: {  	v35 =	vunpack.i.u.bf16.f32 v35;
	v43 =	vmul.f32 v34, v5;
	v48 =	vmul.f32 v37, v8  }
0x35c: {  	v38 =	vld.idx.msk [tilespmem:v44+s3+$0x0], $0xffff;
	v40 =	vmul.f32 v35, v13;
	v39 =	vadd.f32 v47, v39  }
0x35d: {  	v42 =	vunpack.i.l.bf16.f32 v36;
	v43 =	vadd.f32 v43, v48;
	v48 =	vmul.f32 v41, v10  }
0x35e: {  	v39 =	vadd.f32 v39, v40;
	v40 =	vmul.f32 v42, v17  }
0x35f: {  	v36 =	vunpack.i.u.bf16.f32 v36;
	v43 =	vadd.f32 v48, v43;
	v48 =	vmul.f32 v35, v11  }
0x360: {  	v39 =	vadd.f32 v40, v39;
	v40 =	vmul.f32 v36, v18  }
0x361: {  	v45 =	vunpack.i.l.bf16.f32 v38;
	v43 =	vadd.f32 v43, v48;
	v48 =	vmul.f32 v42, v14  }
0x362: {  	v39 =	vadd.f32 v39, v40;
	v40 =	vmul.f32 v45, v16  }
0x363: {  	v44 =	vmul.f32 v34, v2;
	v43 =	vadd.f32 v48, v43  }
0x364: {  	v48 =	vmul.f32 v37, v0;
	v39 =	vadd.f32 v40, v39;
	v40 =	vmul.f32 v36, v15  }
0x365: {  	v34 =	vmul.f32 v34, v3;
	v37 =	vmul.f32 v37, v4  }
0x366: {  	v40 =	vadd.f32 v43, v40;
	v43 =	vadd.f32 v44, v48;
	v48 =	vmul.f32 v41, v19  }
0x367: {  	v38 =	vunpack.i.u.bf16.f32 v38;
	v34 =	vadd.f32 v34, v37;
	v37 =	vmul.f32 v41, v20  }
0x368: {  	v41 =	vmul.f32 v45, v23;
	v43 =	vadd.f32 v48, v43;
	v48 =	vmul.f32 v35, v21  }
0x369: {  	v46 =	vmul.f32 v38, v26;
	v34 =	vadd.f32 v37, v34;
	v35 =	vmul.f32 v35, v22  }
0x36a: {  	v47 =	vmul.f32 v42, v24;
	v37 =	vadd.f32 v41, v40;
	v40 =	vadd.f32 v43, v48  }
0x36b: {  	v34 =	vadd.f32 v34, v35;
	v48 =	vmul.f32 v42, v27  }
0x36c: {  	v39 =	vadd.f32 v39, v46;
	v46 =	vld [tilespmem:$0x1FCE0];
	v40 =	vadd.f32 v47, v40;
	v47 =	vmul.f32 v36, v29  }
0x36d: {  	v44 =	vld [tilespmem:$0x1FCF0];
	v34 =	vadd.f32 v48, v34;
	v48 =	vmul.f32 v36, v30  }
0x36e: {  	v40 =	vadd.f32 v40, v47;
	v47 =	vld [tilespmem:$0x1FD00]  }
0x36f: {  	v34 =	vadd.f32 v34, v48;
	v48 =	vld [tilespmem:$0x1FD10];
	_ =	sdelay $0x1  }
0x370: {  	v43 =	vmul.f32 v38, v25;
	v42 =	vadd.s32 v46, v1  }
0x371: {  	v46 =	vmul.f32 v45, v28;
	v36 =	vadd.s32 v44, v1  }
0x372: {  	v35 =	vmul.f32 v45, v31;
	v37 =	vadd.f32 v37, v43;
	v43 =	vadd.s32 v47, v1  }
0x373: {  	v41 =	vmul.f32 v38, v32;
	v40 =	vadd.f32 v46, v40;
	v44 =	vadd.s32 v48, v1  }
0x374: {  	v34 =	vadd.f32 v35, v34;
	v46 =	vmul.f32 v38, v33;
	v47 =	vadd.s32 $0xC, v7  }
0x375: {  	[tilespmem:v42+s17+$0x0] =	vst.idx.msk $0xffff, v39;
	v48 =	vadd.f32 v40, v41  }
0x376: {  	v42 =	vadd.s32 $0xD, v7;
	[tilespmem:v36+s17+$0x0] =	vst.idx.msk $0xffff, v37;
	v34 =	vadd.f32 v34, v46  }
0x377: {  	[tilespmem:v43+s17+$0x0] =	vst.idx.msk $0xffff, v48  }
0x378: {  	[tilespmem:v44+s17+$0x0] =	vst.idx.msk $0xffff, v34  }
0x379: {  	v34 =	vld.idx.msk [tilespmem:v47+s3+$0x0], $0xffff  }
0x37a: {  	v43 =	vadd.s32 $0xE, v7  }
0x37b: {  	v35 =	vld.idx.msk [tilespmem:v42+s3+$0x0], $0xffff;
	_ =	sdelay $0x2  }
0x37c: {  	v44 =	vadd.s32 $0xF, v7;
	v37 =	vunpack.i.u.bf16.f32 v34;
	v34 =	vunpack.i.l.bf16.f32 v34  }
0x37d: {  	v36 =	vld.idx.msk [tilespmem:v43+s3+$0x0], $0xffff;
	v45 =	vmul.f32 v34, v6;
	v46 =	vmul.f32 v37, v9  }
0x37e: {  	v41 =	vunpack.i.l.bf16.f32 v35  }
0x37f: {  	v47 =	vmul.f32 v41, v12;
	v39 =	vadd.f32 v45, v46  }
0x380: {  	v35 =	vunpack.i.u.bf16.f32 v35;
	v43 =	vmul.f32 v34, v5;
	v48 =	vmul.f32 v37, v8  }
0x381: {  	v38 =	vld.idx.msk [tilespmem:v44+s3+$0x0], $0xffff;
	v40 =	vmul.f32 v35, v13;
	v39 =	vadd.f32 v47, v39  }
0x382: {  	v42 =	vunpack.i.l.bf16.f32 v36;
	v43 =	vadd.f32 v43, v48;
	v48 =	vmul.f32 v41, v10  }
0x383: {  	v39 =	vadd.f32 v39, v40;
	v40 =	vmul.f32 v42, v17  }
0x384: {  	v36 =	vunpack.i.u.bf16.f32 v36;
	v43 =	vadd.f32 v48, v43;
	v48 =	vmul.f32 v35, v11  }
0x385: {  	v39 =	vadd.f32 v40, v39;
	v40 =	vmul.f32 v36, v18  }
0x386: {  	v45 =	vunpack.i.l.bf16.f32 v38;
	v43 =	vadd.f32 v43, v48;
	v48 =	vmul.f32 v42, v14  }
0x387: {  	v39 =	vadd.f32 v39, v40;
	v40 =	vmul.f32 v45, v16  }
0x388: {  	v44 =	vmul.f32 v34, v2;
	v43 =	vadd.f32 v48, v43  }
0x389: {  	v48 =	vmul.f32 v37, v0;
	v39 =	vadd.f32 v40, v39;
	v40 =	vmul.f32 v36, v15  }
0x38a: {  	v34 =	vmul.f32 v34, v3;
	v37 =	vmul.f32 v37, v4  }
0x38b: {  	v40 =	vadd.f32 v43, v40;
	v43 =	vadd.f32 v44, v48;
	v48 =	vmul.f32 v41, v19  }
0x38c: {  	v38 =	vunpack.i.u.bf16.f32 v38;
	v34 =	vadd.f32 v34, v37;
	v37 =	vmul.f32 v41, v20  }
0x38d: {  	v41 =	vmul.f32 v45, v23;
	v43 =	vadd.f32 v48, v43;
	v48 =	vmul.f32 v35, v21  }
0x38e: {  	v46 =	vmul.f32 v38, v26;
	v34 =	vadd.f32 v37, v34;
	v35 =	vmul.f32 v35, v22  }
0x38f: {  	v47 =	vmul.f32 v42, v24;
	v37 =	vadd.f32 v41, v40;
	v40 =	vadd.f32 v43, v48  }
0x390: {  	v34 =	vadd.f32 v34, v35;
	v48 =	vmul.f32 v42, v27  }
0x391: {  	v39 =	vadd.f32 v39, v46;
	v46 =	vld [tilespmem:$0x1FD20];
	v40 =	vadd.f32 v47, v40;
	v47 =	vmul.f32 v36, v29  }
0x392: {  	v44 =	vld [tilespmem:$0x1FD30];
	v34 =	vadd.f32 v48, v34;
	v48 =	vmul.f32 v36, v30  }
0x393: {  	v40 =	vadd.f32 v40, v47;
	v47 =	vld [tilespmem:$0x1FD40]  }
0x394: {  	v34 =	vadd.f32 v34, v48;
	v48 =	vld [tilespmem:$0x1FD50];
	_ =	sdelay $0x1  }
0x395: {  	v43 =	vmul.f32 v38, v25;
	v42 =	vadd.s32 v46, v1  }
0x396: {  	v46 =	vmul.f32 v45, v28;
	v36 =	vadd.s32 v44, v1  }
0x397: {  	v35 =	vmul.f32 v45, v31;
	v37 =	vadd.f32 v37, v43;
	v43 =	vadd.s32 v47, v1  }
0x398: {  	v41 =	vmul.f32 v38, v32;
	v40 =	vadd.f32 v46, v40;
	v44 =	vadd.s32 v48, v1  }
0x399: {  	v34 =	vadd.f32 v35, v34;
	v46 =	vmul.f32 v38, v33;
	v47 =	vadd.s32 $0x1A9, v7  }
0x39a: {  	[tilespmem:v42+s17+$0x0] =	vst.idx.msk $0xffff, v39;
	v48 =	vadd.f32 v40, v41  }
0x39b: {  	v42 =	vadd.s32 $0x1AA, v7;
	[tilespmem:v36+s17+$0x0] =	vst.idx.msk $0xffff, v37;
	v34 =	vadd.f32 v34, v46  }
0x39c: {  	[tilespmem:v43+s17+$0x0] =	vst.idx.msk $0xffff, v48  }
0x39d: {  	[tilespmem:v44+s17+$0x0] =	vst.idx.msk $0xffff, v34  }
0x39e: {  	v34 =	vld.idx.msk [tilespmem:v47+s3+$0x0], $0xffff  }
0x39f: {  	v43 =	vadd.s32 $0x1AB, v7  }
0x3a0: {  	v35 =	vld.idx.msk [tilespmem:v42+s3+$0x0], $0xffff;
	_ =	sdelay $0x2  }
0x3a1: {  	v44 =	vadd.s32 $0x1AC, v7;
	v37 =	vunpack.i.u.bf16.f32 v34;
	v34 =	vunpack.i.l.bf16.f32 v34  }
0x3a2: {  	v36 =	vld.idx.msk [tilespmem:v43+s3+$0x0], $0xffff;
	v45 =	vmul.f32 v34, v6;
	v46 =	vmul.f32 v37, v9  }
0x3a3: {  	v41 =	vunpack.i.l.bf16.f32 v35  }
0x3a4: {  	v47 =	vmul.f32 v41, v12;
	v39 =	vadd.f32 v45, v46  }
0x3a5: {  	v35 =	vunpack.i.u.bf16.f32 v35;
	v43 =	vmul.f32 v34, v5;
	v48 =	vmul.f32 v37, v8  }
0x3a6: {  	v38 =	vld.idx.msk [tilespmem:v44+s3+$0x0], $0xffff;
	v40 =	vmul.f32 v35, v13;
	v39 =	vadd.f32 v47, v39  }
0x3a7: {  	v42 =	vunpack.i.l.bf16.f32 v36;
	v43 =	vadd.f32 v43, v48;
	v48 =	vmul.f32 v41, v10  }
0x3a8: {  	v39 =	vadd.f32 v39, v40;
	v40 =	vmul.f32 v42, v17  }
0x3a9: {  	v36 =	vunpack.i.u.bf16.f32 v36;
	v43 =	vadd.f32 v48, v43;
	v48 =	vmul.f32 v35, v11  }
0x3aa: {  	v39 =	vadd.f32 v40, v39;
	v40 =	vmul.f32 v36, v18  }
0x3ab: {  	v45 =	vunpack.i.l.bf16.f32 v38;
	v43 =	vadd.f32 v43, v48;
	v48 =	vmul.f32 v42, v14  }
0x3ac: {  	v39 =	vadd.f32 v39, v40;
	v40 =	vmul.f32 v45, v16  }
0x3ad: {  	v44 =	vmul.f32 v34, v2;
	v43 =	vadd.f32 v48, v43  }
0x3ae: {  	v48 =	vmul.f32 v37, v0;
	v39 =	vadd.f32 v40, v39;
	v40 =	vmul.f32 v36, v15  }
0x3af: {  	v34 =	vmul.f32 v34, v3;
	v37 =	vmul.f32 v37, v4  }
0x3b0: {  	v40 =	vadd.f32 v43, v40;
	v43 =	vadd.f32 v44, v48;
	v48 =	vmul.f32 v41, v19  }
0x3b1: {  	v38 =	vunpack.i.u.bf16.f32 v38;
	v34 =	vadd.f32 v34, v37;
	v37 =	vmul.f32 v41, v20  }
0x3b2: {  	v41 =	vmul.f32 v45, v23;
	v43 =	vadd.f32 v48, v43;
	v48 =	vmul.f32 v35, v21  }
0x3b3: {  	v46 =	vmul.f32 v38, v26;
	v34 =	vadd.f32 v37, v34;
	v35 =	vmul.f32 v35, v22  }
0x3b4: {  	v47 =	vmul.f32 v42, v24;
	v37 =	vadd.f32 v41, v40;
	v40 =	vadd.f32 v43, v48  }
0x3b5: {  	v34 =	vadd.f32 v34, v35;
	v48 =	vmul.f32 v42, v27  }
0x3b6: {  	v39 =	vadd.f32 v39, v46;
	v46 =	vld [tilespmem:$0x1FD60];
	v40 =	vadd.f32 v47, v40;
	v47 =	vmul.f32 v36, v29  }
0x3b7: {  	v44 =	vld [tilespmem:$0x1FD70];
	v34 =	vadd.f32 v48, v34;
	v48 =	vmul.f32 v36, v30  }
0x3b8: {  	v40 =	vadd.f32 v40, v47;
	v47 =	vld [tilespmem:$0x1FD80]  }
0x3b9: {  	v34 =	vadd.f32 v34, v48;
	v48 =	vld [tilespmem:$0x1FD90];
	_ =	sdelay $0x1  }
0x3ba: {  	v43 =	vmul.f32 v38, v25;
	v42 =	vadd.s32 v46, v1  }
0x3bb: {  	v46 =	vmul.f32 v45, v28;
	v36 =	vadd.s32 v44, v1  }
0x3bc: {  	v35 =	vmul.f32 v45, v31;
	v37 =	vadd.f32 v37, v43;
	v43 =	vadd.s32 v47, v1  }
0x3bd: {  	v41 =	vmul.f32 v38, v32;
	v40 =	vadd.f32 v46, v40;
	v44 =	vadd.s32 v48, v1  }
0x3be: {  	v34 =	vadd.f32 v35, v34;
	v46 =	vmul.f32 v38, v33;
	v47 =	vadd.s32 $0x1AD, v7  }
0x3bf: {  	[tilespmem:v42+s17+$0x0] =	vst.idx.msk $0xffff, v39;
	v48 =	vadd.f32 v40, v41  }
0x3c0: {  	v42 =	vadd.s32 $0x1AE, v7;
	[tilespmem:v36+s17+$0x0] =	vst.idx.msk $0xffff, v37;
	v34 =	vadd.f32 v34, v46  }
0x3c1: {  	[tilespmem:v43+s17+$0x0] =	vst.idx.msk $0xffff, v48  }
0x3c2: {  	[tilespmem:v44+s17+$0x0] =	vst.idx.msk $0xffff, v34  }
0x3c3: {  	v34 =	vld.idx.msk [tilespmem:v47+s3+$0x0], $0xffff  }
0x3c4: {  	v43 =	vadd.s32 $0x1AF, v7  }
0x3c5: {  	v35 =	vld.idx.msk [tilespmem:v42+s3+$0x0], $0xffff;
	_ =	sdelay $0x2  }
0x3c6: {  	v44 =	vadd.s32 $0x1B0, v7;
	v37 =	vunpack.i.u.bf16.f32 v34;
	v34 =	vunpack.i.l.bf16.f32 v34  }
0x3c7: {  	v36 =	vld.idx.msk [tilespmem:v43+s3+$0x0], $0xffff;
	v45 =	vmul.f32 v34, v6;
	v46 =	vmul.f32 v37, v9  }
0x3c8: {  	v41 =	vunpack.i.l.bf16.f32 v35  }
0x3c9: {  	v47 =	vmul.f32 v41, v12;
	v39 =	vadd.f32 v45, v46  }
0x3ca: {  	v35 =	vunpack.i.u.bf16.f32 v35;
	v43 =	vmul.f32 v34, v5;
	v48 =	vmul.f32 v37, v8  }
0x3cb: {  	v38 =	vld.idx.msk [tilespmem:v44+s3+$0x0], $0xffff;
	v40 =	vmul.f32 v35, v13;
	v39 =	vadd.f32 v47, v39  }
0x3cc: {  	v42 =	vunpack.i.l.bf16.f32 v36;
	v43 =	vadd.f32 v43, v48;
	v48 =	vmul.f32 v41, v10  }
0x3cd: {  	v39 =	vadd.f32 v39, v40;
	v40 =	vmul.f32 v42, v17  }
0x3ce: {  	v36 =	vunpack.i.u.bf16.f32 v36;
	v43 =	vadd.f32 v48, v43;
	v48 =	vmul.f32 v35, v11  }
0x3cf: {  	v39 =	vadd.f32 v40, v39;
	v40 =	vmul.f32 v36, v18  }
0x3d0: {  	v45 =	vunpack.i.l.bf16.f32 v38;
	v43 =	vadd.f32 v43, v48;
	v48 =	vmul.f32 v42, v14  }
0x3d1: {  	v39 =	vadd.f32 v39, v40;
	v40 =	vmul.f32 v45, v16  }
0x3d2: {  	v44 =	vmul.f32 v34, v2;
	v43 =	vadd.f32 v48, v43  }
0x3d3: {  	v48 =	vmul.f32 v37, v0;
	v39 =	vadd.f32 v40, v39;
	v40 =	vmul.f32 v36, v15  }
0x3d4: {  	v34 =	vmul.f32 v34, v3;
	v37 =	vmul.f32 v37, v4  }
0x3d5: {  	v40 =	vadd.f32 v43, v40;
	v43 =	vadd.f32 v44, v48;
	v48 =	vmul.f32 v41, v19  }
0x3d6: {  	v38 =	vunpack.i.u.bf16.f32 v38;
	v34 =	vadd.f32 v34, v37;
	v37 =	vmul.f32 v41, v20  }
0x3d7: {  	v41 =	vmul.f32 v45, v23;
	v43 =	vadd.f32 v48, v43;
	v48 =	vmul.f32 v35, v21  }
0x3d8: {  	v46 =	vmul.f32 v38, v26;
	v34 =	vadd.f32 v37, v34;
	v35 =	vmul.f32 v35, v22  }
0x3d9: {  	v47 =	vmul.f32 v42, v24;
	v37 =	vadd.f32 v41, v40;
	v40 =	vadd.f32 v43, v48  }
0x3da: {  	v34 =	vadd.f32 v34, v35;
	v48 =	vmul.f32 v42, v27  }
0x3db: {  	v39 =	vadd.f32 v39, v46;
	v46 =	vld [tilespmem:$0x1FDA0];
	v40 =	vadd.f32 v47, v40;
	v47 =	vmul.f32 v36, v29  }
0x3dc: {  	v44 =	vld [tilespmem:$0x1FDB0];
	v34 =	vadd.f32 v48, v34;
	v48 =	vmul.f32 v36, v30  }
0x3dd: {  	v40 =	vadd.f32 v40, v47;
	v47 =	vld [tilespmem:$0x1FDC0]  }
0x3de: {  	v34 =	vadd.f32 v34, v48;
	v48 =	vld [tilespmem:$0x1FDD0];
	_ =	sdelay $0x1  }
0x3df: {  	v43 =	vmul.f32 v38, v25;
	v42 =	vadd.s32 v46, v1  }
0x3e0: {  	v46 =	vmul.f32 v45, v28;
	v36 =	vadd.s32 v44, v1  }
0x3e1: {  	v35 =	vmul.f32 v45, v31;
	v37 =	vadd.f32 v37, v43;
	v43 =	vadd.s32 v47, v1  }
0x3e2: {  	v41 =	vmul.f32 v38, v32;
	v40 =	vadd.f32 v46, v40;
	v44 =	vadd.s32 v48, v1  }
0x3e3: {  	v34 =	vadd.f32 v35, v34;
	v46 =	vmul.f32 v38, v33;
	v47 =	vadd.s32 $0x1B1, v7  }
0x3e4: {  	[tilespmem:v42+s17+$0x0] =	vst.idx.msk $0xffff, v39;
	v48 =	vadd.f32 v40, v41  }
0x3e5: {  	v42 =	vadd.s32 $0x1B2, v7;
	[tilespmem:v36+s17+$0x0] =	vst.idx.msk $0xffff, v37;
	v34 =	vadd.f32 v34, v46  }
0x3e6: {  	[tilespmem:v43+s17+$0x0] =	vst.idx.msk $0xffff, v48  }
0x3e7: {  	[tilespmem:v44+s17+$0x0] =	vst.idx.msk $0xffff, v34  }
0x3e8: {  	v34 =	vld.idx.msk [tilespmem:v47+s3+$0x0], $0xffff  }
0x3e9: {  	v43 =	vadd.s32 $0x1B3, v7  }
0x3ea: {  	v35 =	vld.idx.msk [tilespmem:v42+s3+$0x0], $0xffff;
	_ =	sdelay $0x2  }
0x3eb: {  	v44 =	vadd.s32 $0x1B4, v7;
	v37 =	vunpack.i.u.bf16.f32 v34;
	v34 =	vunpack.i.l.bf16.f32 v34  }
0x3ec: {  	v36 =	vld.idx.msk [tilespmem:v43+s3+$0x0], $0xffff;
	v45 =	vmul.f32 v34, v6;
	v46 =	vmul.f32 v37, v9  }
0x3ed: {  	v41 =	vunpack.i.l.bf16.f32 v35  }
0x3ee: {  	v47 =	vmul.f32 v41, v12;
	v39 =	vadd.f32 v45, v46  }
0x3ef: {  	v35 =	vunpack.i.u.bf16.f32 v35;
	v43 =	vmul.f32 v34, v5;
	v48 =	vmul.f32 v37, v8  }
0x3f0: {  	v38 =	vld.idx.msk [tilespmem:v44+s3+$0x0], $0xffff;
	v40 =	vmul.f32 v35, v13;
	v39 =	vadd.f32 v47, v39  }
0x3f1: {  	v42 =	vunpack.i.l.bf16.f32 v36;
	v43 =	vadd.f32 v43, v48;
	v48 =	vmul.f32 v41, v10  }
0x3f2: {  	v39 =	vadd.f32 v39, v40;
	v40 =	vmul.f32 v42, v17  }
0x3f3: {  	v36 =	vunpack.i.u.bf16.f32 v36;
	v43 =	vadd.f32 v48, v43;
	v48 =	vmul.f32 v35, v11  }
0x3f4: {  	v39 =	vadd.f32 v40, v39;
	v40 =	vmul.f32 v36, v18  }
0x3f5: {  	v45 =	vunpack.i.l.bf16.f32 v38;
	v43 =	vadd.f32 v43, v48;
	v48 =	vmul.f32 v42, v14  }
0x3f6: {  	v39 =	vadd.f32 v39, v40;
	v40 =	vmul.f32 v45, v16  }
0x3f7: {  	v44 =	vmul.f32 v34, v2;
	v43 =	vadd.f32 v48, v43  }
0x3f8: {  	v48 =	vmul.f32 v37, v0;
	v39 =	vadd.f32 v40, v39;
	v40 =	vmul.f32 v36, v15  }
0x3f9: {  	v34 =	vmul.f32 v34, v3;
	v37 =	vmul.f32 v37, v4  }
0x3fa: {  	v40 =	vadd.f32 v43, v40;
	v43 =	vadd.f32 v44, v48;
	v48 =	vmul.f32 v41, v19  }
0x3fb: {  	v38 =	vunpack.i.u.bf16.f32 v38;
	v34 =	vadd.f32 v34, v37;
	v37 =	vmul.f32 v41, v20  }
0x3fc: {  	v41 =	vmul.f32 v45, v23;
	v43 =	vadd.f32 v48, v43;
	v48 =	vmul.f32 v35, v21  }
0x3fd: {  	v46 =	vmul.f32 v38, v26;
	v34 =	vadd.f32 v37, v34;
	v35 =	vmul.f32 v35, v22  }
0x3fe: {  	v47 =	vmul.f32 v42, v24;
	v37 =	vadd.f32 v41, v40;
	v40 =	vadd.f32 v43, v48  }
0x3ff: {  	v34 =	vadd.f32 v34, v35;
	v48 =	vmul.f32 v42, v27  }
0x400: {  	v39 =	vadd.f32 v39, v46;
	v46 =	vld [tilespmem:$0x1FDE0];
	v40 =	vadd.f32 v47, v40;
	v47 =	vmul.f32 v36, v29  }
0x401: {  	v44 =	vld [tilespmem:$0x1FDF0];
	v34 =	vadd.f32 v48, v34;
	v48 =	vmul.f32 v36, v30  }
0x402: {  	v40 =	vadd.f32 v40, v47;
	v47 =	vld [tilespmem:$0x1FE00]  }
0x403: {  	v34 =	vadd.f32 v34, v48;
	v48 =	vld [tilespmem:$0x1FE10];
	_ =	sdelay $0x1  }
0x404: {  	v43 =	vmul.f32 v38, v25;
	v42 =	vadd.s32 v46, v1  }
0x405: {  	v46 =	vmul.f32 v45, v28;
	v36 =	vadd.s32 v44, v1  }
0x406: {  	v35 =	vmul.f32 v45, v31;
	v37 =	vadd.f32 v37, v43;
	v43 =	vadd.s32 v47, v1  }
0x407: {  	v41 =	vmul.f32 v38, v32;
	v40 =	vadd.f32 v46, v40;
	v44 =	vadd.s32 v48, v1  }
0x408: {  	v34 =	vadd.f32 v35, v34;
	v46 =	vmul.f32 v38, v33;
	v47 =	vadd.s32 $0x1B5, v7  }
0x409: {  	[tilespmem:v42+s17+$0x0] =	vst.idx.msk $0xffff, v39;
	v48 =	vadd.f32 v40, v41  }
0x40a: {  	v42 =	vadd.s32 $0x1B6, v7;
	[tilespmem:v36+s17+$0x0] =	vst.idx.msk $0xffff, v37;
	v34 =	vadd.f32 v34, v46  }
0x40b: {  	[tilespmem:v43+s17+$0x0] =	vst.idx.msk $0xffff, v48  }
0x40c: {  	[tilespmem:v44+s17+$0x0] =	vst.idx.msk $0xffff, v34  }
0x40d: {  	v34 =	vld.idx.msk [tilespmem:v47+s3+$0x0], $0xffff  }
0x40e: {  	v43 =	vadd.s32 $0x1B7, v7  }
0x40f: {  	v35 =	vld.idx.msk [tilespmem:v42+s3+$0x0], $0xffff;
	_ =	sdelay $0x2  }
0x410: {  	v44 =	vadd.s32 $0x1B8, v7;
	v37 =	vunpack.i.u.bf16.f32 v34;
	v34 =	vunpack.i.l.bf16.f32 v34  }
0x411: {  	v36 =	vld.idx.msk [tilespmem:v43+s3+$0x0], $0xffff;
	v45 =	vmul.f32 v34, v6;
	v46 =	vmul.f32 v37, v9  }
0x412: {  	v41 =	vunpack.i.l.bf16.f32 v35  }
0x413: {  	v47 =	vmul.f32 v41, v12;
	v39 =	vadd.f32 v45, v46  }
0x414: {  	v35 =	vunpack.i.u.bf16.f32 v35;
	v43 =	vmul.f32 v34, v5;
	v48 =	vmul.f32 v37, v8  }
0x415: {  	v38 =	vld.idx.msk [tilespmem:v44+s3+$0x0], $0xffff;
	v40 =	vmul.f32 v35, v13;
	v39 =	vadd.f32 v47, v39  }
0x416: {  	v42 =	vunpack.i.l.bf16.f32 v36;
	v43 =	vadd.f32 v43, v48;
	v48 =	vmul.f32 v41, v10  }
0x417: {  	v39 =	vadd.f32 v39, v40;
	v40 =	vmul.f32 v42, v17  }
0x418: {  	v36 =	vunpack.i.u.bf16.f32 v36;
	v43 =	vadd.f32 v48, v43;
	v48 =	vmul.f32 v35, v11  }
0x419: {  	v39 =	vadd.f32 v40, v39;
	v40 =	vmul.f32 v36, v18  }
0x41a: {  	v45 =	vunpack.i.l.bf16.f32 v38;
	v43 =	vadd.f32 v43, v48;
	v48 =	vmul.f32 v42, v14  }
0x41b: {  	v39 =	vadd.f32 v39, v40;
	v40 =	vmul.f32 v45, v16  }
0x41c: {  	v44 =	vmul.f32 v34, v2;
	v43 =	vadd.f32 v48, v43  }
0x41d: {  	v48 =	vmul.f32 v37, v0;
	v39 =	vadd.f32 v40, v39;
	v40 =	vmul.f32 v36, v15  }
0x41e: {  	v34 =	vmul.f32 v34, v3;
	v37 =	vmul.f32 v37, v4  }
0x41f: {  	v40 =	vadd.f32 v43, v40;
	v43 =	vadd.f32 v44, v48;
	v48 =	vmul.f32 v41, v19  }
0x420: {  	v38 =	vunpack.i.u.bf16.f32 v38;
	v34 =	vadd.f32 v34, v37;
	v37 =	vmul.f32 v41, v20  }
0x421: {  	v41 =	vmul.f32 v45, v23;
	v43 =	vadd.f32 v48, v43;
	v48 =	vmul.f32 v35, v21  }
0x422: {  	v46 =	vmul.f32 v38, v26;
	v34 =	vadd.f32 v37, v34;
	v35 =	vmul.f32 v35, v22  }
0x423: {  	v47 =	vmul.f32 v42, v24;
	v37 =	vadd.f32 v41, v40;
	v40 =	vadd.f32 v43, v48  }
0x424: {  	v34 =	vadd.f32 v34, v35;
	v48 =	vmul.f32 v42, v27  }
0x425: {  	v39 =	vadd.f32 v39, v46;
	v46 =	vld [tilespmem:$0x1FE20];
	v40 =	vadd.f32 v47, v40;
	v47 =	vmul.f32 v36, v29  }
0x426: {  	v44 =	vld [tilespmem:$0x1FE30];
	v34 =	vadd.f32 v48, v34;
	v48 =	vmul.f32 v36, v30  }
0x427: {  	v40 =	vadd.f32 v40, v47;
	v47 =	vld [tilespmem:$0x1FE40]  }
0x428: {  	v34 =	vadd.f32 v34, v48;
	v48 =	vld [tilespmem:$0x1FE50];
	_ =	sdelay $0x1  }
0x429: {  	v43 =	vmul.f32 v38, v25;
	v42 =	vadd.s32 v46, v1  }
0x42a: {  	v46 =	vmul.f32 v45, v28;
	v36 =	vadd.s32 v44, v1  }
0x42b: {  	v35 =	vmul.f32 v45, v31;
	v37 =	vadd.f32 v37, v43;
	v43 =	vadd.s32 v47, v1  }
0x42c: {  	v41 =	vmul.f32 v38, v32;
	v40 =	vadd.f32 v46, v40;
	v44 =	vadd.s32 v48, v1  }
0x42d: {  	v34 =	vadd.f32 v35, v34;
	v46 =	vmul.f32 v38, v33;
	v47 =	vadd.s32 $0x352, v7  }
0x42e: {  	[tilespmem:v42+s17+$0x0] =	vst.idx.msk $0xffff, v39;
	v48 =	vadd.f32 v40, v41  }
0x42f: {  	v42 =	vadd.s32 $0x353, v7;
	[tilespmem:v36+s17+$0x0] =	vst.idx.msk $0xffff, v37;
	v34 =	vadd.f32 v34, v46  }
0x430: {  	[tilespmem:v43+s17+$0x0] =	vst.idx.msk $0xffff, v48  }
0x431: {  	[tilespmem:v44+s17+$0x0] =	vst.idx.msk $0xffff, v34  }
0x432: {  	v34 =	vld.idx.msk [tilespmem:v47+s3+$0x0], $0xffff  }
0x433: {  	v43 =	vadd.s32 $0x354, v7  }
0x434: {  	v35 =	vld.idx.msk [tilespmem:v42+s3+$0x0], $0xffff;
	_ =	sdelay $0x2  }
0x435: {  	v44 =	vadd.s32 $0x355, v7;
	v37 =	vunpack.i.u.bf16.f32 v34;
	v34 =	vunpack.i.l.bf16.f32 v34  }
0x436: {  	v36 =	vld.idx.msk [tilespmem:v43+s3+$0x0], $0xffff;
	v45 =	vmul.f32 v34, v6;
	v46 =	vmul.f32 v37, v9  }
0x437: {  	v41 =	vunpack.i.l.bf16.f32 v35  }
0x438: {  	v47 =	vmul.f32 v41, v12;
	v39 =	vadd.f32 v45, v46  }
0x439: {  	v35 =	vunpack.i.u.bf16.f32 v35;
	v43 =	vmul.f32 v34, v5;
	v48 =	vmul.f32 v37, v8  }
0x43a: {  	v38 =	vld.idx.msk [tilespmem:v44+s3+$0x0], $0xffff;
	v40 =	vmul.f32 v35, v13;
	v39 =	vadd.f32 v47, v39  }
0x43b: {  	v42 =	vunpack.i.l.bf16.f32 v36;
	v43 =	vadd.f32 v43, v48;
	v48 =	vmul.f32 v41, v10  }
0x43c: {  	v39 =	vadd.f32 v39, v40;
	v40 =	vmul.f32 v42, v17  }
0x43d: {  	v36 =	vunpack.i.u.bf16.f32 v36;
	v43 =	vadd.f32 v48, v43;
	v48 =	vmul.f32 v35, v11  }
0x43e: {  	v39 =	vadd.f32 v40, v39;
	v40 =	vmul.f32 v36, v18  }
0x43f: {  	v45 =	vunpack.i.l.bf16.f32 v38;
	v43 =	vadd.f32 v43, v48;
	v48 =	vmul.f32 v42, v14  }
0x440: {  	v39 =	vadd.f32 v39, v40;
	v40 =	vmul.f32 v45, v16  }
0x441: {  	v44 =	vmul.f32 v34, v2;
	v43 =	vadd.f32 v48, v43  }
0x442: {  	v48 =	vmul.f32 v37, v0;
	v39 =	vadd.f32 v40, v39;
	v40 =	vmul.f32 v36, v15  }
0x443: {  	v34 =	vmul.f32 v34, v3;
	v37 =	vmul.f32 v37, v4  }
0x444: {  	v40 =	vadd.f32 v43, v40;
	v43 =	vadd.f32 v44, v48;
	v48 =	vmul.f32 v41, v19  }
0x445: {  	v38 =	vunpack.i.u.bf16.f32 v38;
	v34 =	vadd.f32 v34, v37;
	v37 =	vmul.f32 v41, v20  }
0x446: {  	v41 =	vmul.f32 v45, v23;
	v43 =	vadd.f32 v48, v43;
	v48 =	vmul.f32 v35, v21  }
0x447: {  	v46 =	vmul.f32 v38, v26;
	v34 =	vadd.f32 v37, v34;
	v35 =	vmul.f32 v35, v22  }
0x448: {  	v47 =	vmul.f32 v42, v24;
	v37 =	vadd.f32 v41, v40;
	v40 =	vadd.f32 v43, v48  }
0x449: {  	v34 =	vadd.f32 v34, v35;
	v48 =	vmul.f32 v42, v27  }
0x44a: {  	v39 =	vadd.f32 v39, v46;
	v46 =	vld [tilespmem:$0x1FE60];
	v40 =	vadd.f32 v47, v40;
	v47 =	vmul.f32 v36, v29  }
0x44b: {  	v44 =	vld [tilespmem:$0x1FE70];
	v34 =	vadd.f32 v48, v34;
	v48 =	vmul.f32 v36, v30  }
0x44c: {  	v40 =	vadd.f32 v40, v47;
	v47 =	vld [tilespmem:$0x1FE80]  }
0x44d: {  	v34 =	vadd.f32 v34, v48;
	v48 =	vld [tilespmem:$0x1FE90];
	_ =	sdelay $0x1  }
0x44e: {  	v43 =	vmul.f32 v38, v25;
	v42 =	vadd.s32 v46, v1  }
0x44f: {  	v46 =	vmul.f32 v45, v28;
	v36 =	vadd.s32 v44, v1  }
0x450: {  	v35 =	vmul.f32 v45, v31;
	v37 =	vadd.f32 v37, v43;
	v43 =	vadd.s32 v47, v1  }
0x451: {  	v41 =	vmul.f32 v38, v32;
	v40 =	vadd.f32 v46, v40;
	v44 =	vadd.s32 v48, v1  }
0x452: {  	v34 =	vadd.f32 v35, v34;
	v46 =	vmul.f32 v38, v33;
	v47 =	vadd.s32 $0x356, v7  }
0x453: {  	[tilespmem:v42+s17+$0x0] =	vst.idx.msk $0xffff, v39;
	v48 =	vadd.f32 v40, v41  }
0x454: {  	v42 =	vadd.s32 $0x357, v7;
	[tilespmem:v36+s17+$0x0] =	vst.idx.msk $0xffff, v37;
	v34 =	vadd.f32 v34, v46  }
0x455: {  	[tilespmem:v43+s17+$0x0] =	vst.idx.msk $0xffff, v48  }
0x456: {  	[tilespmem:v44+s17+$0x0] =	vst.idx.msk $0xffff, v34  }
0x457: {  	v34 =	vld.idx.msk [tilespmem:v47+s3+$0x0], $0xffff  }
0x458: {  	v43 =	vadd.s32 $0x358, v7  }
0x459: {  	v35 =	vld.idx.msk [tilespmem:v42+s3+$0x0], $0xffff;
	_ =	sdelay $0x2  }
0x45a: {  	v44 =	vadd.s32 $0x359, v7;
	v37 =	vunpack.i.u.bf16.f32 v34;
	v34 =	vunpack.i.l.bf16.f32 v34  }
0x45b: {  	v36 =	vld.idx.msk [tilespmem:v43+s3+$0x0], $0xffff;
	v45 =	vmul.f32 v34, v6;
	v46 =	vmul.f32 v37, v9  }
0x45c: {  	v41 =	vunpack.i.l.bf16.f32 v35  }
0x45d: {  	v47 =	vmul.f32 v41, v12;
	v39 =	vadd.f32 v45, v46  }
0x45e: {  	v35 =	vunpack.i.u.bf16.f32 v35;
	v43 =	vmul.f32 v34, v5;
	v48 =	vmul.f32 v37, v8  }
0x45f: {  	v38 =	vld.idx.msk [tilespmem:v44+s3+$0x0], $0xffff;
	v40 =	vmul.f32 v35, v13;
	v39 =	vadd.f32 v47, v39  }
0x460: {  	v42 =	vunpack.i.l.bf16.f32 v36;
	v43 =	vadd.f32 v43, v48;
	v48 =	vmul.f32 v41, v10  }
0x461: {  	v39 =	vadd.f32 v39, v40;
	v40 =	vmul.f32 v42, v17  }
0x462: {  	v36 =	vunpack.i.u.bf16.f32 v36;
	v43 =	vadd.f32 v48, v43;
	v48 =	vmul.f32 v35, v11  }
0x463: {  	v39 =	vadd.f32 v40, v39;
	v40 =	vmul.f32 v36, v18  }
0x464: {  	v45 =	vunpack.i.l.bf16.f32 v38;
	v43 =	vadd.f32 v43, v48;
	v48 =	vmul.f32 v42, v14  }
0x465: {  	v39 =	vadd.f32 v39, v40;
	v40 =	vmul.f32 v45, v16  }
0x466: {  	v44 =	vmul.f32 v34, v2;
	v43 =	vadd.f32 v48, v43  }
0x467: {  	v48 =	vmul.f32 v37, v0;
	v39 =	vadd.f32 v40, v39;
	v40 =	vmul.f32 v36, v15  }
0x468: {  	v34 =	vmul.f32 v34, v3;
	v37 =	vmul.f32 v37, v4  }
0x469: {  	v40 =	vadd.f32 v43, v40;
	v43 =	vadd.f32 v44, v48;
	v48 =	vmul.f32 v41, v19  }
0x46a: {  	v38 =	vunpack.i.u.bf16.f32 v38;
	v34 =	vadd.f32 v34, v37;
	v37 =	vmul.f32 v41, v20  }
0x46b: {  	v41 =	vmul.f32 v45, v23;
	v43 =	vadd.f32 v48, v43;
	v48 =	vmul.f32 v35, v21  }
0x46c: {  	v46 =	vmul.f32 v38, v26;
	v34 =	vadd.f32 v37, v34;
	v35 =	vmul.f32 v35, v22  }
0x46d: {  	v47 =	vmul.f32 v42, v24;
	v37 =	vadd.f32 v41, v40;
	v40 =	vadd.f32 v43, v48  }
0x46e: {  	v34 =	vadd.f32 v34, v35;
	v48 =	vmul.f32 v42, v27  }
0x46f: {  	v39 =	vadd.f32 v39, v46;
	v46 =	vld [tilespmem:$0x1FEA0];
	v40 =	vadd.f32 v47, v40;
	v47 =	vmul.f32 v36, v29  }
0x470: {  	v44 =	vld [tilespmem:$0x1FEB0];
	v34 =	vadd.f32 v48, v34;
	v48 =	vmul.f32 v36, v30  }
0x471: {  	v40 =	vadd.f32 v40, v47;
	v47 =	vld [tilespmem:$0x1FEC0]  }
0x472: {  	v34 =	vadd.f32 v34, v48;
	v48 =	vld [tilespmem:$0x1FED0];
	_ =	sdelay $0x1  }
0x473: {  	v43 =	vmul.f32 v38, v25;
	v42 =	vadd.s32 v46, v1  }
0x474: {  	v46 =	vmul.f32 v45, v28;
	v36 =	vadd.s32 v44, v1  }
0x475: {  	v35 =	vmul.f32 v45, v31;
	v37 =	vadd.f32 v37, v43;
	v43 =	vadd.s32 v47, v1  }
0x476: {  	v41 =	vmul.f32 v38, v32;
	v40 =	vadd.f32 v46, v40;
	v44 =	vadd.s32 v48, v1  }
0x477: {  	v34 =	vadd.f32 v35, v34;
	v46 =	vmul.f32 v38, v33;
	v47 =	vadd.s32 $0x35A, v7  }
0x478: {  	[tilespmem:v42+s17+$0x0] =	vst.idx.msk $0xffff, v39;
	v48 =	vadd.f32 v40, v41  }
0x479: {  	v42 =	vadd.s32 $0x35B, v7;
	[tilespmem:v36+s17+$0x0] =	vst.idx.msk $0xffff, v37;
	v34 =	vadd.f32 v34, v46  }
0x47a: {  	[tilespmem:v43+s17+$0x0] =	vst.idx.msk $0xffff, v48  }
0x47b: {  	[tilespmem:v44+s17+$0x0] =	vst.idx.msk $0xffff, v34  }
0x47c: {  	v34 =	vld.idx.msk [tilespmem:v47+s3+$0x0], $0xffff  }
0x47d: {  	v43 =	vadd.s32 $0x35C, v7  }
0x47e: {  	v35 =	vld.idx.msk [tilespmem:v42+s3+$0x0], $0xffff;
	_ =	sdelay $0x2  }
0x47f: {  	v44 =	vadd.s32 $0x35D, v7;
	v37 =	vunpack.i.u.bf16.f32 v34;
	v34 =	vunpack.i.l.bf16.f32 v34  }
0x480: {  	v36 =	vld.idx.msk [tilespmem:v43+s3+$0x0], $0xffff;
	v45 =	vmul.f32 v34, v6;
	v46 =	vmul.f32 v37, v9  }
0x481: {  	v41 =	vunpack.i.l.bf16.f32 v35  }
0x482: {  	v47 =	vmul.f32 v41, v12;
	v39 =	vadd.f32 v45, v46  }
0x483: {  	v35 =	vunpack.i.u.bf16.f32 v35;
	v43 =	vmul.f32 v34, v5;
	v48 =	vmul.f32 v37, v8  }
0x484: {  	v38 =	vld.idx.msk [tilespmem:v44+s3+$0x0], $0xffff;
	v40 =	vmul.f32 v35, v13;
	v39 =	vadd.f32 v47, v39  }
0x485: {  	v42 =	vunpack.i.l.bf16.f32 v36;
	v43 =	vadd.f32 v43, v48;
	v48 =	vmul.f32 v41, v10  }
0x486: {  	v39 =	vadd.f32 v39, v40;
	v40 =	vmul.f32 v42, v17  }
0x487: {  	v36 =	vunpack.i.u.bf16.f32 v36;
	v43 =	vadd.f32 v48, v43;
	v48 =	vmul.f32 v35, v11  }
0x488: {  	v39 =	vadd.f32 v40, v39;
	v40 =	vmul.f32 v36, v18  }
0x489: {  	v45 =	vunpack.i.l.bf16.f32 v38;
	v43 =	vadd.f32 v43, v48;
	v48 =	vmul.f32 v42, v14  }
0x48a: {  	v39 =	vadd.f32 v39, v40;
	v40 =	vmul.f32 v45, v16  }
0x48b: {  	v44 =	vmul.f32 v34, v2;
	v43 =	vadd.f32 v48, v43  }
0x48c: {  	v48 =	vmul.f32 v37, v0;
	v39 =	vadd.f32 v40, v39;
	v40 =	vmul.f32 v36, v15  }
0x48d: {  	v34 =	vmul.f32 v34, v3;
	v37 =	vmul.f32 v37, v4  }
0x48e: {  	v40 =	vadd.f32 v43, v40;
	v43 =	vadd.f32 v44, v48;
	v48 =	vmul.f32 v41, v19  }
0x48f: {  	v38 =	vunpack.i.u.bf16.f32 v38;
	v34 =	vadd.f32 v34, v37;
	v37 =	vmul.f32 v41, v20  }
0x490: {  	v41 =	vmul.f32 v45, v23;
	v43 =	vadd.f32 v48, v43;
	v48 =	vmul.f32 v35, v21  }
0x491: {  	v46 =	vmul.f32 v38, v26;
	v34 =	vadd.f32 v37, v34;
	v35 =	vmul.f32 v35, v22  }
0x492: {  	v47 =	vmul.f32 v42, v24;
	v37 =	vadd.f32 v41, v40;
	v40 =	vadd.f32 v43, v48  }
0x493: {  	v34 =	vadd.f32 v34, v35;
	v48 =	vmul.f32 v42, v27  }
0x494: {  	v39 =	vadd.f32 v39, v46;
	v46 =	vld [tilespmem:$0x1FEE0];
	v40 =	vadd.f32 v47, v40;
	v47 =	vmul.f32 v36, v29  }
0x495: {  	v44 =	vld [tilespmem:$0x1FEF0];
	v34 =	vadd.f32 v48, v34;
	v48 =	vmul.f32 v36, v30  }
0x496: {  	v40 =	vadd.f32 v40, v47;
	v47 =	vld [tilespmem:$0x1FF00]  }
0x497: {  	v34 =	vadd.f32 v34, v48;
	v48 =	vld [tilespmem:$0x1FF10];
	_ =	sdelay $0x1  }
0x498: {  	v43 =	vmul.f32 v38, v25;
	v42 =	vadd.s32 v46, v1  }
0x499: {  	v46 =	vmul.f32 v45, v28;
	v36 =	vadd.s32 v44, v1  }
0x49a: {  	v35 =	vmul.f32 v45, v31;
	v37 =	vadd.f32 v37, v43;
	v43 =	vadd.s32 v47, v1  }
0x49b: {  	v41 =	vmul.f32 v38, v32;
	v40 =	vadd.f32 v46, v40;
	v44 =	vadd.s32 v48, v1  }
0x49c: {  	v34 =	vadd.f32 v35, v34;
	v46 =	vmul.f32 v38, v33;
	v47 =	vadd.s32 $0x35E, v7  }
0x49d: {  	[tilespmem:v42+s17+$0x0] =	vst.idx.msk $0xffff, v39;
	v48 =	vadd.f32 v40, v41  }
0x49e: {  	v42 =	vadd.s32 $0x35F, v7;
	[tilespmem:v36+s17+$0x0] =	vst.idx.msk $0xffff, v37;
	v34 =	vadd.f32 v34, v46  }
0x49f: {  	[tilespmem:v43+s17+$0x0] =	vst.idx.msk $0xffff, v48  }
0x4a0: {  	[tilespmem:v44+s17+$0x0] =	vst.idx.msk $0xffff, v34  }
0x4a1: {  	v34 =	vld.idx.msk [tilespmem:v47+s3+$0x0], $0xffff  }
0x4a2: {  	v43 =	vadd.s32 $0x360, v7  }
0x4a3: {  	v35 =	vld.idx.msk [tilespmem:v42+s3+$0x0], $0xffff;
	_ =	sdelay $0x2  }
0x4a4: {  	v44 =	vadd.s32 $0x361, v7;
	v37 =	vunpack.i.u.bf16.f32 v34;
	v34 =	vunpack.i.l.bf16.f32 v34  }
0x4a5: {  	v36 =	vld.idx.msk [tilespmem:v43+s3+$0x0], $0xffff;
	v45 =	vmul.f32 v34, v6;
	v46 =	vmul.f32 v37, v9  }
0x4a6: {  	v41 =	vunpack.i.l.bf16.f32 v35  }
0x4a7: {  	v47 =	vmul.f32 v41, v12;
	v39 =	vadd.f32 v45, v46  }
0x4a8: {  	v35 =	vunpack.i.u.bf16.f32 v35;
	v43 =	vmul.f32 v34, v5;
	v48 =	vmul.f32 v37, v8  }
0x4a9: {  	v38 =	vld.idx.msk [tilespmem:v44+s3+$0x0], $0xffff;
	v40 =	vmul.f32 v35, v13;
	v39 =	vadd.f32 v47, v39  }
0x4aa: {  	v42 =	vunpack.i.l.bf16.f32 v36;
	v43 =	vadd.f32 v43, v48;
	v48 =	vmul.f32 v41, v10  }
0x4ab: {  	v39 =	vadd.f32 v39, v40;
	v40 =	vmul.f32 v42, v17  }
0x4ac: {  	v36 =	vunpack.i.u.bf16.f32 v36;
	v43 =	vadd.f32 v48, v43;
	v48 =	vmul.f32 v35, v11  }
0x4ad: {  	v39 =	vadd.f32 v40, v39;
	v40 =	vmul.f32 v36, v18  }
0x4ae: {  	v45 =	vunpack.i.l.bf16.f32 v38;
	v43 =	vadd.f32 v43, v48;
	v48 =	vmul.f32 v42, v14  }
0x4af: {  	v39 =	vadd.f32 v39, v40;
	v40 =	vmul.f32 v45, v16  }
0x4b0: {  	v44 =	vmul.f32 v34, v2;
	v43 =	vadd.f32 v48, v43  }
0x4b1: {  	v48 =	vmul.f32 v37, v0;
	v39 =	vadd.f32 v40, v39;
	v40 =	vmul.f32 v36, v15  }
0x4b2: {  	v34 =	vmul.f32 v34, v3;
	v37 =	vmul.f32 v37, v4  }
0x4b3: {  	v40 =	vadd.f32 v43, v40;
	v43 =	vadd.f32 v44, v48;
	v48 =	vmul.f32 v41, v19  }
0x4b4: {  	v38 =	vunpack.i.u.bf16.f32 v38;
	v34 =	vadd.f32 v34, v37;
	v37 =	vmul.f32 v41, v20  }
0x4b5: {  	v41 =	vmul.f32 v45, v23;
	v43 =	vadd.f32 v48, v43;
	v48 =	vmul.f32 v35, v21  }
0x4b6: {  	v46 =	vmul.f32 v38, v26;
	v34 =	vadd.f32 v37, v34;
	v35 =	vmul.f32 v35, v22  }
0x4b7: {  	v47 =	vmul.f32 v42, v24;
	v37 =	vadd.f32 v41, v40;
	v40 =	vadd.f32 v43, v48  }
0x4b8: {  	v34 =	vadd.f32 v34, v35;
	v48 =	vmul.f32 v42, v27  }
0x4b9: {  	v39 =	vadd.f32 v39, v46;
	v46 =	vld [tilespmem:$0x1FF20];
	v40 =	vadd.f32 v47, v40;
	v47 =	vmul.f32 v36, v29  }
0x4ba: {  	v44 =	vld [tilespmem:$0x1FF30];
	v34 =	vadd.f32 v48, v34;
	v48 =	vmul.f32 v36, v30  }
0x4bb: {  	v40 =	vadd.f32 v40, v47;
	v47 =	vld [tilespmem:$0x1FF40]  }
0x4bc: {  	v34 =	vadd.f32 v34, v48;
	v48 =	vld [tilespmem:$0x1FF50];
	_ =	sdelay $0x1  }
0x4bd: {  	v43 =	vmul.f32 v38, v25;
	v42 =	vadd.s32 v46, v1  }
0x4be: {  	v46 =	vmul.f32 v45, v28;
	v36 =	vadd.s32 v44, v1  }
0x4bf: {  	v35 =	vmul.f32 v45, v31;
	v37 =	vadd.f32 v37, v43;
	v43 =	vadd.s32 v47, v1  }
0x4c0: {  	v41 =	vmul.f32 v38, v32;
	v40 =	vadd.f32 v46, v40;
	v44 =	vadd.s32 v48, v1  }
0x4c1: {  	v34 =	vadd.f32 v35, v34;
	v46 =	vmul.f32 v38, v33;
	v47 =	vadd.s32 $0x4FB, v7  }
0x4c2: {  	[tilespmem:v42+s17+$0x0] =	vst.idx.msk $0xffff, v39;
	v48 =	vadd.f32 v40, v41  }
0x4c3: {  	v42 =	vadd.s32 $0x4FC, v7;
	[tilespmem:v36+s17+$0x0] =	vst.idx.msk $0xffff, v37;
	v34 =	vadd.f32 v34, v46  }
0x4c4: {  	[tilespmem:v43+s17+$0x0] =	vst.idx.msk $0xffff, v48  }
0x4c5: {  	[tilespmem:v44+s17+$0x0] =	vst.idx.msk $0xffff, v34  }
0x4c6: {  	v34 =	vld.idx.msk [tilespmem:v47+s3+$0x0], $0xffff  }
0x4c7: {  	v43 =	vadd.s32 $0x4FD, v7  }
0x4c8: {  	v35 =	vld.idx.msk [tilespmem:v42+s3+$0x0], $0xffff;
	_ =	sdelay $0x2  }
0x4c9: {  	v44 =	vadd.s32 $0x4FE, v7;
	v37 =	vunpack.i.u.bf16.f32 v34;
	v34 =	vunpack.i.l.bf16.f32 v34  }
0x4ca: {  	v36 =	vld.idx.msk [tilespmem:v43+s3+$0x0], $0xffff;
	v45 =	vmul.f32 v34, v6;
	v46 =	vmul.f32 v37, v9  }
0x4cb: {  	v41 =	vunpack.i.l.bf16.f32 v35  }
0x4cc: {  	v47 =	vmul.f32 v41, v12;
	v39 =	vadd.f32 v45, v46  }
0x4cd: {  	v35 =	vunpack.i.u.bf16.f32 v35;
	v43 =	vmul.f32 v34, v5;
	v48 =	vmul.f32 v37, v8  }
0x4ce: {  	v38 =	vld.idx.msk [tilespmem:v44+s3+$0x0], $0xffff;
	v40 =	vmul.f32 v35, v13;
	v39 =	vadd.f32 v47, v39  }
0x4cf: {  	v42 =	vunpack.i.l.bf16.f32 v36;
	v43 =	vadd.f32 v43, v48;
	v48 =	vmul.f32 v41, v10  }
0x4d0: {  	v39 =	vadd.f32 v39, v40;
	v40 =	vmul.f32 v42, v17  }
0x4d1: {  	v36 =	vunpack.i.u.bf16.f32 v36;
	v43 =	vadd.f32 v48, v43;
	v48 =	vmul.f32 v35, v11  }
0x4d2: {  	v39 =	vadd.f32 v40, v39;
	v40 =	vmul.f32 v36, v18  }
0x4d3: {  	v45 =	vunpack.i.l.bf16.f32 v38;
	v43 =	vadd.f32 v43, v48;
	v48 =	vmul.f32 v42, v14  }
0x4d4: {  	v39 =	vadd.f32 v39, v40;
	v40 =	vmul.f32 v45, v16  }
0x4d5: {  	v44 =	vmul.f32 v34, v2;
	v43 =	vadd.f32 v48, v43  }
0x4d6: {  	v48 =	vmul.f32 v37, v0;
	v39 =	vadd.f32 v40, v39;
	v40 =	vmul.f32 v36, v15  }
0x4d7: {  	v34 =	vmul.f32 v34, v3;
	v37 =	vmul.f32 v37, v4  }
0x4d8: {  	v40 =	vadd.f32 v43, v40;
	v43 =	vadd.f32 v44, v48;
	v48 =	vmul.f32 v41, v19  }
0x4d9: {  	v38 =	vunpack.i.u.bf16.f32 v38;
	v34 =	vadd.f32 v34, v37;
	v37 =	vmul.f32 v41, v20  }
0x4da: {  	v41 =	vmul.f32 v45, v23;
	v43 =	vadd.f32 v48, v43;
	v48 =	vmul.f32 v35, v21  }
0x4db: {  	v46 =	vmul.f32 v38, v26;
	v34 =	vadd.f32 v37, v34;
	v35 =	vmul.f32 v35, v22  }
0x4dc: {  	v47 =	vmul.f32 v42, v24;
	v37 =	vadd.f32 v41, v40;
	v40 =	vadd.f32 v43, v48  }
0x4dd: {  	v34 =	vadd.f32 v34, v35;
	v48 =	vmul.f32 v42, v27  }
0x4de: {  	v39 =	vadd.f32 v39, v46;
	v46 =	vld [tilespmem:$0x1FF60];
	v40 =	vadd.f32 v47, v40;
	v47 =	vmul.f32 v36, v29  }
0x4df: {  	v44 =	vld [tilespmem:$0x1FF70];
	v34 =	vadd.f32 v48, v34;
	v48 =	vmul.f32 v36, v30  }
0x4e0: {  	v40 =	vadd.f32 v40, v47;
	v47 =	vld [tilespmem:$0x1FF80]  }
0x4e1: {  	v34 =	vadd.f32 v34, v48;
	v48 =	vld [tilespmem:$0x1FF90];
	_ =	sdelay $0x1  }
0x4e2: {  	v43 =	vmul.f32 v38, v25;
	v42 =	vadd.s32 v46, v1  }
0x4e3: {  	v46 =	vmul.f32 v45, v28;
	v36 =	vadd.s32 v44, v1  }
0x4e4: {  	v35 =	vmul.f32 v45, v31;
	v37 =	vadd.f32 v37, v43;
	v43 =	vadd.s32 v47, v1  }
0x4e5: {  	v41 =	vmul.f32 v38, v32;
	v40 =	vadd.f32 v46, v40;
	v44 =	vadd.s32 v48, v1  }
0x4e6: {  	v34 =	vadd.f32 v35, v34;
	v46 =	vmul.f32 v38, v33;
	v47 =	vadd.s32 $0x4FF, v7  }
0x4e7: {  	[tilespmem:v42+s17+$0x0] =	vst.idx.msk $0xffff, v39;
	v48 =	vadd.f32 v40, v41  }
0x4e8: {  	v42 =	vadd.s32 $0x500, v7;
	[tilespmem:v36+s17+$0x0] =	vst.idx.msk $0xffff, v37;
	v34 =	vadd.f32 v34, v46  }
0x4e9: {  	[tilespmem:v43+s17+$0x0] =	vst.idx.msk $0xffff, v48  }
0x4ea: {  	[tilespmem:v44+s17+$0x0] =	vst.idx.msk $0xffff, v34  }
0x4eb: {  	v34 =	vld.idx.msk [tilespmem:v47+s3+$0x0], $0xffff  }
0x4ec: {  	v43 =	vadd.s32 $0x501, v7  }
0x4ed: {  	v35 =	vld.idx.msk [tilespmem:v42+s3+$0x0], $0xffff;
	_ =	sdelay $0x2  }
0x4ee: {  	v44 =	vadd.s32 $0x502, v7;
	v37 =	vunpack.i.u.bf16.f32 v34;
	v34 =	vunpack.i.l.bf16.f32 v34  }
0x4ef: {  	v36 =	vld.idx.msk [tilespmem:v43+s3+$0x0], $0xffff;
	v45 =	vmul.f32 v34, v6;
	v46 =	vmul.f32 v37, v9  }
0x4f0: {  	v41 =	vunpack.i.l.bf16.f32 v35  }
0x4f1: {  	v47 =	vmul.f32 v41, v12;
	v39 =	vadd.f32 v45, v46  }
0x4f2: {  	v35 =	vunpack.i.u.bf16.f32 v35;
	v43 =	vmul.f32 v34, v5;
	v48 =	vmul.f32 v37, v8  }
0x4f3: {  	v38 =	vld.idx.msk [tilespmem:v44+s3+$0x0], $0xffff;
	v40 =	vmul.f32 v35, v13;
	v39 =	vadd.f32 v47, v39  }
0x4f4: {  	v42 =	vunpack.i.l.bf16.f32 v36;
	v43 =	vadd.f32 v43, v48;
	v48 =	vmul.f32 v41, v10  }
0x4f5: {  	v39 =	vadd.f32 v39, v40;
	v40 =	vmul.f32 v42, v17  }
0x4f6: {  	v36 =	vunpack.i.u.bf16.f32 v36;
	v43 =	vadd.f32 v48, v43;
	v48 =	vmul.f32 v35, v11  }
0x4f7: {  	v39 =	vadd.f32 v40, v39;
	v40 =	vmul.f32 v36, v18  }
0x4f8: {  	v45 =	vunpack.i.l.bf16.f32 v38;
	v43 =	vadd.f32 v43, v48;
	v48 =	vmul.f32 v42, v14  }
0x4f9: {  	v39 =	vadd.f32 v39, v40;
	v40 =	vmul.f32 v45, v16  }
0x4fa: {  	v44 =	vmul.f32 v34, v2;
	v43 =	vadd.f32 v48, v43  }
0x4fb: {  	v48 =	vmul.f32 v37, v0;
	v39 =	vadd.f32 v40, v39;
	v40 =	vmul.f32 v36, v15  }
0x4fc: {  	v34 =	vmul.f32 v34, v3;
	v38 =	vunpack.i.u.bf16.f32 v38;
	v37 =	vmul.f32 v37, v4  }
0x4fd: {  	v40 =	vadd.f32 v43, v40;
	v43 =	vadd.f32 v44, v48;
	v48 =	vmul.f32 v41, v19  }
0x4fe: {  	v46 =	vmul.f32 v38, v26;
	v34 =	vadd.f32 v34, v37;
	v37 =	vmul.f32 v41, v20  }
0x4ff: {  	v41 =	vmul.f32 v45, v23;
	v43 =	vadd.f32 v48, v43;
	v48 =	vmul.f32 v35, v21  }
0x500: {  	v34 =	vadd.f32 v37, v34;
	v39 =	vadd.f32 v39, v46;
	v35 =	vmul.f32 v35, v22  }
0x501: {  	v46 =	vmul.f32 v42, v24;
	v37 =	vadd.f32 v41, v40;
	v40 =	vadd.f32 v43, v48  }
0x502: {  	v47 =	vmul.f32 v38, v25;
	v34 =	vadd.f32 v34, v35;
	v48 =	vmul.f32 v42, v27  }
0x503: {  	v44 =	vmul.f32 v36, v29;
	v42 =	vadd.s32 v53, v1;
	v40 =	vadd.f32 v46, v40  }
0x504: {  	v37 =	vadd.f32 v37, v47;
	v34 =	vadd.f32 v48, v34;
	v46 =	vmul.f32 v36, v30  }
0x505: {  	v47 =	vmul.f32 v45, v28;
	v36 =	vadd.s32 v54, v1;
	v40 =	vadd.f32 v40, v44  }
0x506: {  	v43 =	vadd.s32 v55, v1;
	v35 =	vmul.f32 v45, v31;
	v34 =	vadd.f32 v34, v46  }
0x507: {  	v48 =	vmul.f32 v38, v32;
	v44 =	vadd.s32 v56, v1;
	v40 =	vadd.f32 v47, v40  }
0x508: {  	v46 =	vmul.f32 v38, v33;
	v34 =	vadd.f32 v35, v34;
	v47 =	vadd.s32 $0x503, v7  }
0x509: {  	[tilespmem:v42+s17+$0x0] =	vst.idx.msk $0xffff, v39;
	v48 =	vadd.f32 v40, v48  }
0x50a: {  	v42 =	vadd.s32 $0x504, v7;
	[tilespmem:v36+s17+$0x0] =	vst.idx.msk $0xffff, v37;
	v34 =	vadd.f32 v34, v46  }
0x50b: {  	[tilespmem:v43+s17+$0x0] =	vst.idx.msk $0xffff, v48  }
0x50c: {  	[tilespmem:v44+s17+$0x0] =	vst.idx.msk $0xffff, v34  }
0x50d: {  	v34 =	vld.idx.msk [tilespmem:v47+s3+$0x0], $0xffff  }
0x50e: {  	v43 =	vadd.s32 $0x505, v7  }
0x50f: {  	v35 =	vld.idx.msk [tilespmem:v42+s3+$0x0], $0xffff;
	_ =	sdelay $0x2  }
0x510: {  	v44 =	vadd.s32 $0x506, v7;
	v37 =	vunpack.i.u.bf16.f32 v34;
	v34 =	vunpack.i.l.bf16.f32 v34  }
0x511: {  	v36 =	vld.idx.msk [tilespmem:v43+s3+$0x0], $0xffff;
	v45 =	vmul.f32 v34, v6;
	v46 =	vmul.f32 v37, v9  }
0x512: {  	v41 =	vunpack.i.l.bf16.f32 v35  }
0x513: {  	v47 =	vmul.f32 v41, v12;
	v39 =	vadd.f32 v45, v46  }
0x514: {  	v35 =	vunpack.i.u.bf16.f32 v35;
	v43 =	vmul.f32 v34, v5;
	v48 =	vmul.f32 v37, v8  }
0x515: {  	v38 =	vld.idx.msk [tilespmem:v44+s3+$0x0], $0xffff;
	v40 =	vmul.f32 v35, v13;
	v39 =	vadd.f32 v47, v39  }
0x516: {  	v42 =	vunpack.i.l.bf16.f32 v36;
	v43 =	vadd.f32 v43, v48;
	v48 =	vmul.f32 v41, v10  }
0x517: {  	v39 =	vadd.f32 v39, v40;
	v40 =	vmul.f32 v42, v17  }
0x518: {  	v36 =	vunpack.i.u.bf16.f32 v36;
	v43 =	vadd.f32 v48, v43;
	v48 =	vmul.f32 v35, v11  }
0x519: {  	v39 =	vadd.f32 v40, v39;
	v40 =	vmul.f32 v36, v18  }
0x51a: {  	v45 =	vunpack.i.l.bf16.f32 v38;
	v43 =	vadd.f32 v43, v48;
	v48 =	vmul.f32 v42, v14  }
0x51b: {  	v39 =	vadd.f32 v39, v40;
	v40 =	vmul.f32 v45, v16  }
0x51c: {  	v44 =	vmul.f32 v34, v2;
	v43 =	vadd.f32 v48, v43  }
0x51d: {  	v48 =	vmul.f32 v37, v0;
	v39 =	vadd.f32 v40, v39;
	v40 =	vmul.f32 v36, v15  }
0x51e: {  	v34 =	vmul.f32 v34, v3;
	v38 =	vunpack.i.u.bf16.f32 v38;
	v37 =	vmul.f32 v37, v4  }
0x51f: {  	v40 =	vadd.f32 v43, v40;
	v43 =	vadd.f32 v44, v48;
	v48 =	vmul.f32 v41, v19  }
0x520: {  	v46 =	vmul.f32 v38, v26;
	v34 =	vadd.f32 v34, v37;
	v37 =	vmul.f32 v41, v20  }
0x521: {  	v41 =	vmul.f32 v45, v23;
	v43 =	vadd.f32 v48, v43;
	v48 =	vmul.f32 v35, v21  }
0x522: {  	v34 =	vadd.f32 v37, v34;
	v39 =	vadd.f32 v39, v46;
	v35 =	vmul.f32 v35, v22  }
0x523: {  	v46 =	vmul.f32 v42, v24;
	v37 =	vadd.f32 v41, v40;
	v40 =	vadd.f32 v43, v48  }
0x524: {  	v47 =	vmul.f32 v38, v25;
	v34 =	vadd.f32 v34, v35;
	v48 =	vmul.f32 v42, v27  }
0x525: {  	v44 =	vmul.f32 v36, v29;
	v42 =	vadd.s32 v57, v1;
	v40 =	vadd.f32 v46, v40  }
0x526: {  	v37 =	vadd.f32 v37, v47;
	v34 =	vadd.f32 v48, v34;
	v46 =	vmul.f32 v36, v30  }
0x527: {  	v47 =	vmul.f32 v45, v28;
	v36 =	vadd.s32 v58, v1;
	v40 =	vadd.f32 v40, v44  }
0x528: {  	v43 =	vadd.s32 v59, v1;
	v35 =	vmul.f32 v45, v31;
	v34 =	vadd.f32 v34, v46  }
0x529: {  	v48 =	vmul.f32 v38, v32;
	v44 =	vadd.s32 v60, v1;
	v40 =	vadd.f32 v47, v40  }
0x52a: {  	v46 =	vmul.f32 v38, v33;
	v34 =	vadd.f32 v35, v34;
	v47 =	vadd.s32 $0x507, v7  }
0x52b: {  	[tilespmem:v42+s17+$0x0] =	vst.idx.msk $0xffff, v39;
	v42 =	vadd.s32 $0x508, v7;
	v48 =	vadd.f32 v40, v48  }
0x52c: {  	[tilespmem:v36+s17+$0x0] =	vst.idx.msk $0xffff, v37;
	v34 =	vadd.f32 v34, v46  }
0x52d: {  	[tilespmem:v43+s17+$0x0] =	vst.idx.msk $0xffff, v48  }
0x52e: {  	v45 =	vadd.s32 $0x509, v7;
	[tilespmem:v44+s17+$0x0] =	vst.idx.msk $0xffff, v34  }
0x52f: {  	v34 =	vld.idx.msk [tilespmem:v47+s3+$0x0], $0xffff  }
0x530: {  	v35 =	vld.idx.msk [tilespmem:v42+s3+$0x0], $0xffff;
	_ =	sdelay $0x2  }
0x531: {  	v36 =	vld.idx.msk [tilespmem:v45+s3+$0x0], $0xffff  }
0x532: {  	v46 =	vunpack.i.u.bf16.f32 v34;
	v34 =	vunpack.i.l.bf16.f32 v34  }
0x533: {  	v7 =	vadd.s32 $0x50A, v7;
	v47 =	vunpack.i.l.bf16.f32 v35;
	v6 =	vmul.f32 v34, v6  }
0x534: {  	v9 =	vmul.f32 v46, v9;
	v48 =	vmul.f32 v47, v12  }
0x535: {  	v35 =	vunpack.i.u.bf16.f32 v35;
	v5 =	vmul.f32 v34, v5;
	v8 =	vmul.f32 v46, v8  }
0x536: {  	v40 =	vunpack.i.l.bf16.f32 v36;
	v39 =	vmul.f32 v35, v13;
	v10 =	vmul.f32 v47, v10  }
0x537: {  	v42 =	vunpack.i.u.bf16.f32 v36;
	v41 =	vmul.f32 v40, v17;
	v11 =	vmul.f32 v35, v11  }
0x538: {  	v7 =	vld.idx.msk [tilespmem:v7+s3+$0x0], $0xffff;
	v43 =	vmul.f32 v42, v18;
	v44 =	vmul.f32 v40, v14  }
0x539: {  	v2 =	vmul.f32 v34, v2;
	v0 =	vmul.f32 v46, v0  }
0x53a: {  	v3 =	vmul.f32 v34, v3;
	v4 =	vmul.f32 v46, v4  }
0x53b: {  	v46 =	vmul.f32 v47, v19;
	v47 =	vmul.f32 v47, v20  }
0x53c: {  	v21 =	vmul.f32 v35, v21;
	v34 =	vmul.f32 v35, v22  }
0x53d: {  	v35 =	vunpack.i.u.bf16.f32 v7;
	v36 =	vmul.f32 v40, v24;
	v37 =	vmul.f32 v40, v27  }
0x53e: {  	v40 =	vmul.f32 v42, v29;
	v6 =	vadd.f32 v6, v9;
	v5 =	vadd.f32 v5, v8  }
0x53f: {  	v38 =	vmul.f32 v35, v26;
	v0 =	vadd.f32 v2, v0;
	v3 =	vadd.f32 v3, v4  }
0x540: {  	v9 =	vunpack.i.l.bf16.f32 v7;
	v6 =	vadd.f32 v48, v6;
	v5 =	vadd.f32 v10, v5  }
0x541: {  	v45 =	vmul.f32 v9, v16;
	v0 =	vadd.f32 v46, v0;
	v3 =	vadd.f32 v47, v3  }
0x542: {  	v48 =	vmul.f32 v42, v15;
	v6 =	vadd.f32 v6, v39;
	v5 =	vadd.f32 v5, v11  }
0x543: {  	v46 =	vadd.s32 v63, v1;
	v0 =	vadd.f32 v0, v21;
	v3 =	vadd.f32 v3, v34  }
0x544: {  	v47 =	vmul.f32 v35, v32;
	v6 =	vadd.f32 v41, v6;
	v5 =	vadd.f32 v44, v5  }
0x545: {  	v39 =	vmul.f32 v9, v23;
	v0 =	vadd.f32 v36, v0;
	v3 =	vadd.f32 v37, v3  }
0x546: {  	v41 =	vmul.f32 v42, v30;
	v42 =	vadd.s32 v61, v1;
	v6 =	vadd.f32 v6, v43  }
0x547: {  	v44 =	vmul.f32 v9, v28;
	v9 =	vmul.f32 v9, v31;
	v5 =	vadd.f32 v5, v48  }
0x548: {  	v0 =	vadd.f32 v0, v40;
	v43 =	vadd.s32 v62, v1;
	v2 =	vadd.f32 v45, v6  }
0x549: {  	v3 =	vadd.f32 v3, v41;
	v5 =	vadd.f32 v39, v5;
	v45 =	vmul.f32 v35, v25  }
0x54a: {  	p1 =	sne.s32 s26, $0x70;
	v1 =	vadd.s32 v52, v1;
	v0 =	vadd.f32 v44, v0;
	v2 =	vadd.f32 v2, v38  }
.Ltmp2:
0x54b: {  	v3 =	vadd.f32 v9, v3;
	v6 =	vmul.f32 v35, v33;
	v5 =	vadd.f32 v5, v45;
	(pc) =	sbr.rel @p1 .LBB2_7-.Ltmp2, $4  }
0x54c: {  	v0 =	vadd.f32 v0, v47;
	[tilespmem:v42+s17+$0x0] =	vst.idx.msk $0xffff, v2  }
0x54d: {  	v48 =	vadd.f32 v3, v6;
	[tilespmem:v43+s17+$0x0] =	vst.idx.msk $0xffff, v5  }
0x54e: {  	[tilespmem:v46+s17+$0x0] =	vst.idx.msk $0xffff, v0  }
0x54f: {  	s28 =	sadd.s32 $0x10, s28;
	s26 =	sadd.s32 $0x10, s26;
	v19 =	vmov v49;
	[tilespmem:v1+s17+$0x0] =	vst.idx.msk $0xffff, v48  }
0x550: {  	s26 =	simm.s32 @!p0 $0x4  }
0x551: {  	_ =	swait.ge @!p0 [sflag:s26], $0x2000  }
0x552: {  	[sflag:s26] =	ssyncset.done @!p0 $0x0  }
0x553: {  	s28 =	simm.s32 $0x0;
	[sflag:s26] =	ssyncadd.s32 @!p0 $0xFFFFE000  }
0x554: {  	v0 =	vld [tilespmem:s28+$0x18980];
	_ =	sdelay $0x3  }
0x555: {  	s26 =	simm.s32 $0x1CA20  }
0x556: {  	[tilespmem:s26+$0xFFFFFFE0] =	vst v0  }
0x557: {  	v0 =	vld [tilespmem:s28+$0x18990];
	_ =	sdelay $0x4  }
0x558: {  	[tilespmem:s26+$0xFFFFFFF0] =	vst v0  }
0x559: {  	v0 =	vld [tilespmem:s28+$0x189A0];
	_ =	sdelay $0x4  }
0x55a: {  	[tilespmem:s26+$0x0] =	vst v0  }
0x55b: {  	v0 =	vld [tilespmem:s28+$0x189B0];
	_ =	sdelay $0x3  }
0x55c: {  	v48 =	vmov v51;
	v47 =	vmov v50;
	v46 =	vmov v57  }
0x55d: {  	v45 =	vmovc v60;
	v14 =	vmovc v63;
	v15 =	vmov v52;
	v13 =	vmov v62;
	v12 =	vmov v61;
	s29 =	simm.s32 $0x208;
	s28 =	simm.s32 $0x41;
	[tilespmem:s26+$0x10] =	vst v0  }
.LBB2_9:
0x55e: {  	p0 =	sne.s32 s29, $0x80FC;
	v0 =	vld [tilespmem:s28+$0x18980];
	_ =	sdelay $0x3  }
0x55f: {  	s26 =	sadd.s32 $0x40, s26  }
0x560: {  	[tilespmem:s26+$0xFFFFFFE0] =	vst v0  }
0x561: {  	v0 =	vld [tilespmem:s28+$0x18990];
	_ =	sdelay $0x4  }
0x562: {  	[tilespmem:s26+$0xFFFFFFF0] =	vst v0  }
0x563: {  	v0 =	vld [tilespmem:s28+$0x189A0];
	_ =	sdelay $0x4  }
0x564: {  	[tilespmem:s26+$0x0] =	vst v0  }
0x565: {  	v0 =	vld [tilespmem:s28+$0x189B0]  }
.Ltmp3:
0x566: {  	(pc) =	sbr.rel @p0 .LBB2_9-.Ltmp3, $2  }
0x567: {  	_ =	sdelay $0x2  }
0x568: {  	s28 =	sshra.s32 s29, $0x2;
	s29 =	sadd.s32 $0x104, s29;
	[tilespmem:s26+$0x10] =	vst v0  }
0x569: {  	v0 =	vld [tilespmem:s28+$0x18980];
	_ =	sdelay $0x3  }
0x56a: {  	s26 =	sadd.s32 $0x40, s26  }
0x56b: {  	[tilespmem:s26+$0xFFFFFFE0] =	vst v0  }
0x56c: {  	v0 =	vld [tilespmem:s28+$0x18990];
	_ =	sdelay $0x4  }
0x56d: {  	[tilespmem:s26+$0xFFFFFFF0] =	vst v0  }
0x56e: {  	v0 =	vld [tilespmem:s28+$0x189A0];
	_ =	sdelay $0x4  }
0x56f: {  	[tilespmem:s26+$0x0] =	vst v0  }
0x570: {  	s24 =	sadd.s32 $0x1, s24;
	v0 =	vld [tilespmem:s28+$0x189B0]  }
0x571: {  	p0 =	sne.s32 s24, $0x34  }
.Ltmp4:
0x572: {  	_ = 	snop;
	(pc) =	sbr.rel @p0 .LBB2_2-.Ltmp4, $4  }
0x573: {  	s25 =	sshll.u32 s25, $0x3  }
0x574: {  	s25 =	sand.u32 $0x1FFFFC00, s25  }
0x575: {  	s25 =	sadd.s32 s2, s25;
	[tilespmem:s26+$0x10] =	vst v0  }
0x576: {  	[hbm4b:s25+s3] =	stream.linear.scatter [tilespmem:s20], [sflag:$0x4], $0x2000, $0x38;
	[tilespmem:$0x1EA00] =	vst v63  }
0x577: {  	s23 =	sadd.s32 $0x1, s23  }
0x578: {  	_ =	swait.ge [sflag:s21], $0x2000;
	p0 =	sne.s32 s23, s11  }
.Ltmp5:
0x579: {  	[sflag:s21] =	ssyncset.done $0x0;
	(pc) =	sbr.rel @p0 .LBB2_1-.Ltmp5, $4  }
0x57a: {  	[sflag:s21] =	ssyncadd.s32 $0xFFFFE000  }
0x57b: {  	_ =	swait.ge [sflag:s22], $0x2000  }
0x57c: {  	[sflag:s22] =	ssyncset.done $0x0  }
0x57d: {  	[sflag:s22] =	ssyncadd.s32 $0xFFFFE000  }
0x57e: {  	_ =	sfence.sel $0x180000  }
0x57f: {  	[bflag:$0x0] =	sbarrier.arrive $0xFFFF  }
0x580: {  	p0 =	sne.s32 s0, $0x0;
	_ =	strace $0x90000047  }
0x581: {  	s0 =	sadd.s32 @!p0 $0x100000, s1;
	[bflag:$0x2] =	sbarrier.arrive $0xFFFF  }
0x582: {  	[sflag:s0] =	ssyncadd.tile.s32 @!p0 $0x1;
	_ =	shalt  }
.Lfunc_end2:
_tile_overlayer_lowered:
.L_overlay_start_2:
0x583: {  	(tag) =	ssettag $0x2  }
0x584: {  	s0 =	rddreg [dreg:$0x0];
	s2 =	stileid.u32  }
0x585: {  	s1 =	rddreg [dreg:$0x1];
	p0 =	sne.s32 s2, $0x0  }
0x586: {  	s3 =	rddreg [dreg:$0x2];
	[bflag:$0x3] =	sbarrier.arrive $0xFFFF;
	s2 =	simm.s32 @!p0 $0x1C05  }
0x587: {  	[timem:s3], [sflag:s2] =	dma.local @!p0 [hbm:s0], s1  }
0x588: {  	s0 =	simm.s32 @!p0 $0x5  }
0x589: {  	_ =	swait.ge @!p0 [sflag:s0], s1  }
0x58a: {  	s1 =	ssub.s32 @!p0 $0x0, s1;
	[sflag:s0] =	ssyncset.done @!p0 $0x0  }
0x58b: {  	[sflag:s0] =	ssyncadd.s32 @!p0 s1  }
0x58c: {  	[bflag:$0x3] =	sbarrier.arrive $0xFFFF  }
0x58d: {  	_ =	shalt  }

// kernel: sparse-core-data-format-call.cloned.1.call-start
scs
called_computation_lowered:
.L_overlay_start_0:
0x0: {  	s2 =	sld [smem:$0x3FD9]  }
0x1: {  	s3 =	sld [smem:$0x3FFE];
	_ =	sdelay $0x1  }
0x2: {  	s1 =	srdreg.scid  }
0x3: {  	s0 =	sand.u32 $0x1, s1  }
0x4: {  	s18 =	sshll.u32 s0, $0xA;
	s2 =	sadd.s32 s3, s2  }
0x5: {  	s2 =	sadd.s32 s2, s18  }
0x6: {  	[smem:$0x3FC3] =	sst s2  }
0x7: {  	_ = 	snop  }
0x8: {  	s2 =	sld [smem:$0x3FD0];
	(tm) =	ssettm $0x1  }
0x9: {  	s19 =	sld [smem:$0x3FFB];
	_ =	sdelay $0x3  }
0xa: {  	_ =	strace s19  }
0xb: {  	s3 =	sld [smem:$0x3FFC];
	_ =	sdelay $0x3  }
0xc: {  	_ =	strace s3  }
0xd: {  	s3 =	sld [smem:$0x3FFD];
	_ =	sdelay $0x3  }
0xe: {  	_ =	strace s3  }
0xf: {  	_ =	strace $0x8FFFFFFF  }
0x10: {  	s20 =	sld [smem:$0x3FDB];
	_ =	sdelay $0x1  }
0x11: {  	s4 =	simm.s32 $_scs_section_size  }
0x12: {  	s5 =	simm.s32 $_size__tile_overlayer_lowered;
	s6 =	simm.s32 $_tile_overlayer_lowered  }
0x13: {  	s23 =	simm.s32 $0x1BFF;
	s22 =	sshll.u32 s6, $0x1;
	s3 =	sadd.s32 s4, s20  }
0x14: {  	s7 =	simm.s32 $0x0;
	s21 =	sshll.u32 s5, $0x1;
	s5 =	sadd.s32 s22, s3  }
0x15: {  	[timem:s7], [sflag:s23] =	dma.local [hbm:s5], s21  }
0x16: {  	_ =	swait.ge [sflag:s23], s21  }
0x17: {  	s4 =	ssub.s32 $0x0, s21;
	[sflag:s23] =	ssyncset.done $0x0  }
0x18: {  	[sflag:s23] =	ssyncadd.s32 s4;
	_ =	sdelay $0x1  }
0x19: {  	s24 =	simm.s32 $0x1B8B  }
0x1a: {  	_ =	swait.ge [sflag:s24], $0x1  }
0x1b: {  	[sflag:s24] =	ssyncset.done $0x0  }
0x1c: {  	s26 =	simm.s32 $0x1B8E;
	s25 =	sld [smem:$0x3FFE];
	[sflag:s24] =	ssyncadd.s32 $0xFFFFFFFF  }
0x1d: {  	s27 =	simm.s32 $execute0_lowered;
	[smem:$0x3FD2] =	sst s26  }
0x1e: {  	s5 =	sshll.u32 s27, $0x1;
	_ =	strace $0x80000049;
	[dreg:$0x1] =	wrdreg $0xFFFFFFFF  }
0x1f: {  	s28 =	simm.s32 $_size_execute0_lowered;
	s3 =	sadd.s32 s3, s5;
	[dreg:$0x0] =	wrdreg $0x0  }
0x20: {  	s5 =	sshll.u32 s28, $0x1;
	[dreg:$0x2] =	wrdreg s3  }
0x21: {  	[dreg:$0x3] =	wrdreg s5  }
0x22: {  	[dreg:$0x4] =	wrdreg $0xC0  }
0x23: {  	_ =	task [dreg:s7], $0x5FFFF  }
0x24: {  	[dreg:$0x1] =	wrdreg $0xFFFFFFFF  }
0x25: {  	[dreg:$0x0] =	wrdreg $0x60  }
0x26: {  	[dreg:$0x2] =	wrdreg s25  }
0x27: {  	[dreg:$0x3] =	wrdreg s2  }
0x28: {  	[dreg:$0x4] =	wrdreg $0x9  }
0x29: {  	_ =	task.clear_ibuf [dreg:s7], $0x5FFFF;
	_ =	strace $0x90000049  }
0x2a: {  	s29 =	simm.s32 $0x9;
	_ =	strace $0x8000004B  }
0x2b: {  	_ =	swait.ge [sflag:s29], $0x1  }
0x2c: {  	[sflag:s29] =	ssyncadd.s32 $0xFFFFFFFF  }
0x2d: {  	_ =	strace $0x9000004B  }
0x2e: {  	_ =	sfence  }
0x2f: {  	s30 =	sld [smem:$0x0];
	_ =	sdelay $0x2  }
0x30: {  	s31 =	sshll.u32 s1, $0xD;
	s1 =	sshrl.u32 s1, $0x2  }
0x31: {  	s3 =	sand.u32 $0x4000, s31;
	s1 =	sadd.s32 s1, s30  }
0x32: {  	s0 =	sor.u32 s3, s0;
	s1 =	sshll.u32 s1, $0x11  }
0x33: {  	s0 =	sor.u32 s1, s0  }
0x34: {  	s0 =	sadd.s32 $0x8F2B, s0  }
0x35: {  	[sflag:s0] =	ssyncadd.remote.s32 $0x1  }
0x36: {  	_ =	sfence.sel $0xFFFF  }
0x37: {  	[dreg:$0x0] =	wrdreg $0xFFFFFFFF;
	(pc) =	sbr.abs _section_cstart, $3  }
0x38: {  	[dreg:$0x1] =	wrdreg $0xFFFFFFFF  }
0x39: {  	_ =	task.clear_ibuf [dreg:s7], $0x2FFFF;
	_ =	strace $0x9FFFFFFF  }
0x3a: {  	(tm) =	ssettm $0x7FFFFFFF  }
0x3b: {  	_ =	shalt  }
tec
execute0_lowered:
.L_overlay_start_1:
0x0: {  	(tag) =	ssettag $0x1  }
0x1: {  	s0 =	srdreg.scid  }
0x2: {  	s1 =	sshll.u32 s0, $0x4  }
0x3: {  	s0 =	stileid.u32;
	s1 =	sand.u32 $0x10, s1  }
0x4: {  	s1 =	sor.u32 s0, s1  }
0x5: {  	s6 =	rddreg [dreg:$0x0];
	s4 =	simm.s32 $0x1;
	s2 =	sshll.u32 s1, $0x7  }
0x6: {  	s7 =	simm.s32 $0x2;
	s12 =	simm.s32 $0x0;
	s1 =	ssub.s32 $0x4000, s2  }
0x7: {  	s8 =	simm.s32 $0x20000;
	s13 =	simm.s32 $0x0;
	s3 =	sand.u32 $0xF80, s1  }
0x8: {  	s9 =	simm.s32 $0x0;
	s5 =	sshrl.u32 s1, $0xC;
	p0 =	sne.s32 s3, $0x0  }
.Ltmp0:
0x9: {  	s1 =	rddreg [dreg:$0x2];
	s4 =	simm.s32 @!p0 $0x0;
	(pc) =	sbr.rel .LBB1_1-.Ltmp0, $4  }
0xa: {  	s11 =	simm.s32 $0x0;
	s3 =	rddreg [dreg:$0x1];
	s5 =	sadd.s32 s4, s5  }
0xb: {  	_ =	strace $0x8000004A;
	s4 =	simm.s32 $0x1;
	s5 =	smul.u32 $0x1A, s5  }
0xc: {  	s6 =	sadd.s32 $0x600, s6;
	s10 =	smov.u32 s2;
	[sflag:s4] =	ssyncpa.u1 $0x0  }
0xd: {  	p0 =	por $0x0, $0x0;
	[sflag:s7] =	ssyncpa.u1 $0x0;
	s7 =	sor.u32 $0x1, s5  }
.LBB1_4:
0xe: {  	s16 =	sshll.u32 s13, $0x3;
	s17 =	sand.u32 $0x78, s13  }
0xf: {  	s30 =	sand.u32 $0x1F800, s13;
	s12 =	sshll.u32 s12, $0x11;
	s16 =	sand.u32 $0x3C00, s16  }
0x10: {  	[tilespmem:s15+$0x810 ss:$0x81] =	vst.msk $0xffff, v2;
	s31 =	sand.u32 $0x7, s13;
	s16 =	sor.u32 s17, s16;
	s17 =	sadd.s32 s3, s30  }
0x11: {  	[tilespmem:s15+$0x1020 ss:$0x81] =	vst.msk $0xffff, v0;
	s13 =	sshll.u32 s31, $0x12;
	s12 =	sadd.s32 s12, s17;
	s16 =	sshrl.u32 s16, $0x3  }
0x12: {  	[tilespmem:s15+$0x0 ss:$0x81] =	vst.msk $0xffff, v1;
	s13 =	sor.u32 $0x400, s13;
	s12 =	sadd.s32 s16, s12  }
0x13: {  	[hbm4b:s12+s13] =	stream.strided.scatter [tilespmem:s14], [sflag:$0x2], $0x2000, s8, s13, $0x20;
	[tilespmem:$0x8080] =	vst v63  }
.LBB1_5:
0x14: {  	s14 =	sadd.s32 $0x1, s9  }
0x15: {  	s12 =	sadd.s32 $0x1000, s10;
	s16 =	smov.u32 s10;
	p2 =	sgt.s32 s14, $0x19  }
0x16: {  	s16 =	smov.u32 @p2 s12  }
0x17: {  	s14 =	simm.s32 @p2 $0x0;
	p2 =	sgt.s32 s16, $0x3FFF  }
0x18: {  	s16 =	smov.u32 @p2 s2;
	p2 =	sne.s32 s11, s7  }
.Ltmp1:
0x19: {  	p1 =	slt.u32 s11, $0x2;
	(pc) =	sbr.rel @!p2 .LBB1_6-.Ltmp1, $4  }
0x1a: {  	s15 =	simm.s32 @!p1 $0x2  }
0x1b: {  	s13 =	smov.u32 s10;
	p0 =	por !p0, !p0;
	_ =	swait.ge @!p1 [sflag:s15], $0x2000  }
0x1c: {  	s12 =	smov.u32 s9;
	[sflag:s15] =	ssyncset.done @!p1 $0x0;
	s9 =	smov.u32 s14  }
0x1d: {  	s11 =	sadd.s32 $0x1, s11;
	[sflag:s15] =	ssyncadd.s32 @!p1 $0xFFFFE000;
	s10 =	smov.u32 s16  }
.LBB1_1:
0x1e: {  	p1 =	sge.u32 s11, s5  }
0x1f: {  	s31 =	sadd.s32 $0xFFFFFFFF, s11;
	s14 =	sxor.u32 @!p1 $0xFFFFFFFF, s11  }
0x20: {  	s15 =	sshll.u32 @!p1 s10, $0x9;
	s16 =	sshll.u32 @!p1 s9, $0x4;
	s17 =	simm.s32 @!p1 $0x1000  }
0x21: {  	s14 =	sshll.u32 @!p1 s14, $0xD;
	s16 =	sand.u32 @!p1 $0x1F0, s16;
	s15 =	sadd.s32 @!p1 s6, s15  }
0x22: {  	s14 =	sand.u32 @!p1 $0x2000, s14;
	s15 =	sadd.s32 @!p1 s16, s15;
	s16 =	simm.s32 @!p1 $0x40  }
0x23: {  	[tilespmem:s14], [sflag:$0x1] =	stream.strided.gather @!p1 [hbm4b:s15+s16], $0x2000, s17, s16, $0x38;
	[tilespmem:$0x8080] =	vst v63  }
0x24: {  	p1 =	sge.u32 s31, s5  }
.Ltmp2:
0x25: {  	_ = 	snop;
	(pc) =	sbr.rel @p1 .LBB1_5-.Ltmp2, $1  }
0x26: {  	_ =	sdelay $0x3  }
0x27: {  	s14 =	simm.s32 $0x1  }
0x28: {  	_ =	swait.ge [sflag:s4], $0x2000;
	s14 =	simm.s32 @!p0 $0x0  }
0x29: {  	[sflag:s4] =	ssyncset.done $0x0;
	s15 =	sshll.u32 s14, $0xD  }
0x2a: {  	[sflag:s4] =	ssyncadd.s32 $0xFFFFE000;
	s18 =	sor.u32 $0x20, s15  }
0x2b: {  	s14 =	smul.u32 $0x8100, s14;
	v3 =	vld [tilespmem:s18+$0x10]  }
0x2c: {  	s30 =	sand.u32 $0x1, s11;
	v2 =	vld [tilespmem:s18+$0xFFFFFFF0]  }
0x2d: {  	s15 =	smul.u32 $0x8100, s30;
	s14 =	sshrl.u32 s14, $0x2;
	v0 =	vld [tilespmem:s18+$0x0]  }
0x2e: {  	v1 =	vld [tilespmem:s18+$0xFFFFFFE0];
	s16 =	sor.u32 $0x4000, s14  }
0x2f: {  	s31 =	sshrl.u32 s15, $0x2;
	s15 =	sadd.s32 $0x0, s16  }
0x30: {  	s17 =	simm.s32 $0x4;
	s18 =	sadd.s32 $0x40, s18;
	s14 =	sor.u32 $0x4000, s31;
	[tilespmem:s15+$0x1830 ss:$0x81] =	vst.msk $0xffff, v3  }
.LBB1_3:
0x31: {  	v3 =	vld [tilespmem:s18+$0x10];
	p1 =	sne.s32 s17, $0x1FC;
	[tilespmem:s15+$0x810 ss:$0x81] =	vst.msk $0xffff, v2;
	s19 =	smov.u32 s17;
	s17 =	sadd.s32 $0x4, s17  }
.Ltmp3:
0x32: {  	v2 =	vld [tilespmem:s18+$0xFFFFFFF0];
	[tilespmem:s15+$0x1020 ss:$0x81] =	vst.msk $0xffff, v0;
	(pc) =	sbr.rel @p1 .LBB1_3-.Ltmp3, $4  }
0x33: {  	v0 =	vld [tilespmem:s18+$0x0];
	[tilespmem:s15+$0x0 ss:$0x81] =	vst.msk $0xffff, v1  }
0x34: {  	s15 =	sshra.s32 s19, $0x2;
	v1 =	vld [tilespmem:s18+$0xFFFFFFE0]  }
0x35: {  	s15 =	sadd.s32 s15, s16  }
0x36: {  	s18 =	sadd.s32 $0x40, s18;
	[tilespmem:s15+$0x1830 ss:$0x81] =	vst.msk $0xffff, v3  }
.Ltmp4:
0x37: {  	_ = 	snop;
	(pc) =	sbr.rel .LBB1_4-.Ltmp4, $1  }
0x38: {  	_ =	sdelay $0x3  }
.LBB1_6:
0x39: {  	_ =	sfence.sel $0x180000  }
0x3a: {  	s2 =	simm.s32 $0x1;
	[bflag:$0x0] =	sbarrier.arrive $0xFFFF  }
0x3b: {  	s31 =	simm.s32 $0x2;
	[sflag:s2] =	ssyncpa.u1 $0x1  }
0x3c: {  	[sflag:s31] =	ssyncpa.u1 $0x1  }
0x3d: {  	p0 =	sne.s32 s0, $0x0;
	_ =	strace $0x9000004A  }
0x3e: {  	s0 =	sadd.s32 @!p0 $0x100000, s1;
	[bflag:$0x2] =	sbarrier.arrive $0xFFFF  }
0x3f: {  	[sflag:s0] =	ssyncadd.tile.s32 @!p0 $0x1;
	_ =	shalt  }
.Lfunc_end1:
_tile_overlayer_lowered:
.L_overlay_start_2:
0x40: {  	(tag) =	ssettag $0x2  }
0x41: {  	s0 =	rddreg [dreg:$0x0];
	s2 =	stileid.u32  }
0x42: {  	s1 =	rddreg [dreg:$0x1];
	p0 =	sne.s32 s2, $0x0  }
0x43: {  	s3 =	rddreg [dreg:$0x2];
	[bflag:$0x3] =	sbarrier.arrive $0xFFFF;
	s2 =	simm.s32 @!p0 $0x1C01  }
0x44: {  	[timem:s3], [sflag:s2] =	dma.local @!p0 [hbm:s0], s1  }
0x45: {  	s0 =	simm.s32 @!p0 $0x1  }
0x46: {  	_ =	swait.ge @!p0 [sflag:s0], s1  }
0x47: {  	s1 =	ssub.s32 @!p0 $0x0, s1;
	[sflag:s0] =	ssyncset.done @!p0 $0x0  }
0x48: {  	[sflag:s0] =	ssyncadd.s32 @!p0 s1  }
0x49: {  	[bflag:$0x3] =	sbarrier.arrive $0xFFFF  }
0x4a: {  	_ =	shalt  }

</sc_bundles>
